<compile_context>
chip_gen: v7x
topology: tpu7x:2x2x1
jax: 0.10.2.dev20260603
libtpu: 0.0.44.dev20260713+nightly
codegen_flags: <defaults>
</compile_context>

<pallas_src>
import functools

import jax
import jax.numpy as jnp
from jax import lax
from jax.experimental import pallas as pl
from jax.experimental.pallas import tpu as pltpu
from jax.experimental.pallas import tpu_sc as plsc

F32 = jnp.float32
H = 128
BLK = 256
CH = 256
NW = 32
BN = 512



def _sc_mesh():
    return plsc.VectorSubcoreMesh(core_axis_name="c", subcore_axis_name="s")


@functools.lru_cache(maxsize=None)
def _sc_gather1(Ep, D):
    spw = Ep // NW
    nch = spw // CH

    @functools.partial(
        pl.kernel, mesh=_sc_mesh(),
        out_type=jax.ShapeDtypeStruct((Ep, D), F32),
        scratch_types=[pltpu.VMEM((CH,), jnp.int32),
                       pltpu.VMEM((CH, D), F32),
                       pltpu.SemaphoreType.DMA],
    )
    def k(tab, idx, out, idx_v, buf, sem):
        wid = lax.axis_index("s") * 2 + lax.axis_index("c")
        base = wid * spw

        def body(i, carry):
            off = base + i * CH
            pltpu.sync_copy(idx.at[pl.ds(off, CH)], idx_v)
            pltpu.async_copy(tab.at[idx_v], buf, sem).wait()
            pltpu.sync_copy(buf, out.at[pl.ds(off, CH)])
            return carry

        lax.fori_loop(0, nch, body, 0)

    return k


@functools.lru_cache(maxsize=None)
def _sc_gather2(Ep, D, dt=F32):
    spw = Ep // NW
    nch = spw // CH

    @functools.partial(
        pl.kernel, mesh=_sc_mesh(),
        out_type=(jax.ShapeDtypeStruct((Ep, D), dt),
                  jax.ShapeDtypeStruct((Ep, D), dt)),
        scratch_types=[pltpu.VMEM((CH,), jnp.int32),
                       pltpu.VMEM((CH,), jnp.int32),
                       pltpu.VMEM((CH, D), dt),
                       pltpu.VMEM((CH, D), dt),
                       pltpu.SemaphoreType.DMA,
                       pltpu.SemaphoreType.DMA],
    )
    def k(tab, idxa, idxb, outa, outb, ia_v, ib_v, ba, bb, sa, sb):
        wid = lax.axis_index("s") * 2 + lax.axis_index("c")
        base = wid * spw

        def body(i, carry):
            off = base + i * CH
            pltpu.sync_copy(idxa.at[pl.ds(off, CH)], ia_v)
            pltpu.sync_copy(idxb.at[pl.ds(off, CH)], ib_v)
            cpa = pltpu.async_copy(tab.at[ia_v], ba, sa)
            cpb = pltpu.async_copy(tab.at[ib_v], bb, sb)
            cpa.wait()
            cpb.wait()
            pltpu.sync_copy(ba, outa.at[pl.ds(off, CH)])
            pltpu.sync_copy(bb, outb.at[pl.ds(off, CH)])
            return carry

        lax.fori_loop(0, nch, body, 0)

    return k


@functools.lru_cache(maxsize=None)
def _sc_scatter_add(Ep, Np, D):
    spw = Ep // NW
    nch = spw // CH
    nps = Np // 16

    @functools.partial(
        pl.kernel, mesh=_sc_mesh(),
        out_type=jax.ShapeDtypeStruct((2, Np, D), F32),
        scratch_types=[pltpu.VMEM((CH,), jnp.int32),
                       pltpu.VMEM((CH, D), F32),
                       pltpu.VMEM_SHARED((Np, D), F32)],
    )
    def k(att, colp, zs, out, idx_v, val_v, acc):
        c = lax.axis_index("c")
        s = lax.axis_index("s")
        pltpu.sync_copy(zs.at[pl.ds(s * nps, nps)], acc.at[pl.ds(s * nps, nps)])
        plsc.subcore_barrier()
        base = (s * 2 + c) * spw

        def body(i, carry):
            off = base + i * CH
            pltpu.sync_copy(colp.at[pl.ds(off, CH)], idx_v)
            pltpu.sync_copy(att.at[pl.ds(off, CH)], val_v)
            pltpu.sync_copy(val_v, acc.at[idx_v], add=True)
            return carry

        lax.fori_loop(0, nch, body, 0)
        plsc.subcore_barrier()
        pltpu.sync_copy(acc.at[pl.ds(s * nps, nps)],
                        out.at[c, pl.ds(s * nps, nps)])

    return k



def _p1_body(nf, dg, cl, ce, pa, nt, wnp, bnp, dt2, u3, b1f, w2t, b2, nte0, out):
    dclip = jnp.clip(dg[...], 0, 99)
    oh = (dclip == lax.broadcasted_iota(jnp.int32, (1, 100), 1)).astype(F32)
    h1 = (jnp.dot(oh, dt2[...], preferred_element_type=F32)
          + cl[...] * u3[0][None, :] + ce[...] * u3[1][None, :]
          + pa[...] * u3[2][None, :] + b1f[...])
    topo = jnp.tanh(jnp.dot(jnp.maximum(h1, 0.0), w2t[...],
                            preferred_element_type=F32) + b2[...])
    x0 = jnp.dot(nf[...], wnp[...], preferred_element_type=F32) + bnp[...] + topo
    ntv = nt[...]
    for j in range(6):
        x0 = x0 + (ntv == j).astype(F32) * nte0[j][None, :]
    out[...] = x0


def _mm12_body(x_ref, w_ref, o_ref):
    o_ref[0] = jnp.dot(x_ref[...].astype(jnp.bfloat16),
                       w_ref[0].astype(jnp.bfloat16),
                       preferred_element_type=F32)


def _mm_bias_body(x_ref, w_ref, b_ref, o_ref):
    o_ref[...] = (jnp.dot(x_ref[...], w_ref[...], preferred_element_type=F32)
                  + b_ref[...])


def _k3_body(bt_ref, ga, gb, ea, wp, g_ref, gcst, wc, bc, out):
    bf = jnp.bfloat16
    pre = (ga[...] + gb[...]
           + jnp.dot(ea[...].astype(bf), g_ref[0].astype(bf),
                     preferred_element_type=F32)
           + gcst[0])
    att = (jnp.dot(jnp.maximum(pre, 0.0).astype(bf), wc[0].astype(bf),
                   preferred_element_type=F32)
           + bc[0])
    wv = wp[...]
    out[...] = jnp.where(wv > 0.0, att * wv, 0.0)


def _k4_body(xl, a0, a1, nt, uw1a, uw1b, ub1, uw2, ub2, nte, out):
    bf = jnp.bfloat16
    xv = xl[...]
    agg = a0[...] + a1[...]
    xb = xv.astype(bf)
    ab = agg.astype(bf)
    ntv = nt[...]
    acc = jnp.zeros_like(xv)
    for j in range(6):
        h = jnp.maximum(
            jnp.dot(xb, uw1a[j].astype(bf), preferred_element_type=F32)
            + jnp.dot(ab, uw1b[j].astype(bf), preferred_element_type=F32)
            + ub1[j][None, :], 0.0)
        o = jnp.tanh(jnp.dot(h.astype(bf), uw2[j].astype(bf),
                             preferred_element_type=F32)
                     + ub2[j][None, :])
        acc = acc + (ntv == j).astype(F32) * (o + nte[j][None, :])
    out[...] = acc


def _rows(spec_rows, d):
    return pl.BlockSpec((spec_rows, d), lambda nb: (nb, 0))



def kernel(node_features, edge_attr, clustering, centrality, path_lengths,
           edge_index, node_types, edge_types, degrees, params):
    N, D = node_features.shape
    E = edge_index.shape[1]
    NL = len(params['layers'])
    nN = pl.cdiv(N, BN)

    t = edge_types.astype(jnp.int32)
    row = edge_index[0].astype(jnp.int32)
    col = edge_index[1].astype(jnp.int32)
    grp = NW * CH
    Ep = int(-(-(E + 6 * BLK) // grp) * grp)
    nbe = Ep // BLK

    cnt_t = jnp.bincount(t, length=6)
    off = jnp.concatenate([jnp.zeros((1,), jnp.int32),
                           jnp.cumsum(cnt_t).astype(jnp.int32)])
    pcnt = -(-cnt_t // BLK) * BLK
    poff = jnp.concatenate([jnp.zeros((1,), jnp.int32),
                            jnp.cumsum(pcnt).astype(jnp.int32)])
    order = jnp.argsort(t)
    tsorted = t[order]
    rank = jnp.arange(E, dtype=jnp.int32) - off[tsorted]
    dest = poff[tsorted] + rank
    perm = jnp.full((Ep,), E, jnp.int32).at[dest].set(order.astype(jnp.int32))
    valid = perm < E
    pe = jnp.minimum(perm, E - 1)
    rowp = jnp.where(valid, row[pe], 0)
    colp = jnp.where(valid, col[pe], 0)
    bstart = jnp.arange(nbe, dtype=jnp.int32) * BLK
    bt = jnp.clip(jnp.searchsorted(poff[1:6], bstart, side='right'),
                  0, 5).astype(jnp.int32)
    ts = jnp.repeat(bt, BLK)
    idxA = ts * N + rowp
    idxB = (6 + ts) * N + colp

    cnt6 = jax.ops.segment_sum(jnp.ones((E,), F32), col * 6 + t,
                               num_segments=N * 6).reshape(N, 6)
    tot = jnp.clip((cnt6 > 0).astype(F32).sum(-1), 1e-8)
    wedge = 1.0 / (cnt6[col, t] * tot[col])
    wp = jnp.where(valid, wedge[pe], 0.0).reshape(Ep, 1)

    tp = params['topo']
    w1t = tp['W1'].T
    dt2 = tp['deg_table'] @ w1t[0:32]
    u3 = jnp.stack([tp['Wc'][:, 0] @ w1t[32:64],
                    tp['Wce'][:, 0] @ w1t[64:96],
                    tp['Wp'][:, 0] @ w1t[96:128]])
    b1f = (tp['b1'] + tp['bc'] @ w1t[32:64] + tp['bce'] @ w1t[64:96]
           + tp['bp'] @ w1t[96:128]).reshape(1, H)
    wet = params['edge_proj'][0].T
    be = params['edge_proj'][1]

    lw = []
    for lp in params['layers']:
        W1 = jnp.stack([lp['msg'][tt]['W1'] for tt in range(6)])
        b1 = jnp.stack([lp['msg'][tt]['b1'] for tt in range(6)])
        W12T = jnp.concatenate([W1[:, :, :H], W1[:, :, H:2 * H]],
                               axis=0).transpose(0, 2, 1)
        W1cT = W1[:, :, 2 * H:].transpose(0, 2, 1)
        Wov = jnp.stack([lp['attn'][tt]['Wo'] @ lp['attn'][tt]['Wv']
                         for tt in range(6)])
        W2 = jnp.stack([lp['msg'][tt]['W2'] for tt in range(6)])
        WcT = jnp.einsum('tij,tjk->tik', Wov, W2).transpose(0, 2, 1)
        b2 = jnp.stack([lp['msg'][tt]['b2'] for tt in range(6)])
        bcs = (jnp.einsum('tj,tij->ti', b2, Wov)
               + jnp.stack([lp['attn'][tt]['bv'] @ lp['attn'][tt]['Wo'].T
                            + lp['attn'][tt]['bo'] for tt in range(6)]))
        cst = jnp.einsum('tj,tij->ti', lp['et_emb'], W1[:, :, 2 * H:]) + b1
        UW1 = jnp.stack([lp['upd'][j]['W1'] for j in range(6)])
        lw.append(dict(
            W12T=W12T, W1cT=W1cT, cst=cst, WcT=WcT, bcs=bcs,
            uw1a=UW1[:, :, :H].transpose(0, 2, 1),
            uw1b=UW1[:, :, H:].transpose(0, 2, 1),
            ub1=jnp.stack([lp['upd'][j]['b1'] for j in range(6)]),
            uw2=jnp.stack([lp['upd'][j]['W2'] for j in range(6)]
                          ).transpose(0, 2, 1),
            ub2=jnp.stack([lp['upd'][j]['b2'] for j in range(6)]),
        ))

    nt2 = node_types.astype(jnp.int32).reshape(N, 1)
    Np = int(-(-N // 128) * 128)
    zsN = jnp.zeros((Np, H), F32)

    nbE = pl.cdiv(E, BLK)
    e_proj = pl.pallas_call(
        _mm_bias_body,
        grid=(nbE,),
        in_specs=[
            pl.BlockSpec((BLK, 16), lambda b: (b, 0)),
            pl.BlockSpec((16, H), lambda b: (0, 0)),
            pl.BlockSpec((1, H), lambda b: (0, 0)),
        ],
        out_specs=pl.BlockSpec((BLK, H), lambda b: (b, 0)),
        out_shape=jax.ShapeDtypeStruct((E, H), F32),
    )(edge_attr, wet, be.reshape(1, H))
    e_s = _sc_gather1(Ep, H)(e_proj, pe)

    x = pl.pallas_call(
        _p1_body,
        grid=(nN,),
        in_specs=[
            _rows(BN, D),
            pl.BlockSpec((BN, 1), lambda nb: (nb, 0)),
            pl.BlockSpec((BN, 1), lambda nb: (nb, 0)),
            pl.BlockSpec((BN, 1), lambda nb: (nb, 0)),
            pl.BlockSpec((BN, 1), lambda nb: (nb, 0)),
            pl.BlockSpec((BN, 1), lambda nb: (nb, 0)),
            pl.BlockSpec((H, H), lambda nb: (0, 0)),
            pl.BlockSpec((1, H), lambda nb: (0, 0)),
            pl.BlockSpec((100, H), lambda nb: (0, 0)),
            pl.BlockSpec((3, H), lambda nb: (0, 0)),
            pl.BlockSpec((1, H), lambda nb: (0, 0)),
            pl.BlockSpec((H, H), lambda nb: (0, 0)),
            pl.BlockSpec((1, H), lambda nb: (0, 0)),
            pl.BlockSpec((6, H), lambda nb: (0, 0)),
        ],
        out_specs=_rows(BN, H),
        out_shape=jax.ShapeDtypeStruct((N, H), F32),
    )(node_features, degrees.astype(jnp.int32).reshape(N, 1),
      clustering.reshape(N, 1), centrality.reshape(N, 1),
      path_lengths.reshape(N, 1), nt2,
      params['node_proj'][0].T, params['node_proj'][1].reshape(1, H),
      dt2, u3, b1f, tp['W2'].T, tp['b2'].reshape(1, H),
      params['layers'][0]['nt_emb'])

    for li in range(NL):
        p = lw[li]
        xab = pl.pallas_call(
            _mm12_body,
            grid=(12, nN),
            in_specs=[
                pl.BlockSpec((BN, H), lambda j, nb: (nb, 0)),
                pl.BlockSpec((1, H, H), lambda j, nb: (j, 0, 0)),
            ],
            out_specs=pl.BlockSpec((1, BN, H), lambda j, nb: (j, nb, 0)),
            out_shape=jax.ShapeDtypeStruct((12, N, H), F32),
        )(x, p['W12T'])

        gA, gB = _sc_gather2(Ep, H)(xab.reshape(12 * N, H), idxA, idxB)

        att = pl.pallas_call(
            _k3_body,
            grid_spec=pltpu.PrefetchScalarGridSpec(
                num_scalar_prefetch=1,
                grid=(nbe,),
                in_specs=[
                    pl.BlockSpec((BLK, H), lambda b, btr: (b, 0)),
                    pl.BlockSpec((BLK, H), lambda b, btr: (b, 0)),
                    pl.BlockSpec((BLK, H), lambda b, btr: (b, 0)),
                    pl.BlockSpec((BLK, 1), lambda b, btr: (b, 0)),
                    pl.BlockSpec((1, H, H), lambda b, btr: (btr[b], 0, 0)),
                    pl.BlockSpec((1, 1, H), lambda b, btr: (btr[b], 0, 0)),
                    pl.BlockSpec((1, H, H), lambda b, btr: (btr[b], 0, 0)),
                    pl.BlockSpec((1, 1, H), lambda b, btr: (btr[b], 0, 0)),
                ],
                out_specs=pl.BlockSpec((BLK, H), lambda b, btr: (b, 0)),
            ),
            out_shape=jax.ShapeDtypeStruct((Ep, H), F32),
        )(bt, gA, gB, e_s, wp, p['W1cT'], p['cst'].reshape(6, 1, H),
          p['WcT'], p['bcs'].reshape(6, 1, H))

        acc2 = _sc_scatter_add(Ep, Np, H)(att, colp, zsN)

        nte = (params['layers'][li + 1]['nt_emb'] if li + 1 < NL
               else jnp.zeros((6, H), F32))
        x = pl.pallas_call(
            _k4_body,
            grid=(nN,),
            in_specs=[
                _rows(BN, H), _rows(BN, H), _rows(BN, H),
                pl.BlockSpec((BN, 1), lambda nb: (nb, 0)),
                pl.BlockSpec((6, H, H), lambda nb: (0, 0, 0)),
                pl.BlockSpec((6, H, H), lambda nb: (0, 0, 0)),
                pl.BlockSpec((6, H), lambda nb: (0, 0)),
                pl.BlockSpec((6, H, H), lambda nb: (0, 0, 0)),
                pl.BlockSpec((6, H), lambda nb: (0, 0)),
                pl.BlockSpec((6, H), lambda nb: (0, 0)),
            ],
            out_specs=_rows(BN, H),
            out_shape=jax.ShapeDtypeStruct((N, H), F32),
        )(x, acc2[0, :N], acc2[1, :N], nt2, p['uw1a'], p['uw1b'], p['ub1'],
          p['uw2'], p['ub2'], nte)

    return x

# --- scband reference (transcript-rebuilt; emitter-appended) ---
"""Pipeline reference for scband-graph-scheduling-policy-20572893348179 (READ-ONLY COPY).

The authoritative reference and input builder live on the scoring server;
editing this copy changes nothing except your own understanding.
"""

import jax, jax.numpy as jnp
import numpy as np

NH = 8
DH = 16
HID = 128

def _linear(x, W, b):
    return x @ W.T + b

def _forward(params, x_in, edge_attr, clustering, centrality, path_lengths, ei, ntypes, etypes, degs):
    x = _linear(x_in, *params['node_proj'])
    e = _linear(edge_attr, *params['edge_proj'])
    tp = params['topo']
    d = jnp.clip(degs, 0, 99)
    demb = tp['deg_table'][d]
    cemb = _linear(clustering[:, None], tp['Wc'], tp['bc'])
    ceemb = _linear(centrality[:, None], tp['Wce'], tp['bce'])
    pemb = _linear(path_lengths[:, None], tp['Wp'], tp['bp'])
    topo = jnp.concatenate([demb, cemb, ceemb, pemb], axis=-1)
    topo = jnp.tanh(_linear(jax.nn.relu(_linear(topo, tp['W1'], tp['b1'])), tp['W2'], tp['b2']))
    x = x + topo
    N = x.shape[0]
    for lp in params['layers']:
        x = x + lp['nt_emb'][ntypes]
        agg = jnp.zeros_like(x)
        tot = jnp.zeros((N,), x.dtype)
        for t in range(6):
            emask = (etypes == t)
            row = ei[0]
            col = ei[1]
            ef = e + lp['et_emb'][t]
            mp = lp['msg'][t]
            m = jnp.concatenate([x[row], x[col], ef], axis=-1)
            m = _linear(jax.nn.relu(_linear(m, mp['W1'], mp['b1'])), mp['W2'], mp['b2'])
            ap = lp['attn'][t]
            q = _linear(x[col], ap['Wq'], ap['bq']).reshape(-1, NH, DH)
            kk = _linear(m, ap['Wk'], ap['bk']).reshape(-1, NH, DH)
            v = _linear(m, ap['Wv'], ap['bv']).reshape(-1, NH, DH)
            logits = (q * kk).sum(-1) / np.sqrt(DH)
            w = jax.nn.softmax(logits[..., None], axis=-1)[..., 0]
            att_out = _linear((w[..., None] * v).reshape(-1, HID), ap['Wo'], ap['bo'])
            attw = w.mean(-1)
            mf = emask.astype(x.dtype)
            segwm = jax.ops.segment_sum(att_out * (attw * mf)[:, None], col, num_segments=N)
            segw = jax.ops.segment_sum(attw * mf, col, num_segments=N)
            cnt = jax.ops.segment_sum(mf, col, num_segments=N)
            has = segw > 0
            msgs = jnp.where(has[:, None], segwm / jnp.where(has, segw, 1.0)[:, None], 0.0)
            attn = jnp.where(cnt > 0, segw / jnp.maximum(cnt, 1.0), 0.0)
            agg = agg + msgs * attn[:, None]
            tot = tot + attn
        tot = jnp.clip(tot, 1e-8)
        agg = agg / tot[:, None]
        upd = jnp.zeros_like(x)
        for j in range(6):
            nmask = (ntypes == j)
            up = lp['upd'][j]
            inp = jnp.concatenate([x, agg], axis=-1)
            out = jnp.tanh(_linear(jax.nn.relu(_linear(inp, up['W1'], up['b1'])), up['W2'], up['b2']))
            upd = jnp.where(nmask[:, None], out, upd)
        x = upd
    return x

def setup_inputs():
    N, E, D, DE, H, NL = 10000, 320000, 128, 16, 128, 2
    ks = jax.random.split(jax.random.key(0), 512)
    ctr = [0]
    def nk():
        ctr[0] += 1
        return ks[ctr[0] - 1]
    def rn(*shape):
        return (jax.random.normal(nk(), shape) * 0.05).astype(jnp.float32)
    node_features = jax.random.normal(nk(), (N, D), dtype=jnp.float32)
    edge_index = jax.random.randint(nk(), (2, E), 0, N)
    edge_attr = jax.random.normal(nk(), (E, DE), dtype=jnp.float32)
    node_types = jax.random.randint(nk(), (N,), 0, 6)
    edge_types = jax.random.randint(nk(), (E,), 0, 6)
    degrees = jax.random.randint(nk(), (N,), 0, 100)
    clustering = jax.random.uniform(nk(), (N,), dtype=jnp.float32)
    centrality = jax.random.uniform(nk(), (N,), dtype=jnp.float32)
    path_lengths = jax.random.uniform(nk(), (N,), dtype=jnp.float32)
    params = {
        'node_proj': (rn(H, D), rn(H)),
        'edge_proj': (rn(H, DE), rn(H)),
        'topo': {'deg_table': rn(100, H // 4), 'Wc': rn(H // 4, 1), 'bc': rn(H // 4), 'Wce': rn(H // 4, 1), 'bce': rn(H // 4), 'Wp': rn(H // 4, 1), 'bp': rn(H // 4), 'W1': rn(H, H), 'b1': rn(H), 'W2': rn(H, H), 'b2': rn(H)},
        'layers': [],
    }
    for _ in range(NL):
        params['layers'].append({
            'nt_emb': rn(6, H),
            'et_emb': rn(6, H),
            'msg': [{'W1': rn(H, 3 * H), 'b1': rn(H), 'W2': rn(H, H), 'b2': rn(H)} for _ in range(6)],
            'attn': [{'Wq': rn(H, H), 'bq': rn(H), 'Wk': rn(H, H), 'bk': rn(H), 'Wv': rn(H, H), 'bv': rn(H), 'Wo': rn(H, H), 'bo': rn(H)} for _ in range(6)],
            'upd': [{'W1': rn(H, 2 * H), 'b1': rn(H), 'W2': rn(H, H), 'b2': rn(H)} for _ in range(6)],
        })
    return {'node_features': node_features, 'edge_attr': edge_attr, 'clustering': clustering, 'centrality': centrality, 'path_lengths': path_lengths, 'edge_index': edge_index, 'node_types': node_types, 'edge_types': edge_types, 'degrees': degrees, 'params': params}

def reference(node_features, edge_attr, clustering, centrality, path_lengths, edge_index, node_types, edge_types, degrees, params):
    return _forward(params, node_features, edge_attr, clustering, centrality, path_lengths, edge_index, node_types, edge_types, degrees)

if __name__ == "__main__":
    import jax
    _d = setup_inputs()
    print(jax.jit(kernel)(*tuple(_d.values())))

</pallas_src>

<mosaic_0001>
#map = affine_map<(d0, d1) -> (0, 0)>
#map1 = affine_map<(d0, d1) -> (0)>
module attributes {stable_mosaic.version = 14 : i64} {
  func.func @k(%arg0: i32, %arg1: i32, %arg2: memref<320000x128xf32, #tpu.memory_space<hbm>>, %arg3: memref<327680xi32, #tpu.memory_space<hbm>>, %arg4: memref<327680x128xf32, #tpu.memory_space<hbm>>, %arg5: memref<256xi32, #tpu.memory_space<vmem>>, %arg6: memref<256x128xf32, #tpu.memory_space<vmem>>, %arg7: memref<!tpu.dma_semaphore, #tpu.memory_space<semaphore_mem>>) attributes {dimension_semantics = [#tpu.dimension_semantics<core_parallel>, #tpu.dimension_semantics<subcore_parallel>], iteration_bounds = array<i64: 2, 16>, scalar_prefetch = 0 : i64, scratch_operands = 3 : i64, tpu.core_type = #tpu.core_type<sc_vector_subcore>, window_params = [{transform_indices = #map}, {transform_indices = #map1}, {transform_indices = #map}]} {
    %mul3A = arith.constant 2 : i32
    %mul3A_0 = arith.muli %arg1, %mul3A : i32
    %add3A = arith.addi %mul3A_0, %arg0 : i32
    %mul3A_1 = arith.constant 10240 : i32
    %mul3A_2 = arith.muli %add3A, %mul3A_1 : i32
    %scan3A = arith.constant 0 : i32
    %scan3A_3 = arith.constant 0 : i32
    %scan3A_4 = arith.constant 40 : i32
    %scan3A_5 = arith.addi %scan3A_3, %scan3A_4 : i32
    %scan3A_6 = arith.constant 1 : i32
    scf.for %scan3A_8 = %scan3A_3 to %scan3A_5 step %scan3A_6  : i32 {
      %mul3A_9 = arith.constant 256 : i32
      %mul3A_10 = arith.muli %scan3A_8, %mul3A_9 : i32
      %add3A_11 = arith.addi %mul3A_2, %mul3A_10 : i32
      "tpu.region"() ({
        %run_scoped3A = tpu.sem_alloc : memref<!tpu.dma_semaphore, #tpu.memory_space<semaphore_mem>>
        %dma_start3A_16 = tpu.memref_slice %arg3[%add3A_11] : memref<327680xi32, #tpu.memory_space<hbm>> -> memref<256xi32, #tpu.memory_space<hbm>>
        %dma_start3A_17 = tpu.memref_slice %arg3[%add3A_11] : memref<327680xi32, #tpu.memory_space<hbm>> -> memref<256xi32, #tpu.memory_space<hbm>>
        tpu.enqueue_dma source(%dma_start3A_17 : memref<256xi32, #tpu.memory_space<hbm>>) target(%arg5 : memref<256xi32, #tpu.memory_space<vmem>>) target_semaphore(%run_scoped3A : memref<!tpu.dma_semaphore, #tpu.memory_space<semaphore_mem>>)
        %dma_wait3A_18 = tpu.memref_slice %arg3[%add3A_11] : memref<327680xi32, #tpu.memory_space<hbm>> -> memref<256xi32, #tpu.memory_space<hbm>>
        %dma_wait3A_19 = tpu.memref_slice %arg3[%add3A_11] : memref<327680xi32, #tpu.memory_space<hbm>> -> memref<256xi32, #tpu.memory_space<hbm>>
        tpu.wait_dma2 semaphore(%run_scoped3A : memref<!tpu.dma_semaphore, #tpu.memory_space<semaphore_mem>>) src(%dma_wait3A_19 : memref<256xi32, #tpu.memory_space<hbm>>) dst(%arg5 : memref<256xi32, #tpu.memory_space<vmem>>)
        tpu.yield
      }) : () -> ()
      %dma_start3A = arith.constant 0 : i32
      %dma_start3A_12 = arith.constant 0 : i32
      %dma_start3A_13 = tpu.memref_slice %arg2[%dma_start3A, %dma_start3A_12] : memref<320000x128xf32, #tpu.memory_space<hbm>> -> memref<320000x128xf32, #tpu.memory_space<hbm>>
      tpu.enqueue_indirect_dma source(%dma_start3A_13 : memref<320000x128xf32, #tpu.memory_space<hbm>>) target(%arg6 : memref<256x128xf32, #tpu.memory_space<vmem>>) offsets(%arg5 : memref<256xi32, #tpu.memory_space<vmem>>) semaphore(%arg7 : memref<!tpu.dma_semaphore, #tpu.memory_space<semaphore_mem>>)
      %dma_wait3A = arith.constant 0 : i32
      %dma_wait3A_14 = arith.constant 0 : i32
      %dma_wait3A_15 = tpu.memref_slice %arg2[%dma_wait3A, %dma_wait3A_14] : memref<320000x128xf32, #tpu.memory_space<hbm>> -> memref<320000x128xf32, #tpu.memory_space<hbm>>
      tpu.wait_indirect_dma semaphore(%arg7 : memref<!tpu.dma_semaphore, #tpu.memory_space<semaphore_mem>>) src(%dma_wait3A_15 : memref<320000x128xf32, #tpu.memory_space<hbm>>) dst(%arg6 : memref<256x128xf32, #tpu.memory_space<vmem>>)
      "tpu.region"() ({
        %run_scoped3A = tpu.sem_alloc : memref<!tpu.dma_semaphore, #tpu.memory_space<semaphore_mem>>
        %dma_start3A_16 = arith.constant 0 : i32
        %dma_start3A_17 = tpu.memref_slice %arg4[%add3A_11, %dma_start3A_16] : memref<327680x128xf32, #tpu.memory_space<hbm>> -> memref<256x128xf32, #tpu.memory_space<hbm>>
        %dma_start3A_18 = arith.constant 0 : i32
        %dma_start3A_19 = tpu.memref_slice %arg4[%add3A_11, %dma_start3A_18] : memref<327680x128xf32, #tpu.memory_space<hbm>> -> memref<256x128xf32, #tpu.memory_space<hbm>>
        tpu.enqueue_dma source(%arg6 : memref<256x128xf32, #tpu.memory_space<vmem>>) target(%dma_start3A_19 : memref<256x128xf32, #tpu.memory_space<hbm>>) target_semaphore(%run_scoped3A : memref<!tpu.dma_semaphore, #tpu.memory_space<semaphore_mem>>)
        %dma_wait3A_20 = arith.constant 0 : i32
        %dma_wait3A_21 = tpu.memref_slice %arg4[%add3A_11, %dma_wait3A_20] : memref<327680x128xf32, #tpu.memory_space<hbm>> -> memref<256x128xf32, #tpu.memory_space<hbm>>
        %dma_wait3A_22 = arith.constant 0 : i32
        %dma_wait3A_23 = tpu.memref_slice %arg4[%add3A_11, %dma_wait3A_22] : memref<327680x128xf32, #tpu.memory_space<hbm>> -> memref<256x128xf32, #tpu.memory_space<hbm>>
        tpu.wait_dma2 semaphore(%run_scoped3A : memref<!tpu.dma_semaphore, #tpu.memory_space<semaphore_mem>>) src(%arg6 : memref<256x128xf32, #tpu.memory_space<vmem>>) dst(%dma_wait3A_23 : memref<256x128xf32, #tpu.memory_space<hbm>>)
        tpu.yield
      }) : () -> ()
    }
    %scan3A_7 = arith.constant 40 : i32
    return
  }
}

#map = affine_map<(d0, d1) -> (0, 0)>
#map1 = affine_map<(d0, d1) -> (0)>
module attributes {stable_mosaic.version = 14 : i64} {
  func.func @k(%arg0: i32, %arg1: i32, %arg2: memref<120000x128xf32, #tpu.memory_space<hbm>>, %arg3: memref<327680xi32, #tpu.memory_space<hbm>>, %arg4: memref<327680xi32, #tpu.memory_space<hbm>>, %arg5: memref<327680x128xf32, #tpu.memory_space<hbm>>, %arg6: memref<327680x128xf32, #tpu.memory_space<hbm>>, %arg7: memref<256xi32, #tpu.memory_space<vmem>>, %arg8: memref<256xi32, #tpu.memory_space<vmem>>, %arg9: memref<256x128xf32, #tpu.memory_space<vmem>>, %arg10: memref<256x128xf32, #tpu.memory_space<vmem>>, %arg11: memref<!tpu.dma_semaphore, #tpu.memory_space<semaphore_mem>>, %arg12: memref<!tpu.dma_semaphore, #tpu.memory_space<semaphore_mem>>) attributes {dimension_semantics = [#tpu.dimension_semantics<core_parallel>, #tpu.dimension_semantics<subcore_parallel>], iteration_bounds = array<i64: 2, 16>, scalar_prefetch = 0 : i64, scratch_operands = 6 : i64, tpu.core_type = #tpu.core_type<sc_vector_subcore>, window_params = [{transform_indices = #map}, {transform_indices = #map1}, {transform_indices = #map1}, {transform_indices = #map}, {transform_indices = #map}]} {
    %mul3A = arith.constant 2 : i32
    %mul3A_0 = arith.muli %arg1, %mul3A : i32
    %add3A = arith.addi %mul3A_0, %arg0 : i32
    %mul3A_1 = arith.constant 10240 : i32
    %mul3A_2 = arith.muli %add3A, %mul3A_1 : i32
    %scan3A = arith.constant 0 : i32
    %scan3A_3 = arith.constant 0 : i32
    %scan3A_4 = arith.constant 40 : i32
    %scan3A_5 = arith.addi %scan3A_3, %scan3A_4 : i32
    %scan3A_6 = arith.constant 1 : i32
    scf.for %scan3A_8 = %scan3A_3 to %scan3A_5 step %scan3A_6  : i32 {
      %mul3A_9 = arith.constant 256 : i32
      %mul3A_10 = arith.muli %scan3A_8, %mul3A_9 : i32
      %add3A_11 = arith.addi %mul3A_2, %mul3A_10 : i32
      "tpu.region"() ({
        %run_scoped3A = tpu.sem_alloc : memref<!tpu.dma_semaphore, #tpu.memory_space<semaphore_mem>>
        %dma_start3A_22 = tpu.memref_slice %arg3[%add3A_11] : memref<327680xi32, #tpu.memory_space<hbm>> -> memref<256xi32, #tpu.memory_space<hbm>>
        %dma_start3A_23 = tpu.memref_slice %arg3[%add3A_11] : memref<327680xi32, #tpu.memory_space<hbm>> -> memref<256xi32, #tpu.memory_space<hbm>>
        tpu.enqueue_dma source(%dma_start3A_23 : memref<256xi32, #tpu.memory_space<hbm>>) target(%arg7 : memref<256xi32, #tpu.memory_space<vmem>>) target_semaphore(%run_scoped3A : memref<!tpu.dma_semaphore, #tpu.memory_space<semaphore_mem>>)
        %dma_wait3A_24 = tpu.memref_slice %arg3[%add3A_11] : memref<327680xi32, #tpu.memory_space<hbm>> -> memref<256xi32, #tpu.memory_space<hbm>>
        %dma_wait3A_25 = tpu.memref_slice %arg3[%add3A_11] : memref<327680xi32, #tpu.memory_space<hbm>> -> memref<256xi32, #tpu.memory_space<hbm>>
        tpu.wait_dma2 semaphore(%run_scoped3A : memref<!tpu.dma_semaphore, #tpu.memory_space<semaphore_mem>>) src(%dma_wait3A_25 : memref<256xi32, #tpu.memory_space<hbm>>) dst(%arg7 : memref<256xi32, #tpu.memory_space<vmem>>)
        tpu.yield
      }) : () -> ()
      "tpu.region"() ({
        %run_scoped3A = tpu.sem_alloc : memref<!tpu.dma_semaphore, #tpu.memory_space<semaphore_mem>>
        %dma_start3A_22 = tpu.memref_slice %arg4[%add3A_11] : memref<327680xi32, #tpu.memory_space<hbm>> -> memref<256xi32, #tpu.memory_space<hbm>>
        %dma_start3A_23 = tpu.memref_slice %arg4[%add3A_11] : memref<327680xi32, #tpu.memory_space<hbm>> -> memref<256xi32, #tpu.memory_space<hbm>>
        tpu.enqueue_dma source(%dma_start3A_23 : memref<256xi32, #tpu.memory_space<hbm>>) target(%arg8 : memref<256xi32, #tpu.memory_space<vmem>>) target_semaphore(%run_scoped3A : memref<!tpu.dma_semaphore, #tpu.memory_space<semaphore_mem>>)
        %dma_wait3A_24 = tpu.memref_slice %arg4[%add3A_11] : memref<327680xi32, #tpu.memory_space<hbm>> -> memref<256xi32, #tpu.memory_space<hbm>>
        %dma_wait3A_25 = tpu.memref_slice %arg4[%add3A_11] : memref<327680xi32, #tpu.memory_space<hbm>> -> memref<256xi32, #tpu.memory_space<hbm>>
        tpu.wait_dma2 semaphore(%run_scoped3A : memref<!tpu.dma_semaphore, #tpu.memory_space<semaphore_mem>>) src(%dma_wait3A_25 : memref<256xi32, #tpu.memory_space<hbm>>) dst(%arg8 : memref<256xi32, #tpu.memory_space<vmem>>)
        tpu.yield
      }) : () -> ()
      %dma_start3A = arith.constant 0 : i32
      %dma_start3A_12 = arith.constant 0 : i32
      %dma_start3A_13 = tpu.memref_slice %arg2[%dma_start3A, %dma_start3A_12] : memref<120000x128xf32, #tpu.memory_space<hbm>> -> memref<120000x128xf32, #tpu.memory_space<hbm>>
      tpu.enqueue_indirect_dma source(%dma_start3A_13 : memref<120000x128xf32, #tpu.memory_space<hbm>>) target(%arg9 : memref<256x128xf32, #tpu.memory_space<vmem>>) offsets(%arg7 : memref<256xi32, #tpu.memory_space<vmem>>) semaphore(%arg11 : memref<!tpu.dma_semaphore, #tpu.memory_space<semaphore_mem>>)
      %dma_start3A_14 = arith.constant 0 : i32
      %dma_start3A_15 = arith.constant 0 : i32
      %dma_start3A_16 = tpu.memref_slice %arg2[%dma_start3A_14, %dma_start3A_15] : memref<120000x128xf32, #tpu.memory_space<hbm>> -> memref<120000x128xf32, #tpu.memory_space<hbm>>
      tpu.enqueue_indirect_dma source(%dma_start3A_16 : memref<120000x128xf32, #tpu.memory_space<hbm>>) target(%arg10 : memref<256x128xf32, #tpu.memory_space<vmem>>) offsets(%arg8 : memref<256xi32, #tpu.memory_space<vmem>>) semaphore(%arg12 : memref<!tpu.dma_semaphore, #tpu.memory_space<semaphore_mem>>)
      %dma_wait3A = arith.constant 0 : i32
      %dma_wait3A_17 = arith.constant 0 : i32
      %dma_wait3A_18 = tpu.memref_slice %arg2[%dma_wait3A, %dma_wait3A_17] : memref<120000x128xf32, #tpu.memory_space<hbm>> -> memref<120000x128xf32, #tpu.memory_space<hbm>>
      tpu.wait_indirect_dma semaphore(%arg11 : memref<!tpu.dma_semaphore, #tpu.memory_space<semaphore_mem>>) src(%dma_wait3A_18 : memref<120000x128xf32, #tpu.memory_space<hbm>>) dst(%arg9 : memref<256x128xf32, #tpu.memory_space<vmem>>)
      %dma_wait3A_19 = arith.constant 0 : i32
      %dma_wait3A_20 = arith.constant 0 : i32
      %dma_wait3A_21 = tpu.memref_slice %arg2[%dma_wait3A_19, %dma_wait3A_20] : memref<120000x128xf32, #tpu.memory_space<hbm>> -> memref<120000x128xf32, #tpu.memory_space<hbm>>
      tpu.wait_indirect_dma semaphore(%arg12 : memref<!tpu.dma_semaphore, #tpu.memory_space<semaphore_mem>>) src(%dma_wait3A_21 : memref<120000x128xf32, #tpu.memory_space<hbm>>) dst(%arg10 : memref<256x128xf32, #tpu.memory_space<vmem>>)
      "tpu.region"() ({
        %run_scoped3A = tpu.sem_alloc : memref<!tpu.dma_semaphore, #tpu.memory_space<semaphore_mem>>
        %dma_start3A_22 = arith.constant 0 : i32
        %dma_start3A_23 = tpu.memref_slice %arg5[%add3A_11, %dma_start3A_22] : memref<327680x128xf32, #tpu.memory_space<hbm>> -> memref<256x128xf32, #tpu.memory_space<hbm>>
        %dma_start3A_24 = arith.constant 0 : i32
        %dma_start3A_25 = tpu.memref_slice %arg5[%add3A_11, %dma_start3A_24] : memref<327680x128xf32, #tpu.memory_space<hbm>> -> memref<256x128xf32, #tpu.memory_space<hbm>>
        tpu.enqueue_dma source(%arg9 : memref<256x128xf32, #tpu.memory_space<vmem>>) target(%dma_start3A_25 : memref<256x128xf32, #tpu.memory_space<hbm>>) target_semaphore(%run_scoped3A : memref<!tpu.dma_semaphore, #tpu.memory_space<semaphore_mem>>)
        %dma_wait3A_26 = arith.constant 0 : i32
        %dma_wait3A_27 = tpu.memref_slice %arg5[%add3A_11, %dma_wait3A_26] : memref<327680x128xf32, #tpu.memory_space<hbm>> -> memref<256x128xf32, #tpu.memory_space<hbm>>
        %dma_wait3A_28 = arith.constant 0 : i32
        %dma_wait3A_29 = tpu.memref_slice %arg5[%add3A_11, %dma_wait3A_28] : memref<327680x128xf32, #tpu.memory_space<hbm>> -> memref<256x128xf32, #tpu.memory_space<hbm>>
        tpu.wait_dma2 semaphore(%run_scoped3A : memref<!tpu.dma_semaphore, #tpu.memory_space<semaphore_mem>>) src(%arg9 : memref<256x128xf32, #tpu.memory_space<vmem>>) dst(%dma_wait3A_29 : memref<256x128xf32, #tpu.memory_space<hbm>>)
        tpu.yield
      }) : () -> ()
      "tpu.region"() ({
        %run_scoped3A = tpu.sem_alloc : memref<!tpu.dma_semaphore, #tpu.memory_space<semaphore_mem>>
        %dma_start3A_22 = arith.constant 0 : i32
        %dma_start3A_23 = tpu.memref_slice %arg6[%add3A_11, %dma_start3A_22] : memref<327680x128xf32, #tpu.memory_space<hbm>> -> memref<256x128xf32, #tpu.memory_space<hbm>>
        %dma_start3A_24 = arith.constant 0 : i32
        %dma_start3A_25 = tpu.memref_slice %arg6[%add3A_11, %dma_start3A_24] : memref<327680x128xf32, #tpu.memory_space<hbm>> -> memref<256x128xf32, #tpu.memory_space<hbm>>
        tpu.enqueue_dma source(%arg10 : memref<256x128xf32, #tpu.memory_space<vmem>>) target(%dma_start3A_25 : memref<256x128xf32, #tpu.memory_space<hbm>>) target_semaphore(%run_scoped3A : memref<!tpu.dma_semaphore, #tpu.memory_space<semaphore_mem>>)
        %dma_wait3A_26 = arith.constant 0 : i32
        %dma_wait3A_27 = tpu.memref_slice %arg6[%add3A_11, %dma_wait3A_26] : memref<327680x128xf32, #tpu.memory_space<hbm>> -> memref<256x128xf32, #tpu.memory_space<hbm>>
        %dma_wait3A_28 = arith.constant 0 : i32
        %dma_wait3A_29 = tpu.memref_slice %arg6[%add3A_11, %dma_wait3A_28] : memref<327680x128xf32, #tpu.memory_space<hbm>> -> memref<256x128xf32, #tpu.memory_space<hbm>>
        tpu.wait_dma2 semaphore(%run_scoped3A : memref<!tpu.dma_semaphore, #tpu.memory_space<semaphore_mem>>) src(%arg10 : memref<256x128xf32, #tpu.memory_space<vmem>>) dst(%dma_wait3A_29 : memref<256x128xf32, #tpu.memory_space<hbm>>)
        tpu.yield
      }) : () -> ()
    }
    %scan3A_7 = arith.constant 40 : i32
    return
  }
}

#map = affine_map<(d0, d1) -> (0, 0)>
#map1 = affine_map<(d0, d1) -> (0)>
#map2 = affine_map<(d0, d1) -> (0, 0, 0)>
module attributes {stable_mosaic.version = 14 : i64} {
  func.func @k(%arg0: i32, %arg1: i32, %arg2: memref<327680x128xf32, #tpu.memory_space<hbm>>, %arg3: memref<327680xi32, #tpu.memory_space<hbm>>, %arg4: memref<10112x128xf32, #tpu.memory_space<hbm>>, %arg5: memref<2x10112x128xf32, #tpu.memory_space<hbm>>, %arg6: memref<256xi32, #tpu.memory_space<vmem>>, %arg7: memref<256x128xf32, #tpu.memory_space<vmem>>, %arg8: memref<10112x128xf32, #tpu.memory_space<vmem_shared>>) attributes {dimension_semantics = [#tpu.dimension_semantics<core_parallel>, #tpu.dimension_semantics<subcore_parallel>], iteration_bounds = array<i64: 2, 16>, scalar_prefetch = 0 : i64, scratch_operands = 3 : i64, tpu.core_type = #tpu.core_type<sc_vector_subcore>, window_params = [{transform_indices = #map}, {transform_indices = #map1}, {transform_indices = #map}, {transform_indices = #map2}]} {
    %mul3A = arith.constant 632 : i32
    %mul3A_0 = arith.muli %arg1, %mul3A : i32
    %mul3A_1 = arith.constant 632 : i32
    %mul3A_2 = arith.muli %arg1, %mul3A_1 : i32
    "tpu.region"() ({
      %run_scoped3A = tpu.sem_alloc : memref<!tpu.dma_semaphore, #tpu.memory_space<semaphore_mem>>
      %dma_start3A = arith.constant 0 : i32
      %dma_start3A_17 = tpu.memref_slice %arg8[%mul3A_2, %dma_start3A] : memref<10112x128xf32, #tpu.memory_space<vmem_shared>> -> memref<632x128xf32, #tpu.memory_space<vmem_shared>>
      %dma_start3A_18 = arith.constant 0 : i32
      %dma_start3A_19 = tpu.memref_slice %arg4[%mul3A_0, %dma_start3A_18] : memref<10112x128xf32, #tpu.memory_space<hbm>> -> memref<632x128xf32, #tpu.memory_space<hbm>>
      tpu.enqueue_dma source(%dma_start3A_19 : memref<632x128xf32, #tpu.memory_space<hbm>>) target(%dma_start3A_17 : memref<632x128xf32, #tpu.memory_space<vmem_shared>>) target_semaphore(%run_scoped3A : memref<!tpu.dma_semaphore, #tpu.memory_space<semaphore_mem>>)
      %dma_wait3A = arith.constant 0 : i32
      %dma_wait3A_20 = tpu.memref_slice %arg8[%mul3A_2, %dma_wait3A] : memref<10112x128xf32, #tpu.memory_space<vmem_shared>> -> memref<632x128xf32, #tpu.memory_space<vmem_shared>>
      %dma_wait3A_21 = arith.constant 0 : i32
      %dma_wait3A_22 = tpu.memref_slice %arg4[%mul3A_0, %dma_wait3A_21] : memref<10112x128xf32, #tpu.memory_space<hbm>> -> memref<632x128xf32, #tpu.memory_space<hbm>>
      tpu.wait_dma2 semaphore(%run_scoped3A : memref<!tpu.dma_semaphore, #tpu.memory_space<semaphore_mem>>) src(%dma_wait3A_22 : memref<632x128xf32, #tpu.memory_space<hbm>>) dst(%dma_wait3A_20 : memref<632x128xf32, #tpu.memory_space<vmem_shared>>)
      tpu.yield
    }) : () -> ()
    %barrier3A = arith.constant 0 : index
    tpu.barrier barrier_id(%barrier3A)
    %mul3A_3 = arith.constant 2 : i32
    %mul3A_4 = arith.muli %arg1, %mul3A_3 : i32
    %add3A = arith.addi %mul3A_4, %arg0 : i32
    %mul3A_5 = arith.constant 10240 : i32
    %mul3A_6 = arith.muli %add3A, %mul3A_5 : i32
    %scan3A = arith.constant 0 : i32
    %scan3A_7 = arith.constant 0 : i32
    %scan3A_8 = arith.constant 40 : i32
    %scan3A_9 = arith.addi %scan3A_7, %scan3A_8 : i32
    %scan3A_10 = arith.constant 1 : i32
    scf.for %scan3A_17 = %scan3A_7 to %scan3A_9 step %scan3A_10  : i32 {
      %mul3A_18 = arith.constant 256 : i32
      %mul3A_19 = arith.muli %scan3A_17, %mul3A_18 : i32
      %add3A_20 = arith.addi %mul3A_6, %mul3A_19 : i32
      "tpu.region"() ({
        %run_scoped3A = tpu.sem_alloc : memref<!tpu.dma_semaphore, #tpu.memory_space<semaphore_mem>>
        %dma_start3A = tpu.memref_slice %arg3[%add3A_20] : memref<327680xi32, #tpu.memory_space<hbm>> -> memref<256xi32, #tpu.memory_space<hbm>>
        %dma_start3A_21 = tpu.memref_slice %arg3[%add3A_20] : memref<327680xi32, #tpu.memory_space<hbm>> -> memref<256xi32, #tpu.memory_space<hbm>>
        tpu.enqueue_dma source(%dma_start3A_21 : memref<256xi32, #tpu.memory_space<hbm>>) target(%arg6 : memref<256xi32, #tpu.memory_space<vmem>>) target_semaphore(%run_scoped3A : memref<!tpu.dma_semaphore, #tpu.memory_space<semaphore_mem>>)
        %dma_wait3A = tpu.memref_slice %arg3[%add3A_20] : memref<327680xi32, #tpu.memory_space<hbm>> -> memref<256xi32, #tpu.memory_space<hbm>>
        %dma_wait3A_22 = tpu.memref_slice %arg3[%add3A_20] : memref<327680xi32, #tpu.memory_space<hbm>> -> memref<256xi32, #tpu.memory_space<hbm>>
        tpu.wait_dma2 semaphore(%run_scoped3A : memref<!tpu.dma_semaphore, #tpu.memory_space<semaphore_mem>>) src(%dma_wait3A_22 : memref<256xi32, #tpu.memory_space<hbm>>) dst(%arg6 : memref<256xi32, #tpu.memory_space<vmem>>)
        tpu.yield
      }) : () -> ()
      "tpu.region"() ({
        %run_scoped3A = tpu.sem_alloc : memref<!tpu.dma_semaphore, #tpu.memory_space<semaphore_mem>>
        %dma_start3A = arith.constant 0 : i32
        %dma_start3A_21 = tpu.memref_slice %arg2[%add3A_20, %dma_start3A] : memref<327680x128xf32, #tpu.memory_space<hbm>> -> memref<256x128xf32, #tpu.memory_space<hbm>>
        %dma_start3A_22 = arith.constant 0 : i32
        %dma_start3A_23 = tpu.memref_slice %arg2[%add3A_20, %dma_start3A_22] : memref<327680x128xf32, #tpu.memory_space<hbm>> -> memref<256x128xf32, #tpu.memory_space<hbm>>
        tpu.enqueue_dma source(%dma_start3A_23 : memref<256x128xf32, #tpu.memory_space<hbm>>) target(%arg7 : memref<256x128xf32, #tpu.memory_space<vmem>>) target_semaphore(%run_scoped3A : memref<!tpu.dma_semaphore, #tpu.memory_space<semaphore_mem>>)
        %dma_wait3A = arith.constant 0 : i32
        %dma_wait3A_24 = tpu.memref_slice %arg2[%add3A_20, %dma_wait3A] : memref<327680x128xf32, #tpu.memory_space<hbm>> -> memref<256x128xf32, #tpu.memory_space<hbm>>
        %dma_wait3A_25 = arith.constant 0 : i32
        %dma_wait3A_26 = tpu.memref_slice %arg2[%add3A_20, %dma_wait3A_25] : memref<327680x128xf32, #tpu.memory_space<hbm>> -> memref<256x128xf32, #tpu.memory_space<hbm>>
        tpu.wait_dma2 semaphore(%run_scoped3A : memref<!tpu.dma_semaphore, #tpu.memory_space<semaphore_mem>>) src(%dma_wait3A_26 : memref<256x128xf32, #tpu.memory_space<hbm>>) dst(%arg7 : memref<256x128xf32, #tpu.memory_space<vmem>>)
        tpu.yield
      }) : () -> ()
      "tpu.region"() ({
        %run_scoped3A = tpu.sem_alloc : memref<!tpu.dma_semaphore, #tpu.memory_space<semaphore_mem>>
        %dma_start3A = arith.constant 0 : i32
        %dma_start3A_21 = arith.constant 0 : i32
        %dma_start3A_22 = tpu.memref_slice %arg8[%dma_start3A, %dma_start3A_21] : memref<10112x128xf32, #tpu.memory_space<vmem_shared>> -> memref<10112x128xf32, #tpu.memory_space<vmem_shared>>
        tpu.enqueue_indirect_dma source(%arg7 : memref<256x128xf32, #tpu.memory_space<vmem>>) target(%dma_start3A_22 : memref<10112x128xf32, #tpu.memory_space<vmem_shared>>) offsets(%arg6 : memref<256xi32, #tpu.memory_space<vmem>>) semaphore(%run_scoped3A : memref<!tpu.dma_semaphore, #tpu.memory_space<semaphore_mem>>) {add = true}
        %dma_wait3A = arith.constant 0 : i32
        %dma_wait3A_23 = arith.constant 0 : i32
        %dma_wait3A_24 = tpu.memref_slice %arg8[%dma_wait3A, %dma_wait3A_23] : memref<10112x128xf32, #tpu.memory_space<vmem_shared>> -> memref<10112x128xf32, #tpu.memory_space<vmem_shared>>
        tpu.wait_indirect_dma semaphore(%run_scoped3A : memref<!tpu.dma_semaphore, #tpu.memory_space<semaphore_mem>>) src(%arg7 : memref<256x128xf32, #tpu.memory_space<vmem>>) dst(%dma_wait3A_24 : memref<10112x128xf32, #tpu.memory_space<vmem_shared>>)
        tpu.yield
      }) : () -> ()
    }
    %scan3A_11 = arith.constant 40 : i32
    %barrier3A_12 = arith.constant 0 : index
    tpu.barrier barrier_id(%barrier3A_12)
    %mul3A_13 = arith.constant 632 : i32
    %mul3A_14 = arith.muli %arg1, %mul3A_13 : i32
    %mul3A_15 = arith.constant 632 : i32
    %mul3A_16 = arith.muli %arg1, %mul3A_15 : i32
    "tpu.region"() ({
      %run_scoped3A = tpu.sem_alloc : memref<!tpu.dma_semaphore, #tpu.memory_space<semaphore_mem>>
      %dma_start3A = arith.constant 0 : i32
      %dma_start3A_17 = tpu.memref_slice %arg5[%arg0, %mul3A_16, %dma_start3A] : memref<2x10112x128xf32, #tpu.memory_space<hbm>> -> memref<1x632x128xf32, #tpu.memory_space<hbm>>
      %dma_start3A_18 = tpu.memref_squeeze %dma_start3A_17 : memref<1x632x128xf32, #tpu.memory_space<hbm>> -> memref<632x128xf32, #tpu.memory_space<hbm>>
      %dma_start3A_19 = arith.constant 0 : i32
      %dma_start3A_20 = tpu.memref_slice %arg8[%mul3A_14, %dma_start3A_19] : memref<10112x128xf32, #tpu.memory_space<vmem_shared>> -> memref<632x128xf32, #tpu.memory_space<vmem_shared>>
      tpu.enqueue_dma source(%dma_start3A_20 : memref<632x128xf32, #tpu.memory_space<vmem_shared>>) target(%dma_start3A_18 : memref<632x128xf32, #tpu.memory_space<hbm>>) target_semaphore(%run_scoped3A : memref<!tpu.dma_semaphore, #tpu.memory_space<semaphore_mem>>)
      %dma_wait3A = arith.constant 0 : i32
      %dma_wait3A_21 = tpu.memref_slice %arg5[%arg0, %mul3A_16, %dma_wait3A] : memref<2x10112x128xf32, #tpu.memory_space<hbm>> -> memref<1x632x128xf32, #tpu.memory_space<hbm>>
      %dma_wait3A_22 = tpu.memref_squeeze %dma_wait3A_21 : memref<1x632x128xf32, #tpu.memory_space<hbm>> -> memref<632x128xf32, #tpu.memory_space<hbm>>
      %dma_wait3A_23 = arith.constant 0 : i32
      %dma_wait3A_24 = tpu.memref_slice %arg8[%mul3A_14, %dma_wait3A_23] : memref<10112x128xf32, #tpu.memory_space<vmem_shared>> -> memref<632x128xf32, #tpu.memory_space<vmem_shared>>
      tpu.wait_dma2 semaphore(%run_scoped3A : memref<!tpu.dma_semaphore, #tpu.memory_space<semaphore_mem>>) src(%dma_wait3A_24 : memref<632x128xf32, #tpu.memory_space<vmem_shared>>) dst(%dma_wait3A_22 : memref<632x128xf32, #tpu.memory_space<hbm>>)
      tpu.yield
    }) : () -> ()
    return
  }
}

#map = affine_map<(d0, d1) -> (0, 0)>
#map1 = affine_map<(d0, d1) -> (0)>
module attributes {stable_mosaic.version = 14 : i64} {
  func.func @k(%arg0: i32, %arg1: i32, %arg2: memref<120000x128xf32, #tpu.memory_space<hbm>>, %arg3: memref<327680xi32, #tpu.memory_space<hbm>>, %arg4: memref<327680xi32, #tpu.memory_space<hbm>>, %arg5: memref<327680x128xf32, #tpu.memory_space<hbm>>, %arg6: memref<327680x128xf32, #tpu.memory_space<hbm>>, %arg7: memref<256xi32, #tpu.memory_space<vmem>>, %arg8: memref<256xi32, #tpu.memory_space<vmem>>, %arg9: memref<256x128xf32, #tpu.memory_space<vmem>>, %arg10: memref<256x128xf32, #tpu.memory_space<vmem>>, %arg11: memref<!tpu.dma_semaphore, #tpu.memory_space<semaphore_mem>>, %arg12: memref<!tpu.dma_semaphore, #tpu.memory_space<semaphore_mem>>) attributes {dimension_semantics = [#tpu.dimension_semantics<core_parallel>, #tpu.dimension_semantics<subcore_parallel>], iteration_bounds = array<i64: 2, 16>, scalar_prefetch = 0 : i64, scratch_operands = 6 : i64, tpu.core_type = #tpu.core_type<sc_vector_subcore>, window_params = [{transform_indices = #map}, {transform_indices = #map1}, {transform_indices = #map1}, {transform_indices = #map}, {transform_indices = #map}]} {
    %mul3A = arith.constant 2 : i32
    %mul3A_0 = arith.muli %arg1, %mul3A : i32
    %add3A = arith.addi %mul3A_0, %arg0 : i32
    %mul3A_1 = arith.constant 10240 : i32
    %mul3A_2 = arith.muli %add3A, %mul3A_1 : i32
    %scan3A = arith.constant 0 : i32
    %scan3A_3 = arith.constant 0 : i32
    %scan3A_4 = arith.constant 40 : i32
    %scan3A_5 = arith.addi %scan3A_3, %scan3A_4 : i32
    %scan3A_6 = arith.constant 1 : i32
    scf.for %scan3A_8 = %scan3A_3 to %scan3A_5 step %scan3A_6  : i32 {
      %mul3A_9 = arith.constant 256 : i32
      %mul3A_10 = arith.muli %scan3A_8, %mul3A_9 : i32
      %add3A_11 = arith.addi %mul3A_2, %mul3A_10 : i32
      "tpu.region"() ({
        %run_scoped3A = tpu.sem_alloc : memref<!tpu.dma_semaphore, #tpu.memory_space<semaphore_mem>>
        %dma_start3A_22 = tpu.memref_slice %arg3[%add3A_11] : memref<327680xi32, #tpu.memory_space<hbm>> -> memref<256xi32, #tpu.memory_space<hbm>>
        %dma_start3A_23 = tpu.memref_slice %arg3[%add3A_11] : memref<327680xi32, #tpu.memory_space<hbm>> -> memref<256xi32, #tpu.memory_space<hbm>>
        tpu.enqueue_dma source(%dma_start3A_23 : memref<256xi32, #tpu.memory_space<hbm>>) target(%arg7 : memref<256xi32, #tpu.memory_space<vmem>>) target_semaphore(%run_scoped3A : memref<!tpu.dma_semaphore, #tpu.memory_space<semaphore_mem>>)
        %dma_wait3A_24 = tpu.memref_slice %arg3[%add3A_11] : memref<327680xi32, #tpu.memory_space<hbm>> -> memref<256xi32, #tpu.memory_space<hbm>>
        %dma_wait3A_25 = tpu.memref_slice %arg3[%add3A_11] : memref<327680xi32, #tpu.memory_space<hbm>> -> memref<256xi32, #tpu.memory_space<hbm>>
        tpu.wait_dma2 semaphore(%run_scoped3A : memref<!tpu.dma_semaphore, #tpu.memory_space<semaphore_mem>>) src(%dma_wait3A_25 : memref<256xi32, #tpu.memory_space<hbm>>) dst(%arg7 : memref<256xi32, #tpu.memory_space<vmem>>)
        tpu.yield
      }) : () -> ()
      "tpu.region"() ({
        %run_scoped3A = tpu.sem_alloc : memref<!tpu.dma_semaphore, #tpu.memory_space<semaphore_mem>>
        %dma_start3A_22 = tpu.memref_slice %arg4[%add3A_11] : memref<327680xi32, #tpu.memory_space<hbm>> -> memref<256xi32, #tpu.memory_space<hbm>>
        %dma_start3A_23 = tpu.memref_slice %arg4[%add3A_11] : memref<327680xi32, #tpu.memory_space<hbm>> -> memref<256xi32, #tpu.memory_space<hbm>>
        tpu.enqueue_dma source(%dma_start3A_23 : memref<256xi32, #tpu.memory_space<hbm>>) target(%arg8 : memref<256xi32, #tpu.memory_space<vmem>>) target_semaphore(%run_scoped3A : memref<!tpu.dma_semaphore, #tpu.memory_space<semaphore_mem>>)
        %dma_wait3A_24 = tpu.memref_slice %arg4[%add3A_11] : memref<327680xi32, #tpu.memory_space<hbm>> -> memref<256xi32, #tpu.memory_space<hbm>>
        %dma_wait3A_25 = tpu.memref_slice %arg4[%add3A_11] : memref<327680xi32, #tpu.memory_space<hbm>> -> memref<256xi32, #tpu.memory_space<hbm>>
        tpu.wait_dma2 semaphore(%run_scoped3A : memref<!tpu.dma_semaphore, #tpu.memory_space<semaphore_mem>>) src(%dma_wait3A_25 : memref<256xi32, #tpu.memory_space<hbm>>) dst(%arg8 : memref<256xi32, #tpu.memory_space<vmem>>)
        tpu.yield
      }) : () -> ()
      %dma_start3A = arith.constant 0 : i32
      %dma_start3A_12 = arith.constant 0 : i32
      %dma_start3A_13 = tpu.memref_slice %arg2[%dma_start3A, %dma_start3A_12] : memref<120000x128xf32, #tpu.memory_space<hbm>> -> memref<120000x128xf32, #tpu.memory_space<hbm>>
      tpu.enqueue_indirect_dma source(%dma_start3A_13 : memref<120000x128xf32, #tpu.memory_space<hbm>>) target(%arg9 : memref<256x128xf32, #tpu.memory_space<vmem>>) offsets(%arg7 : memref<256xi32, #tpu.memory_space<vmem>>) semaphore(%arg11 : memref<!tpu.dma_semaphore, #tpu.memory_space<semaphore_mem>>)
      %dma_start3A_14 = arith.constant 0 : i32
      %dma_start3A_15 = arith.constant 0 : i32
      %dma_start3A_16 = tpu.memref_slice %arg2[%dma_start3A_14, %dma_start3A_15] : memref<120000x128xf32, #tpu.memory_space<hbm>> -> memref<120000x128xf32, #tpu.memory_space<hbm>>
      tpu.enqueue_indirect_dma source(%dma_start3A_16 : memref<120000x128xf32, #tpu.memory_space<hbm>>) target(%arg10 : memref<256x128xf32, #tpu.memory_space<vmem>>) offsets(%arg8 : memref<256xi32, #tpu.memory_space<vmem>>) semaphore(%arg12 : memref<!tpu.dma_semaphore, #tpu.memory_space<semaphore_mem>>)
      %dma_wait3A = arith.constant 0 : i32
      %dma_wait3A_17 = arith.constant 0 : i32
      %dma_wait3A_18 = tpu.memref_slice %arg2[%dma_wait3A, %dma_wait3A_17] : memref<120000x128xf32, #tpu.memory_space<hbm>> -> memref<120000x128xf32, #tpu.memory_space<hbm>>
      tpu.wait_indirect_dma semaphore(%arg11 : memref<!tpu.dma_semaphore, #tpu.memory_space<semaphore_mem>>) src(%dma_wait3A_18 : memref<120000x128xf32, #tpu.memory_space<hbm>>) dst(%arg9 : memref<256x128xf32, #tpu.memory_space<vmem>>)
      %dma_wait3A_19 = arith.constant 0 : i32
      %dma_wait3A_20 = arith.constant 0 : i32
      %dma_wait3A_21 = tpu.memref_slice %arg2[%dma_wait3A_19, %dma_wait3A_20] : memref<120000x128xf32, #tpu.memory_space<hbm>> -> memref<120000x128xf32, #tpu.memory_space<hbm>>
      tpu.wait_indirect_dma semaphore(%arg12 : memref<!tpu.dma_semaphore, #tpu.memory_space<semaphore_mem>>) src(%dma_wait3A_21 : memref<120000x128xf32, #tpu.memory_space<hbm>>) dst(%arg10 : memref<256x128xf32, #tpu.memory_space<vmem>>)
      "tpu.region"() ({
        %run_scoped3A = tpu.sem_alloc : memref<!tpu.dma_semaphore, #tpu.memory_space<semaphore_mem>>
        %dma_start3A_22 = arith.constant 0 : i32
        %dma_start3A_23 = tpu.memref_slice %arg5[%add3A_11, %dma_start3A_22] : memref<327680x128xf32, #tpu.memory_space<hbm>> -> memref<256x128xf32, #tpu.memory_space<hbm>>
        %dma_start3A_24 = arith.constant 0 : i32
        %dma_start3A_25 = tpu.memref_slice %arg5[%add3A_11, %dma_start3A_24] : memref<327680x128xf32, #tpu.memory_space<hbm>> -> memref<256x128xf32, #tpu.memory_space<hbm>>
        tpu.enqueue_dma source(%arg9 : memref<256x128xf32, #tpu.memory_space<vmem>>) target(%dma_start3A_25 : memref<256x128xf32, #tpu.memory_space<hbm>>) target_semaphore(%run_scoped3A : memref<!tpu.dma_semaphore, #tpu.memory_space<semaphore_mem>>)
        %dma_wait3A_26 = arith.constant 0 : i32
        %dma_wait3A_27 = tpu.memref_slice %arg5[%add3A_11, %dma_wait3A_26] : memref<327680x128xf32, #tpu.memory_space<hbm>> -> memref<256x128xf32, #tpu.memory_space<hbm>>
        %dma_wait3A_28 = arith.constant 0 : i32
        %dma_wait3A_29 = tpu.memref_slice %arg5[%add3A_11, %dma_wait3A_28] : memref<327680x128xf32, #tpu.memory_space<hbm>> -> memref<256x128xf32, #tpu.memory_space<hbm>>
        tpu.wait_dma2 semaphore(%run_scoped3A : memref<!tpu.dma_semaphore, #tpu.memory_space<semaphore_mem>>) src(%arg9 : memref<256x128xf32, #tpu.memory_space<vmem>>) dst(%dma_wait3A_29 : memref<256x128xf32, #tpu.memory_space<hbm>>)
        tpu.yield
      }) : () -> ()
      "tpu.region"() ({
        %run_scoped3A = tpu.sem_alloc : memref<!tpu.dma_semaphore, #tpu.memory_space<semaphore_mem>>
        %dma_start3A_22 = arith.constant 0 : i32
        %dma_start3A_23 = tpu.memref_slice %arg6[%add3A_11, %dma_start3A_22] : memref<327680x128xf32, #tpu.memory_space<hbm>> -> memref<256x128xf32, #tpu.memory_space<hbm>>
        %dma_start3A_24 = arith.constant 0 : i32
        %dma_start3A_25 = tpu.memref_slice %arg6[%add3A_11, %dma_start3A_24] : memref<327680x128xf32, #tpu.memory_space<hbm>> -> memref<256x128xf32, #tpu.memory_space<hbm>>
        tpu.enqueue_dma source(%arg10 : memref<256x128xf32, #tpu.memory_space<vmem>>) target(%dma_start3A_25 : memref<256x128xf32, #tpu.memory_space<hbm>>) target_semaphore(%run_scoped3A : memref<!tpu.dma_semaphore, #tpu.memory_space<semaphore_mem>>)
        %dma_wait3A_26 = arith.constant 0 : i32
        %dma_wait3A_27 = tpu.memref_slice %arg6[%add3A_11, %dma_wait3A_26] : memref<327680x128xf32, #tpu.memory_space<hbm>> -> memref<256x128xf32, #tpu.memory_space<hbm>>
        %dma_wait3A_28 = arith.constant 0 : i32
        %dma_wait3A_29 = tpu.memref_slice %arg6[%add3A_11, %dma_wait3A_28] : memref<327680x128xf32, #tpu.memory_space<hbm>> -> memref<256x128xf32, #tpu.memory_space<hbm>>
        tpu.wait_dma2 semaphore(%run_scoped3A : memref<!tpu.dma_semaphore, #tpu.memory_space<semaphore_mem>>) src(%arg10 : memref<256x128xf32, #tpu.memory_space<vmem>>) dst(%dma_wait3A_29 : memref<256x128xf32, #tpu.memory_space<hbm>>)
        tpu.yield
      }) : () -> ()
    }
    %scan3A_7 = arith.constant 40 : i32
    return
  }
}

#map = affine_map<(d0, d1) -> (0, 0)>
#map1 = affine_map<(d0, d1) -> (0)>
#map2 = affine_map<(d0, d1) -> (0, 0, 0)>
module attributes {stable_mosaic.version = 14 : i64} {
  func.func @k(%arg0: i32, %arg1: i32, %arg2: memref<327680x128xf32, #tpu.memory_space<hbm>>, %arg3: memref<327680xi32, #tpu.memory_space<hbm>>, %arg4: memref<10112x128xf32, #tpu.memory_space<hbm>>, %arg5: memref<2x10112x128xf32, #tpu.memory_space<hbm>>, %arg6: memref<256xi32, #tpu.memory_space<vmem>>, %arg7: memref<256x128xf32, #tpu.memory_space<vmem>>, %arg8: memref<10112x128xf32, #tpu.memory_space<vmem_shared>>) attributes {dimension_semantics = [#tpu.dimension_semantics<core_parallel>, #tpu.dimension_semantics<subcore_parallel>], iteration_bounds = array<i64: 2, 16>, scalar_prefetch = 0 : i64, scratch_operands = 3 : i64, tpu.core_type = #tpu.core_type<sc_vector_subcore>, window_params = [{transform_indices = #map}, {transform_indices = #map1}, {transform_indices = #map}, {transform_indices = #map2}]} {
    %mul3A = arith.constant 632 : i32
    %mul3A_0 = arith.muli %arg1, %mul3A : i32
    %mul3A_1 = arith.constant 632 : i32
    %mul3A_2 = arith.muli %arg1, %mul3A_1 : i32
    "tpu.region"() ({
      %run_scoped3A = tpu.sem_alloc : memref<!tpu.dma_semaphore, #tpu.memory_space<semaphore_mem>>
      %dma_start3A = arith.constant 0 : i32
      %dma_start3A_17 = tpu.memref_slice %arg8[%mul3A_2, %dma_start3A] : memref<10112x128xf32, #tpu.memory_space<vmem_shared>> -> memref<632x128xf32, #tpu.memory_space<vmem_shared>>
      %dma_start3A_18 = arith.constant 0 : i32
      %dma_start3A_19 = tpu.memref_slice %arg4[%mul3A_0, %dma_start3A_18] : memref<10112x128xf32, #tpu.memory_space<hbm>> -> memref<632x128xf32, #tpu.memory_space<hbm>>
      tpu.enqueue_dma source(%dma_start3A_19 : memref<632x128xf32, #tpu.memory_space<hbm>>) target(%dma_start3A_17 : memref<632x128xf32, #tpu.memory_space<vmem_shared>>) target_semaphore(%run_scoped3A : memref<!tpu.dma_semaphore, #tpu.memory_space<semaphore_mem>>)
      %dma_wait3A = arith.constant 0 : i32
      %dma_wait3A_20 = tpu.memref_slice %arg8[%mul3A_2, %dma_wait3A] : memref<10112x128xf32, #tpu.memory_space<vmem_shared>> -> memref<632x128xf32, #tpu.memory_space<vmem_shared>>
      %dma_wait3A_21 = arith.constant 0 : i32
      %dma_wait3A_22 = tpu.memref_slice %arg4[%mul3A_0, %dma_wait3A_21] : memref<10112x128xf32, #tpu.memory_space<hbm>> -> memref<632x128xf32, #tpu.memory_space<hbm>>
      tpu.wait_dma2 semaphore(%run_scoped3A : memref<!tpu.dma_semaphore, #tpu.memory_space<semaphore_mem>>) src(%dma_wait3A_22 : memref<632x128xf32, #tpu.memory_space<hbm>>) dst(%dma_wait3A_20 : memref<632x128xf32, #tpu.memory_space<vmem_shared>>)
      tpu.yield
    }) : () -> ()
    %barrier3A = arith.constant 0 : index
    tpu.barrier barrier_id(%barrier3A)
    %mul3A_3 = arith.constant 2 : i32
    %mul3A_4 = arith.muli %arg1, %mul3A_3 : i32
    %add3A = arith.addi %mul3A_4, %arg0 : i32
    %mul3A_5 = arith.constant 10240 : i32
    %mul3A_6 = arith.muli %add3A, %mul3A_5 : i32
    %scan3A = arith.constant 0 : i32
    %scan3A_7 = arith.constant 0 : i32
    %scan3A_8 = arith.constant 40 : i32
    %scan3A_9 = arith.addi %scan3A_7, %scan3A_8 : i32
    %scan3A_10 = arith.constant 1 : i32
    scf.for %scan3A_17 = %scan3A_7 to %scan3A_9 step %scan3A_10  : i32 {
      %mul3A_18 = arith.constant 256 : i32
      %mul3A_19 = arith.muli %scan3A_17, %mul3A_18 : i32
      %add3A_20 = arith.addi %mul3A_6, %mul3A_19 : i32
      "tpu.region"() ({
        %run_scoped3A = tpu.sem_alloc : memref<!tpu.dma_semaphore, #tpu.memory_space<semaphore_mem>>
        %dma_start3A = tpu.memref_slice %arg3[%add3A_20] : memref<327680xi32, #tpu.memory_space<hbm>> -> memref<256xi32, #tpu.memory_space<hbm>>
        %dma_start3A_21 = tpu.memref_slice %arg3[%add3A_20] : memref<327680xi32, #tpu.memory_space<hbm>> -> memref<256xi32, #tpu.memory_space<hbm>>
        tpu.enqueue_dma source(%dma_start3A_21 : memref<256xi32, #tpu.memory_space<hbm>>) target(%arg6 : memref<256xi32, #tpu.memory_space<vmem>>) target_semaphore(%run_scoped3A : memref<!tpu.dma_semaphore, #tpu.memory_space<semaphore_mem>>)
        %dma_wait3A = tpu.memref_slice %arg3[%add3A_20] : memref<327680xi32, #tpu.memory_space<hbm>> -> memref<256xi32, #tpu.memory_space<hbm>>
        %dma_wait3A_22 = tpu.memref_slice %arg3[%add3A_20] : memref<327680xi32, #tpu.memory_space<hbm>> -> memref<256xi32, #tpu.memory_space<hbm>>
        tpu.wait_dma2 semaphore(%run_scoped3A : memref<!tpu.dma_semaphore, #tpu.memory_space<semaphore_mem>>) src(%dma_wait3A_22 : memref<256xi32, #tpu.memory_space<hbm>>) dst(%arg6 : memref<256xi32, #tpu.memory_space<vmem>>)
        tpu.yield
      }) : () -> ()
      "tpu.region"() ({
        %run_scoped3A = tpu.sem_alloc : memref<!tpu.dma_semaphore, #tpu.memory_space<semaphore_mem>>
        %dma_start3A = arith.constant 0 : i32
        %dma_start3A_21 = tpu.memref_slice %arg2[%add3A_20, %dma_start3A] : memref<327680x128xf32, #tpu.memory_space<hbm>> -> memref<256x128xf32, #tpu.memory_space<hbm>>
        %dma_start3A_22 = arith.constant 0 : i32
        %dma_start3A_23 = tpu.memref_slice %arg2[%add3A_20, %dma_start3A_22] : memref<327680x128xf32, #tpu.memory_space<hbm>> -> memref<256x128xf32, #tpu.memory_space<hbm>>
        tpu.enqueue_dma source(%dma_start3A_23 : memref<256x128xf32, #tpu.memory_space<hbm>>) target(%arg7 : memref<256x128xf32, #tpu.memory_space<vmem>>) target_semaphore(%run_scoped3A : memref<!tpu.dma_semaphore, #tpu.memory_space<semaphore_mem>>)
        %dma_wait3A = arith.constant 0 : i32
        %dma_wait3A_24 = tpu.memref_slice %arg2[%add3A_20, %dma_wait3A] : memref<327680x128xf32, #tpu.memory_space<hbm>> -> memref<256x128xf32, #tpu.memory_space<hbm>>
        %dma_wait3A_25 = arith.constant 0 : i32
        %dma_wait3A_26 = tpu.memref_slice %arg2[%add3A_20, %dma_wait3A_25] : memref<327680x128xf32, #tpu.memory_space<hbm>> -> memref<256x128xf32, #tpu.memory_space<hbm>>
        tpu.wait_dma2 semaphore(%run_scoped3A : memref<!tpu.dma_semaphore, #tpu.memory_space<semaphore_mem>>) src(%dma_wait3A_26 : memref<256x128xf32, #tpu.memory_space<hbm>>) dst(%arg7 : memref<256x128xf32, #tpu.memory_space<vmem>>)
        tpu.yield
      }) : () -> ()
      "tpu.region"() ({
        %run_scoped3A = tpu.sem_alloc : memref<!tpu.dma_semaphore, #tpu.memory_space<semaphore_mem>>
        %dma_start3A = arith.constant 0 : i32
        %dma_start3A_21 = arith.constant 0 : i32
        %dma_start3A_22 = tpu.memref_slice %arg8[%dma_start3A, %dma_start3A_21] : memref<10112x128xf32, #tpu.memory_space<vmem_shared>> -> memref<10112x128xf32, #tpu.memory_space<vmem_shared>>
        tpu.enqueue_indirect_dma source(%arg7 : memref<256x128xf32, #tpu.memory_space<vmem>>) target(%dma_start3A_22 : memref<10112x128xf32, #tpu.memory_space<vmem_shared>>) offsets(%arg6 : memref<256xi32, #tpu.memory_space<vmem>>) semaphore(%run_scoped3A : memref<!tpu.dma_semaphore, #tpu.memory_space<semaphore_mem>>) {add = true}
        %dma_wait3A = arith.constant 0 : i32
        %dma_wait3A_23 = arith.constant 0 : i32
        %dma_wait3A_24 = tpu.memref_slice %arg8[%dma_wait3A, %dma_wait3A_23] : memref<10112x128xf32, #tpu.memory_space<vmem_shared>> -> memref<10112x128xf32, #tpu.memory_space<vmem_shared>>
        tpu.wait_indirect_dma semaphore(%run_scoped3A : memref<!tpu.dma_semaphore, #tpu.memory_space<semaphore_mem>>) src(%arg7 : memref<256x128xf32, #tpu.memory_space<vmem>>) dst(%dma_wait3A_24 : memref<10112x128xf32, #tpu.memory_space<vmem_shared>>)
        tpu.yield
      }) : () -> ()
    }
    %scan3A_11 = arith.constant 40 : i32
    %barrier3A_12 = arith.constant 0 : index
    tpu.barrier barrier_id(%barrier3A_12)
    %mul3A_13 = arith.constant 632 : i32
    %mul3A_14 = arith.muli %arg1, %mul3A_13 : i32
    %mul3A_15 = arith.constant 632 : i32
    %mul3A_16 = arith.muli %arg1, %mul3A_15 : i32
    "tpu.region"() ({
      %run_scoped3A = tpu.sem_alloc : memref<!tpu.dma_semaphore, #tpu.memory_space<semaphore_mem>>
      %dma_start3A = arith.constant 0 : i32
      %dma_start3A_17 = tpu.memref_slice %arg5[%arg0, %mul3A_16, %dma_start3A] : memref<2x10112x128xf32, #tpu.memory_space<hbm>> -> memref<1x632x128xf32, #tpu.memory_space<hbm>>
      %dma_start3A_18 = tpu.memref_squeeze %dma_start3A_17 : memref<1x632x128xf32, #tpu.memory_space<hbm>> -> memref<632x128xf32, #tpu.memory_space<hbm>>
      %dma_start3A_19 = arith.constant 0 : i32
      %dma_start3A_20 = tpu.memref_slice %arg8[%mul3A_14, %dma_start3A_19] : memref<10112x128xf32, #tpu.memory_space<vmem_shared>> -> memref<632x128xf32, #tpu.memory_space<vmem_shared>>
      tpu.enqueue_dma source(%dma_start3A_20 : memref<632x128xf32, #tpu.memory_space<vmem_shared>>) target(%dma_start3A_18 : memref<632x128xf32, #tpu.memory_space<hbm>>) target_semaphore(%run_scoped3A : memref<!tpu.dma_semaphore, #tpu.memory_space<semaphore_mem>>)
      %dma_wait3A = arith.constant 0 : i32
      %dma_wait3A_21 = tpu.memref_slice %arg5[%arg0, %mul3A_16, %dma_wait3A] : memref<2x10112x128xf32, #tpu.memory_space<hbm>> -> memref<1x632x128xf32, #tpu.memory_space<hbm>>
      %dma_wait3A_22 = tpu.memref_squeeze %dma_wait3A_21 : memref<1x632x128xf32, #tpu.memory_space<hbm>> -> memref<632x128xf32, #tpu.memory_space<hbm>>
      %dma_wait3A_23 = arith.constant 0 : i32
      %dma_wait3A_24 = tpu.memref_slice %arg8[%mul3A_14, %dma_wait3A_23] : memref<10112x128xf32, #tpu.memory_space<vmem_shared>> -> memref<632x128xf32, #tpu.memory_space<vmem_shared>>
      tpu.wait_dma2 semaphore(%run_scoped3A : memref<!tpu.dma_semaphore, #tpu.memory_space<semaphore_mem>>) src(%dma_wait3A_24 : memref<632x128xf32, #tpu.memory_space<vmem_shared>>) dst(%dma_wait3A_22 : memref<632x128xf32, #tpu.memory_space<hbm>>)
      tpu.yield
    }) : () -> ()
    return
  }
}

module attributes {stable_mosaic.version = 14 : i64} {
  func.func @_mm_bias_body(%arg0: i32, %arg1: memref<256x16xf32, #tpu.memory_space<vmem>>, %arg2: memref<16x128xf32, #tpu.memory_space<vmem>>, %arg3: memref<1x128xf32, #tpu.memory_space<vmem>>, %arg4: memref<256x128xf32, #tpu.memory_space<vmem>>) attributes {dimension_semantics = [#tpu.dimension_semantics<arbitrary>], iteration_bounds = array<i64: 1250>, scalar_prefetch = 0 : i64, scratch_operands = 0 : i64, tpu.core_type = #tpu.core_type<tc>, window_params = [{transform_indices = @transform_0, window_bounds = array<i64: 256, 16>}, {pipeline_mode = #tpu.pipeline_mode<synchronous>, transform_indices = @transform_1, window_bounds = array<i64: 16, 128>}, {pipeline_mode = #tpu.pipeline_mode<synchronous>, transform_indices = @transform_2, window_bounds = array<i64: 1, 128>}, {transform_indices = @transform_3, window_bounds = array<i64: 256, 128>}]} {
    %get3A = arith.constant 0 : index
    %get3A_0 = arith.constant 0 : index
    %get3A_1 = vector.load %arg1[%get3A, %get3A_0] : memref<256x16xf32, #tpu.memory_space<vmem>>, vector<256x16xf32>
    %get3A_2 = arith.constant 0 : index
    %get3A_3 = arith.constant 0 : index
    %get3A_4 = vector.load %arg2[%get3A_2, %get3A_3] : memref<16x128xf32, #tpu.memory_space<vmem>>, vector<16x128xf32>
    %dot_general3A = arith.constant dense<0.000000e+00> : vector<256x128xf32>
    %dot_general3A_5 = tpu.matmul %get3A_1, %get3A_4, %dot_general3A {dimension_numbers = #tpu.dot_dimension_numbers<[1], [0], [0], [1], [0, 0, 1, 1], [], []>, transpose_lhs_hint = false} : vector<256x16xf32>, vector<16x128xf32>, vector<256x128xf32> -> vector<256x128xf32>
    %get3A_6 = arith.constant 0 : index
    %get3A_7 = arith.constant 0 : index
    %get3A_8 = vector.load %arg3[%get3A_6, %get3A_7] : memref<1x128xf32, #tpu.memory_space<vmem>>, vector<1x128xf32>
    %add3A = vector.broadcast %get3A_8 : vector<1x128xf32> to vector<256x128xf32>
    %add3A_9 = arith.addf %dot_general3A_5, %add3A : vector<256x128xf32>
    %swap3A = arith.constant 0 : index
    %swap3A_10 = arith.constant 0 : index
    %swap3A_11 = vector.load %arg4[%swap3A, %swap3A_10] : memref<256x128xf32, #tpu.memory_space<vmem>>, vector<256x128xf32>
    tpu.vector_store %arg4[%swap3A, %swap3A_10], %add3A_9 {strides = array<i32>} : memref<256x128xf32, #tpu.memory_space<vmem>>, vector<256x128xf32>,
    return
  }
  func.func @transform_0(%arg0: i32) -> (i32, i32) {
    %c0_i32 = arith.constant 0 : i32
    %c0_i32_0 = arith.constant 0 : i32
    return %arg0, %c0_i32 : i32, i32
  }
  func.func @transform_1(%arg0: i32) -> (i32, i32) {
    %c0_i32 = arith.constant 0 : i32
    %c0_i32_0 = arith.constant 0 : i32
    %c0_i32_1 = arith.constant 0 : i32
    return %c0_i32, %c0_i32_0 : i32, i32
  }
  func.func @transform_2(%arg0: i32) -> (i32, i32) {
    %c0_i32 = arith.constant 0 : i32
    %c0_i32_0 = arith.constant 0 : i32
    %c0_i32_1 = arith.constant 0 : i32
    return %c0_i32, %c0_i32_0 : i32, i32
  }
  func.func @transform_3(%arg0: i32) -> (i32, i32) {
    %c0_i32 = arith.constant 0 : i32
    %c0_i32_0 = arith.constant 0 : i32
    return %arg0, %c0_i32 : i32, i32
  }
}

module attributes {stable_mosaic.version = 14 : i64} {
  func.func @_p1_body(%arg0: i32, %arg1: memref<512x128xf32, #tpu.memory_space<vmem>>, %arg2: memref<512x1xi32, #tpu.memory_space<vmem>>, %arg3: memref<512x1xf32, #tpu.memory_space<vmem>>, %arg4: memref<512x1xf32, #tpu.memory_space<vmem>>, %arg5: memref<512x1xf32, #tpu.memory_space<vmem>>, %arg6: memref<512x1xi32, #tpu.memory_space<vmem>>, %arg7: memref<128x128xf32, #tpu.memory_space<vmem>>, %arg8: memref<1x128xf32, #tpu.memory_space<vmem>>, %arg9: memref<100x128xf32, #tpu.memory_space<vmem>>, %arg10: memref<3x128xf32, #tpu.memory_space<vmem>>, %arg11: memref<1x128xf32, #tpu.memory_space<vmem>>, %arg12: memref<128x128xf32, #tpu.memory_space<vmem>>, %arg13: memref<1x128xf32, #tpu.memory_space<vmem>>, %arg14: memref<6x128xf32, #tpu.memory_space<vmem>>, %arg15: memref<512x128xf32, #tpu.memory_space<vmem>>) attributes {dimension_semantics = [#tpu.dimension_semantics<arbitrary>], iteration_bounds = array<i64: 20>, scalar_prefetch = 0 : i64, scratch_operands = 0 : i64, tpu.core_type = #tpu.core_type<tc>, window_params = [{transform_indices = @transform_0, window_bounds = array<i64: 512, 128>}, {transform_indices = @transform_1, window_bounds = array<i64: 512, 1>}, {transform_indices = @transform_2, window_bounds = array<i64: 512, 1>}, {transform_indices = @transform_3, window_bounds = array<i64: 512, 1>}, {transform_indices = @transform_4, window_bounds = array<i64: 512, 1>}, {transform_indices = @transform_5, window_bounds = array<i64: 512, 1>}, {pipeline_mode = #tpu.pipeline_mode<synchronous>, transform_indices = @transform_6, window_bounds = array<i64: 128, 128>}, {pipeline_mode = #tpu.pipeline_mode<synchronous>, transform_indices = @transform_7, window_bounds = array<i64: 1, 128>}, {pipeline_mode = #tpu.pipeline_mode<synchronous>, transform_indices = @transform_8, window_bounds = array<i64: 100, 128>}, {pipeline_mode = #tpu.pipeline_mode<synchronous>, transform_indices = @transform_9, window_bounds = array<i64: 3, 128>}, {pipeline_mode = #tpu.pipeline_mode<synchronous>, transform_indices = @transform_10, window_bounds = array<i64: 1, 128>}, {pipeline_mode = #tpu.pipeline_mode<synchronous>, transform_indices = @transform_11, window_bounds = array<i64: 128, 128>}, {pipeline_mode = #tpu.pipeline_mode<synchronous>, transform_indices = @transform_12, window_bounds = array<i64: 1, 128>}, {pipeline_mode = #tpu.pipeline_mode<synchronous>, transform_indices = @transform_13, window_bounds = array<i64: 6, 128>}, {transform_indices = @transform_14, window_bounds = array<i64: 512, 128>}]} {
    %get3A = arith.constant 0 : index
    %get3A_0 = arith.constant 0 : index
    %get3A_1 = vector.load %arg2[%get3A, %get3A_0] : memref<512x1xi32, #tpu.memory_space<vmem>>, vector<512x1xi32>
    %jit3A = arith.constant 0 : i32
    %jit3A_2 = arith.constant 99 : i32
    %max3A = vector.broadcast %jit3A : i32 to vector<512x1xi32>
    %max3A_3 = arith.maxsi %max3A, %get3A_1 : vector<512x1xi32>
    %min3A = vector.broadcast %jit3A_2 : i32 to vector<512x1xi32>
    %min3A_4 = arith.minsi %min3A, %max3A_3 : vector<512x1xi32>
    %iota3A = tpu.iota {dimensions = array<i32: 1>} : vector<1x100xi32>
    %eq3A = vector.broadcast %min3A_4 : vector<512x1xi32> to vector<512x100xi32>
    %eq3A_5 = vector.broadcast %iota3A : vector<1x100xi32> to vector<512x100xi32>
    %eq3A_6 = arith.cmpi eq, %eq3A, %eq3A_5 : vector<512x100xi32>
    %convert_element_type3A = arith.extui %eq3A_6 : vector<512x100xi1> to vector<512x100xi32>
    %convert_element_type3A_7 = arith.sitofp %convert_element_type3A : vector<512x100xi32> to vector<512x100xf32>
    %get3A_8 = arith.constant 0 : index
    %get3A_9 = arith.constant 0 : index
    %get3A_10 = vector.load %arg9[%get3A_8, %get3A_9] : memref<100x128xf32, #tpu.memory_space<vmem>>, vector<100x128xf32>
    %dot_general3A = arith.constant dense<0.000000e+00> : vector<512x128xf32>
    %dot_general3A_11 = tpu.matmul %convert_element_type3A_7, %get3A_10, %dot_general3A {dimension_numbers = #tpu.dot_dimension_numbers<[1], [0], [0], [1], [0, 0, 1, 1], [], []>, transpose_lhs_hint = false} : vector<512x100xf32>, vector<100x128xf32>, vector<512x128xf32> -> vector<512x128xf32>
    %get3A_12 = arith.constant 0 : index
    %get3A_13 = arith.constant 0 : index
    %get3A_14 = vector.load %arg3[%get3A_12, %get3A_13] : memref<512x1xf32, #tpu.memory_space<vmem>>, vector<512x1xf32>
    %get3A_15 = arith.constant 0 : index
    %get3A_16 = arith.constant 0 : index
    %get3A_17 = vector.load %arg10[%get3A_15, %get3A_16] : memref<3x128xf32, #tpu.memory_space<vmem>>, vector<1x128xf32>
    %get3A_18 = vector.shape_cast %get3A_17 : vector<1x128xf32> to vector<128xf32>
    %broadcast_in_dim3A = vector.shape_cast %get3A_18 : vector<128xf32> to vector<1x128xf32>
    %mul3A = vector.broadcast %get3A_14 : vector<512x1xf32> to vector<512x128xf32>
    %mul3A_19 = vector.broadcast %broadcast_in_dim3A : vector<1x128xf32> to vector<512x128xf32>
    %mul3A_20 = arith.mulf %mul3A, %mul3A_19 : vector<512x128xf32>
    %add3A = arith.addf %dot_general3A_11, %mul3A_20 : vector<512x128xf32>
    %get3A_21 = arith.constant 0 : index
    %get3A_22 = arith.constant 0 : index
    %get3A_23 = vector.load %arg4[%get3A_21, %get3A_22] : memref<512x1xf32, #tpu.memory_space<vmem>>, vector<512x1xf32>
    %get3A_24 = arith.constant 1 : index
    %get3A_25 = arith.constant 0 : index
    %get3A_26 = vector.load %arg10[%get3A_24, %get3A_25] : memref<3x128xf32, #tpu.memory_space<vmem>>, vector<1x128xf32>
    %get3A_27 = vector.shape_cast %get3A_26 : vector<1x128xf32> to vector<128xf32>
    %broadcast_in_dim3A_28 = vector.shape_cast %get3A_27 : vector<128xf32> to vector<1x128xf32>
    %mul3A_29 = vector.broadcast %get3A_23 : vector<512x1xf32> to vector<512x128xf32>
    %mul3A_30 = vector.broadcast %broadcast_in_dim3A_28 : vector<1x128xf32> to vector<512x128xf32>
    %mul3A_31 = arith.mulf %mul3A_29, %mul3A_30 : vector<512x128xf32>
    %add3A_32 = arith.addf %add3A, %mul3A_31 : vector<512x128xf32>
    %get3A_33 = arith.constant 0 : index
    %get3A_34 = arith.constant 0 : index
    %get3A_35 = vector.load %arg5[%get3A_33, %get3A_34] : memref<512x1xf32, #tpu.memory_space<vmem>>, vector<512x1xf32>
    %get3A_36 = arith.constant 2 : index
    %get3A_37 = arith.constant 0 : index
    %get3A_38 = vector.load %arg10[%get3A_36, %get3A_37] : memref<3x128xf32, #tpu.memory_space<vmem>>, vector<1x128xf32>
    %get3A_39 = vector.shape_cast %get3A_38 : vector<1x128xf32> to vector<128xf32>
    %broadcast_in_dim3A_40 = vector.shape_cast %get3A_39 : vector<128xf32> to vector<1x128xf32>
    %mul3A_41 = vector.broadcast %get3A_35 : vector<512x1xf32> to vector<512x128xf32>
    %mul3A_42 = vector.broadcast %broadcast_in_dim3A_40 : vector<1x128xf32> to vector<512x128xf32>
    %mul3A_43 = arith.mulf %mul3A_41, %mul3A_42 : vector<512x128xf32>
    %add3A_44 = arith.addf %add3A_32, %mul3A_43 : vector<512x128xf32>
    %get3A_45 = arith.constant 0 : index
    %get3A_46 = arith.constant 0 : index
    %get3A_47 = vector.load %arg11[%get3A_45, %get3A_46] : memref<1x128xf32, #tpu.memory_space<vmem>>, vector<1x128xf32>
    %add3A_48 = vector.broadcast %get3A_47 : vector<1x128xf32> to vector<512x128xf32>
    %add3A_49 = arith.addf %add3A_44, %add3A_48 : vector<512x128xf32>
    %max3A_50 = arith.constant 0.000000e+00 : f32
    %max3A_51 = vector.broadcast %max3A_50 : f32 to vector<512x128xf32>
    %max3A_52 = arith.maximumf %add3A_49, %max3A_51 : vector<512x128xf32>
    %get3A_53 = arith.constant 0 : index
    %get3A_54 = arith.constant 0 : index
    %get3A_55 = vector.load %arg12[%get3A_53, %get3A_54] : memref<128x128xf32, #tpu.memory_space<vmem>>, vector<128x128xf32>
    %dot_general3A_56 = arith.constant dense<0.000000e+00> : vector<512x128xf32>
    %dot_general3A_57 = tpu.matmul %max3A_52, %get3A_55, %dot_general3A_56 {dimension_numbers = #tpu.dot_dimension_numbers<[1], [0], [0], [1], [0, 0, 1, 1], [], []>, transpose_lhs_hint = false} : vector<512x128xf32>, vector<128x128xf32>, vector<512x128xf32> -> vector<512x128xf32>
    %get3A_58 = arith.constant 0 : index
    %get3A_59 = arith.constant 0 : index
    %get3A_60 = vector.load %arg13[%get3A_58, %get3A_59] : memref<1x128xf32, #tpu.memory_space<vmem>>, vector<1x128xf32>
    %add3A_61 = vector.broadcast %get3A_60 : vector<1x128xf32> to vector<512x128xf32>
    %add3A_62 = arith.addf %dot_general3A_57, %add3A_61 : vector<512x128xf32>
    %tanh3A = math.tanh %add3A_62 : vector<512x128xf32>
    %get3A_63 = arith.constant 0 : index
    %get3A_64 = arith.constant 0 : index
    %get3A_65 = vector.load %arg1[%get3A_63, %get3A_64] : memref<512x128xf32, #tpu.memory_space<vmem>>, vector<512x128xf32>
    %get3A_66 = arith.constant 0 : index
    %get3A_67 = arith.constant 0 : index
    %get3A_68 = vector.load %arg7[%get3A_66, %get3A_67] : memref<128x128xf32, #tpu.memory_space<vmem>>, vector<128x128xf32>
    %dot_general3A_69 = arith.constant dense<0.000000e+00> : vector<512x128xf32>
    %dot_general3A_70 = tpu.matmul %get3A_65, %get3A_68, %dot_general3A_69 {dimension_numbers = #tpu.dot_dimension_numbers<[1], [0], [0], [1], [0, 0, 1, 1], [], []>, transpose_lhs_hint = false} : vector<512x128xf32>, vector<128x128xf32>, vector<512x128xf32> -> vector<512x128xf32>
    %get3A_71 = arith.constant 0 : index
    %get3A_72 = arith.constant 0 : index
    %get3A_73 = vector.load %arg8[%get3A_71, %get3A_72] : memref<1x128xf32, #tpu.memory_space<vmem>>, vector<1x128xf32>
    %add3A_74 = vector.broadcast %get3A_73 : vector<1x128xf32> to vector<512x128xf32>
    %add3A_75 = arith.addf %dot_general3A_70, %add3A_74 : vector<512x128xf32>
    %add3A_76 = arith.addf %add3A_75, %tanh3A : vector<512x128xf32>
    %get3A_77 = arith.constant 0 : index
    %get3A_78 = arith.constant 0 : index
    %get3A_79 = vector.load %arg6[%get3A_77, %get3A_78] : memref<512x1xi32, #tpu.memory_space<vmem>>, vector<512x1xi32>
    %eq3A_80 = arith.constant 0 : i32
    %eq3A_81 = vector.broadcast %eq3A_80 : i32 to vector<512x1xi32>
    %eq3A_82 = arith.cmpi eq, %get3A_79, %eq3A_81 : vector<512x1xi32>
    %convert_element_type3A_83 = arith.extui %eq3A_82 : vector<512x1xi1> to vector<512x1xi32>
    %convert_element_type3A_84 = arith.sitofp %convert_element_type3A_83 : vector<512x1xi32> to vector<512x1xf32>
    %get3A_85 = arith.constant 0 : index
    %get3A_86 = arith.constant 0 : index
    %get3A_87 = vector.load %arg14[%get3A_85, %get3A_86] : memref<6x128xf32, #tpu.memory_space<vmem>>, vector<1x128xf32>
    %get3A_88 = vector.shape_cast %get3A_87 : vector<1x128xf32> to vector<128xf32>
    %broadcast_in_dim3A_89 = vector.shape_cast %get3A_88 : vector<128xf32> to vector<1x128xf32>
    %mul3A_90 = vector.broadcast %convert_element_type3A_84 : vector<512x1xf32> to vector<512x128xf32>
    %mul3A_91 = vector.broadcast %broadcast_in_dim3A_89 : vector<1x128xf32> to vector<512x128xf32>
    %mul3A_92 = arith.mulf %mul3A_90, %mul3A_91 : vector<512x128xf32>
    %add3A_93 = arith.addf %add3A_76, %mul3A_92 : vector<512x128xf32>
    %eq3A_94 = arith.constant 1 : i32
    %eq3A_95 = vector.broadcast %eq3A_94 : i32 to vector<512x1xi32>
    %eq3A_96 = arith.cmpi eq, %get3A_79, %eq3A_95 : vector<512x1xi32>
    %convert_element_type3A_97 = arith.extui %eq3A_96 : vector<512x1xi1> to vector<512x1xi32>
    %convert_element_type3A_98 = arith.sitofp %convert_element_type3A_97 : vector<512x1xi32> to vector<512x1xf32>
    %get3A_99 = arith.constant 1 : index
    %get3A_100 = arith.constant 0 : index
    %get3A_101 = vector.load %arg14[%get3A_99, %get3A_100] : memref<6x128xf32, #tpu.memory_space<vmem>>, vector<1x128xf32>
    %get3A_102 = vector.shape_cast %get3A_101 : vector<1x128xf32> to vector<128xf32>
    %broadcast_in_dim3A_103 = vector.shape_cast %get3A_102 : vector<128xf32> to vector<1x128xf32>
    %mul3A_104 = vector.broadcast %convert_element_type3A_98 : vector<512x1xf32> to vector<512x128xf32>
    %mul3A_105 = vector.broadcast %broadcast_in_dim3A_103 : vector<1x128xf32> to vector<512x128xf32>
    %mul3A_106 = arith.mulf %mul3A_104, %mul3A_105 : vector<512x128xf32>
    %add3A_107 = arith.addf %add3A_93, %mul3A_106 : vector<512x128xf32>
    %eq3A_108 = arith.constant 2 : i32
    %eq3A_109 = vector.broadcast %eq3A_108 : i32 to vector<512x1xi32>
    %eq3A_110 = arith.cmpi eq, %get3A_79, %eq3A_109 : vector<512x1xi32>
    %convert_element_type3A_111 = arith.extui %eq3A_110 : vector<512x1xi1> to vector<512x1xi32>
    %convert_element_type3A_112 = arith.sitofp %convert_element_type3A_111 : vector<512x1xi32> to vector<512x1xf32>
    %get3A_113 = arith.constant 2 : index
    %get3A_114 = arith.constant 0 : index
    %get3A_115 = vector.load %arg14[%get3A_113, %get3A_114] : memref<6x128xf32, #tpu.memory_space<vmem>>, vector<1x128xf32>
    %get3A_116 = vector.shape_cast %get3A_115 : vector<1x128xf32> to vector<128xf32>
    %broadcast_in_dim3A_117 = vector.shape_cast %get3A_116 : vector<128xf32> to vector<1x128xf32>
    %mul3A_118 = vector.broadcast %convert_element_type3A_112 : vector<512x1xf32> to vector<512x128xf32>
    %mul3A_119 = vector.broadcast %broadcast_in_dim3A_117 : vector<1x128xf32> to vector<512x128xf32>
    %mul3A_120 = arith.mulf %mul3A_118, %mul3A_119 : vector<512x128xf32>
    %add3A_121 = arith.addf %add3A_107, %mul3A_120 : vector<512x128xf32>
    %eq3A_122 = arith.constant 3 : i32
    %eq3A_123 = vector.broadcast %eq3A_122 : i32 to vector<512x1xi32>
    %eq3A_124 = arith.cmpi eq, %get3A_79, %eq3A_123 : vector<512x1xi32>
    %convert_element_type3A_125 = arith.extui %eq3A_124 : vector<512x1xi1> to vector<512x1xi32>
    %convert_element_type3A_126 = arith.sitofp %convert_element_type3A_125 : vector<512x1xi32> to vector<512x1xf32>
    %get3A_127 = arith.constant 3 : index
    %get3A_128 = arith.constant 0 : index
    %get3A_129 = vector.load %arg14[%get3A_127, %get3A_128] : memref<6x128xf32, #tpu.memory_space<vmem>>, vector<1x128xf32>
    %get3A_130 = vector.shape_cast %get3A_129 : vector<1x128xf32> to vector<128xf32>
    %broadcast_in_dim3A_131 = vector.shape_cast %get3A_130 : vector<128xf32> to vector<1x128xf32>
    %mul3A_132 = vector.broadcast %convert_element_type3A_126 : vector<512x1xf32> to vector<512x128xf32>
    %mul3A_133 = vector.broadcast %broadcast_in_dim3A_131 : vector<1x128xf32> to vector<512x128xf32>
    %mul3A_134 = arith.mulf %mul3A_132, %mul3A_133 : vector<512x128xf32>
    %add3A_135 = arith.addf %add3A_121, %mul3A_134 : vector<512x128xf32>
    %eq3A_136 = arith.constant 4 : i32
    %eq3A_137 = vector.broadcast %eq3A_136 : i32 to vector<512x1xi32>
    %eq3A_138 = arith.cmpi eq, %get3A_79, %eq3A_137 : vector<512x1xi32>
    %convert_element_type3A_139 = arith.extui %eq3A_138 : vector<512x1xi1> to vector<512x1xi32>
    %convert_element_type3A_140 = arith.sitofp %convert_element_type3A_139 : vector<512x1xi32> to vector<512x1xf32>
    %get3A_141 = arith.constant 4 : index
    %get3A_142 = arith.constant 0 : index
    %get3A_143 = vector.load %arg14[%get3A_141, %get3A_142] : memref<6x128xf32, #tpu.memory_space<vmem>>, vector<1x128xf32>
    %get3A_144 = vector.shape_cast %get3A_143 : vector<1x128xf32> to vector<128xf32>
    %broadcast_in_dim3A_145 = vector.shape_cast %get3A_144 : vector<128xf32> to vector<1x128xf32>
    %mul3A_146 = vector.broadcast %convert_element_type3A_140 : vector<512x1xf32> to vector<512x128xf32>
    %mul3A_147 = vector.broadcast %broadcast_in_dim3A_145 : vector<1x128xf32> to vector<512x128xf32>
    %mul3A_148 = arith.mulf %mul3A_146, %mul3A_147 : vector<512x128xf32>
    %add3A_149 = arith.addf %add3A_135, %mul3A_148 : vector<512x128xf32>
    %eq3A_150 = arith.constant 5 : i32
    %eq3A_151 = vector.broadcast %eq3A_150 : i32 to vector<512x1xi32>
    %eq3A_152 = arith.cmpi eq, %get3A_79, %eq3A_151 : vector<512x1xi32>
    %convert_element_type3A_153 = arith.extui %eq3A_152 : vector<512x1xi1> to vector<512x1xi32>
    %convert_element_type3A_154 = arith.sitofp %convert_element_type3A_153 : vector<512x1xi32> to vector<512x1xf32>
    %get3A_155 = arith.constant 5 : index
    %get3A_156 = arith.constant 0 : index
    %get3A_157 = vector.load %arg14[%get3A_155, %get3A_156] : memref<6x128xf32, #tpu.memory_space<vmem>>, vector<1x128xf32>
    %get3A_158 = vector.shape_cast %get3A_157 : vector<1x128xf32> to vector<128xf32>
    %broadcast_in_dim3A_159 = vector.shape_cast %get3A_158 : vector<128xf32> to vector<1x128xf32>
    %mul3A_160 = vector.broadcast %convert_element_type3A_154 : vector<512x1xf32> to vector<512x128xf32>
    %mul3A_161 = vector.broadcast %broadcast_in_dim3A_159 : vector<1x128xf32> to vector<512x128xf32>
    %mul3A_162 = arith.mulf %mul3A_160, %mul3A_161 : vector<512x128xf32>
    %add3A_163 = arith.addf %add3A_149, %mul3A_162 : vector<512x128xf32>
    %swap3A = arith.constant 0 : index
    %swap3A_164 = arith.constant 0 : index
    %swap3A_165 = vector.load %arg15[%swap3A, %swap3A_164] : memref<512x128xf32, #tpu.memory_space<vmem>>, vector<512x128xf32>
    tpu.vector_store %arg15[%swap3A, %swap3A_164], %add3A_163 {strides = array<i32>} : memref<512x128xf32, #tpu.memory_space<vmem>>, vector<512x128xf32>,
    return
  }
  func.func @transform_0(%arg0: i32) -> (i32, i32) {
    %c0_i32 = arith.constant 0 : i32
    %c0_i32_0 = arith.constant 0 : i32
    return %arg0, %c0_i32 : i32, i32
  }
  func.func @transform_1(%arg0: i32) -> (i32, i32) {
    %c0_i32 = arith.constant 0 : i32
    %c0_i32_0 = arith.constant 0 : i32
    return %arg0, %c0_i32 : i32, i32
  }
  func.func @transform_2(%arg0: i32) -> (i32, i32) {
    %c0_i32 = arith.constant 0 : i32
    %c0_i32_0 = arith.constant 0 : i32
    return %arg0, %c0_i32 : i32, i32
  }
  func.func @transform_3(%arg0: i32) -> (i32, i32) {
    %c0_i32 = arith.constant 0 : i32
    %c0_i32_0 = arith.constant 0 : i32
    return %arg0, %c0_i32 : i32, i32
  }
  func.func @transform_4(%arg0: i32) -> (i32, i32) {
    %c0_i32 = arith.constant 0 : i32
    %c0_i32_0 = arith.constant 0 : i32
    return %arg0, %c0_i32 : i32, i32
  }
  func.func @transform_5(%arg0: i32) -> (i32, i32) {
    %c0_i32 = arith.constant 0 : i32
    %c0_i32_0 = arith.constant 0 : i32
    return %arg0, %c0_i32 : i32, i32
  }
  func.func @transform_6(%arg0: i32) -> (i32, i32) {
    %c0_i32 = arith.constant 0 : i32
    %c0_i32_0 = arith.constant 0 : i32
    %c0_i32_1 = arith.constant 0 : i32
    return %c0_i32, %c0_i32_0 : i32, i32
  }
  func.func @transform_7(%arg0: i32) -> (i32, i32) {
    %c0_i32 = arith.constant 0 : i32
    %c0_i32_0 = arith.constant 0 : i32
    %c0_i32_1 = arith.constant 0 : i32
    return %c0_i32, %c0_i32_0 : i32, i32
  }
  func.func @transform_8(%arg0: i32) -> (i32, i32) {
    %c0_i32 = arith.constant 0 : i32
    %c0_i32_0 = arith.constant 0 : i32
    %c0_i32_1 = arith.constant 0 : i32
    return %c0_i32, %c0_i32_0 : i32, i32
  }
  func.func @transform_9(%arg0: i32) -> (i32, i32) {
    %c0_i32 = arith.constant 0 : i32
    %c0_i32_0 = arith.constant 0 : i32
    %c0_i32_1 = arith.constant 0 : i32
    return %c0_i32, %c0_i32_0 : i32, i32
  }
  func.func @transform_10(%arg0: i32) -> (i32, i32) {
    %c0_i32 = arith.constant 0 : i32
    %c0_i32_0 = arith.constant 0 : i32
    %c0_i32_1 = arith.constant 0 : i32
    return %c0_i32, %c0_i32_0 : i32, i32
  }
  func.func @transform_11(%arg0: i32) -> (i32, i32) {
    %c0_i32 = arith.constant 0 : i32
    %c0_i32_0 = arith.constant 0 : i32
    %c0_i32_1 = arith.constant 0 : i32
    return %c0_i32, %c0_i32_0 : i32, i32
  }
  func.func @transform_12(%arg0: i32) -> (i32, i32) {
    %c0_i32 = arith.constant 0 : i32
    %c0_i32_0 = arith.constant 0 : i32
    %c0_i32_1 = arith.constant 0 : i32
    return %c0_i32, %c0_i32_0 : i32, i32
  }
  func.func @transform_13(%arg0: i32) -> (i32, i32) {
    %c0_i32 = arith.constant 0 : i32
    %c0_i32_0 = arith.constant 0 : i32
    %c0_i32_1 = arith.constant 0 : i32
    return %c0_i32, %c0_i32_0 : i32, i32
  }
  func.func @transform_14(%arg0: i32) -> (i32, i32) {
    %c0_i32 = arith.constant 0 : i32
    %c0_i32_0 = arith.constant 0 : i32
    return %arg0, %c0_i32 : i32, i32
  }
}

module attributes {stable_mosaic.version = 14 : i64} {
  func.func @_mm12_body(%arg0: i32, %arg1: i32, %arg2: memref<512x128xf32, #tpu.memory_space<vmem>>, %arg3: memref<1x128x128xf32, #tpu.memory_space<vmem>>, %arg4: memref<1x512x128xf32, #tpu.memory_space<vmem>>) attributes {dimension_semantics = [#tpu.dimension_semantics<arbitrary>, #tpu.dimension_semantics<arbitrary>], iteration_bounds = array<i64: 12, 20>, scalar_prefetch = 0 : i64, scratch_operands = 0 : i64, tpu.core_type = #tpu.core_type<tc>, window_params = [{transform_indices = @transform_0, window_bounds = array<i64: 512, 128>}, {transform_indices = @transform_1, window_bounds = array<i64: 1, 128, 128>}, {transform_indices = @transform_2, window_bounds = array<i64: 1, 512, 128>}]} {
    %get3A = arith.constant 0 : index
    %get3A_0 = arith.constant 0 : index
    %get3A_1 = vector.load %arg2[%get3A, %get3A_0] : memref<512x128xf32, #tpu.memory_space<vmem>>, vector<512x128xf32>
    %convert_element_type3A = arith.truncf %get3A_1 : vector<512x128xf32> to vector<512x128xbf16>
    %get3A_2 = arith.constant 0 : index
    %get3A_3 = arith.constant 0 : index
    %get3A_4 = arith.constant 0 : index
    %get3A_5 = vector.load %arg3[%get3A_2, %get3A_3, %get3A_4] : memref<1x128x128xf32, #tpu.memory_space<vmem>>, vector<1x128x128xf32>
    %get3A_6 = vector.shape_cast %get3A_5 : vector<1x128x128xf32> to vector<128x128xf32>
    %convert_element_type3A_7 = arith.truncf %get3A_6 : vector<128x128xf32> to vector<128x128xbf16>
    %dot_general3A = arith.constant dense<0.000000e+00> : vector<512x128xf32>
    %dot_general3A_8 = tpu.matmul %convert_element_type3A, %convert_element_type3A_7, %dot_general3A {dimension_numbers = #tpu.dot_dimension_numbers<[1], [0], [0], [1], [0, 0, 1, 1], [], []>, transpose_lhs_hint = false} : vector<512x128xbf16>, vector<128x128xbf16>, vector<512x128xf32> -> vector<512x128xf32>
    %swap3A = arith.constant 0 : index
    %swap3A_9 = arith.constant 0 : index
    %swap3A_10 = arith.constant 0 : index
    %swap3A_11 = vector.load %arg4[%swap3A, %swap3A_9, %swap3A_10] : memref<1x512x128xf32, #tpu.memory_space<vmem>>, vector<1x512x128xf32>
    %swap3A_12 = vector.shape_cast %swap3A_11 : vector<1x512x128xf32> to vector<512x128xf32>
    %swap3A_13 = vector.shape_cast %dot_general3A_8 : vector<512x128xf32> to vector<1x512x128xf32>
    tpu.vector_store %arg4[%swap3A, %swap3A_9, %swap3A_10], %swap3A_13 {strides = array<i32>} : memref<1x512x128xf32, #tpu.memory_space<vmem>>, vector<1x512x128xf32>,
    return
  }
  func.func @transform_0(%arg0: i32, %arg1: i32) -> (i32, i32) {
    %c0_i32 = arith.constant 0 : i32
    %c0_i32_0 = arith.constant 0 : i32
    return %arg1, %c0_i32 : i32, i32
  }
  func.func @transform_1(%arg0: i32, %arg1: i32) -> (i32, i32, i32) {
    %c0_i32 = arith.constant 0 : i32
    %c0_i32_0 = arith.constant 0 : i32
    %c0_i32_1 = arith.constant 0 : i32
    return %arg0, %c0_i32, %c0_i32_0 : i32, i32, i32
  }
  func.func @transform_2(%arg0: i32, %arg1: i32) -> (i32, i32, i32) {
    %c0_i32 = arith.constant 0 : i32
    %c0_i32_0 = arith.constant 0 : i32
    return %arg0, %arg1, %c0_i32 : i32, i32, i32
  }
}

module attributes {stable_mosaic.version = 14 : i64} {
  func.func @_k3_body(%arg0: i32, %arg1: memref<1280xi32, #tpu.memory_space<smem>>, %arg2: memref<256x128xf32, #tpu.memory_space<vmem>>, %arg3: memref<256x128xf32, #tpu.memory_space<vmem>>, %arg4: memref<256x128xf32, #tpu.memory_space<vmem>>, %arg5: memref<256x1xf32, #tpu.memory_space<vmem>>, %arg6: memref<1x128x128xf32, #tpu.memory_space<vmem>>, %arg7: memref<1x1x128xf32, #tpu.memory_space<vmem>>, %arg8: memref<1x128x128xf32, #tpu.memory_space<vmem>>, %arg9: memref<1x1x128xf32, #tpu.memory_space<vmem>>, %arg10: memref<256x128xf32, #tpu.memory_space<vmem>>) attributes {dimension_semantics = [#tpu.dimension_semantics<arbitrary>], iteration_bounds = array<i64: 1280>, scalar_prefetch = 1 : i64, scratch_operands = 0 : i64, tpu.core_type = #tpu.core_type<tc>, window_params = [{transform_indices = @transform_0, window_bounds = array<i64: 256, 128>}, {transform_indices = @transform_1, window_bounds = array<i64: 256, 128>}, {transform_indices = @transform_2, window_bounds = array<i64: 256, 128>}, {transform_indices = @transform_3, window_bounds = array<i64: 256, 1>}, {transform_indices = @transform_4, window_bounds = array<i64: 1, 128, 128>}, {transform_indices = @transform_5, window_bounds = array<i64: 1, 1, 128>}, {transform_indices = @transform_6, window_bounds = array<i64: 1, 128, 128>}, {transform_indices = @transform_7, window_bounds = array<i64: 1, 1, 128>}, {transform_indices = @transform_8, window_bounds = array<i64: 256, 128>}]} {
    %get3A = arith.constant 0 : index
    %get3A_0 = arith.constant 0 : index
    %get3A_1 = vector.load %arg2[%get3A, %get3A_0] : memref<256x128xf32, #tpu.memory_space<vmem>>, vector<256x128xf32>
    %get3A_2 = arith.constant 0 : index
    %get3A_3 = arith.constant 0 : index
    %get3A_4 = vector.load %arg3[%get3A_2, %get3A_3] : memref<256x128xf32, #tpu.memory_space<vmem>>, vector<256x128xf32>
    %add3A = arith.addf %get3A_1, %get3A_4 : vector<256x128xf32>
    %get3A_5 = arith.constant 0 : index
    %get3A_6 = arith.constant 0 : index
    %get3A_7 = vector.load %arg4[%get3A_5, %get3A_6] : memref<256x128xf32, #tpu.memory_space<vmem>>, vector<256x128xf32>
    %convert_element_type3A = arith.truncf %get3A_7 : vector<256x128xf32> to vector<256x128xbf16>
    %get3A_8 = arith.constant 0 : index
    %get3A_9 = arith.constant 0 : index
    %get3A_10 = arith.constant 0 : index
    %get3A_11 = vector.load %arg6[%get3A_8, %get3A_9, %get3A_10] : memref<1x128x128xf32, #tpu.memory_space<vmem>>, vector<1x128x128xf32>
    %get3A_12 = vector.shape_cast %get3A_11 : vector<1x128x128xf32> to vector<128x128xf32>
    %convert_element_type3A_13 = arith.truncf %get3A_12 : vector<128x128xf32> to vector<128x128xbf16>
    %dot_general3A = arith.constant dense<0.000000e+00> : vector<256x128xf32>
    %dot_general3A_14 = tpu.matmul %convert_element_type3A, %convert_element_type3A_13, %dot_general3A {dimension_numbers = #tpu.dot_dimension_numbers<[1], [0], [0], [1], [0, 0, 1, 1], [], []>, transpose_lhs_hint = false} : vector<256x128xbf16>, vector<128x128xbf16>, vector<256x128xf32> -> vector<256x128xf32>
    %add3A_15 = arith.addf %add3A, %dot_general3A_14 : vector<256x128xf32>
    %get3A_16 = arith.constant 0 : index
    %get3A_17 = arith.constant 0 : index
    %get3A_18 = arith.constant 0 : index
    %get3A_19 = vector.load %arg7[%get3A_16, %get3A_17, %get3A_18] : memref<1x1x128xf32, #tpu.memory_space<vmem>>, vector<1x1x128xf32>
    %get3A_20 = vector.shape_cast %get3A_19 : vector<1x1x128xf32> to vector<1x128xf32>
    %add3A_21 = vector.broadcast %get3A_20 : vector<1x128xf32> to vector<256x128xf32>
    %add3A_22 = arith.addf %add3A_15, %add3A_21 : vector<256x128xf32>
    %max3A = arith.constant 0.000000e+00 : f32
    %max3A_23 = vector.broadcast %max3A : f32 to vector<256x128xf32>
    %max3A_24 = arith.maximumf %add3A_22, %max3A_23 : vector<256x128xf32>
    %convert_element_type3A_25 = arith.truncf %max3A_24 : vector<256x128xf32> to vector<256x128xbf16>
    %get3A_26 = arith.constant 0 : index
    %get3A_27 = arith.constant 0 : index
    %get3A_28 = arith.constant 0 : index
    %get3A_29 = vector.load %arg8[%get3A_26, %get3A_27, %get3A_28] : memref<1x128x128xf32, #tpu.memory_space<vmem>>, vector<1x128x128xf32>
    %get3A_30 = vector.shape_cast %get3A_29 : vector<1x128x128xf32> to vector<128x128xf32>
    %convert_element_type3A_31 = arith.truncf %get3A_30 : vector<128x128xf32> to vector<128x128xbf16>
    %dot_general3A_32 = arith.constant dense<0.000000e+00> : vector<256x128xf32>
    %dot_general3A_33 = tpu.matmul %convert_element_type3A_25, %convert_element_type3A_31, %dot_general3A_32 {dimension_numbers = #tpu.dot_dimension_numbers<[1], [0], [0], [1], [0, 0, 1, 1], [], []>, transpose_lhs_hint = false} : vector<256x128xbf16>, vector<128x128xbf16>, vector<256x128xf32> -> vector<256x128xf32>
    %get3A_34 = arith.constant 0 : index
    %get3A_35 = arith.constant 0 : index
    %get3A_36 = arith.constant 0 : index
    %get3A_37 = vector.load %arg9[%get3A_34, %get3A_35, %get3A_36] : memref<1x1x128xf32, #tpu.memory_space<vmem>>, vector<1x1x128xf32>
    %get3A_38 = vector.shape_cast %get3A_37 : vector<1x1x128xf32> to vector<1x128xf32>
    %add3A_39 = vector.broadcast %get3A_38 : vector<1x128xf32> to vector<256x128xf32>
    %add3A_40 = arith.addf %dot_general3A_33, %add3A_39 : vector<256x128xf32>
    %get3A_41 = arith.constant 0 : index
    %get3A_42 = arith.constant 0 : index
    %get3A_43 = vector.load %arg5[%get3A_41, %get3A_42] : memref<256x1xf32, #tpu.memory_space<vmem>>, vector<256x1xf32>
    %gt3A = arith.constant 0.000000e+00 : f32
    %gt3A_44 = vector.broadcast %gt3A : f32 to vector<256x1xf32>
    %gt3A_45 = arith.cmpf ogt, %get3A_43, %gt3A_44 : vector<256x1xf32>
    %mul3A = vector.broadcast %get3A_43 : vector<256x1xf32> to vector<256x128xf32>
    %mul3A_46 = arith.mulf %add3A_40, %mul3A : vector<256x128xf32>
    %jit3A = arith.constant 0.000000e+00 : f32
    %broadcast_in_dim3A = vector.shape_cast %gt3A_45 : vector<256x1xi1> to vector<256x1xi1>
    %broadcast_in_dim3A_47 = vector.broadcast %broadcast_in_dim3A : vector<256x1xi1> to vector<256x128xi1>
    %broadcast_in_dim3A_48 = vector.broadcast %jit3A : f32 to vector<256x128xf32>
    %select_n3A = arith.select %broadcast_in_dim3A_47, %mul3A_46, %broadcast_in_dim3A_48 : vector<256x128xi1>, vector<256x128xf32>
    %swap3A = arith.constant 0 : index
    %swap3A_49 = arith.constant 0 : index
    %swap3A_50 = vector.load %arg10[%swap3A, %swap3A_49] : memref<256x128xf32, #tpu.memory_space<vmem>>, vector<256x128xf32>
    tpu.vector_store %arg10[%swap3A, %swap3A_49], %select_n3A {strides = array<i32>} : memref<256x128xf32, #tpu.memory_space<vmem>>, vector<256x128xf32>,
    return
  }
  func.func @transform_0(%arg0: i32, %arg1: memref<1280xi32, #tpu.memory_space<smem>>) -> (i32, i32) {
    %c0_i32 = arith.constant 0 : i32
    %c0_i32_0 = arith.constant 0 : i32
    return %arg0, %c0_i32 : i32, i32
  }
  func.func @transform_1(%arg0: i32, %arg1: memref<1280xi32, #tpu.memory_space<smem>>) -> (i32, i32) {
    %c0_i32 = arith.constant 0 : i32
    %c0_i32_0 = arith.constant 0 : i32
    return %arg0, %c0_i32 : i32, i32
  }
  func.func @transform_2(%arg0: i32, %arg1: memref<1280xi32, #tpu.memory_space<smem>>) -> (i32, i32) {
    %c0_i32 = arith.constant 0 : i32
    %c0_i32_0 = arith.constant 0 : i32
    return %arg0, %c0_i32 : i32, i32
  }
  func.func @transform_3(%arg0: i32, %arg1: memref<1280xi32, #tpu.memory_space<smem>>) -> (i32, i32) {
    %c0_i32 = arith.constant 0 : i32
    %c0_i32_0 = arith.constant 0 : i32
    return %arg0, %c0_i32 : i32, i32
  }
  func.func @transform_4(%arg0: i32, %arg1: memref<1280xi32, #tpu.memory_space<smem>>) -> (i32, i32, i32) {
    %get3A = arith.index_cast %arg0 : i32 to index
    %get3A_0 = memref.load %arg1[%get3A] : memref<1280xi32, #tpu.memory_space<smem>>
    %c0_i32 = arith.constant 0 : i32
    %c0_i32_1 = arith.constant 0 : i32
    %c0_i32_2 = arith.constant 0 : i32
    return %get3A_0, %c0_i32, %c0_i32_1 : i32, i32, i32
  }
  func.func @transform_5(%arg0: i32, %arg1: memref<1280xi32, #tpu.memory_space<smem>>) -> (i32, i32, i32) {
    %get3A = arith.index_cast %arg0 : i32 to index
    %get3A_0 = memref.load %arg1[%get3A] : memref<1280xi32, #tpu.memory_space<smem>>
    %c0_i32 = arith.constant 0 : i32
    %c0_i32_1 = arith.constant 0 : i32
    %c0_i32_2 = arith.constant 0 : i32
    return %get3A_0, %c0_i32, %c0_i32_1 : i32, i32, i32
  }
  func.func @transform_6(%arg0: i32, %arg1: memref<1280xi32, #tpu.memory_space<smem>>) -> (i32, i32, i32) {
    %get3A = arith.index_cast %arg0 : i32 to index
    %get3A_0 = memref.load %arg1[%get3A] : memref<1280xi32, #tpu.memory_space<smem>>
    %c0_i32 = arith.constant 0 : i32
    %c0_i32_1 = arith.constant 0 : i32
    %c0_i32_2 = arith.constant 0 : i32
    return %get3A_0, %c0_i32, %c0_i32_1 : i32, i32, i32
  }
  func.func @transform_7(%arg0: i32, %arg1: memref<1280xi32, #tpu.memory_space<smem>>) -> (i32, i32, i32) {
    %get3A = arith.index_cast %arg0 : i32 to index
    %get3A_0 = memref.load %arg1[%get3A] : memref<1280xi32, #tpu.memory_space<smem>>
    %c0_i32 = arith.constant 0 : i32
    %c0_i32_1 = arith.constant 0 : i32
    %c0_i32_2 = arith.constant 0 : i32
    return %get3A_0, %c0_i32, %c0_i32_1 : i32, i32, i32
  }
  func.func @transform_8(%arg0: i32, %arg1: memref<1280xi32, #tpu.memory_space<smem>>) -> (i32, i32) {
    %c0_i32 = arith.constant 0 : i32
    %c0_i32_0 = arith.constant 0 : i32
    return %arg0, %c0_i32 : i32, i32
  }
}

module attributes {stable_mosaic.version = 14 : i64} {
  func.func @_k4_body(%arg0: i32, %arg1: memref<512x128xf32, #tpu.memory_space<vmem>>, %arg2: memref<512x128xf32, #tpu.memory_space<vmem>>, %arg3: memref<512x128xf32, #tpu.memory_space<vmem>>, %arg4: memref<512x1xi32, #tpu.memory_space<vmem>>, %arg5: memref<6x128x128xf32, #tpu.memory_space<vmem>>, %arg6: memref<6x128x128xf32, #tpu.memory_space<vmem>>, %arg7: memref<6x128xf32, #tpu.memory_space<vmem>>, %arg8: memref<6x128x128xf32, #tpu.memory_space<vmem>>, %arg9: memref<6x128xf32, #tpu.memory_space<vmem>>, %arg10: memref<6x128xf32, #tpu.memory_space<vmem>>, %arg11: memref<512x128xf32, #tpu.memory_space<vmem>>) attributes {dimension_semantics = [#tpu.dimension_semantics<arbitrary>], iteration_bounds = array<i64: 20>, scalar_prefetch = 0 : i64, scratch_operands = 0 : i64, tpu.core_type = #tpu.core_type<tc>, window_params = [{transform_indices = @transform_0, window_bounds = array<i64: 512, 128>}, {transform_indices = @transform_1, window_bounds = array<i64: 512, 128>}, {transform_indices = @transform_2, window_bounds = array<i64: 512, 128>}, {transform_indices = @transform_3, window_bounds = array<i64: 512, 1>}, {pipeline_mode = #tpu.pipeline_mode<synchronous>, transform_indices = @transform_4, window_bounds = array<i64: 6, 128, 128>}, {pipeline_mode = #tpu.pipeline_mode<synchronous>, transform_indices = @transform_5, window_bounds = array<i64: 6, 128, 128>}, {pipeline_mode = #tpu.pipeline_mode<synchronous>, transform_indices = @transform_6, window_bounds = array<i64: 6, 128>}, {pipeline_mode = #tpu.pipeline_mode<synchronous>, transform_indices = @transform_7, window_bounds = array<i64: 6, 128, 128>}, {pipeline_mode = #tpu.pipeline_mode<synchronous>, transform_indices = @transform_8, window_bounds = array<i64: 6, 128>}, {pipeline_mode = #tpu.pipeline_mode<synchronous>, transform_indices = @transform_9, window_bounds = array<i64: 6, 128>}, {transform_indices = @transform_10, window_bounds = array<i64: 512, 128>}]} {
    %get3A = arith.constant 0 : index
    %get3A_0 = arith.constant 0 : index
    %get3A_1 = vector.load %arg1[%get3A, %get3A_0] : memref<512x128xf32, #tpu.memory_space<vmem>>, vector<512x128xf32>
    %get3A_2 = arith.constant 0 : index
    %get3A_3 = arith.constant 0 : index
    %get3A_4 = vector.load %arg2[%get3A_2, %get3A_3] : memref<512x128xf32, #tpu.memory_space<vmem>>, vector<512x128xf32>
    %get3A_5 = arith.constant 0 : index
    %get3A_6 = arith.constant 0 : index
    %get3A_7 = vector.load %arg3[%get3A_5, %get3A_6] : memref<512x128xf32, #tpu.memory_space<vmem>>, vector<512x128xf32>
    %add3A = arith.addf %get3A_4, %get3A_7 : vector<512x128xf32>
    %convert_element_type3A = arith.truncf %get3A_1 : vector<512x128xf32> to vector<512x128xbf16>
    %convert_element_type3A_8 = arith.truncf %add3A : vector<512x128xf32> to vector<512x128xbf16>
    %get3A_9 = arith.constant 0 : index
    %get3A_10 = arith.constant 0 : index
    %get3A_11 = vector.load %arg4[%get3A_9, %get3A_10] : memref<512x1xi32, #tpu.memory_space<vmem>>, vector<512x1xi32>
    %broadcast_in_dim3A = arith.constant 0.000000e+00 : f32
    %broadcast_in_dim3A_12 = vector.broadcast %broadcast_in_dim3A : f32 to vector<512x128xf32>
    %get3A_13 = arith.constant 0 : index
    %get3A_14 = arith.constant 0 : index
    %get3A_15 = arith.constant 0 : index
    %get3A_16 = vector.load %arg5[%get3A_13, %get3A_14, %get3A_15] : memref<6x128x128xf32, #tpu.memory_space<vmem>>, vector<1x128x128xf32>
    %get3A_17 = vector.shape_cast %get3A_16 : vector<1x128x128xf32> to vector<128x128xf32>
    %convert_element_type3A_18 = arith.truncf %get3A_17 : vector<128x128xf32> to vector<128x128xbf16>
    %dot_general3A = arith.constant dense<0.000000e+00> : vector<512x128xf32>
    %dot_general3A_19 = tpu.matmul %convert_element_type3A, %convert_element_type3A_18, %dot_general3A {dimension_numbers = #tpu.dot_dimension_numbers<[1], [0], [0], [1], [0, 0, 1, 1], [], []>, transpose_lhs_hint = false} : vector<512x128xbf16>, vector<128x128xbf16>, vector<512x128xf32> -> vector<512x128xf32>
    %get3A_20 = arith.constant 0 : index
    %get3A_21 = arith.constant 0 : index
    %get3A_22 = arith.constant 0 : index
    %get3A_23 = vector.load %arg6[%get3A_20, %get3A_21, %get3A_22] : memref<6x128x128xf32, #tpu.memory_space<vmem>>, vector<1x128x128xf32>
    %get3A_24 = vector.shape_cast %get3A_23 : vector<1x128x128xf32> to vector<128x128xf32>
    %convert_element_type3A_25 = arith.truncf %get3A_24 : vector<128x128xf32> to vector<128x128xbf16>
    %dot_general3A_26 = arith.constant dense<0.000000e+00> : vector<512x128xf32>
    %dot_general3A_27 = tpu.matmul %convert_element_type3A_8, %convert_element_type3A_25, %dot_general3A_26 {dimension_numbers = #tpu.dot_dimension_numbers<[1], [0], [0], [1], [0, 0, 1, 1], [], []>, transpose_lhs_hint = false} : vector<512x128xbf16>, vector<128x128xbf16>, vector<512x128xf32> -> vector<512x128xf32>
    %add3A_28 = arith.addf %dot_general3A_19, %dot_general3A_27 : vector<512x128xf32>
    %get3A_29 = arith.constant 0 : index
    %get3A_30 = arith.constant 0 : index
    %get3A_31 = vector.load %arg7[%get3A_29, %get3A_30] : memref<6x128xf32, #tpu.memory_space<vmem>>, vector<1x128xf32>
    %get3A_32 = vector.shape_cast %get3A_31 : vector<1x128xf32> to vector<128xf32>
    %broadcast_in_dim3A_33 = vector.shape_cast %get3A_32 : vector<128xf32> to vector<1x128xf32>
    %add3A_34 = vector.broadcast %broadcast_in_dim3A_33 : vector<1x128xf32> to vector<512x128xf32>
    %add3A_35 = arith.addf %add3A_28, %add3A_34 : vector<512x128xf32>
    %max3A = arith.constant 0.000000e+00 : f32
    %max3A_36 = vector.broadcast %max3A : f32 to vector<512x128xf32>
    %max3A_37 = arith.maximumf %add3A_35, %max3A_36 : vector<512x128xf32>
    %convert_element_type3A_38 = arith.truncf %max3A_37 : vector<512x128xf32> to vector<512x128xbf16>
    %get3A_39 = arith.constant 0 : index
    %get3A_40 = arith.constant 0 : index
    %get3A_41 = arith.constant 0 : index
    %get3A_42 = vector.load %arg8[%get3A_39, %get3A_40, %get3A_41] : memref<6x128x128xf32, #tpu.memory_space<vmem>>, vector<1x128x128xf32>
    %get3A_43 = vector.shape_cast %get3A_42 : vector<1x128x128xf32> to vector<128x128xf32>
    %convert_element_type3A_44 = arith.truncf %get3A_43 : vector<128x128xf32> to vector<128x128xbf16>
    %dot_general3A_45 = arith.constant dense<0.000000e+00> : vector<512x128xf32>
    %dot_general3A_46 = tpu.matmul %convert_element_type3A_38, %convert_element_type3A_44, %dot_general3A_45 {dimension_numbers = #tpu.dot_dimension_numbers<[1], [0], [0], [1], [0, 0, 1, 1], [], []>, transpose_lhs_hint = false} : vector<512x128xbf16>, vector<128x128xbf16>, vector<512x128xf32> -> vector<512x128xf32>
    %get3A_47 = arith.constant 0 : index
    %get3A_48 = arith.constant 0 : index
    %get3A_49 = vector.load %arg9[%get3A_47, %get3A_48] : memref<6x128xf32, #tpu.memory_space<vmem>>, vector<1x128xf32>
    %get3A_50 = vector.shape_cast %get3A_49 : vector<1x128xf32> to vector<128xf32>
    %broadcast_in_dim3A_51 = vector.shape_cast %get3A_50 : vector<128xf32> to vector<1x128xf32>
    %add3A_52 = vector.broadcast %broadcast_in_dim3A_51 : vector<1x128xf32> to vector<512x128xf32>
    %add3A_53 = arith.addf %dot_general3A_46, %add3A_52 : vector<512x128xf32>
    %tanh3A = math.tanh %add3A_53 : vector<512x128xf32>
    %eq3A = arith.constant 0 : i32
    %eq3A_54 = vector.broadcast %eq3A : i32 to vector<512x1xi32>
    %eq3A_55 = arith.cmpi eq, %get3A_11, %eq3A_54 : vector<512x1xi32>
    %convert_element_type3A_56 = arith.extui %eq3A_55 : vector<512x1xi1> to vector<512x1xi32>
    %convert_element_type3A_57 = arith.sitofp %convert_element_type3A_56 : vector<512x1xi32> to vector<512x1xf32>
    %get3A_58 = arith.constant 0 : index
    %get3A_59 = arith.constant 0 : index
    %get3A_60 = vector.load %arg10[%get3A_58, %get3A_59] : memref<6x128xf32, #tpu.memory_space<vmem>>, vector<1x128xf32>
    %get3A_61 = vector.shape_cast %get3A_60 : vector<1x128xf32> to vector<128xf32>
    %broadcast_in_dim3A_62 = vector.shape_cast %get3A_61 : vector<128xf32> to vector<1x128xf32>
    %add3A_63 = vector.broadcast %broadcast_in_dim3A_62 : vector<1x128xf32> to vector<512x128xf32>
    %add3A_64 = arith.addf %tanh3A, %add3A_63 : vector<512x128xf32>
    %mul3A = vector.broadcast %convert_element_type3A_57 : vector<512x1xf32> to vector<512x128xf32>
    %mul3A_65 = arith.mulf %mul3A, %add3A_64 : vector<512x128xf32>
    %add3A_66 = arith.addf %broadcast_in_dim3A_12, %mul3A_65 : vector<512x128xf32>
    %get3A_67 = arith.constant 1 : index
    %get3A_68 = arith.constant 0 : index
    %get3A_69 = arith.constant 0 : index
    %get3A_70 = vector.load %arg5[%get3A_67, %get3A_68, %get3A_69] : memref<6x128x128xf32, #tpu.memory_space<vmem>>, vector<1x128x128xf32>
    %get3A_71 = vector.shape_cast %get3A_70 : vector<1x128x128xf32> to vector<128x128xf32>
    %convert_element_type3A_72 = arith.truncf %get3A_71 : vector<128x128xf32> to vector<128x128xbf16>
    %dot_general3A_73 = arith.constant dense<0.000000e+00> : vector<512x128xf32>
    %dot_general3A_74 = tpu.matmul %convert_element_type3A, %convert_element_type3A_72, %dot_general3A_73 {dimension_numbers = #tpu.dot_dimension_numbers<[1], [0], [0], [1], [0, 0, 1, 1], [], []>, transpose_lhs_hint = false} : vector<512x128xbf16>, vector<128x128xbf16>, vector<512x128xf32> -> vector<512x128xf32>
    %get3A_75 = arith.constant 1 : index
    %get3A_76 = arith.constant 0 : index
    %get3A_77 = arith.constant 0 : index
    %get3A_78 = vector.load %arg6[%get3A_75, %get3A_76, %get3A_77] : memref<6x128x128xf32, #tpu.memory_space<vmem>>, vector<1x128x128xf32>
    %get3A_79 = vector.shape_cast %get3A_78 : vector<1x128x128xf32> to vector<128x128xf32>
    %convert_element_type3A_80 = arith.truncf %get3A_79 : vector<128x128xf32> to vector<128x128xbf16>
    %dot_general3A_81 = arith.constant dense<0.000000e+00> : vector<512x128xf32>
    %dot_general3A_82 = tpu.matmul %convert_element_type3A_8, %convert_element_type3A_80, %dot_general3A_81 {dimension_numbers = #tpu.dot_dimension_numbers<[1], [0], [0], [1], [0, 0, 1, 1], [], []>, transpose_lhs_hint = false} : vector<512x128xbf16>, vector<128x128xbf16>, vector<512x128xf32> -> vector<512x128xf32>
    %add3A_83 = arith.addf %dot_general3A_74, %dot_general3A_82 : vector<512x128xf32>
    %get3A_84 = arith.constant 1 : index
    %get3A_85 = arith.constant 0 : index
    %get3A_86 = vector.load %arg7[%get3A_84, %get3A_85] : memref<6x128xf32, #tpu.memory_space<vmem>>, vector<1x128xf32>
    %get3A_87 = vector.shape_cast %get3A_86 : vector<1x128xf32> to vector<128xf32>
    %broadcast_in_dim3A_88 = vector.shape_cast %get3A_87 : vector<128xf32> to vector<1x128xf32>
    %add3A_89 = vector.broadcast %broadcast_in_dim3A_88 : vector<1x128xf32> to vector<512x128xf32>
    %add3A_90 = arith.addf %add3A_83, %add3A_89 : vector<512x128xf32>
    %max3A_91 = arith.constant 0.000000e+00 : f32
    %max3A_92 = vector.broadcast %max3A_91 : f32 to vector<512x128xf32>
    %max3A_93 = arith.maximumf %add3A_90, %max3A_92 : vector<512x128xf32>
    %convert_element_type3A_94 = arith.truncf %max3A_93 : vector<512x128xf32> to vector<512x128xbf16>
    %get3A_95 = arith.constant 1 : index
    %get3A_96 = arith.constant 0 : index
    %get3A_97 = arith.constant 0 : index
    %get3A_98 = vector.load %arg8[%get3A_95, %get3A_96, %get3A_97] : memref<6x128x128xf32, #tpu.memory_space<vmem>>, vector<1x128x128xf32>
    %get3A_99 = vector.shape_cast %get3A_98 : vector<1x128x128xf32> to vector<128x128xf32>
    %convert_element_type3A_100 = arith.truncf %get3A_99 : vector<128x128xf32> to vector<128x128xbf16>
    %dot_general3A_101 = arith.constant dense<0.000000e+00> : vector<512x128xf32>
    %dot_general3A_102 = tpu.matmul %convert_element_type3A_94, %convert_element_type3A_100, %dot_general3A_101 {dimension_numbers = #tpu.dot_dimension_numbers<[1], [0], [0], [1], [0, 0, 1, 1], [], []>, transpose_lhs_hint = false} : vector<512x128xbf16>, vector<128x128xbf16>, vector<512x128xf32> -> vector<512x128xf32>
    %get3A_103 = arith.constant 1 : index
    %get3A_104 = arith.constant 0 : index
    %get3A_105 = vector.load %arg9[%get3A_103, %get3A_104] : memref<6x128xf32, #tpu.memory_space<vmem>>, vector<1x128xf32>
    %get3A_106 = vector.shape_cast %get3A_105 : vector<1x128xf32> to vector<128xf32>
    %broadcast_in_dim3A_107 = vector.shape_cast %get3A_106 : vector<128xf32> to vector<1x128xf32>
    %add3A_108 = vector.broadcast %broadcast_in_dim3A_107 : vector<1x128xf32> to vector<512x128xf32>
    %add3A_109 = arith.addf %dot_general3A_102, %add3A_108 : vector<512x128xf32>
    %tanh3A_110 = math.tanh %add3A_109 : vector<512x128xf32>
    %eq3A_111 = arith.constant 1 : i32
    %eq3A_112 = vector.broadcast %eq3A_111 : i32 to vector<512x1xi32>
    %eq3A_113 = arith.cmpi eq, %get3A_11, %eq3A_112 : vector<512x1xi32>
    %convert_element_type3A_114 = arith.extui %eq3A_113 : vector<512x1xi1> to vector<512x1xi32>
    %convert_element_type3A_115 = arith.sitofp %convert_element_type3A_114 : vector<512x1xi32> to vector<512x1xf32>
    %get3A_116 = arith.constant 1 : index
    %get3A_117 = arith.constant 0 : index
    %get3A_118 = vector.load %arg10[%get3A_116, %get3A_117] : memref<6x128xf32, #tpu.memory_space<vmem>>, vector<1x128xf32>
    %get3A_119 = vector.shape_cast %get3A_118 : vector<1x128xf32> to vector<128xf32>
    %broadcast_in_dim3A_120 = vector.shape_cast %get3A_119 : vector<128xf32> to vector<1x128xf32>
    %add3A_121 = vector.broadcast %broadcast_in_dim3A_120 : vector<1x128xf32> to vector<512x128xf32>
    %add3A_122 = arith.addf %tanh3A_110, %add3A_121 : vector<512x128xf32>
    %mul3A_123 = vector.broadcast %convert_element_type3A_115 : vector<512x1xf32> to vector<512x128xf32>
    %mul3A_124 = arith.mulf %mul3A_123, %add3A_122 : vector<512x128xf32>
    %add3A_125 = arith.addf %add3A_66, %mul3A_124 : vector<512x128xf32>
    %get3A_126 = arith.constant 2 : index
    %get3A_127 = arith.constant 0 : index
    %get3A_128 = arith.constant 0 : index
    %get3A_129 = vector.load %arg5[%get3A_126, %get3A_127, %get3A_128] : memref<6x128x128xf32, #tpu.memory_space<vmem>>, vector<1x128x128xf32>
    %get3A_130 = vector.shape_cast %get3A_129 : vector<1x128x128xf32> to vector<128x128xf32>
    %convert_element_type3A_131 = arith.truncf %get3A_130 : vector<128x128xf32> to vector<128x128xbf16>
    %dot_general3A_132 = arith.constant dense<0.000000e+00> : vector<512x128xf32>
    %dot_general3A_133 = tpu.matmul %convert_element_type3A, %convert_element_type3A_131, %dot_general3A_132 {dimension_numbers = #tpu.dot_dimension_numbers<[1], [0], [0], [1], [0, 0, 1, 1], [], []>, transpose_lhs_hint = false} : vector<512x128xbf16>, vector<128x128xbf16>, vector<512x128xf32> -> vector<512x128xf32>
    %get3A_134 = arith.constant 2 : index
    %get3A_135 = arith.constant 0 : index
    %get3A_136 = arith.constant 0 : index
    %get3A_137 = vector.load %arg6[%get3A_134, %get3A_135, %get3A_136] : memref<6x128x128xf32, #tpu.memory_space<vmem>>, vector<1x128x128xf32>
    %get3A_138 = vector.shape_cast %get3A_137 : vector<1x128x128xf32> to vector<128x128xf32>
    %convert_element_type3A_139 = arith.truncf %get3A_138 : vector<128x128xf32> to vector<128x128xbf16>
    %dot_general3A_140 = arith.constant dense<0.000000e+00> : vector<512x128xf32>
    %dot_general3A_141 = tpu.matmul %convert_element_type3A_8, %convert_element_type3A_139, %dot_general3A_140 {dimension_numbers = #tpu.dot_dimension_numbers<[1], [0], [0], [1], [0, 0, 1, 1], [], []>, transpose_lhs_hint = false} : vector<512x128xbf16>, vector<128x128xbf16>, vector<512x128xf32> -> vector<512x128xf32>
    %add3A_142 = arith.addf %dot_general3A_133, %dot_general3A_141 : vector<512x128xf32>
    %get3A_143 = arith.constant 2 : index
    %get3A_144 = arith.constant 0 : index
    %get3A_145 = vector.load %arg7[%get3A_143, %get3A_144] : memref<6x128xf32, #tpu.memory_space<vmem>>, vector<1x128xf32>
    %get3A_146 = vector.shape_cast %get3A_145 : vector<1x128xf32> to vector<128xf32>
    %broadcast_in_dim3A_147 = vector.shape_cast %get3A_146 : vector<128xf32> to vector<1x128xf32>
    %add3A_148 = vector.broadcast %broadcast_in_dim3A_147 : vector<1x128xf32> to vector<512x128xf32>
    %add3A_149 = arith.addf %add3A_142, %add3A_148 : vector<512x128xf32>
    %max3A_150 = arith.constant 0.000000e+00 : f32
    %max3A_151 = vector.broadcast %max3A_150 : f32 to vector<512x128xf32>
    %max3A_152 = arith.maximumf %add3A_149, %max3A_151 : vector<512x128xf32>
    %convert_element_type3A_153 = arith.truncf %max3A_152 : vector<512x128xf32> to vector<512x128xbf16>
    %get3A_154 = arith.constant 2 : index
    %get3A_155 = arith.constant 0 : index
    %get3A_156 = arith.constant 0 : index
    %get3A_157 = vector.load %arg8[%get3A_154, %get3A_155, %get3A_156] : memref<6x128x128xf32, #tpu.memory_space<vmem>>, vector<1x128x128xf32>
    %get3A_158 = vector.shape_cast %get3A_157 : vector<1x128x128xf32> to vector<128x128xf32>
    %convert_element_type3A_159 = arith.truncf %get3A_158 : vector<128x128xf32> to vector<128x128xbf16>
    %dot_general3A_160 = arith.constant dense<0.000000e+00> : vector<512x128xf32>
    %dot_general3A_161 = tpu.matmul %convert_element_type3A_153, %convert_element_type3A_159, %dot_general3A_160 {dimension_numbers = #tpu.dot_dimension_numbers<[1], [0], [0], [1], [0, 0, 1, 1], [], []>, transpose_lhs_hint = false} : vector<512x128xbf16>, vector<128x128xbf16>, vector<512x128xf32> -> vector<512x128xf32>
    %get3A_162 = arith.constant 2 : index
    %get3A_163 = arith.constant 0 : index
    %get3A_164 = vector.load %arg9[%get3A_162, %get3A_163] : memref<6x128xf32, #tpu.memory_space<vmem>>, vector<1x128xf32>
    %get3A_165 = vector.shape_cast %get3A_164 : vector<1x128xf32> to vector<128xf32>
    %broadcast_in_dim3A_166 = vector.shape_cast %get3A_165 : vector<128xf32> to vector<1x128xf32>
    %add3A_167 = vector.broadcast %broadcast_in_dim3A_166 : vector<1x128xf32> to vector<512x128xf32>
    %add3A_168 = arith.addf %dot_general3A_161, %add3A_167 : vector<512x128xf32>
    %tanh3A_169 = math.tanh %add3A_168 : vector<512x128xf32>
    %eq3A_170 = arith.constant 2 : i32
    %eq3A_171 = vector.broadcast %eq3A_170 : i32 to vector<512x1xi32>
    %eq3A_172 = arith.cmpi eq, %get3A_11, %eq3A_171 : vector<512x1xi32>
    %convert_element_type3A_173 = arith.extui %eq3A_172 : vector<512x1xi1> to vector<512x1xi32>
    %convert_element_type3A_174 = arith.sitofp %convert_element_type3A_173 : vector<512x1xi32> to vector<512x1xf32>
    %get3A_175 = arith.constant 2 : index
    %get3A_176 = arith.constant 0 : index
    %get3A_177 = vector.load %arg10[%get3A_175, %get3A_176] : memref<6x128xf32, #tpu.memory_space<vmem>>, vector<1x128xf32>
    %get3A_178 = vector.shape_cast %get3A_177 : vector<1x128xf32> to vector<128xf32>
    %broadcast_in_dim3A_179 = vector.shape_cast %get3A_178 : vector<128xf32> to vector<1x128xf32>
    %add3A_180 = vector.broadcast %broadcast_in_dim3A_179 : vector<1x128xf32> to vector<512x128xf32>
    %add3A_181 = arith.addf %tanh3A_169, %add3A_180 : vector<512x128xf32>
    %mul3A_182 = vector.broadcast %convert_element_type3A_174 : vector<512x1xf32> to vector<512x128xf32>
    %mul3A_183 = arith.mulf %mul3A_182, %add3A_181 : vector<512x128xf32>
    %add3A_184 = arith.addf %add3A_125, %mul3A_183 : vector<512x128xf32>
    %get3A_185 = arith.constant 3 : index
    %get3A_186 = arith.constant 0 : index
    %get3A_187 = arith.constant 0 : index
    %get3A_188 = vector.load %arg5[%get3A_185, %get3A_186, %get3A_187] : memref<6x128x128xf32, #tpu.memory_space<vmem>>, vector<1x128x128xf32>
    %get3A_189 = vector.shape_cast %get3A_188 : vector<1x128x128xf32> to vector<128x128xf32>
    %convert_element_type3A_190 = arith.truncf %get3A_189 : vector<128x128xf32> to vector<128x128xbf16>
    %dot_general3A_191 = arith.constant dense<0.000000e+00> : vector<512x128xf32>
    %dot_general3A_192 = tpu.matmul %convert_element_type3A, %convert_element_type3A_190, %dot_general3A_191 {dimension_numbers = #tpu.dot_dimension_numbers<[1], [0], [0], [1], [0, 0, 1, 1], [], []>, transpose_lhs_hint = false} : vector<512x128xbf16>, vector<128x128xbf16>, vector<512x128xf32> -> vector<512x128xf32>
    %get3A_193 = arith.constant 3 : index
    %get3A_194 = arith.constant 0 : index
    %get3A_195 = arith.constant 0 : index
    %get3A_196 = vector.load %arg6[%get3A_193, %get3A_194, %get3A_195] : memref<6x128x128xf32, #tpu.memory_space<vmem>>, vector<1x128x128xf32>
    %get3A_197 = vector.shape_cast %get3A_196 : vector<1x128x128xf32> to vector<128x128xf32>
    %convert_element_type3A_198 = arith.truncf %get3A_197 : vector<128x128xf32> to vector<128x128xbf16>
    %dot_general3A_199 = arith.constant dense<0.000000e+00> : vector<512x128xf32>
    %dot_general3A_200 = tpu.matmul %convert_element_type3A_8, %convert_element_type3A_198, %dot_general3A_199 {dimension_numbers = #tpu.dot_dimension_numbers<[1], [0], [0], [1], [0, 0, 1, 1], [], []>, transpose_lhs_hint = false} : vector<512x128xbf16>, vector<128x128xbf16>, vector<512x128xf32> -> vector<512x128xf32>
    %add3A_201 = arith.addf %dot_general3A_192, %dot_general3A_200 : vector<512x128xf32>
    %get3A_202 = arith.constant 3 : index
    %get3A_203 = arith.constant 0 : index
    %get3A_204 = vector.load %arg7[%get3A_202, %get3A_203] : memref<6x128xf32, #tpu.memory_space<vmem>>, vector<1x128xf32>
    %get3A_205 = vector.shape_cast %get3A_204 : vector<1x128xf32> to vector<128xf32>
    %broadcast_in_dim3A_206 = vector.shape_cast %get3A_205 : vector<128xf32> to vector<1x128xf32>
    %add3A_207 = vector.broadcast %broadcast_in_dim3A_206 : vector<1x128xf32> to vector<512x128xf32>
    %add3A_208 = arith.addf %add3A_201, %add3A_207 : vector<512x128xf32>
    %max3A_209 = arith.constant 0.000000e+00 : f32
    %max3A_210 = vector.broadcast %max3A_209 : f32 to vector<512x128xf32>
    %max3A_211 = arith.maximumf %add3A_208, %max3A_210 : vector<512x128xf32>
    %convert_element_type3A_212 = arith.truncf %max3A_211 : vector<512x128xf32> to vector<512x128xbf16>
    %get3A_213 = arith.constant 3 : index
    %get3A_214 = arith.constant 0 : index
    %get3A_215 = arith.constant 0 : index
    %get3A_216 = vector.load %arg8[%get3A_213, %get3A_214, %get3A_215] : memref<6x128x128xf32, #tpu.memory_space<vmem>>, vector<1x128x128xf32>
    %get3A_217 = vector.shape_cast %get3A_216 : vector<1x128x128xf32> to vector<128x128xf32>
    %convert_element_type3A_218 = arith.truncf %get3A_217 : vector<128x128xf32> to vector<128x128xbf16>
    %dot_general3A_219 = arith.constant dense<0.000000e+00> : vector<512x128xf32>
    %dot_general3A_220 = tpu.matmul %convert_element_type3A_212, %convert_element_type3A_218, %dot_general3A_219 {dimension_numbers = #tpu.dot_dimension_numbers<[1], [0], [0], [1], [0, 0, 1, 1], [], []>, transpose_lhs_hint = false} : vector<512x128xbf16>, vector<128x128xbf16>, vector<512x128xf32> -> vector<512x128xf32>
    %get3A_221 = arith.constant 3 : index
    %get3A_222 = arith.constant 0 : index
    %get3A_223 = vector.load %arg9[%get3A_221, %get3A_222] : memref<6x128xf32, #tpu.memory_space<vmem>>, vector<1x128xf32>
    %get3A_224 = vector.shape_cast %get3A_223 : vector<1x128xf32> to vector<128xf32>
    %broadcast_in_dim3A_225 = vector.shape_cast %get3A_224 : vector<128xf32> to vector<1x128xf32>
    %add3A_226 = vector.broadcast %broadcast_in_dim3A_225 : vector<1x128xf32> to vector<512x128xf32>
    %add3A_227 = arith.addf %dot_general3A_220, %add3A_226 : vector<512x128xf32>
    %tanh3A_228 = math.tanh %add3A_227 : vector<512x128xf32>
    %eq3A_229 = arith.constant 3 : i32
    %eq3A_230 = vector.broadcast %eq3A_229 : i32 to vector<512x1xi32>
    %eq3A_231 = arith.cmpi eq, %get3A_11, %eq3A_230 : vector<512x1xi32>
    %convert_element_type3A_232 = arith.extui %eq3A_231 : vector<512x1xi1> to vector<512x1xi32>
    %convert_element_type3A_233 = arith.sitofp %convert_element_type3A_232 : vector<512x1xi32> to vector<512x1xf32>
    %get3A_234 = arith.constant 3 : index
    %get3A_235 = arith.constant 0 : index
    %get3A_236 = vector.load %arg10[%get3A_234, %get3A_235] : memref<6x128xf32, #tpu.memory_space<vmem>>, vector<1x128xf32>
    %get3A_237 = vector.shape_cast %get3A_236 : vector<1x128xf32> to vector<128xf32>
    %broadcast_in_dim3A_238 = vector.shape_cast %get3A_237 : vector<128xf32> to vector<1x128xf32>
    %add3A_239 = vector.broadcast %broadcast_in_dim3A_238 : vector<1x128xf32> to vector<512x128xf32>
    %add3A_240 = arith.addf %tanh3A_228, %add3A_239 : vector<512x128xf32>
    %mul3A_241 = vector.broadcast %convert_element_type3A_233 : vector<512x1xf32> to vector<512x128xf32>
    %mul3A_242 = arith.mulf %mul3A_241, %add3A_240 : vector<512x128xf32>
    %add3A_243 = arith.addf %add3A_184, %mul3A_242 : vector<512x128xf32>
    %get3A_244 = arith.constant 4 : index
    %get3A_245 = arith.constant 0 : index
    %get3A_246 = arith.constant 0 : index
    %get3A_247 = vector.load %arg5[%get3A_244, %get3A_245, %get3A_246] : memref<6x128x128xf32, #tpu.memory_space<vmem>>, vector<1x128x128xf32>
    %get3A_248 = vector.shape_cast %get3A_247 : vector<1x128x128xf32> to vector<128x128xf32>
    %convert_element_type3A_249 = arith.truncf %get3A_248 : vector<128x128xf32> to vector<128x128xbf16>
    %dot_general3A_250 = arith.constant dense<0.000000e+00> : vector<512x128xf32>
    %dot_general3A_251 = tpu.matmul %convert_element_type3A, %convert_element_type3A_249, %dot_general3A_250 {dimension_numbers = #tpu.dot_dimension_numbers<[1], [0], [0], [1], [0, 0, 1, 1], [], []>, transpose_lhs_hint = false} : vector<512x128xbf16>, vector<128x128xbf16>, vector<512x128xf32> -> vector<512x128xf32>
    %get3A_252 = arith.constant 4 : index
    %get3A_253 = arith.constant 0 : index
    %get3A_254 = arith.constant 0 : index
    %get3A_255 = vector.load %arg6[%get3A_252, %get3A_253, %get3A_254] : memref<6x128x128xf32, #tpu.memory_space<vmem>>, vector<1x128x128xf32>
    %get3A_256 = vector.shape_cast %get3A_255 : vector<1x128x128xf32> to vector<128x128xf32>
    %convert_element_type3A_257 = arith.truncf %get3A_256 : vector<128x128xf32> to vector<128x128xbf16>
    %dot_general3A_258 = arith.constant dense<0.000000e+00> : vector<512x128xf32>
    %dot_general3A_259 = tpu.matmul %convert_element_type3A_8, %convert_element_type3A_257, %dot_general3A_258 {dimension_numbers = #tpu.dot_dimension_numbers<[1], [0], [0], [1], [0, 0, 1, 1], [], []>, transpose_lhs_hint = false} : vector<512x128xbf16>, vector<128x128xbf16>, vector<512x128xf32> -> vector<512x128xf32>
    %add3A_260 = arith.addf %dot_general3A_251, %dot_general3A_259 : vector<512x128xf32>
    %get3A_261 = arith.constant 4 : index
    %get3A_262 = arith.constant 0 : index
    %get3A_263 = vector.load %arg7[%get3A_261, %get3A_262] : memref<6x128xf32, #tpu.memory_space<vmem>>, vector<1x128xf32>
    %get3A_264 = vector.shape_cast %get3A_263 : vector<1x128xf32> to vector<128xf32>
    %broadcast_in_dim3A_265 = vector.shape_cast %get3A_264 : vector<128xf32> to vector<1x128xf32>
    %add3A_266 = vector.broadcast %broadcast_in_dim3A_265 : vector<1x128xf32> to vector<512x128xf32>
    %add3A_267 = arith.addf %add3A_260, %add3A_266 : vector<512x128xf32>
    %max3A_268 = arith.constant 0.000000e+00 : f32
    %max3A_269 = vector.broadcast %max3A_268 : f32 to vector<512x128xf32>
    %max3A_270 = arith.maximumf %add3A_267, %max3A_269 : vector<512x128xf32>
    %convert_element_type3A_271 = arith.truncf %max3A_270 : vector<512x128xf32> to vector<512x128xbf16>
    %get3A_272 = arith.constant 4 : index
    %get3A_273 = arith.constant 0 : index
    %get3A_274 = arith.constant 0 : index
    %get3A_275 = vector.load %arg8[%get3A_272, %get3A_273, %get3A_274] : memref<6x128x128xf32, #tpu.memory_space<vmem>>, vector<1x128x128xf32>
    %get3A_276 = vector.shape_cast %get3A_275 : vector<1x128x128xf32> to vector<128x128xf32>
    %convert_element_type3A_277 = arith.truncf %get3A_276 : vector<128x128xf32> to vector<128x128xbf16>
    %dot_general3A_278 = arith.constant dense<0.000000e+00> : vector<512x128xf32>
    %dot_general3A_279 = tpu.matmul %convert_element_type3A_271, %convert_element_type3A_277, %dot_general3A_278 {dimension_numbers = #tpu.dot_dimension_numbers<[1], [0], [0], [1], [0, 0, 1, 1], [], []>, transpose_lhs_hint = false} : vector<512x128xbf16>, vector<128x128xbf16>, vector<512x128xf32> -> vector<512x128xf32>
    %get3A_280 = arith.constant 4 : index
    %get3A_281 = arith.constant 0 : index
    %get3A_282 = vector.load %arg9[%get3A_280, %get3A_281] : memref<6x128xf32, #tpu.memory_space<vmem>>, vector<1x128xf32>
    %get3A_283 = vector.shape_cast %get3A_282 : vector<1x128xf32> to vector<128xf32>
    %broadcast_in_dim3A_284 = vector.shape_cast %get3A_283 : vector<128xf32> to vector<1x128xf32>
    %add3A_285 = vector.broadcast %broadcast_in_dim3A_284 : vector<1x128xf32> to vector<512x128xf32>
    %add3A_286 = arith.addf %dot_general3A_279, %add3A_285 : vector<512x128xf32>
    %tanh3A_287 = math.tanh %add3A_286 : vector<512x128xf32>
    %eq3A_288 = arith.constant 4 : i32
    %eq3A_289 = vector.broadcast %eq3A_288 : i32 to vector<512x1xi32>
    %eq3A_290 = arith.cmpi eq, %get3A_11, %eq3A_289 : vector<512x1xi32>
    %convert_element_type3A_291 = arith.extui %eq3A_290 : vector<512x1xi1> to vector<512x1xi32>
    %convert_element_type3A_292 = arith.sitofp %convert_element_type3A_291 : vector<512x1xi32> to vector<512x1xf32>
    %get3A_293 = arith.constant 4 : index
    %get3A_294 = arith.constant 0 : index
    %get3A_295 = vector.load %arg10[%get3A_293, %get3A_294] : memref<6x128xf32, #tpu.memory_space<vmem>>, vector<1x128xf32>
    %get3A_296 = vector.shape_cast %get3A_295 : vector<1x128xf32> to vector<128xf32>
    %broadcast_in_dim3A_297 = vector.shape_cast %get3A_296 : vector<128xf32> to vector<1x128xf32>
    %add3A_298 = vector.broadcast %broadcast_in_dim3A_297 : vector<1x128xf32> to vector<512x128xf32>
    %add3A_299 = arith.addf %tanh3A_287, %add3A_298 : vector<512x128xf32>
    %mul3A_300 = vector.broadcast %convert_element_type3A_292 : vector<512x1xf32> to vector<512x128xf32>
    %mul3A_301 = arith.mulf %mul3A_300, %add3A_299 : vector<512x128xf32>
    %add3A_302 = arith.addf %add3A_243, %mul3A_301 : vector<512x128xf32>
    %get3A_303 = arith.constant 5 : index
    %get3A_304 = arith.constant 0 : index
    %get3A_305 = arith.constant 0 : index
    %get3A_306 = vector.load %arg5[%get3A_303, %get3A_304, %get3A_305] : memref<6x128x128xf32, #tpu.memory_space<vmem>>, vector<1x128x128xf32>
    %get3A_307 = vector.shape_cast %get3A_306 : vector<1x128x128xf32> to vector<128x128xf32>
    %convert_element_type3A_308 = arith.truncf %get3A_307 : vector<128x128xf32> to vector<128x128xbf16>
    %dot_general3A_309 = arith.constant dense<0.000000e+00> : vector<512x128xf32>
    %dot_general3A_310 = tpu.matmul %convert_element_type3A, %convert_element_type3A_308, %dot_general3A_309 {dimension_numbers = #tpu.dot_dimension_numbers<[1], [0], [0], [1], [0, 0, 1, 1], [], []>, transpose_lhs_hint = false} : vector<512x128xbf16>, vector<128x128xbf16>, vector<512x128xf32> -> vector<512x128xf32>
    %get3A_311 = arith.constant 5 : index
    %get3A_312 = arith.constant 0 : index
    %get3A_313 = arith.constant 0 : index
    %get3A_314 = vector.load %arg6[%get3A_311, %get3A_312, %get3A_313] : memref<6x128x128xf32, #tpu.memory_space<vmem>>, vector<1x128x128xf32>
    %get3A_315 = vector.shape_cast %get3A_314 : vector<1x128x128xf32> to vector<128x128xf32>
    %convert_element_type3A_316 = arith.truncf %get3A_315 : vector<128x128xf32> to vector<128x128xbf16>
    %dot_general3A_317 = arith.constant dense<0.000000e+00> : vector<512x128xf32>
    %dot_general3A_318 = tpu.matmul %convert_element_type3A_8, %convert_element_type3A_316, %dot_general3A_317 {dimension_numbers = #tpu.dot_dimension_numbers<[1], [0], [0], [1], [0, 0, 1, 1], [], []>, transpose_lhs_hint = false} : vector<512x128xbf16>, vector<128x128xbf16>, vector<512x128xf32> -> vector<512x128xf32>
    %add3A_319 = arith.addf %dot_general3A_310, %dot_general3A_318 : vector<512x128xf32>
    %get3A_320 = arith.constant 5 : index
    %get3A_321 = arith.constant 0 : index
    %get3A_322 = vector.load %arg7[%get3A_320, %get3A_321] : memref<6x128xf32, #tpu.memory_space<vmem>>, vector<1x128xf32>
    %get3A_323 = vector.shape_cast %get3A_322 : vector<1x128xf32> to vector<128xf32>
    %broadcast_in_dim3A_324 = vector.shape_cast %get3A_323 : vector<128xf32> to vector<1x128xf32>
    %add3A_325 = vector.broadcast %broadcast_in_dim3A_324 : vector<1x128xf32> to vector<512x128xf32>
    %add3A_326 = arith.addf %add3A_319, %add3A_325 : vector<512x128xf32>
    %max3A_327 = arith.constant 0.000000e+00 : f32
    %max3A_328 = vector.broadcast %max3A_327 : f32 to vector<512x128xf32>
    %max3A_329 = arith.maximumf %add3A_326, %max3A_328 : vector<512x128xf32>
    %convert_element_type3A_330 = arith.truncf %max3A_329 : vector<512x128xf32> to vector<512x128xbf16>
    %get3A_331 = arith.constant 5 : index
    %get3A_332 = arith.constant 0 : index
    %get3A_333 = arith.constant 0 : index
    %get3A_334 = vector.load %arg8[%get3A_331, %get3A_332, %get3A_333] : memref<6x128x128xf32, #tpu.memory_space<vmem>>, vector<1x128x128xf32>
    %get3A_335 = vector.shape_cast %get3A_334 : vector<1x128x128xf32> to vector<128x128xf32>
    %convert_element_type3A_336 = arith.truncf %get3A_335 : vector<128x128xf32> to vector<128x128xbf16>
    %dot_general3A_337 = arith.constant dense<0.000000e+00> : vector<512x128xf32>
    %dot_general3A_338 = tpu.matmul %convert_element_type3A_330, %convert_element_type3A_336, %dot_general3A_337 {dimension_numbers = #tpu.dot_dimension_numbers<[1], [0], [0], [1], [0, 0, 1, 1], [], []>, transpose_lhs_hint = false} : vector<512x128xbf16>, vector<128x128xbf16>, vector<512x128xf32> -> vector<512x128xf32>
    %get3A_339 = arith.constant 5 : index
    %get3A_340 = arith.constant 0 : index
    %get3A_341 = vector.load %arg9[%get3A_339, %get3A_340] : memref<6x128xf32, #tpu.memory_space<vmem>>, vector<1x128xf32>
    %get3A_342 = vector.shape_cast %get3A_341 : vector<1x128xf32> to vector<128xf32>
    %broadcast_in_dim3A_343 = vector.shape_cast %get3A_342 : vector<128xf32> to vector<1x128xf32>
    %add3A_344 = vector.broadcast %broadcast_in_dim3A_343 : vector<1x128xf32> to vector<512x128xf32>
    %add3A_345 = arith.addf %dot_general3A_338, %add3A_344 : vector<512x128xf32>
    %tanh3A_346 = math.tanh %add3A_345 : vector<512x128xf32>
    %eq3A_347 = arith.constant 5 : i32
    %eq3A_348 = vector.broadcast %eq3A_347 : i32 to vector<512x1xi32>
    %eq3A_349 = arith.cmpi eq, %get3A_11, %eq3A_348 : vector<512x1xi32>
    %convert_element_type3A_350 = arith.extui %eq3A_349 : vector<512x1xi1> to vector<512x1xi32>
    %convert_element_type3A_351 = arith.sitofp %convert_element_type3A_350 : vector<512x1xi32> to vector<512x1xf32>
    %get3A_352 = arith.constant 5 : index
    %get3A_353 = arith.constant 0 : index
    %get3A_354 = vector.load %arg10[%get3A_352, %get3A_353] : memref<6x128xf32, #tpu.memory_space<vmem>>, vector<1x128xf32>
    %get3A_355 = vector.shape_cast %get3A_354 : vector<1x128xf32> to vector<128xf32>
    %broadcast_in_dim3A_356 = vector.shape_cast %get3A_355 : vector<128xf32> to vector<1x128xf32>
    %add3A_357 = vector.broadcast %broadcast_in_dim3A_356 : vector<1x128xf32> to vector<512x128xf32>
    %add3A_358 = arith.addf %tanh3A_346, %add3A_357 : vector<512x128xf32>
    %mul3A_359 = vector.broadcast %convert_element_type3A_351 : vector<512x1xf32> to vector<512x128xf32>
    %mul3A_360 = arith.mulf %mul3A_359, %add3A_358 : vector<512x128xf32>
    %add3A_361 = arith.addf %add3A_302, %mul3A_360 : vector<512x128xf32>
    %swap3A = arith.constant 0 : index
    %swap3A_362 = arith.constant 0 : index
    %swap3A_363 = vector.load %arg11[%swap3A, %swap3A_362] : memref<512x128xf32, #tpu.memory_space<vmem>>, vector<512x128xf32>
    tpu.vector_store %arg11[%swap3A, %swap3A_362], %add3A_361 {strides = array<i32>} : memref<512x128xf32, #tpu.memory_space<vmem>>, vector<512x128xf32>,
    return
  }
  func.func @transform_0(%arg0: i32) -> (i32, i32) {
    %c0_i32 = arith.constant 0 : i32
    %c0_i32_0 = arith.constant 0 : i32
    return %arg0, %c0_i32 : i32, i32
  }
  func.func @transform_1(%arg0: i32) -> (i32, i32) {
    %c0_i32 = arith.constant 0 : i32
    %c0_i32_0 = arith.constant 0 : i32
    return %arg0, %c0_i32 : i32, i32
  }
  func.func @transform_2(%arg0: i32) -> (i32, i32) {
    %c0_i32 = arith.constant 0 : i32
    %c0_i32_0 = arith.constant 0 : i32
    return %arg0, %c0_i32 : i32, i32
  }
  func.func @transform_3(%arg0: i32) -> (i32, i32) {
    %c0_i32 = arith.constant 0 : i32
    %c0_i32_0 = arith.constant 0 : i32
    return %arg0, %c0_i32 : i32, i32
  }
  func.func @transform_4(%arg0: i32) -> (i32, i32, i32) {
    %c0_i32 = arith.constant 0 : i32
    %c0_i32_0 = arith.constant 0 : i32
    %c0_i32_1 = arith.constant 0 : i32
    %c0_i32_2 = arith.constant 0 : i32
    return %c0_i32, %c0_i32_0, %c0_i32_1 : i32, i32, i32
  }
  func.func @transform_5(%arg0: i32) -> (i32, i32, i32) {
    %c0_i32 = arith.constant 0 : i32
    %c0_i32_0 = arith.constant 0 : i32
    %c0_i32_1 = arith.constant 0 : i32
    %c0_i32_2 = arith.constant 0 : i32
    return %c0_i32, %c0_i32_0, %c0_i32_1 : i32, i32, i32
  }
  func.func @transform_6(%arg0: i32) -> (i32, i32) {
    %c0_i32 = arith.constant 0 : i32
    %c0_i32_0 = arith.constant 0 : i32
    %c0_i32_1 = arith.constant 0 : i32
    return %c0_i32, %c0_i32_0 : i32, i32
  }
  func.func @transform_7(%arg0: i32) -> (i32, i32, i32) {
    %c0_i32 = arith.constant 0 : i32
    %c0_i32_0 = arith.constant 0 : i32
    %c0_i32_1 = arith.constant 0 : i32
    %c0_i32_2 = arith.constant 0 : i32
    return %c0_i32, %c0_i32_0, %c0_i32_1 : i32, i32, i32
  }
  func.func @transform_8(%arg0: i32) -> (i32, i32) {
    %c0_i32 = arith.constant 0 : i32
    %c0_i32_0 = arith.constant 0 : i32
    %c0_i32_1 = arith.constant 0 : i32
    return %c0_i32, %c0_i32_0 : i32, i32
  }
  func.func @transform_9(%arg0: i32) -> (i32, i32) {
    %c0_i32 = arith.constant 0 : i32
    %c0_i32_0 = arith.constant 0 : i32
    %c0_i32_1 = arith.constant 0 : i32
    return %c0_i32, %c0_i32_0 : i32, i32
  }
  func.func @transform_10(%arg0: i32) -> (i32, i32) {
    %c0_i32 = arith.constant 0 : i32
    %c0_i32_0 = arith.constant 0 : i32
    return %arg0, %c0_i32 : i32, i32
  }
}

module attributes {stable_mosaic.version = 14 : i64} {
  func.func @_k4_body(%arg0: i32, %arg1: memref<512x128xf32, #tpu.memory_space<vmem>>, %arg2: memref<512x128xf32, #tpu.memory_space<vmem>>, %arg3: memref<512x128xf32, #tpu.memory_space<vmem>>, %arg4: memref<512x1xi32, #tpu.memory_space<vmem>>, %arg5: memref<6x128x128xf32, #tpu.memory_space<vmem>>, %arg6: memref<6x128x128xf32, #tpu.memory_space<vmem>>, %arg7: memref<6x128xf32, #tpu.memory_space<vmem>>, %arg8: memref<6x128x128xf32, #tpu.memory_space<vmem>>, %arg9: memref<6x128xf32, #tpu.memory_space<vmem>>, %arg10: memref<6x128xf32, #tpu.memory_space<vmem>>, %arg11: memref<512x128xf32, #tpu.memory_space<vmem>>) attributes {dimension_semantics = [#tpu.dimension_semantics<arbitrary>], iteration_bounds = array<i64: 20>, scalar_prefetch = 0 : i64, scratch_operands = 0 : i64, tpu.core_type = #tpu.core_type<tc>, window_params = [{transform_indices = @transform_0, window_bounds = array<i64: 512, 128>}, {transform_indices = @transform_1, window_bounds = array<i64: 512, 128>}, {transform_indices = @transform_2, window_bounds = array<i64: 512, 128>}, {transform_indices = @transform_3, window_bounds = array<i64: 512, 1>}, {pipeline_mode = #tpu.pipeline_mode<synchronous>, transform_indices = @transform_4, window_bounds = array<i64: 6, 128, 128>}, {pipeline_mode = #tpu.pipeline_mode<synchronous>, transform_indices = @transform_5, window_bounds = array<i64: 6, 128, 128>}, {pipeline_mode = #tpu.pipeline_mode<synchronous>, transform_indices = @transform_6, window_bounds = array<i64: 6, 128>}, {pipeline_mode = #tpu.pipeline_mode<synchronous>, transform_indices = @transform_7, window_bounds = array<i64: 6, 128, 128>}, {pipeline_mode = #tpu.pipeline_mode<synchronous>, transform_indices = @transform_8, window_bounds = array<i64: 6, 128>}, {pipeline_mode = #tpu.pipeline_mode<synchronous>, transform_indices = @transform_9, window_bounds = array<i64: 6, 128>}, {transform_indices = @transform_10, window_bounds = array<i64: 512, 128>}]} {
    %get3A = arith.constant 0 : index
    %get3A_0 = arith.constant 0 : index
    %get3A_1 = vector.load %arg1[%get3A, %get3A_0] : memref<512x128xf32, #tpu.memory_space<vmem>>, vector<512x128xf32>
    %get3A_2 = arith.constant 0 : index
    %get3A_3 = arith.constant 0 : index
    %get3A_4 = vector.load %arg2[%get3A_2, %get3A_3] : memref<512x128xf32, #tpu.memory_space<vmem>>, vector<512x128xf32>
    %get3A_5 = arith.constant 0 : index
    %get3A_6 = arith.constant 0 : index
    %get3A_7 = vector.load %arg3[%get3A_5, %get3A_6] : memref<512x128xf32, #tpu.memory_space<vmem>>, vector<512x128xf32>
    %add3A = arith.addf %get3A_4, %get3A_7 : vector<512x128xf32>
    %convert_element_type3A = arith.truncf %get3A_1 : vector<512x128xf32> to vector<512x128xbf16>
    %convert_element_type3A_8 = arith.truncf %add3A : vector<512x128xf32> to vector<512x128xbf16>
    %get3A_9 = arith.constant 0 : index
    %get3A_10 = arith.constant 0 : index
    %get3A_11 = vector.load %arg4[%get3A_9, %get3A_10] : memref<512x1xi32, #tpu.memory_space<vmem>>, vector<512x1xi32>
    %broadcast_in_dim3A = arith.constant 0.000000e+00 : f32
    %broadcast_in_dim3A_12 = vector.broadcast %broadcast_in_dim3A : f32 to vector<512x128xf32>
    %get3A_13 = arith.constant 0 : index
    %get3A_14 = arith.constant 0 : index
    %get3A_15 = arith.constant 0 : index
    %get3A_16 = vector.load %arg5[%get3A_13, %get3A_14, %get3A_15] : memref<6x128x128xf32, #tpu.memory_space<vmem>>, vector<1x128x128xf32>
    %get3A_17 = vector.shape_cast %get3A_16 : vector<1x128x128xf32> to vector<128x128xf32>
    %convert_element_type3A_18 = arith.truncf %get3A_17 : vector<128x128xf32> to vector<128x128xbf16>
    %dot_general3A = arith.constant dense<0.000000e+00> : vector<512x128xf32>
    %dot_general3A_19 = tpu.matmul %convert_element_type3A, %convert_element_type3A_18, %dot_general3A {dimension_numbers = #tpu.dot_dimension_numbers<[1], [0], [0], [1], [0, 0, 1, 1], [], []>, transpose_lhs_hint = false} : vector<512x128xbf16>, vector<128x128xbf16>, vector<512x128xf32> -> vector<512x128xf32>
    %get3A_20 = arith.constant 0 : index
    %get3A_21 = arith.constant 0 : index
    %get3A_22 = arith.constant 0 : index
    %get3A_23 = vector.load %arg6[%get3A_20, %get3A_21, %get3A_22] : memref<6x128x128xf32, #tpu.memory_space<vmem>>, vector<1x128x128xf32>
    %get3A_24 = vector.shape_cast %get3A_23 : vector<1x128x128xf32> to vector<128x128xf32>
    %convert_element_type3A_25 = arith.truncf %get3A_24 : vector<128x128xf32> to vector<128x128xbf16>
    %dot_general3A_26 = arith.constant dense<0.000000e+00> : vector<512x128xf32>
    %dot_general3A_27 = tpu.matmul %convert_element_type3A_8, %convert_element_type3A_25, %dot_general3A_26 {dimension_numbers = #tpu.dot_dimension_numbers<[1], [0], [0], [1], [0, 0, 1, 1], [], []>, transpose_lhs_hint = false} : vector<512x128xbf16>, vector<128x128xbf16>, vector<512x128xf32> -> vector<512x128xf32>
    %add3A_28 = arith.addf %dot_general3A_19, %dot_general3A_27 : vector<512x128xf32>
    %get3A_29 = arith.constant 0 : index
    %get3A_30 = arith.constant 0 : index
    %get3A_31 = vector.load %arg7[%get3A_29, %get3A_30] : memref<6x128xf32, #tpu.memory_space<vmem>>, vector<1x128xf32>
    %get3A_32 = vector.shape_cast %get3A_31 : vector<1x128xf32> to vector<128xf32>
    %broadcast_in_dim3A_33 = vector.shape_cast %get3A_32 : vector<128xf32> to vector<1x128xf32>
    %add3A_34 = vector.broadcast %broadcast_in_dim3A_33 : vector<1x128xf32> to vector<512x128xf32>
    %add3A_35 = arith.addf %add3A_28, %add3A_34 : vector<512x128xf32>
    %max3A = arith.constant 0.000000e+00 : f32
    %max3A_36 = vector.broadcast %max3A : f32 to vector<512x128xf32>
    %max3A_37 = arith.maximumf %add3A_35, %max3A_36 : vector<512x128xf32>
    %convert_element_type3A_38 = arith.truncf %max3A_37 : vector<512x128xf32> to vector<512x128xbf16>
    %get3A_39 = arith.constant 0 : index
    %get3A_40 = arith.constant 0 : index
    %get3A_41 = arith.constant 0 : index
    %get3A_42 = vector.load %arg8[%get3A_39, %get3A_40, %get3A_41] : memref<6x128x128xf32, #tpu.memory_space<vmem>>, vector<1x128x128xf32>
    %get3A_43 = vector.shape_cast %get3A_42 : vector<1x128x128xf32> to vector<128x128xf32>
    %convert_element_type3A_44 = arith.truncf %get3A_43 : vector<128x128xf32> to vector<128x128xbf16>
    %dot_general3A_45 = arith.constant dense<0.000000e+00> : vector<512x128xf32>
    %dot_general3A_46 = tpu.matmul %convert_element_type3A_38, %convert_element_type3A_44, %dot_general3A_45 {dimension_numbers = #tpu.dot_dimension_numbers<[1], [0], [0], [1], [0, 0, 1, 1], [], []>, transpose_lhs_hint = false} : vector<512x128xbf16>, vector<128x128xbf16>, vector<512x128xf32> -> vector<512x128xf32>
    %get3A_47 = arith.constant 0 : index
    %get3A_48 = arith.constant 0 : index
    %get3A_49 = vector.load %arg9[%get3A_47, %get3A_48] : memref<6x128xf32, #tpu.memory_space<vmem>>, vector<1x128xf32>
    %get3A_50 = vector.shape_cast %get3A_49 : vector<1x128xf32> to vector<128xf32>
    %broadcast_in_dim3A_51 = vector.shape_cast %get3A_50 : vector<128xf32> to vector<1x128xf32>
    %add3A_52 = vector.broadcast %broadcast_in_dim3A_51 : vector<1x128xf32> to vector<512x128xf32>
    %add3A_53 = arith.addf %dot_general3A_46, %add3A_52 : vector<512x128xf32>
    %tanh3A = math.tanh %add3A_53 : vector<512x128xf32>
    %eq3A = arith.constant 0 : i32
    %eq3A_54 = vector.broadcast %eq3A : i32 to vector<512x1xi32>
    %eq3A_55 = arith.cmpi eq, %get3A_11, %eq3A_54 : vector<512x1xi32>
    %convert_element_type3A_56 = arith.extui %eq3A_55 : vector<512x1xi1> to vector<512x1xi32>
    %convert_element_type3A_57 = arith.sitofp %convert_element_type3A_56 : vector<512x1xi32> to vector<512x1xf32>
    %get3A_58 = arith.constant 0 : index
    %get3A_59 = arith.constant 0 : index
    %get3A_60 = vector.load %arg10[%get3A_58, %get3A_59] : memref<6x128xf32, #tpu.memory_space<vmem>>, vector<1x128xf32>
    %get3A_61 = vector.shape_cast %get3A_60 : vector<1x128xf32> to vector<128xf32>
    %broadcast_in_dim3A_62 = vector.shape_cast %get3A_61 : vector<128xf32> to vector<1x128xf32>
    %add3A_63 = vector.broadcast %broadcast_in_dim3A_62 : vector<1x128xf32> to vector<512x128xf32>
    %add3A_64 = arith.addf %tanh3A, %add3A_63 : vector<512x128xf32>
    %mul3A = vector.broadcast %convert_element_type3A_57 : vector<512x1xf32> to vector<512x128xf32>
    %mul3A_65 = arith.mulf %mul3A, %add3A_64 : vector<512x128xf32>
    %add3A_66 = arith.addf %broadcast_in_dim3A_12, %mul3A_65 : vector<512x128xf32>
    %get3A_67 = arith.constant 1 : index
    %get3A_68 = arith.constant 0 : index
    %get3A_69 = arith.constant 0 : index
    %get3A_70 = vector.load %arg5[%get3A_67, %get3A_68, %get3A_69] : memref<6x128x128xf32, #tpu.memory_space<vmem>>, vector<1x128x128xf32>
    %get3A_71 = vector.shape_cast %get3A_70 : vector<1x128x128xf32> to vector<128x128xf32>
    %convert_element_type3A_72 = arith.truncf %get3A_71 : vector<128x128xf32> to vector<128x128xbf16>
    %dot_general3A_73 = arith.constant dense<0.000000e+00> : vector<512x128xf32>
    %dot_general3A_74 = tpu.matmul %convert_element_type3A, %convert_element_type3A_72, %dot_general3A_73 {dimension_numbers = #tpu.dot_dimension_numbers<[1], [0], [0], [1], [0, 0, 1, 1], [], []>, transpose_lhs_hint = false} : vector<512x128xbf16>, vector<128x128xbf16>, vector<512x128xf32> -> vector<512x128xf32>
    %get3A_75 = arith.constant 1 : index
    %get3A_76 = arith.constant 0 : index
    %get3A_77 = arith.constant 0 : index
    %get3A_78 = vector.load %arg6[%get3A_75, %get3A_76, %get3A_77] : memref<6x128x128xf32, #tpu.memory_space<vmem>>, vector<1x128x128xf32>
    %get3A_79 = vector.shape_cast %get3A_78 : vector<1x128x128xf32> to vector<128x128xf32>
    %convert_element_type3A_80 = arith.truncf %get3A_79 : vector<128x128xf32> to vector<128x128xbf16>
    %dot_general3A_81 = arith.constant dense<0.000000e+00> : vector<512x128xf32>
    %dot_general3A_82 = tpu.matmul %convert_element_type3A_8, %convert_element_type3A_80, %dot_general3A_81 {dimension_numbers = #tpu.dot_dimension_numbers<[1], [0], [0], [1], [0, 0, 1, 1], [], []>, transpose_lhs_hint = false} : vector<512x128xbf16>, vector<128x128xbf16>, vector<512x128xf32> -> vector<512x128xf32>
    %add3A_83 = arith.addf %dot_general3A_74, %dot_general3A_82 : vector<512x128xf32>
    %get3A_84 = arith.constant 1 : index
    %get3A_85 = arith.constant 0 : index
    %get3A_86 = vector.load %arg7[%get3A_84, %get3A_85] : memref<6x128xf32, #tpu.memory_space<vmem>>, vector<1x128xf32>
    %get3A_87 = vector.shape_cast %get3A_86 : vector<1x128xf32> to vector<128xf32>
    %broadcast_in_dim3A_88 = vector.shape_cast %get3A_87 : vector<128xf32> to vector<1x128xf32>
    %add3A_89 = vector.broadcast %broadcast_in_dim3A_88 : vector<1x128xf32> to vector<512x128xf32>
    %add3A_90 = arith.addf %add3A_83, %add3A_89 : vector<512x128xf32>
    %max3A_91 = arith.constant 0.000000e+00 : f32
    %max3A_92 = vector.broadcast %max3A_91 : f32 to vector<512x128xf32>
    %max3A_93 = arith.maximumf %add3A_90, %max3A_92 : vector<512x128xf32>
    %convert_element_type3A_94 = arith.truncf %max3A_93 : vector<512x128xf32> to vector<512x128xbf16>
    %get3A_95 = arith.constant 1 : index
    %get3A_96 = arith.constant 0 : index
    %get3A_97 = arith.constant 0 : index
    %get3A_98 = vector.load %arg8[%get3A_95, %get3A_96, %get3A_97] : memref<6x128x128xf32, #tpu.memory_space<vmem>>, vector<1x128x128xf32>
    %get3A_99 = vector.shape_cast %get3A_98 : vector<1x128x128xf32> to vector<128x128xf32>
    %convert_element_type3A_100 = arith.truncf %get3A_99 : vector<128x128xf32> to vector<128x128xbf16>
    %dot_general3A_101 = arith.constant dense<0.000000e+00> : vector<512x128xf32>
    %dot_general3A_102 = tpu.matmul %convert_element_type3A_94, %convert_element_type3A_100, %dot_general3A_101 {dimension_numbers = #tpu.dot_dimension_numbers<[1], [0], [0], [1], [0, 0, 1, 1], [], []>, transpose_lhs_hint = false} : vector<512x128xbf16>, vector<128x128xbf16>, vector<512x128xf32> -> vector<512x128xf32>
    %get3A_103 = arith.constant 1 : index
    %get3A_104 = arith.constant 0 : index
    %get3A_105 = vector.load %arg9[%get3A_103, %get3A_104] : memref<6x128xf32, #tpu.memory_space<vmem>>, vector<1x128xf32>
    %get3A_106 = vector.shape_cast %get3A_105 : vector<1x128xf32> to vector<128xf32>
    %broadcast_in_dim3A_107 = vector.shape_cast %get3A_106 : vector<128xf32> to vector<1x128xf32>
    %add3A_108 = vector.broadcast %broadcast_in_dim3A_107 : vector<1x128xf32> to vector<512x128xf32>
    %add3A_109 = arith.addf %dot_general3A_102, %add3A_108 : vector<512x128xf32>
    %tanh3A_110 = math.tanh %add3A_109 : vector<512x128xf32>
    %eq3A_111 = arith.constant 1 : i32
    %eq3A_112 = vector.broadcast %eq3A_111 : i32 to vector<512x1xi32>
    %eq3A_113 = arith.cmpi eq, %get3A_11, %eq3A_112 : vector<512x1xi32>
    %convert_element_type3A_114 = arith.extui %eq3A_113 : vector<512x1xi1> to vector<512x1xi32>
    %convert_element_type3A_115 = arith.sitofp %convert_element_type3A_114 : vector<512x1xi32> to vector<512x1xf32>
    %get3A_116 = arith.constant 1 : index
    %get3A_117 = arith.constant 0 : index
    %get3A_118 = vector.load %arg10[%get3A_116, %get3A_117] : memref<6x128xf32, #tpu.memory_space<vmem>>, vector<1x128xf32>
    %get3A_119 = vector.shape_cast %get3A_118 : vector<1x128xf32> to vector<128xf32>
    %broadcast_in_dim3A_120 = vector.shape_cast %get3A_119 : vector<128xf32> to vector<1x128xf32>
    %add3A_121 = vector.broadcast %broadcast_in_dim3A_120 : vector<1x128xf32> to vector<512x128xf32>
    %add3A_122 = arith.addf %tanh3A_110, %add3A_121 : vector<512x128xf32>
    %mul3A_123 = vector.broadcast %convert_element_type3A_115 : vector<512x1xf32> to vector<512x128xf32>
    %mul3A_124 = arith.mulf %mul3A_123, %add3A_122 : vector<512x128xf32>
    %add3A_125 = arith.addf %add3A_66, %mul3A_124 : vector<512x128xf32>
    %get3A_126 = arith.constant 2 : index
    %get3A_127 = arith.constant 0 : index
    %get3A_128 = arith.constant 0 : index
    %get3A_129 = vector.load %arg5[%get3A_126, %get3A_127, %get3A_128] : memref<6x128x128xf32, #tpu.memory_space<vmem>>, vector<1x128x128xf32>
    %get3A_130 = vector.shape_cast %get3A_129 : vector<1x128x128xf32> to vector<128x128xf32>
    %convert_element_type3A_131 = arith.truncf %get3A_130 : vector<128x128xf32> to vector<128x128xbf16>
    %dot_general3A_132 = arith.constant dense<0.000000e+00> : vector<512x128xf32>
    %dot_general3A_133 = tpu.matmul %convert_element_type3A, %convert_element_type3A_131, %dot_general3A_132 {dimension_numbers = #tpu.dot_dimension_numbers<[1], [0], [0], [1], [0, 0, 1, 1], [], []>, transpose_lhs_hint = false} : vector<512x128xbf16>, vector<128x128xbf16>, vector<512x128xf32> -> vector<512x128xf32>
    %get3A_134 = arith.constant 2 : index
    %get3A_135 = arith.constant 0 : index
    %get3A_136 = arith.constant 0 : index
    %get3A_137 = vector.load %arg6[%get3A_134, %get3A_135, %get3A_136] : memref<6x128x128xf32, #tpu.memory_space<vmem>>, vector<1x128x128xf32>
    %get3A_138 = vector.shape_cast %get3A_137 : vector<1x128x128xf32> to vector<128x128xf32>
    %convert_element_type3A_139 = arith.truncf %get3A_138 : vector<128x128xf32> to vector<128x128xbf16>
    %dot_general3A_140 = arith.constant dense<0.000000e+00> : vector<512x128xf32>
    %dot_general3A_141 = tpu.matmul %convert_element_type3A_8, %convert_element_type3A_139, %dot_general3A_140 {dimension_numbers = #tpu.dot_dimension_numbers<[1], [0], [0], [1], [0, 0, 1, 1], [], []>, transpose_lhs_hint = false} : vector<512x128xbf16>, vector<128x128xbf16>, vector<512x128xf32> -> vector<512x128xf32>
    %add3A_142 = arith.addf %dot_general3A_133, %dot_general3A_141 : vector<512x128xf32>
    %get3A_143 = arith.constant 2 : index
    %get3A_144 = arith.constant 0 : index
    %get3A_145 = vector.load %arg7[%get3A_143, %get3A_144] : memref<6x128xf32, #tpu.memory_space<vmem>>, vector<1x128xf32>
    %get3A_146 = vector.shape_cast %get3A_145 : vector<1x128xf32> to vector<128xf32>
    %broadcast_in_dim3A_147 = vector.shape_cast %get3A_146 : vector<128xf32> to vector<1x128xf32>
    %add3A_148 = vector.broadcast %broadcast_in_dim3A_147 : vector<1x128xf32> to vector<512x128xf32>
    %add3A_149 = arith.addf %add3A_142, %add3A_148 : vector<512x128xf32>
    %max3A_150 = arith.constant 0.000000e+00 : f32
    %max3A_151 = vector.broadcast %max3A_150 : f32 to vector<512x128xf32>
    %max3A_152 = arith.maximumf %add3A_149, %max3A_151 : vector<512x128xf32>
    %convert_element_type3A_153 = arith.truncf %max3A_152 : vector<512x128xf32> to vector<512x128xbf16>
    %get3A_154 = arith.constant 2 : index
    %get3A_155 = arith.constant 0 : index
    %get3A_156 = arith.constant 0 : index
    %get3A_157 = vector.load %arg8[%get3A_154, %get3A_155, %get3A_156] : memref<6x128x128xf32, #tpu.memory_space<vmem>>, vector<1x128x128xf32>
    %get3A_158 = vector.shape_cast %get3A_157 : vector<1x128x128xf32> to vector<128x128xf32>
    %convert_element_type3A_159 = arith.truncf %get3A_158 : vector<128x128xf32> to vector<128x128xbf16>
    %dot_general3A_160 = arith.constant dense<0.000000e+00> : vector<512x128xf32>
    %dot_general3A_161 = tpu.matmul %convert_element_type3A_153, %convert_element_type3A_159, %dot_general3A_160 {dimension_numbers = #tpu.dot_dimension_numbers<[1], [0], [0], [1], [0, 0, 1, 1], [], []>, transpose_lhs_hint = false} : vector<512x128xbf16>, vector<128x128xbf16>, vector<512x128xf32> -> vector<512x128xf32>
    %get3A_162 = arith.constant 2 : index
    %get3A_163 = arith.constant 0 : index
    %get3A_164 = vector.load %arg9[%get3A_162, %get3A_163] : memref<6x128xf32, #tpu.memory_space<vmem>>, vector<1x128xf32>
    %get3A_165 = vector.shape_cast %get3A_164 : vector<1x128xf32> to vector<128xf32>
    %broadcast_in_dim3A_166 = vector.shape_cast %get3A_165 : vector<128xf32> to vector<1x128xf32>
    %add3A_167 = vector.broadcast %broadcast_in_dim3A_166 : vector<1x128xf32> to vector<512x128xf32>
    %add3A_168 = arith.addf %dot_general3A_161, %add3A_167 : vector<512x128xf32>
    %tanh3A_169 = math.tanh %add3A_168 : vector<512x128xf32>
    %eq3A_170 = arith.constant 2 : i32
    %eq3A_171 = vector.broadcast %eq3A_170 : i32 to vector<512x1xi32>
    %eq3A_172 = arith.cmpi eq, %get3A_11, %eq3A_171 : vector<512x1xi32>
    %convert_element_type3A_173 = arith.extui %eq3A_172 : vector<512x1xi1> to vector<512x1xi32>
    %convert_element_type3A_174 = arith.sitofp %convert_element_type3A_173 : vector<512x1xi32> to vector<512x1xf32>
    %get3A_175 = arith.constant 2 : index
    %get3A_176 = arith.constant 0 : index
    %get3A_177 = vector.load %arg10[%get3A_175, %get3A_176] : memref<6x128xf32, #tpu.memory_space<vmem>>, vector<1x128xf32>
    %get3A_178 = vector.shape_cast %get3A_177 : vector<1x128xf32> to vector<128xf32>
    %broadcast_in_dim3A_179 = vector.shape_cast %get3A_178 : vector<128xf32> to vector<1x128xf32>
    %add3A_180 = vector.broadcast %broadcast_in_dim3A_179 : vector<1x128xf32> to vector<512x128xf32>
    %add3A_181 = arith.addf %tanh3A_169, %add3A_180 : vector<512x128xf32>
    %mul3A_182 = vector.broadcast %convert_element_type3A_174 : vector<512x1xf32> to vector<512x128xf32>
    %mul3A_183 = arith.mulf %mul3A_182, %add3A_181 : vector<512x128xf32>
    %add3A_184 = arith.addf %add3A_125, %mul3A_183 : vector<512x128xf32>
    %get3A_185 = arith.constant 3 : index
    %get3A_186 = arith.constant 0 : index
    %get3A_187 = arith.constant 0 : index
    %get3A_188 = vector.load %arg5[%get3A_185, %get3A_186, %get3A_187] : memref<6x128x128xf32, #tpu.memory_space<vmem>>, vector<1x128x128xf32>
    %get3A_189 = vector.shape_cast %get3A_188 : vector<1x128x128xf32> to vector<128x128xf32>
    %convert_element_type3A_190 = arith.truncf %get3A_189 : vector<128x128xf32> to vector<128x128xbf16>
    %dot_general3A_191 = arith.constant dense<0.000000e+00> : vector<512x128xf32>
    %dot_general3A_192 = tpu.matmul %convert_element_type3A, %convert_element_type3A_190, %dot_general3A_191 {dimension_numbers = #tpu.dot_dimension_numbers<[1], [0], [0], [1], [0, 0, 1, 1], [], []>, transpose_lhs_hint = false} : vector<512x128xbf16>, vector<128x128xbf16>, vector<512x128xf32> -> vector<512x128xf32>
    %get3A_193 = arith.constant 3 : index
    %get3A_194 = arith.constant 0 : index
    %get3A_195 = arith.constant 0 : index
    %get3A_196 = vector.load %arg6[%get3A_193, %get3A_194, %get3A_195] : memref<6x128x128xf32, #tpu.memory_space<vmem>>, vector<1x128x128xf32>
    %get3A_197 = vector.shape_cast %get3A_196 : vector<1x128x128xf32> to vector<128x128xf32>
    %convert_element_type3A_198 = arith.truncf %get3A_197 : vector<128x128xf32> to vector<128x128xbf16>
    %dot_general3A_199 = arith.constant dense<0.000000e+00> : vector<512x128xf32>
    %dot_general3A_200 = tpu.matmul %convert_element_type3A_8, %convert_element_type3A_198, %dot_general3A_199 {dimension_numbers = #tpu.dot_dimension_numbers<[1], [0], [0], [1], [0, 0, 1, 1], [], []>, transpose_lhs_hint = false} : vector<512x128xbf16>, vector<128x128xbf16>, vector<512x128xf32> -> vector<512x128xf32>
    %add3A_201 = arith.addf %dot_general3A_192, %dot_general3A_200 : vector<512x128xf32>
    %get3A_202 = arith.constant 3 : index
    %get3A_203 = arith.constant 0 : index
    %get3A_204 = vector.load %arg7[%get3A_202, %get3A_203] : memref<6x128xf32, #tpu.memory_space<vmem>>, vector<1x128xf32>
    %get3A_205 = vector.shape_cast %get3A_204 : vector<1x128xf32> to vector<128xf32>
    %broadcast_in_dim3A_206 = vector.shape_cast %get3A_205 : vector<128xf32> to vector<1x128xf32>
    %add3A_207 = vector.broadcast %broadcast_in_dim3A_206 : vector<1x128xf32> to vector<512x128xf32>
    %add3A_208 = arith.addf %add3A_201, %add3A_207 : vector<512x128xf32>
    %max3A_209 = arith.constant 0.000000e+00 : f32
    %max3A_210 = vector.broadcast %max3A_209 : f32 to vector<512x128xf32>
    %max3A_211 = arith.maximumf %add3A_208, %max3A_210 : vector<512x128xf32>
    %convert_element_type3A_212 = arith.truncf %max3A_211 : vector<512x128xf32> to vector<512x128xbf16>
    %get3A_213 = arith.constant 3 : index
    %get3A_214 = arith.constant 0 : index
    %get3A_215 = arith.constant 0 : index
    %get3A_216 = vector.load %arg8[%get3A_213, %get3A_214, %get3A_215] : memref<6x128x128xf32, #tpu.memory_space<vmem>>, vector<1x128x128xf32>
    %get3A_217 = vector.shape_cast %get3A_216 : vector<1x128x128xf32> to vector<128x128xf32>
    %convert_element_type3A_218 = arith.truncf %get3A_217 : vector<128x128xf32> to vector<128x128xbf16>
    %dot_general3A_219 = arith.constant dense<0.000000e+00> : vector<512x128xf32>
    %dot_general3A_220 = tpu.matmul %convert_element_type3A_212, %convert_element_type3A_218, %dot_general3A_219 {dimension_numbers = #tpu.dot_dimension_numbers<[1], [0], [0], [1], [0, 0, 1, 1], [], []>, transpose_lhs_hint = false} : vector<512x128xbf16>, vector<128x128xbf16>, vector<512x128xf32> -> vector<512x128xf32>
    %get3A_221 = arith.constant 3 : index
    %get3A_222 = arith.constant 0 : index
    %get3A_223 = vector.load %arg9[%get3A_221, %get3A_222] : memref<6x128xf32, #tpu.memory_space<vmem>>, vector<1x128xf32>
    %get3A_224 = vector.shape_cast %get3A_223 : vector<1x128xf32> to vector<128xf32>
    %broadcast_in_dim3A_225 = vector.shape_cast %get3A_224 : vector<128xf32> to vector<1x128xf32>
    %add3A_226 = vector.broadcast %broadcast_in_dim3A_225 : vector<1x128xf32> to vector<512x128xf32>
    %add3A_227 = arith.addf %dot_general3A_220, %add3A_226 : vector<512x128xf32>
    %tanh3A_228 = math.tanh %add3A_227 : vector<512x128xf32>
    %eq3A_229 = arith.constant 3 : i32
    %eq3A_230 = vector.broadcast %eq3A_229 : i32 to vector<512x1xi32>
    %eq3A_231 = arith.cmpi eq, %get3A_11, %eq3A_230 : vector<512x1xi32>
    %convert_element_type3A_232 = arith.extui %eq3A_231 : vector<512x1xi1> to vector<512x1xi32>
    %convert_element_type3A_233 = arith.sitofp %convert_element_type3A_232 : vector<512x1xi32> to vector<512x1xf32>
    %get3A_234 = arith.constant 3 : index
    %get3A_235 = arith.constant 0 : index
    %get3A_236 = vector.load %arg10[%get3A_234, %get3A_235] : memref<6x128xf32, #tpu.memory_space<vmem>>, vector<1x128xf32>
    %get3A_237 = vector.shape_cast %get3A_236 : vector<1x128xf32> to vector<128xf32>
    %broadcast_in_dim3A_238 = vector.shape_cast %get3A_237 : vector<128xf32> to vector<1x128xf32>
    %add3A_239 = vector.broadcast %broadcast_in_dim3A_238 : vector<1x128xf32> to vector<512x128xf32>
    %add3A_240 = arith.addf %tanh3A_228, %add3A_239 : vector<512x128xf32>
    %mul3A_241 = vector.broadcast %convert_element_type3A_233 : vector<512x1xf32> to vector<512x128xf32>
    %mul3A_242 = arith.mulf %mul3A_241, %add3A_240 : vector<512x128xf32>
    %add3A_243 = arith.addf %add3A_184, %mul3A_242 : vector<512x128xf32>
    %get3A_244 = arith.constant 4 : index
    %get3A_245 = arith.constant 0 : index
    %get3A_246 = arith.constant 0 : index
    %get3A_247 = vector.load %arg5[%get3A_244, %get3A_245, %get3A_246] : memref<6x128x128xf32, #tpu.memory_space<vmem>>, vector<1x128x128xf32>
    %get3A_248 = vector.shape_cast %get3A_247 : vector<1x128x128xf32> to vector<128x128xf32>
    %convert_element_type3A_249 = arith.truncf %get3A_248 : vector<128x128xf32> to vector<128x128xbf16>
    %dot_general3A_250 = arith.constant dense<0.000000e+00> : vector<512x128xf32>
    %dot_general3A_251 = tpu.matmul %convert_element_type3A, %convert_element_type3A_249, %dot_general3A_250 {dimension_numbers = #tpu.dot_dimension_numbers<[1], [0], [0], [1], [0, 0, 1, 1], [], []>, transpose_lhs_hint = false} : vector<512x128xbf16>, vector<128x128xbf16>, vector<512x128xf32> -> vector<512x128xf32>
    %get3A_252 = arith.constant 4 : index
    %get3A_253 = arith.constant 0 : index
    %get3A_254 = arith.constant 0 : index
    %get3A_255 = vector.load %arg6[%get3A_252, %get3A_253, %get3A_254] : memref<6x128x128xf32, #tpu.memory_space<vmem>>, vector<1x128x128xf32>
    %get3A_256 = vector.shape_cast %get3A_255 : vector<1x128x128xf32> to vector<128x128xf32>
    %convert_element_type3A_257 = arith.truncf %get3A_256 : vector<128x128xf32> to vector<128x128xbf16>
    %dot_general3A_258 = arith.constant dense<0.000000e+00> : vector<512x128xf32>
    %dot_general3A_259 = tpu.matmul %convert_element_type3A_8, %convert_element_type3A_257, %dot_general3A_258 {dimension_numbers = #tpu.dot_dimension_numbers<[1], [0], [0], [1], [0, 0, 1, 1], [], []>, transpose_lhs_hint = false} : vector<512x128xbf16>, vector<128x128xbf16>, vector<512x128xf32> -> vector<512x128xf32>
    %add3A_260 = arith.addf %dot_general3A_251, %dot_general3A_259 : vector<512x128xf32>
    %get3A_261 = arith.constant 4 : index
    %get3A_262 = arith.constant 0 : index
    %get3A_263 = vector.load %arg7[%get3A_261, %get3A_262] : memref<6x128xf32, #tpu.memory_space<vmem>>, vector<1x128xf32>
    %get3A_264 = vector.shape_cast %get3A_263 : vector<1x128xf32> to vector<128xf32>
    %broadcast_in_dim3A_265 = vector.shape_cast %get3A_264 : vector<128xf32> to vector<1x128xf32>
    %add3A_266 = vector.broadcast %broadcast_in_dim3A_265 : vector<1x128xf32> to vector<512x128xf32>
    %add3A_267 = arith.addf %add3A_260, %add3A_266 : vector<512x128xf32>
    %max3A_268 = arith.constant 0.000000e+00 : f32
    %max3A_269 = vector.broadcast %max3A_268 : f32 to vector<512x128xf32>
    %max3A_270 = arith.maximumf %add3A_267, %max3A_269 : vector<512x128xf32>
    %convert_element_type3A_271 = arith.truncf %max3A_270 : vector<512x128xf32> to vector<512x128xbf16>
    %get3A_272 = arith.constant 4 : index
    %get3A_273 = arith.constant 0 : index
    %get3A_274 = arith.constant 0 : index
    %get3A_275 = vector.load %arg8[%get3A_272, %get3A_273, %get3A_274] : memref<6x128x128xf32, #tpu.memory_space<vmem>>, vector<1x128x128xf32>
    %get3A_276 = vector.shape_cast %get3A_275 : vector<1x128x128xf32> to vector<128x128xf32>
    %convert_element_type3A_277 = arith.truncf %get3A_276 : vector<128x128xf32> to vector<128x128xbf16>
    %dot_general3A_278 = arith.constant dense<0.000000e+00> : vector<512x128xf32>
    %dot_general3A_279 = tpu.matmul %convert_element_type3A_271, %convert_element_type3A_277, %dot_general3A_278 {dimension_numbers = #tpu.dot_dimension_numbers<[1], [0], [0], [1], [0, 0, 1, 1], [], []>, transpose_lhs_hint = false} : vector<512x128xbf16>, vector<128x128xbf16>, vector<512x128xf32> -> vector<512x128xf32>
    %get3A_280 = arith.constant 4 : index
    %get3A_281 = arith.constant 0 : index
    %get3A_282 = vector.load %arg9[%get3A_280, %get3A_281] : memref<6x128xf32, #tpu.memory_space<vmem>>, vector<1x128xf32>
    %get3A_283 = vector.shape_cast %get3A_282 : vector<1x128xf32> to vector<128xf32>
    %broadcast_in_dim3A_284 = vector.shape_cast %get3A_283 : vector<128xf32> to vector<1x128xf32>
    %add3A_285 = vector.broadcast %broadcast_in_dim3A_284 : vector<1x128xf32> to vector<512x128xf32>
    %add3A_286 = arith.addf %dot_general3A_279, %add3A_285 : vector<512x128xf32>
    %tanh3A_287 = math.tanh %add3A_286 : vector<512x128xf32>
    %eq3A_288 = arith.constant 4 : i32
    %eq3A_289 = vector.broadcast %eq3A_288 : i32 to vector<512x1xi32>
    %eq3A_290 = arith.cmpi eq, %get3A_11, %eq3A_289 : vector<512x1xi32>
    %convert_element_type3A_291 = arith.extui %eq3A_290 : vector<512x1xi1> to vector<512x1xi32>
    %convert_element_type3A_292 = arith.sitofp %convert_element_type3A_291 : vector<512x1xi32> to vector<512x1xf32>
    %get3A_293 = arith.constant 4 : index
    %get3A_294 = arith.constant 0 : index
    %get3A_295 = vector.load %arg10[%get3A_293, %get3A_294] : memref<6x128xf32, #tpu.memory_space<vmem>>, vector<1x128xf32>
    %get3A_296 = vector.shape_cast %get3A_295 : vector<1x128xf32> to vector<128xf32>
    %broadcast_in_dim3A_297 = vector.shape_cast %get3A_296 : vector<128xf32> to vector<1x128xf32>
    %add3A_298 = vector.broadcast %broadcast_in_dim3A_297 : vector<1x128xf32> to vector<512x128xf32>
    %add3A_299 = arith.addf %tanh3A_287, %add3A_298 : vector<512x128xf32>
    %mul3A_300 = vector.broadcast %convert_element_type3A_292 : vector<512x1xf32> to vector<512x128xf32>
    %mul3A_301 = arith.mulf %mul3A_300, %add3A_299 : vector<512x128xf32>
    %add3A_302 = arith.addf %add3A_243, %mul3A_301 : vector<512x128xf32>
    %get3A_303 = arith.constant 5 : index
    %get3A_304 = arith.constant 0 : index
    %get3A_305 = arith.constant 0 : index
    %get3A_306 = vector.load %arg5[%get3A_303, %get3A_304, %get3A_305] : memref<6x128x128xf32, #tpu.memory_space<vmem>>, vector<1x128x128xf32>
    %get3A_307 = vector.shape_cast %get3A_306 : vector<1x128x128xf32> to vector<128x128xf32>
    %convert_element_type3A_308 = arith.truncf %get3A_307 : vector<128x128xf32> to vector<128x128xbf16>
    %dot_general3A_309 = arith.constant dense<0.000000e+00> : vector<512x128xf32>
    %dot_general3A_310 = tpu.matmul %convert_element_type3A, %convert_element_type3A_308, %dot_general3A_309 {dimension_numbers = #tpu.dot_dimension_numbers<[1], [0], [0], [1], [0, 0, 1, 1], [], []>, transpose_lhs_hint = false} : vector<512x128xbf16>, vector<128x128xbf16>, vector<512x128xf32> -> vector<512x128xf32>
    %get3A_311 = arith.constant 5 : index
    %get3A_312 = arith.constant 0 : index
    %get3A_313 = arith.constant 0 : index
    %get3A_314 = vector.load %arg6[%get3A_311, %get3A_312, %get3A_313] : memref<6x128x128xf32, #tpu.memory_space<vmem>>, vector<1x128x128xf32>
    %get3A_315 = vector.shape_cast %get3A_314 : vector<1x128x128xf32> to vector<128x128xf32>
    %convert_element_type3A_316 = arith.truncf %get3A_315 : vector<128x128xf32> to vector<128x128xbf16>
    %dot_general3A_317 = arith.constant dense<0.000000e+00> : vector<512x128xf32>
    %dot_general3A_318 = tpu.matmul %convert_element_type3A_8, %convert_element_type3A_316, %dot_general3A_317 {dimension_numbers = #tpu.dot_dimension_numbers<[1], [0], [0], [1], [0, 0, 1, 1], [], []>, transpose_lhs_hint = false} : vector<512x128xbf16>, vector<128x128xbf16>, vector<512x128xf32> -> vector<512x128xf32>
    %add3A_319 = arith.addf %dot_general3A_310, %dot_general3A_318 : vector<512x128xf32>
    %get3A_320 = arith.constant 5 : index
    %get3A_321 = arith.constant 0 : index
    %get3A_322 = vector.load %arg7[%get3A_320, %get3A_321] : memref<6x128xf32, #tpu.memory_space<vmem>>, vector<1x128xf32>
    %get3A_323 = vector.shape_cast %get3A_322 : vector<1x128xf32> to vector<128xf32>
    %broadcast_in_dim3A_324 = vector.shape_cast %get3A_323 : vector<128xf32> to vector<1x128xf32>
    %add3A_325 = vector.broadcast %broadcast_in_dim3A_324 : vector<1x128xf32> to vector<512x128xf32>
    %add3A_326 = arith.addf %add3A_319, %add3A_325 : vector<512x128xf32>
    %max3A_327 = arith.constant 0.000000e+00 : f32
    %max3A_328 = vector.broadcast %max3A_327 : f32 to vector<512x128xf32>
    %max3A_329 = arith.maximumf %add3A_326, %max3A_328 : vector<512x128xf32>
    %convert_element_type3A_330 = arith.truncf %max3A_329 : vector<512x128xf32> to vector<512x128xbf16>
    %get3A_331 = arith.constant 5 : index
    %get3A_332 = arith.constant 0 : index
    %get3A_333 = arith.constant 0 : index
    %get3A_334 = vector.load %arg8[%get3A_331, %get3A_332, %get3A_333] : memref<6x128x128xf32, #tpu.memory_space<vmem>>, vector<1x128x128xf32>
    %get3A_335 = vector.shape_cast %get3A_334 : vector<1x128x128xf32> to vector<128x128xf32>
    %convert_element_type3A_336 = arith.truncf %get3A_335 : vector<128x128xf32> to vector<128x128xbf16>
    %dot_general3A_337 = arith.constant dense<0.000000e+00> : vector<512x128xf32>
    %dot_general3A_338 = tpu.matmul %convert_element_type3A_330, %convert_element_type3A_336, %dot_general3A_337 {dimension_numbers = #tpu.dot_dimension_numbers<[1], [0], [0], [1], [0, 0, 1, 1], [], []>, transpose_lhs_hint = false} : vector<512x128xbf16>, vector<128x128xbf16>, vector<512x128xf32> -> vector<512x128xf32>
    %get3A_339 = arith.constant 5 : index
    %get3A_340 = arith.constant 0 : index
    %get3A_341 = vector.load %arg9[%get3A_339, %get3A_340] : memref<6x128xf32, #tpu.memory_space<vmem>>, vector<1x128xf32>
    %get3A_342 = vector.shape_cast %get3A_341 : vector<1x128xf32> to vector<128xf32>
    %broadcast_in_dim3A_343 = vector.shape_cast %get3A_342 : vector<128xf32> to vector<1x128xf32>
    %add3A_344 = vector.broadcast %broadcast_in_dim3A_343 : vector<1x128xf32> to vector<512x128xf32>
    %add3A_345 = arith.addf %dot_general3A_338, %add3A_344 : vector<512x128xf32>
    %tanh3A_346 = math.tanh %add3A_345 : vector<512x128xf32>
    %eq3A_347 = arith.constant 5 : i32
    %eq3A_348 = vector.broadcast %eq3A_347 : i32 to vector<512x1xi32>
    %eq3A_349 = arith.cmpi eq, %get3A_11, %eq3A_348 : vector<512x1xi32>
    %convert_element_type3A_350 = arith.extui %eq3A_349 : vector<512x1xi1> to vector<512x1xi32>
    %convert_element_type3A_351 = arith.sitofp %convert_element_type3A_350 : vector<512x1xi32> to vector<512x1xf32>
    %get3A_352 = arith.constant 5 : index
    %get3A_353 = arith.constant 0 : index
    %get3A_354 = vector.load %arg10[%get3A_352, %get3A_353] : memref<6x128xf32, #tpu.memory_space<vmem>>, vector<1x128xf32>
    %get3A_355 = vector.shape_cast %get3A_354 : vector<1x128xf32> to vector<128xf32>
    %broadcast_in_dim3A_356 = vector.shape_cast %get3A_355 : vector<128xf32> to vector<1x128xf32>
    %add3A_357 = vector.broadcast %broadcast_in_dim3A_356 : vector<1x128xf32> to vector<512x128xf32>
    %add3A_358 = arith.addf %tanh3A_346, %add3A_357 : vector<512x128xf32>
    %mul3A_359 = vector.broadcast %convert_element_type3A_351 : vector<512x1xf32> to vector<512x128xf32>
    %mul3A_360 = arith.mulf %mul3A_359, %add3A_358 : vector<512x128xf32>
    %add3A_361 = arith.addf %add3A_302, %mul3A_360 : vector<512x128xf32>
    %swap3A = arith.constant 0 : index
    %swap3A_362 = arith.constant 0 : index
    %swap3A_363 = vector.load %arg11[%swap3A, %swap3A_362] : memref<512x128xf32, #tpu.memory_space<vmem>>, vector<512x128xf32>
    tpu.vector_store %arg11[%swap3A, %swap3A_362], %add3A_361 {strides = array<i32>} : memref<512x128xf32, #tpu.memory_space<vmem>>, vector<512x128xf32>,
    return
  }
  func.func @transform_0(%arg0: i32) -> (i32, i32) {
    %c0_i32 = arith.constant 0 : i32
    %c0_i32_0 = arith.constant 0 : i32
    return %arg0, %c0_i32 : i32, i32
  }
  func.func @transform_1(%arg0: i32) -> (i32, i32) {
    %c0_i32 = arith.constant 0 : i32
    %c0_i32_0 = arith.constant 0 : i32
    return %arg0, %c0_i32 : i32, i32
  }
  func.func @transform_2(%arg0: i32) -> (i32, i32) {
    %c0_i32 = arith.constant 0 : i32
    %c0_i32_0 = arith.constant 0 : i32
    return %arg0, %c0_i32 : i32, i32
  }
  func.func @transform_3(%arg0: i32) -> (i32, i32) {
    %c0_i32 = arith.constant 0 : i32
    %c0_i32_0 = arith.constant 0 : i32
    return %arg0, %c0_i32 : i32, i32
  }
  func.func @transform_4(%arg0: i32) -> (i32, i32, i32) {
    %c0_i32 = arith.constant 0 : i32
    %c0_i32_0 = arith.constant 0 : i32
    %c0_i32_1 = arith.constant 0 : i32
    %c0_i32_2 = arith.constant 0 : i32
    return %c0_i32, %c0_i32_0, %c0_i32_1 : i32, i32, i32
  }
  func.func @transform_5(%arg0: i32) -> (i32, i32, i32) {
    %c0_i32 = arith.constant 0 : i32
    %c0_i32_0 = arith.constant 0 : i32
    %c0_i32_1 = arith.constant 0 : i32
    %c0_i32_2 = arith.constant 0 : i32
    return %c0_i32, %c0_i32_0, %c0_i32_1 : i32, i32, i32
  }
  func.func @transform_6(%arg0: i32) -> (i32, i32) {
    %c0_i32 = arith.constant 0 : i32
    %c0_i32_0 = arith.constant 0 : i32
    %c0_i32_1 = arith.constant 0 : i32
    return %c0_i32, %c0_i32_0 : i32, i32
  }
  func.func @transform_7(%arg0: i32) -> (i32, i32, i32) {
    %c0_i32 = arith.constant 0 : i32
    %c0_i32_0 = arith.constant 0 : i32
    %c0_i32_1 = arith.constant 0 : i32
    %c0_i32_2 = arith.constant 0 : i32
    return %c0_i32, %c0_i32_0, %c0_i32_1 : i32, i32, i32
  }
  func.func @transform_8(%arg0: i32) -> (i32, i32) {
    %c0_i32 = arith.constant 0 : i32
    %c0_i32_0 = arith.constant 0 : i32
    %c0_i32_1 = arith.constant 0 : i32
    return %c0_i32, %c0_i32_0 : i32, i32
  }
  func.func @transform_9(%arg0: i32) -> (i32, i32) {
    %c0_i32 = arith.constant 0 : i32
    %c0_i32_0 = arith.constant 0 : i32
    %c0_i32_1 = arith.constant 0 : i32
    return %c0_i32, %c0_i32_0 : i32, i32
  }
  func.func @transform_10(%arg0: i32) -> (i32, i32) {
    %c0_i32 = arith.constant 0 : i32
    %c0_i32_0 = arith.constant 0 : i32
    return %arg0, %c0_i32 : i32, i32
  }
}

</mosaic_0001>

<sc_bundles>
// kernel: gather_offload_async_start.1
scs
__scs_entry_jumppad:
0x0: {  	(pc) =	sbr.rel $0x88, $3  }
0x1: {  	(tag) =	ssettag $0x0;
	lr =	simm.s32 $0x1  }
0x2: {  	[smem:$0x3EF5] =	sst lr;
	_ =	strace $0xD0000000  }
0x3: {  	_ = 	snop  }
0x4: {  	_ = 	snop  }
0x5: {  	_ = 	snop  }
0x6: {  	_ = 	snop  }
0x7: {  	_ = 	snop  }
__scs_overlays_trampoline_lowered:
0x8: {  	[smem:$0x3F04] =	sst s0  }
0x9: {  	[smem:$0x3F05] =	sst s1  }
0xa: {  	[smem:$0x3F06] =	sst s2  }
0xb: {  	[smem:$0x3F07] =	sst s3  }
0xc: {  	[smem:$0x3F08] =	sst s4  }
0xd: {  	[smem:$0x3F09] =	sst s5  }
0xe: {  	[smem:$0x3F0A] =	sst s6  }
0xf: {  	[smem:$0x3F0B] =	sst s7  }
0x10: {  	[smem:$0x3F0C] =	sst s8  }
0x11: {  	[smem:$0x3F0D] =	sst s9;
	s0 =	simm.s32 @!p0 $0x0  }
0x12: {  	s1 =	sld [smem:$0x3EF3];
	s0 =	simm.s32 @p0 $0x1  }
0x13: {  	[smem:$0x3F0E] =	sst s0;
	s0 =	simm.s32 @!p1 $0x0  }
0x14: {  	s2 =	sld [smem:$0x3EF2];
	s0 =	simm.s32 @p1 $0x1  }
0x15: {  	[smem:$0x3F0F] =	sst s0;
	s0 =	simm.s32 @!p2 $0x0  }
0x16: {  	s3 =	sld [smem:$0x3FDB];
	s0 =	simm.s32 @p2 $0x1  }
0x17: {  	s4 =	simm.s32 $0x1BF5;
	[smem:$0x3F11] =	sst s0  }
0x18: {  	s0 =	sld [smem:$0x3EF4];
	_ =	swait.ge [sflag:s4], $0x0  }
0x19: {  	s7 =	sld [smem:$0x3EF5]  }
0x1a: {  	s8 =	sadd.s32 $0xFFFFE003, lr  }
0x1b: {  	s9 =	sadd.s32 $0xFFFFFEF7, lr;
	s5 =	simm.s32 $0xFFFFFFFF;
	p2 =	slt.u32 s8, $0xFFFFF086  }
0x1c: {  	p1 =	slt.u32 s9, $0xF7A;
	s5 =	simm.s32 @!p2 $0x0  }
0x1d: {  	s5 =	simm.s32 @p1 $0x1;
	p0 =	seq.s32 s7, s2  }
0x1e: {  	s7 =	smul.u32 @!p0 $0xF7A, s2;
	p2 =	seq.s32 @!p0 s5, $0x0  }
0x1f: {  	s9 =	smul.u32 $0xF7A, s1;
	s8 =	simm.s32 @!p0 $0x1BF5;
	p2 =	por !p2, p0  }
0x20: {  	[sflag:s8] =	ssyncset.s32 @!p0 $0xFFFFF086;
	s6 =	sadd.s32 @!p0 s3, s7;
	s7 =	simm.s32 @!p0 $0x108  }
0x21: {  	s3 =	sadd.s32 s3, s9;
	s6 =	sadd.s32 @!p0 $0x88, s6;
	s7 =	simm.s32 @p2 $0x1082  }
0x22: {  	[simem:s7], [sflag:s8] =	dma.local @!p0 [hbm:s6], $0xF7A  }
0x23: {  	s9 =	sor.u32 $0xD0000000, s2;
	s6 =	simm.s32 $0x108;
	_ =	swait.ge @!p0 [sflag:s8], $0x0  }
0x24: {  	s3 =	sadd.s32 $0x88, s3;
	s6 =	simm.s32 @!p1 $0x1082;
	[sflag:s4] =	ssyncset.s32 $0xFFFFF086  }
0x25: {  	[simem:s6], [sflag:s4] =	dma.local [hbm:s3], $0xF7A  }
0x26: {  	[smem:$0x3EF5] =	sst s1;
	(tag) =	ssettag s2;
	_ =	strace s9  }
0x27: {  	s1 =	sld [smem:$0x3F05]  }
0x28: {  	s2 =	sld [smem:$0x3F06]  }
0x29: {  	s4 =	sld [smem:$0x3F08]  }
0x2a: {  	p0 =	seq.s32 s5, $0x0;
	s5 =	sld [smem:$0x3F09]  }
0x2b: {  	s6 =	sld [smem:$0x3F0A]  }
0x2c: {  	s7 =	sld [smem:$0x3F0B]  }
0x2d: {  	s3 =	simm.s32 $0x108;
	s8 =	sld [smem:$0x3F0C]  }
0x2e: {  	s3 =	simm.s32 @!p0 $0x1082;
	s9 =	sld [smem:$0x3F0D]  }
0x2f: {  	lr =	sadd.s32 s0, s3;
	s0 =	sld [smem:$0x3F04]  }
0x30: {  	s3 =	sld [smem:$0x3F07]  }
0x31: {  	[smem:$0x3F10] =	sst s10  }
0x32: {  	s10 =	sld [smem:$0x3F0E];
	_ =	sdelay $0x3  }
0x33: {  	p0 =	seq.s32 s10, $0x1;
	s10 =	sld [smem:$0x3F10];
	_ =	sdelay $0x3  }
0x34: {  	[smem:$0x3F10] =	sst s10  }
0x35: {  	s10 =	sld [smem:$0x3F0F];
	_ =	sdelay $0x3  }
0x36: {  	p1 =	seq.s32 s10, $0x1;
	s10 =	sld [smem:$0x3F10];
	_ =	sdelay $0x3  }
0x37: {  	[smem:$0x3F10] =	sst s10  }
0x38: {  	s10 =	sld [smem:$0x3F11]  }
0x39: {  	_ = 	snop;
	(pc) =	sbr.ind lr, $3  }
0x3a: {  	_ = 	snop  }
0x3b: {  	_ = 	snop  }
0x3c: {  	p2 =	seq.s32 s10, $0x1;
	s10 =	sld [smem:$0x3F10]  }
0x3d: {  	_ =	shalt  }
0x3e: {  	_ =	shalt  }
0x3f: {  	_ =	shalt  }
0x40: {  	_ =	shalt  }
0x41: {  	_ =	shalt  }
0x42: {  	_ =	shalt  }
0x43: {  	_ =	shalt  }
0x44: {  	_ =	shalt  }
0x45: {  	_ =	shalt  }
0x46: {  	_ =	shalt  }
0x47: {  	_ =	shalt  }
0x48: {  	_ =	shalt  }
0x49: {  	_ =	shalt  }
0x4a: {  	_ =	shalt  }
0x4b: {  	_ =	shalt  }
0x4c: {  	_ =	shalt  }
0x4d: {  	_ =	shalt  }
0x4e: {  	_ =	shalt  }
0x4f: {  	_ =	shalt  }
0x50: {  	_ =	shalt  }
0x51: {  	_ =	shalt  }
0x52: {  	_ =	shalt  }
0x53: {  	_ =	shalt  }
0x54: {  	_ =	shalt  }
0x55: {  	_ =	shalt  }
0x56: {  	_ =	shalt  }
0x57: {  	_ =	shalt  }
0x58: {  	_ =	shalt  }
0x59: {  	_ =	shalt  }
0x5a: {  	_ =	shalt  }
0x5b: {  	_ =	shalt  }
0x5c: {  	_ =	shalt  }
0x5d: {  	_ =	shalt  }
0x5e: {  	_ =	shalt  }
0x5f: {  	_ =	shalt  }
0x60: {  	_ =	shalt  }
0x61: {  	_ =	shalt  }
0x62: {  	_ =	shalt  }
0x63: {  	_ =	shalt  }
0x64: {  	_ =	shalt  }
0x65: {  	_ =	shalt  }
0x66: {  	_ =	shalt  }
0x67: {  	_ =	shalt  }
0x68: {  	_ =	shalt  }
0x69: {  	_ =	shalt  }
0x6a: {  	_ =	shalt  }
0x6b: {  	_ =	shalt  }
0x6c: {  	_ =	shalt  }
0x6d: {  	_ =	shalt  }
0x6e: {  	_ =	shalt  }
0x6f: {  	_ =	shalt  }
0x70: {  	_ =	shalt  }
0x71: {  	_ =	shalt  }
0x72: {  	_ =	shalt  }
0x73: {  	_ =	shalt  }
0x74: {  	_ =	shalt  }
0x75: {  	_ =	shalt  }
0x76: {  	_ =	shalt  }
0x77: {  	_ =	shalt  }
0x78: {  	_ =	shalt  }
0x79: {  	_ =	shalt  }
0x7a: {  	_ =	shalt  }
0x7b: {  	_ =	shalt  }
0x7c: {  	_ =	shalt  }
0x7d: {  	_ =	shalt  }
0x7e: {  	_ =	shalt  }
0x7f: {  	_ =	shalt  }
0x80: {  	_ =	shalt  }
0x81: {  	_ =	shalt  }
0x82: {  	_ =	shalt  }
0x83: {  	_ =	shalt  }
0x84: {  	_ =	shalt  }
0x85: {  	_ =	shalt  }
0x86: {  	_ =	shalt  }
0x87: {  	_ =	shalt  }
.Lfunc_end0:
.L_simem_size_0:
called_computation.3_lowered:
.L_overlay_start_0:
0x88: {  	s2 =	sld [smem:$0x3FD9]  }
0x89: {  	s3 =	sld [smem:$0x3FFE];
	_ =	sdelay $0x1  }
0x8a: {  	s1 =	srdreg.scid  }
0x8b: {  	s0 =	sand.u32 $0x1, s1  }
0x8c: {  	s17 =	sshll.u32 s0, $0xA;
	s2 =	sadd.s32 s3, s2  }
0x8d: {  	s2 =	sadd.s32 s2, s17  }
0x8e: {  	[smem:$0x3F1C] =	sst s2  }
0x8f: {  	_ = 	snop  }
0x90: {  	(tm) =	ssettm $0x1  }
0x91: {  	s18 =	sld [smem:$0x3FFB];
	_ =	sdelay $0x3  }
0x92: {  	_ =	strace s18  }
0x93: {  	s2 =	sld [smem:$0x3FFC];
	_ =	sdelay $0x3  }
0x94: {  	_ =	strace s2  }
0x95: {  	s2 =	sld [smem:$0x3FFD];
	_ =	sdelay $0x3  }
0x96: {  	_ =	strace s2  }
0x97: {  	_ =	strace $0x8FFFFFFF  }
0x98: {  	s19 =	sld [smem:$0x3FDB];
	_ =	sdelay $0x1  }
0x99: {  	s20 =	simm.s32 $_scs_section_size  }
0x9a: {  	s4 =	simm.s32 $_size__tile_overlayer_lowered;
	s5 =	simm.s32 $_tile_overlayer_lowered  }
0x9b: {  	s6 =	simm.s32 $0x1BFF;
	s21 =	sshll.u32 s5, $0x1;
	s3 =	sadd.s32 s20, s19  }
0x9c: {  	s22 =	simm.s32 $0x0;
	s4 =	sshll.u32 s4, $0x1;
	s5 =	sadd.s32 s21, s3  }
0x9d: {  	[timem:s22], [sflag:s6] =	dma.local [hbm:s5], s4  }
0x9e: {  	_ =	swait.ge [sflag:s6], s4  }
0x9f: {  	s4 =	ssub.s32 $0x0, s4;
	[sflag:s6] =	ssyncset.done $0x0  }
0xa0: {  	[sflag:s6] =	ssyncadd.s32 s4;
	_ =	sdelay $0x1  }
0xa1: {  	s23 =	simm.s32 $0x1B8B  }
0xa2: {  	_ =	swait.ge [sflag:s23], $0x1  }
0xa3: {  	[sflag:s23] =	ssyncset.done $0x0  }
0xa4: {  	[sflag:s23] =	ssyncadd.s32 $0xFFFFFFFF  }
0xa5: {  	s4 =	sld [smem:$0x0]  }
0xa6: {  	s5 =	sand.u32 $0xFFFFFFFE, s1  }
0xa7: {  	p0 =	sne.s32 s1, s5  }
0xa8: {  	s5 =	sshll.u32 @p0 s5, $0xE  }
0xa9: {  	s5 =	sadd.s32 @p0 $0x11B8D, s5;
	s6 =	sshll.u32 @p0 s4, $0x11  }
0xaa: {  	s5 =	sor.u32 @p0 s6, s5  }
0xab: {  	[sflag:s5] =	ssyncadd.remote.s32 @p0 $0x1;
	_ =	sdelay $0x1  }
0xac: {  	s5 =	simm.s32 @p0 $0x1B8D  }
0xad: {  	_ =	swait.eq @p0 [sflag:s5], $0x1  }
0xae: {  	[sflag:s5] =	ssyncadd.s32 @p0 $0xFFFFFFFF  }
0xaf: {  	s6 =	sshll.u32 @!p0 s1, $0xE  }
0xb0: {  	s6 =	sor.u32 @!p0 $0x4000, s6;
	s5 =	simm.s32 @!p0 $0x1B8D  }
0xb1: {  	s4 =	sshll.u32 @!p0 s4, $0x11;
	s6 =	sadd.s32 @!p0 $0x11B8D, s6;
	_ =	swait.eq @!p0 [sflag:s5], $0x1  }
0xb2: {  	s4 =	sor.u32 @!p0 s4, s6;
	[sflag:s5] =	ssyncadd.s32 @!p0 $0xFFFFFFFF  }
0xb3: {  	s25 =	simm.s32 $0x1B8E;
	s24 =	sld [smem:$0x3FFE];
	[sflag:s4] =	ssyncadd.remote.s32 @!p0 $0x1  }
0xb4: {  	s26 =	simm.s32 $execute0_lowered;
	[smem:$0x3FD2] =	sst s25  }
0xb5: {  	s5 =	sshll.u32 s26, $0x1;
	_ =	strace $0x80000055;
	[dreg:$0x1] =	wrdreg $0xFFFFFFFF  }
0xb6: {  	s28 =	simm.s32 $_size_execute0_lowered;
	s3 =	sadd.s32 s3, s5;
	[dreg:$0x0] =	wrdreg $0x0  }
0xb7: {  	s5 =	sshll.u32 s28, $0x1;
	[dreg:$0x2] =	wrdreg s3  }
0xb8: {  	[dreg:$0x3] =	wrdreg s5  }
0xb9: {  	[dreg:$0x4] =	wrdreg $0xC0  }
0xba: {  	_ =	task [dreg:s22], $0x5FFFF  }
0xbb: {  	[dreg:$0x1] =	wrdreg $0xFFFFFFFF  }
0xbc: {  	[dreg:$0x0] =	wrdreg $0x60  }
0xbd: {  	[dreg:$0x2] =	wrdreg s24  }
0xbe: {  	[dreg:$0x3] =	wrdreg $0xA  }
0xbf: {  	_ =	task.clear_ibuf [dreg:s22], $0x4FFFF;
	_ =	strace $0x90000055  }
0xc0: {  	s29 =	simm.s32 $0xA;
	_ =	strace $0x80000057  }
0xc1: {  	_ =	swait.ge [sflag:s29], $0x1  }
0xc2: {  	[sflag:s29] =	ssyncadd.s32 $0xFFFFFFFF  }
0xc3: {  	_ =	strace $0x90000057  }
0xc4: {  	_ =	sfence  }
0xc5: {  	s30 =	sld [smem:$0x0];
	_ =	sdelay $0x2  }
0xc6: {  	s31 =	sshll.u32 s1, $0xD;
	s1 =	sshrl.u32 s1, $0x2  }
0xc7: {  	s4 =	sand.u32 $0x4000, s31;
	s1 =	sadd.s32 s1, s30  }
0xc8: {  	s0 =	sor.u32 s4, s0;
	s1 =	sshll.u32 s1, $0x11  }
0xc9: {  	s0 =	sor.u32 s1, s0  }
0xca: {  	s0 =	sadd.s32 $0x8F2B, s0  }
0xcb: {  	[sflag:s0] =	ssyncadd.remote.s32 $0x1  }
0xcc: {  	_ =	sfence.sel $0xFFFF  }
0xcd: {  	[dreg:$0x0] =	wrdreg $0xFFFFFFFF;
	(pc) =	sbr.abs _section_cstart, $3  }
0xce: {  	[dreg:$0x1] =	wrdreg $0xFFFFFFFF  }
0xcf: {  	_ =	task.clear_ibuf [dreg:s22], $0x2FFFF;
	_ =	strace $0x9FFFFFFF  }
0xd0: {  	(tm) =	ssettm $0x7FFFFFFF  }
0xd1: {  	_ =	shalt  }
tec
execute0_lowered:
.L_overlay_start_1:
0x0: {  	(tag) =	ssettag $0x1  }
0x1: {  	s0 =	srdreg.scid;
	s5 =	rddreg [dreg:$0x0]  }
0x2: {  	s1 =	stileid.u32;
	s6 =	simm.s32 $0x1;
	s9 =	simm.s32 $0x1  }
0x3: {  	s10 =	simm.s32 $0x3;
	s13 =	simm.s32 $0x0;
	s2 =	sshll.u32 s0, $0xD  }
0x4: {  	s12 =	simm.s32 $0x0;
	s3 =	sshll.u32 s1, $0xE;
	s2 =	sand.u32 $0x2000, s2  }
0x5: {  	s0 =	rddreg [dreg:$0x1];
	_ =	strace $0x80000056;
	s2 =	sor.u32 s3, s2  }
0x6: {  	s4 =	sadd.s32 $0x2C600, s5;
	[sflag:s6] =	ssyncpa.u1 $0x0;
	s8 =	ssub.s32 $0x50000, s2  }
.Ltmp0:
0x7: {  	s3 =	sadd.s32 $0x18A00, s5;
	s7 =	sand.u32 $0x3E000, s8;
	(pc) =	sbr.rel .LBB2_1-.Ltmp0, $4  }
0x8: {  	s5 =	sadd.s32 $0x71E00, s5;
	s11 =	smov.u32 s2;
	p0 =	sne.s32 s7, $0x0  }
0x9: {  	s8 =	sshrl.u32 s8, $0x12;
	s7 =	simm.s32 $0x2;
	s9 =	simm.s32 @!p0 $0x0  }
0xa: {  	[sflag:s7] =	ssyncpa.u1 $0x0;
	p0 =	por $0x0, $0x0;
	s8 =	sadd.s32 s9, s8  }
0xb: {  	vm0 =	vmmov $0xffff;
	[sflag:s10] =	ssyncpa.u1 $0x0;
	s10 =	simm.s32 $0x0;
	s9 =	sadd.s32 $0x1, s8  }
.LBB2_4:
0xc: {  	v2 =	vnsel vm1, $0x0, v2  }
0xd: {  	vm1 =	vgt.s32 v0, $0x0;
	v2 =	vmin.u32 v2, $0x4E1FF  }
0xe: {  	v0 =	vnsel vm1, $0x0, v0  }
0xf: {  	v0 =	vmin.u32 v0, $0x4E1FF  }
0x10: {  	[tilespmem:s15], [sflag:$0x1] =	stream.indirect_vreg.gather [hbm4b:s3+s10], $0x1, v1, vm0, $0x4038;
	[tilespmem:$0x8000] =	vst v63  }
0x11: {  	(ifvalue) =	ssetifvalue $0x7FFFFFFF  }
0x12: {  	[tilespmem:s16], [sflag:$0x1] =	stream.indirect_vreg.gather [hbm4b:s3+s10], $0x1, v2, vm0, $0x4038;
	[tilespmem:$0x8000] =	vst v63  }
0x13: {  	s29 =	sadd.s32 $0x10, s16;
	(ifvalue) =	ssetifvalue $0x7FFFFFFF  }
0x14: {  	[tilespmem:s29], [sflag:$0x1] =	stream.indirect_vreg.gather [hbm4b:s3+s10], $0x1, v0, vm0, $0x4038;
	[tilespmem:$0x8000] =	vst v63  }
0x15: {  	_ =	swait.ge [sflag:s6], $0x2000  }
0x16: {  	s30 =	sshrl.u32 s13, $0x3;
	[sflag:s6] =	ssyncset.done $0x0  }
0x17: {  	s31 =	sand.u32 $0x7, s13;
	s15 =	sadd.s32 s5, s30;
	[sflag:s6] =	ssyncadd.s32 $0xFFFFE000  }
0x18: {  	[hbm4b:s15+s31] =	stream.linear.scatter [tilespmem:s14], [sflag:$0x3], $0x2000, $0x38;
	[tilespmem:$0x8000] =	vst v63  }
.LBB2_5:
0x19: {  	s15 =	sadd.s32 $0x40000, s11  }
0x1a: {  	p2 =	sgt.s32 s15, $0x4FFFF  }
0x1b: {  	s15 =	smov.u32 @p2 s2;
	p2 =	sne.s32 s12, s9  }
.Ltmp1:
0x1c: {  	p1 =	slt.u32 s12, $0x2;
	(pc) =	sbr.rel @!p2 .LBB2_6-.Ltmp1, $4  }
0x1d: {  	s14 =	simm.s32 @!p1 $0x3  }
0x1e: {  	s16 =	sadd.s32 $0x1, s12;
	_ =	swait.ge @!p1 [sflag:s14], $0x2000  }
0x1f: {  	s13 =	smov.u32 s11;
	p0 =	por !p0, !p0;
	[sflag:s14] =	ssyncset.done @!p1 $0x0  }
0x20: {  	s12 =	smov.u32 s16;
	s11 =	smov.u32 s15;
	[sflag:s14] =	ssyncadd.s32 @!p1 $0xFFFFE000  }
.LBB2_1:
0x21: {  	p1 =	sge.u32 s12, s8  }
0x22: {  	s14 =	sxor.u32 @!p1 $0xFFFFFFFF, s12  }
0x23: {  	s31 =	sadd.s32 $0xFFFFFFFF, s12;
	s15 =	sshrl.u32 @!p1 s11, $0x3;
	s14 =	sshll.u32 @!p1 s14, $0xD  }
0x24: {  	s16 =	sand.u32 @!p1 $0x7, s11;
	s15 =	sadd.s32 @!p1 s4, s15;
	s14 =	sand.u32 @!p1 $0x2000, s14  }
0x25: {  	[tilespmem:s14], [sflag:$0x2] =	stream.linear.gather @!p1 [hbm4b:s15+s16], $0x2000, $0x38;
	[tilespmem:$0x8000] =	vst v63  }
0x26: {  	p1 =	sge.u32 s31, s8  }
.Ltmp2:
0x27: {  	_ = 	snop;
	(pc) =	sbr.rel @p1 .LBB2_5-.Ltmp2, $1  }
0x28: {  	_ =	sdelay $0x3  }
0x29: {  	s14 =	simm.s32 $0x1  }
0x2a: {  	_ =	swait.ge [sflag:s7], $0x2000;
	s14 =	simm.s32 @!p0 $0x0  }
0x2b: {  	[sflag:s7] =	ssyncset.done $0x0;
	s14 =	sshll.u32 s14, $0xD  }
0x2c: {  	[sflag:s7] =	ssyncadd.s32 $0xFFFFE000;
	(ifvalue) =	ssetifvalue $0x7FFFFFFF;
	v0 =	vld.msk [tilespmem:s14+$0x0 ss:$0x1], $0xffff;
	_ =	sdelay $0x4  }
0x2d: {  	s15 =	sadd.s32 $0x10, s14;
	vm1 =	vgt.s32 v0, $0x0  }
0x2e: {  	v2 =	vld.msk [tilespmem:s15+$0x0 ss:$0x1], $0xffff;
	v1 =	vnsel vm1, $0x0, v0  }
0x2f: {  	v1 =	vmin.u32 v1, $0x4E1FF;
	_ =	sdelay $0x1  }
0x30: {  	s16 =	sshll.u32 s12, $0xD;
	s18 =	simm.s32 $0x20  }
0x31: {  	s16 =	sand.u32 $0x2000, s16;
	s17 =	sadd.s32 $0x10, s15;
	s15 =	sor.u32 $0x4000, s14  }
0x32: {  	s14 =	sor.u32 $0x4000, s16;
	s16 =	sadd.s32 $0x10, s15;
	v0 =	vld.msk [tilespmem:s17+$0x0 ss:$0x1], $0xffff;
	vm1 =	vgt.s32 v2, $0x0;
	(ifvalue) =	ssetifvalue $0x7FFFFFFF  }
.LBB2_3:
0x33: {  	[tilespmem:s15], [sflag:$0x1] =	stream.indirect_vreg.gather [hbm4b:s3+s10], $0x1, v1, vm0, $0x4038;
	[tilespmem:$0x8000] =	vst v63  }
0x34: {  	s18 =	sadd.s32 $0x10, s18  }
0x35: {  	v2 =	vnsel vm1, $0x0, v2;
	p1 =	slt.u32 s18, $0x1FF0  }
.Ltmp3:
0x36: {  	s15 =	smov.u32 s16;
	v1 =	vmin.u32 v2, $0x4E1FF;
	(pc) =	sbr.rel @p1 .LBB2_3-.Ltmp3, $3  }
0x37: {  	_ =	sdelay $0x1  }
0x38: {  	s17 =	sadd.s32 $0x10, s17  }
0x39: {  	vm1 =	vgt.s32 v0, $0x0;
	s16 =	sadd.s32 $0x10, s16;
	v2 =	vmov v0;
	(ifvalue) =	ssetifvalue $0x7FFFFFFF;
	v0 =	vld.msk [tilespmem:s17+$0x0 ss:$0x1], $0xffff  }
.Ltmp4:
0x3a: {  	_ = 	snop;
	(pc) =	sbr.rel .LBB2_4-.Ltmp4, $1  }
0x3b: {  	_ =	sdelay $0x3  }
.LBB2_6:
0x3c: {  	_ =	sfence.sel $0x180000  }
0x3d: {  	s2 =	simm.s32 $0x2;
	[bflag:$0x0] =	sbarrier.arrive $0xFFFF  }
0x3e: {  	s30 =	simm.s32 $0x3;
	[sflag:s2] =	ssyncpa.u1 $0x1  }
0x3f: {  	s31 =	simm.s32 $0x1;
	[sflag:s30] =	ssyncpa.u1 $0x1  }
0x40: {  	[sflag:s31] =	ssyncpa.u1 $0x1  }
0x41: {  	p0 =	sne.s32 s1, $0x0;
	_ =	strace $0x90000056  }
0x42: {  	s0 =	sadd.s32 @!p0 $0x100000, s0;
	[bflag:$0x2] =	sbarrier.arrive $0xFFFF  }
0x43: {  	[sflag:s0] =	ssyncadd.tile.s32 @!p0 $0x1;
	_ =	shalt  }
.Lfunc_end2:
_tile_overlayer_lowered:
.L_overlay_start_2:
0x44: {  	(tag) =	ssettag $0x2  }
0x45: {  	s0 =	rddreg [dreg:$0x0];
	s2 =	stileid.u32  }
0x46: {  	s1 =	rddreg [dreg:$0x1];
	p0 =	sne.s32 s2, $0x0  }
0x47: {  	s3 =	rddreg [dreg:$0x2];
	[bflag:$0x3] =	sbarrier.arrive $0xFFFF;
	s2 =	simm.s32 @!p0 $0x1C01  }
0x48: {  	[timem:s3], [sflag:s2] =	dma.local @!p0 [hbm:s0], s1  }
0x49: {  	s0 =	simm.s32 @!p0 $0x1  }
0x4a: {  	_ =	swait.ge @!p0 [sflag:s0], s1  }
0x4b: {  	s1 =	ssub.s32 @!p0 $0x0, s1;
	[sflag:s0] =	ssyncset.done @!p0 $0x0  }
0x4c: {  	[sflag:s0] =	ssyncadd.s32 @!p0 s1  }
0x4d: {  	[bflag:$0x3] =	sbarrier.arrive $0xFFFF  }
0x4e: {  	_ =	shalt  }

// kernel: gather_offload_async_start.2
scs
__scs_entry_jumppad:
0x0: {  	(pc) =	sbr.rel $0x88, $3  }
0x1: {  	(tag) =	ssettag $0x0;
	lr =	simm.s32 $0x1  }
0x2: {  	[smem:$0x3EF5] =	sst lr;
	_ =	strace $0xD0000000  }
0x3: {  	_ = 	snop  }
0x4: {  	_ = 	snop  }
0x5: {  	_ = 	snop  }
0x6: {  	_ = 	snop  }
0x7: {  	_ = 	snop  }
__scs_overlays_trampoline_lowered:
0x8: {  	[smem:$0x3F04] =	sst s0  }
0x9: {  	[smem:$0x3F05] =	sst s1  }
0xa: {  	[smem:$0x3F06] =	sst s2  }
0xb: {  	[smem:$0x3F07] =	sst s3  }
0xc: {  	[smem:$0x3F08] =	sst s4  }
0xd: {  	[smem:$0x3F09] =	sst s5  }
0xe: {  	[smem:$0x3F0A] =	sst s6  }
0xf: {  	[smem:$0x3F0B] =	sst s7  }
0x10: {  	[smem:$0x3F0C] =	sst s8  }
0x11: {  	[smem:$0x3F0D] =	sst s9;
	s0 =	simm.s32 @!p0 $0x0  }
0x12: {  	s1 =	sld [smem:$0x3EF3];
	s0 =	simm.s32 @p0 $0x1  }
0x13: {  	[smem:$0x3F0E] =	sst s0;
	s0 =	simm.s32 @!p1 $0x0  }
0x14: {  	s2 =	sld [smem:$0x3EF2];
	s0 =	simm.s32 @p1 $0x1  }
0x15: {  	[smem:$0x3F0F] =	sst s0;
	s0 =	simm.s32 @!p2 $0x0  }
0x16: {  	s3 =	sld [smem:$0x3FDB];
	s0 =	simm.s32 @p2 $0x1  }
0x17: {  	s4 =	simm.s32 $0x1BF5;
	[smem:$0x3F11] =	sst s0  }
0x18: {  	s0 =	sld [smem:$0x3EF4];
	_ =	swait.ge [sflag:s4], $0x0  }
0x19: {  	s7 =	sld [smem:$0x3EF5]  }
0x1a: {  	s8 =	sadd.s32 $0xFFFFE003, lr  }
0x1b: {  	s9 =	sadd.s32 $0xFFFFFEF7, lr;
	s5 =	simm.s32 $0xFFFFFFFF;
	p2 =	slt.u32 s8, $0xFFFFF086  }
0x1c: {  	p1 =	slt.u32 s9, $0xF7A;
	s5 =	simm.s32 @!p2 $0x0  }
0x1d: {  	s5 =	simm.s32 @p1 $0x1;
	p0 =	seq.s32 s7, s2  }
0x1e: {  	s7 =	smul.u32 @!p0 $0xF7A, s2;
	p2 =	seq.s32 @!p0 s5, $0x0  }
0x1f: {  	s9 =	smul.u32 $0xF7A, s1;
	s8 =	simm.s32 @!p0 $0x1BF5;
	p2 =	por !p2, p0  }
0x20: {  	[sflag:s8] =	ssyncset.s32 @!p0 $0xFFFFF086;
	s6 =	sadd.s32 @!p0 s3, s7;
	s7 =	simm.s32 @!p0 $0x108  }
0x21: {  	s3 =	sadd.s32 s3, s9;
	s6 =	sadd.s32 @!p0 $0x88, s6;
	s7 =	simm.s32 @p2 $0x1082  }
0x22: {  	[simem:s7], [sflag:s8] =	dma.local @!p0 [hbm:s6], $0xF7A  }
0x23: {  	s9 =	sor.u32 $0xD0000000, s2;
	s6 =	simm.s32 $0x108;
	_ =	swait.ge @!p0 [sflag:s8], $0x0  }
0x24: {  	s3 =	sadd.s32 $0x88, s3;
	s6 =	simm.s32 @!p1 $0x1082;
	[sflag:s4] =	ssyncset.s32 $0xFFFFF086  }
0x25: {  	[simem:s6], [sflag:s4] =	dma.local [hbm:s3], $0xF7A  }
0x26: {  	[smem:$0x3EF5] =	sst s1;
	(tag) =	ssettag s2;
	_ =	strace s9  }
0x27: {  	s1 =	sld [smem:$0x3F05]  }
0x28: {  	s2 =	sld [smem:$0x3F06]  }
0x29: {  	s4 =	sld [smem:$0x3F08]  }
0x2a: {  	p0 =	seq.s32 s5, $0x0;
	s5 =	sld [smem:$0x3F09]  }
0x2b: {  	s6 =	sld [smem:$0x3F0A]  }
0x2c: {  	s7 =	sld [smem:$0x3F0B]  }
0x2d: {  	s3 =	simm.s32 $0x108;
	s8 =	sld [smem:$0x3F0C]  }
0x2e: {  	s3 =	simm.s32 @!p0 $0x1082;
	s9 =	sld [smem:$0x3F0D]  }
0x2f: {  	lr =	sadd.s32 s0, s3;
	s0 =	sld [smem:$0x3F04]  }
0x30: {  	s3 =	sld [smem:$0x3F07]  }
0x31: {  	[smem:$0x3F10] =	sst s10  }
0x32: {  	s10 =	sld [smem:$0x3F0E];
	_ =	sdelay $0x3  }
0x33: {  	p0 =	seq.s32 s10, $0x1;
	s10 =	sld [smem:$0x3F10];
	_ =	sdelay $0x3  }
0x34: {  	[smem:$0x3F10] =	sst s10  }
0x35: {  	s10 =	sld [smem:$0x3F0F];
	_ =	sdelay $0x3  }
0x36: {  	p1 =	seq.s32 s10, $0x1;
	s10 =	sld [smem:$0x3F10];
	_ =	sdelay $0x3  }
0x37: {  	[smem:$0x3F10] =	sst s10  }
0x38: {  	s10 =	sld [smem:$0x3F11]  }
0x39: {  	_ = 	snop;
	(pc) =	sbr.ind lr, $3  }
0x3a: {  	_ = 	snop  }
0x3b: {  	_ = 	snop  }
0x3c: {  	p2 =	seq.s32 s10, $0x1;
	s10 =	sld [smem:$0x3F10]  }
0x3d: {  	_ =	shalt  }
0x3e: {  	_ =	shalt  }
0x3f: {  	_ =	shalt  }
0x40: {  	_ =	shalt  }
0x41: {  	_ =	shalt  }
0x42: {  	_ =	shalt  }
0x43: {  	_ =	shalt  }
0x44: {  	_ =	shalt  }
0x45: {  	_ =	shalt  }
0x46: {  	_ =	shalt  }
0x47: {  	_ =	shalt  }
0x48: {  	_ =	shalt  }
0x49: {  	_ =	shalt  }
0x4a: {  	_ =	shalt  }
0x4b: {  	_ =	shalt  }
0x4c: {  	_ =	shalt  }
0x4d: {  	_ =	shalt  }
0x4e: {  	_ =	shalt  }
0x4f: {  	_ =	shalt  }
0x50: {  	_ =	shalt  }
0x51: {  	_ =	shalt  }
0x52: {  	_ =	shalt  }
0x53: {  	_ =	shalt  }
0x54: {  	_ =	shalt  }
0x55: {  	_ =	shalt  }
0x56: {  	_ =	shalt  }
0x57: {  	_ =	shalt  }
0x58: {  	_ =	shalt  }
0x59: {  	_ =	shalt  }
0x5a: {  	_ =	shalt  }
0x5b: {  	_ =	shalt  }
0x5c: {  	_ =	shalt  }
0x5d: {  	_ =	shalt  }
0x5e: {  	_ =	shalt  }
0x5f: {  	_ =	shalt  }
0x60: {  	_ =	shalt  }
0x61: {  	_ =	shalt  }
0x62: {  	_ =	shalt  }
0x63: {  	_ =	shalt  }
0x64: {  	_ =	shalt  }
0x65: {  	_ =	shalt  }
0x66: {  	_ =	shalt  }
0x67: {  	_ =	shalt  }
0x68: {  	_ =	shalt  }
0x69: {  	_ =	shalt  }
0x6a: {  	_ =	shalt  }
0x6b: {  	_ =	shalt  }
0x6c: {  	_ =	shalt  }
0x6d: {  	_ =	shalt  }
0x6e: {  	_ =	shalt  }
0x6f: {  	_ =	shalt  }
0x70: {  	_ =	shalt  }
0x71: {  	_ =	shalt  }
0x72: {  	_ =	shalt  }
0x73: {  	_ =	shalt  }
0x74: {  	_ =	shalt  }
0x75: {  	_ =	shalt  }
0x76: {  	_ =	shalt  }
0x77: {  	_ =	shalt  }
0x78: {  	_ =	shalt  }
0x79: {  	_ =	shalt  }
0x7a: {  	_ =	shalt  }
0x7b: {  	_ =	shalt  }
0x7c: {  	_ =	shalt  }
0x7d: {  	_ =	shalt  }
0x7e: {  	_ =	shalt  }
0x7f: {  	_ =	shalt  }
0x80: {  	_ =	shalt  }
0x81: {  	_ =	shalt  }
0x82: {  	_ =	shalt  }
0x83: {  	_ =	shalt  }
0x84: {  	_ =	shalt  }
0x85: {  	_ =	shalt  }
0x86: {  	_ =	shalt  }
0x87: {  	_ =	shalt  }
.Lfunc_end0:
.L_simem_size_0:
called_computation.4_lowered:
.L_overlay_start_0:
0x88: {  	s2 =	sld [smem:$0x3FD9]  }
0x89: {  	s3 =	sld [smem:$0x3FFE];
	_ =	sdelay $0x1  }
0x8a: {  	s1 =	srdreg.scid  }
0x8b: {  	s0 =	sand.u32 $0x1, s1  }
0x8c: {  	s17 =	sshll.u32 s0, $0xA;
	s2 =	sadd.s32 s3, s2  }
0x8d: {  	s2 =	sadd.s32 s2, s17  }
0x8e: {  	[smem:$0x3F1C] =	sst s2  }
0x8f: {  	_ = 	snop  }
0x90: {  	(tm) =	ssettm $0x1  }
0x91: {  	s18 =	sld [smem:$0x3FFB];
	_ =	sdelay $0x3  }
0x92: {  	_ =	strace s18  }
0x93: {  	s2 =	sld [smem:$0x3FFC];
	_ =	sdelay $0x3  }
0x94: {  	_ =	strace s2  }
0x95: {  	s2 =	sld [smem:$0x3FFD];
	_ =	sdelay $0x3  }
0x96: {  	_ =	strace s2  }
0x97: {  	_ =	strace $0x8FFFFFFF  }
0x98: {  	s19 =	sld [smem:$0x3FDB];
	_ =	sdelay $0x1  }
0x99: {  	s20 =	simm.s32 $_scs_section_size  }
0x9a: {  	s4 =	simm.s32 $_size__tile_overlayer_lowered;
	s5 =	simm.s32 $_tile_overlayer_lowered  }
0x9b: {  	s6 =	simm.s32 $0x1BFF;
	s21 =	sshll.u32 s5, $0x1;
	s3 =	sadd.s32 s20, s19  }
0x9c: {  	s22 =	simm.s32 $0x0;
	s4 =	sshll.u32 s4, $0x1;
	s5 =	sadd.s32 s21, s3  }
0x9d: {  	[timem:s22], [sflag:s6] =	dma.local [hbm:s5], s4  }
0x9e: {  	_ =	swait.ge [sflag:s6], s4  }
0x9f: {  	s4 =	ssub.s32 $0x0, s4;
	[sflag:s6] =	ssyncset.done $0x0  }
0xa0: {  	[sflag:s6] =	ssyncadd.s32 s4;
	_ =	sdelay $0x1  }
0xa1: {  	s23 =	simm.s32 $0x1B8B  }
0xa2: {  	_ =	swait.ge [sflag:s23], $0x1  }
0xa3: {  	[sflag:s23] =	ssyncset.done $0x0  }
0xa4: {  	[sflag:s23] =	ssyncadd.s32 $0xFFFFFFFF  }
0xa5: {  	s4 =	sld [smem:$0x0]  }
0xa6: {  	s5 =	sand.u32 $0xFFFFFFFE, s1  }
0xa7: {  	p0 =	sne.s32 s1, s5  }
0xa8: {  	s5 =	sshll.u32 @p0 s5, $0xE  }
0xa9: {  	s5 =	sadd.s32 @p0 $0x11B8D, s5;
	s6 =	sshll.u32 @p0 s4, $0x11  }
0xaa: {  	s5 =	sor.u32 @p0 s6, s5  }
0xab: {  	[sflag:s5] =	ssyncadd.remote.s32 @p0 $0x1;
	_ =	sdelay $0x1  }
0xac: {  	s5 =	simm.s32 @p0 $0x1B8D  }
0xad: {  	_ =	swait.eq @p0 [sflag:s5], $0x1  }
0xae: {  	[sflag:s5] =	ssyncadd.s32 @p0 $0xFFFFFFFF  }
0xaf: {  	s6 =	sshll.u32 @!p0 s1, $0xE  }
0xb0: {  	s6 =	sor.u32 @!p0 $0x4000, s6;
	s5 =	simm.s32 @!p0 $0x1B8D  }
0xb1: {  	s4 =	sshll.u32 @!p0 s4, $0x11;
	s6 =	sadd.s32 @!p0 $0x11B8D, s6;
	_ =	swait.eq @!p0 [sflag:s5], $0x1  }
0xb2: {  	s4 =	sor.u32 @!p0 s4, s6;
	[sflag:s5] =	ssyncadd.s32 @!p0 $0xFFFFFFFF  }
0xb3: {  	s25 =	simm.s32 $0x1B8E;
	s24 =	sld [smem:$0x3FFE];
	[sflag:s4] =	ssyncadd.remote.s32 @!p0 $0x1  }
0xb4: {  	s26 =	simm.s32 $execute0_lowered;
	[smem:$0x3FD2] =	sst s25  }
0xb5: {  	s5 =	sshll.u32 s26, $0x1;
	_ =	strace $0x80000052;
	[dreg:$0x1] =	wrdreg $0xFFFFFFFF  }
0xb6: {  	s28 =	simm.s32 $_size_execute0_lowered;
	s3 =	sadd.s32 s3, s5;
	[dreg:$0x0] =	wrdreg $0x0  }
0xb7: {  	s5 =	sshll.u32 s28, $0x1;
	[dreg:$0x2] =	wrdreg s3  }
0xb8: {  	[dreg:$0x3] =	wrdreg s5  }
0xb9: {  	[dreg:$0x4] =	wrdreg $0xC0  }
0xba: {  	_ =	task [dreg:s22], $0x5FFFF  }
0xbb: {  	[dreg:$0x1] =	wrdreg $0xFFFFFFFF  }
0xbc: {  	[dreg:$0x0] =	wrdreg $0x60  }
0xbd: {  	[dreg:$0x2] =	wrdreg s24  }
0xbe: {  	[dreg:$0x3] =	wrdreg $0xB  }
0xbf: {  	_ =	task.clear_ibuf [dreg:s22], $0x4FFFF;
	_ =	strace $0x90000052  }
0xc0: {  	s29 =	simm.s32 $0xB;
	_ =	strace $0x80000054  }
0xc1: {  	_ =	swait.ge [sflag:s29], $0x1  }
0xc2: {  	[sflag:s29] =	ssyncadd.s32 $0xFFFFFFFF  }
0xc3: {  	_ =	strace $0x90000054  }
0xc4: {  	_ =	sfence  }
0xc5: {  	s30 =	sld [smem:$0x0];
	_ =	sdelay $0x2  }
0xc6: {  	s31 =	sshll.u32 s1, $0xD;
	s1 =	sshrl.u32 s1, $0x2  }
0xc7: {  	s4 =	sand.u32 $0x4000, s31;
	s1 =	sadd.s32 s1, s30  }
0xc8: {  	s0 =	sor.u32 s4, s0;
	s1 =	sshll.u32 s1, $0x11  }
0xc9: {  	s0 =	sor.u32 s1, s0  }
0xca: {  	s0 =	sadd.s32 $0x8F2B, s0  }
0xcb: {  	[sflag:s0] =	ssyncadd.remote.s32 $0x1  }
0xcc: {  	_ =	sfence.sel $0xFFFF  }
0xcd: {  	[dreg:$0x0] =	wrdreg $0xFFFFFFFF;
	(pc) =	sbr.abs _section_cstart, $3  }
0xce: {  	[dreg:$0x1] =	wrdreg $0xFFFFFFFF  }
0xcf: {  	_ =	task.clear_ibuf [dreg:s22], $0x2FFFF;
	_ =	strace $0x9FFFFFFF  }
0xd0: {  	(tm) =	ssettm $0x7FFFFFFF  }
0xd1: {  	_ =	shalt  }
tec
execute0_lowered:
.L_overlay_start_1:
0x0: {  	(tag) =	ssettag $0x1  }
0x1: {  	s0 =	srdreg.scid;
	s5 =	rddreg [dreg:$0x0]  }
0x2: {  	s1 =	stileid.u32;
	s6 =	simm.s32 $0x1;
	s9 =	simm.s32 $0x1  }
0x3: {  	s10 =	simm.s32 $0x3;
	s13 =	simm.s32 $0x0;
	s2 =	sshll.u32 s0, $0xD  }
0x4: {  	s12 =	simm.s32 $0x0;
	s3 =	sshll.u32 s1, $0xE;
	s2 =	sand.u32 $0x2000, s2  }
0x5: {  	s0 =	rddreg [dreg:$0x1];
	_ =	strace $0x80000053;
	s2 =	sor.u32 s3, s2  }
0x6: {  	s4 =	sadd.s32 $0x2C600, s5;
	[sflag:s6] =	ssyncpa.u1 $0x0;
	s8 =	ssub.s32 $0x50000, s2  }
.Ltmp0:
0x7: {  	s3 =	sadd.s32 $0x22800, s5;
	s7 =	sand.u32 $0x3E000, s8;
	(pc) =	sbr.rel .LBB2_1-.Ltmp0, $4  }
0x8: {  	s5 =	sadd.s32 $0x67E00, s5;
	s11 =	smov.u32 s2;
	p0 =	sne.s32 s7, $0x0  }
0x9: {  	s8 =	sshrl.u32 s8, $0x12;
	s7 =	simm.s32 $0x2;
	s9 =	simm.s32 @!p0 $0x0  }
0xa: {  	[sflag:s7] =	ssyncpa.u1 $0x0;
	p0 =	por $0x0, $0x0;
	s8 =	sadd.s32 s9, s8  }
0xb: {  	vm0 =	vmmov $0xffff;
	[sflag:s10] =	ssyncpa.u1 $0x0;
	s10 =	simm.s32 $0x0;
	s9 =	sadd.s32 $0x1, s8  }
.LBB2_4:
0xc: {  	v2 =	vnsel vm1, $0x0, v2  }
0xd: {  	vm1 =	vgt.s32 v0, $0x0;
	v2 =	vmin.u32 v2, $0x4E1FF  }
0xe: {  	v0 =	vnsel vm1, $0x0, v0  }
0xf: {  	v0 =	vmin.u32 v0, $0x4E1FF  }
0x10: {  	[tilespmem:s15], [sflag:$0x1] =	stream.indirect_vreg.gather [hbm4b:s3+s10], $0x1, v1, vm0, $0x4038;
	[tilespmem:$0x8000] =	vst v63  }
0x11: {  	(ifvalue) =	ssetifvalue $0x7FFFFFFF  }
0x12: {  	[tilespmem:s16], [sflag:$0x1] =	stream.indirect_vreg.gather [hbm4b:s3+s10], $0x1, v2, vm0, $0x4038;
	[tilespmem:$0x8000] =	vst v63  }
0x13: {  	s29 =	sadd.s32 $0x10, s16;
	(ifvalue) =	ssetifvalue $0x7FFFFFFF  }
0x14: {  	[tilespmem:s29], [sflag:$0x1] =	stream.indirect_vreg.gather [hbm4b:s3+s10], $0x1, v0, vm0, $0x4038;
	[tilespmem:$0x8000] =	vst v63  }
0x15: {  	_ =	swait.ge [sflag:s6], $0x2000  }
0x16: {  	s30 =	sshrl.u32 s13, $0x3;
	[sflag:s6] =	ssyncset.done $0x0  }
0x17: {  	s31 =	sand.u32 $0x7, s13;
	s15 =	sadd.s32 s5, s30;
	[sflag:s6] =	ssyncadd.s32 $0xFFFFE000  }
0x18: {  	[hbm4b:s15+s31] =	stream.linear.scatter [tilespmem:s14], [sflag:$0x3], $0x2000, $0x38;
	[tilespmem:$0x8000] =	vst v63  }
.LBB2_5:
0x19: {  	s15 =	sadd.s32 $0x40000, s11  }
0x1a: {  	p2 =	sgt.s32 s15, $0x4FFFF  }
0x1b: {  	s15 =	smov.u32 @p2 s2;
	p2 =	sne.s32 s12, s9  }
.Ltmp1:
0x1c: {  	p1 =	slt.u32 s12, $0x2;
	(pc) =	sbr.rel @!p2 .LBB2_6-.Ltmp1, $4  }
0x1d: {  	s14 =	simm.s32 @!p1 $0x3  }
0x1e: {  	s16 =	sadd.s32 $0x1, s12;
	_ =	swait.ge @!p1 [sflag:s14], $0x2000  }
0x1f: {  	s13 =	smov.u32 s11;
	p0 =	por !p0, !p0;
	[sflag:s14] =	ssyncset.done @!p1 $0x0  }
0x20: {  	s12 =	smov.u32 s16;
	s11 =	smov.u32 s15;
	[sflag:s14] =	ssyncadd.s32 @!p1 $0xFFFFE000  }
.LBB2_1:
0x21: {  	p1 =	sge.u32 s12, s8  }
0x22: {  	s14 =	sxor.u32 @!p1 $0xFFFFFFFF, s12  }
0x23: {  	s31 =	sadd.s32 $0xFFFFFFFF, s12;
	s15 =	sshrl.u32 @!p1 s11, $0x3;
	s14 =	sshll.u32 @!p1 s14, $0xD  }
0x24: {  	s16 =	sand.u32 @!p1 $0x7, s11;
	s15 =	sadd.s32 @!p1 s4, s15;
	s14 =	sand.u32 @!p1 $0x2000, s14  }
0x25: {  	[tilespmem:s14], [sflag:$0x2] =	stream.linear.gather @!p1 [hbm4b:s15+s16], $0x2000, $0x38;
	[tilespmem:$0x8000] =	vst v63  }
0x26: {  	p1 =	sge.u32 s31, s8  }
.Ltmp2:
0x27: {  	_ = 	snop;
	(pc) =	sbr.rel @p1 .LBB2_5-.Ltmp2, $1  }
0x28: {  	_ =	sdelay $0x3  }
0x29: {  	s14 =	simm.s32 $0x1  }
0x2a: {  	_ =	swait.ge [sflag:s7], $0x2000;
	s14 =	simm.s32 @!p0 $0x0  }
0x2b: {  	[sflag:s7] =	ssyncset.done $0x0;
	s14 =	sshll.u32 s14, $0xD  }
0x2c: {  	[sflag:s7] =	ssyncadd.s32 $0xFFFFE000;
	(ifvalue) =	ssetifvalue $0x7FFFFFFF;
	v0 =	vld.msk [tilespmem:s14+$0x0 ss:$0x1], $0xffff;
	_ =	sdelay $0x4  }
0x2d: {  	s15 =	sadd.s32 $0x10, s14;
	vm1 =	vgt.s32 v0, $0x0  }
0x2e: {  	v2 =	vld.msk [tilespmem:s15+$0x0 ss:$0x1], $0xffff;
	v1 =	vnsel vm1, $0x0, v0  }
0x2f: {  	v1 =	vmin.u32 v1, $0x4E1FF;
	_ =	sdelay $0x1  }
0x30: {  	s16 =	sshll.u32 s12, $0xD;
	s18 =	simm.s32 $0x20  }
0x31: {  	s16 =	sand.u32 $0x2000, s16;
	s17 =	sadd.s32 $0x10, s15;
	s15 =	sor.u32 $0x4000, s14  }
0x32: {  	s14 =	sor.u32 $0x4000, s16;
	s16 =	sadd.s32 $0x10, s15;
	v0 =	vld.msk [tilespmem:s17+$0x0 ss:$0x1], $0xffff;
	vm1 =	vgt.s32 v2, $0x0;
	(ifvalue) =	ssetifvalue $0x7FFFFFFF  }
.LBB2_3:
0x33: {  	[tilespmem:s15], [sflag:$0x1] =	stream.indirect_vreg.gather [hbm4b:s3+s10], $0x1, v1, vm0, $0x4038;
	[tilespmem:$0x8000] =	vst v63  }
0x34: {  	s18 =	sadd.s32 $0x10, s18  }
0x35: {  	v2 =	vnsel vm1, $0x0, v2;
	p1 =	slt.u32 s18, $0x1FF0  }
.Ltmp3:
0x36: {  	s15 =	smov.u32 s16;
	v1 =	vmin.u32 v2, $0x4E1FF;
	(pc) =	sbr.rel @p1 .LBB2_3-.Ltmp3, $3  }
0x37: {  	_ =	sdelay $0x1  }
0x38: {  	s17 =	sadd.s32 $0x10, s17  }
0x39: {  	vm1 =	vgt.s32 v0, $0x0;
	s16 =	sadd.s32 $0x10, s16;
	v2 =	vmov v0;
	(ifvalue) =	ssetifvalue $0x7FFFFFFF;
	v0 =	vld.msk [tilespmem:s17+$0x0 ss:$0x1], $0xffff  }
.Ltmp4:
0x3a: {  	_ = 	snop;
	(pc) =	sbr.rel .LBB2_4-.Ltmp4, $1  }
0x3b: {  	_ =	sdelay $0x3  }
.LBB2_6:
0x3c: {  	_ =	sfence.sel $0x180000  }
0x3d: {  	s2 =	simm.s32 $0x2;
	[bflag:$0x0] =	sbarrier.arrive $0xFFFF  }
0x3e: {  	s30 =	simm.s32 $0x3;
	[sflag:s2] =	ssyncpa.u1 $0x1  }
0x3f: {  	s31 =	simm.s32 $0x1;
	[sflag:s30] =	ssyncpa.u1 $0x1  }
0x40: {  	[sflag:s31] =	ssyncpa.u1 $0x1  }
0x41: {  	p0 =	sne.s32 s1, $0x0;
	_ =	strace $0x90000053  }
0x42: {  	s0 =	sadd.s32 @!p0 $0x100000, s0;
	[bflag:$0x2] =	sbarrier.arrive $0xFFFF  }
0x43: {  	[sflag:s0] =	ssyncadd.tile.s32 @!p0 $0x1;
	_ =	shalt  }
.Lfunc_end2:
_tile_overlayer_lowered:
.L_overlay_start_2:
0x44: {  	(tag) =	ssettag $0x2  }
0x45: {  	s0 =	rddreg [dreg:$0x0];
	s2 =	stileid.u32  }
0x46: {  	s1 =	rddreg [dreg:$0x1];
	p0 =	sne.s32 s2, $0x0  }
0x47: {  	s3 =	rddreg [dreg:$0x2];
	[bflag:$0x3] =	sbarrier.arrive $0xFFFF;
	s2 =	simm.s32 @!p0 $0x1C01  }
0x48: {  	[timem:s3], [sflag:s2] =	dma.local @!p0 [hbm:s0], s1  }
0x49: {  	s0 =	simm.s32 @!p0 $0x1  }
0x4a: {  	_ =	swait.ge @!p0 [sflag:s0], s1  }
0x4b: {  	s1 =	ssub.s32 @!p0 $0x0, s1;
	[sflag:s0] =	ssyncset.done @!p0 $0x0  }
0x4c: {  	[sflag:s0] =	ssyncadd.s32 @!p0 s1  }
0x4d: {  	[bflag:$0x3] =	sbarrier.arrive $0xFFFF  }
0x4e: {  	_ =	shalt  }

// kernel: gather_offload_async_start.3
scs
__scs_entry_jumppad:
0x0: {  	(pc) =	sbr.rel $0x88, $3  }
0x1: {  	(tag) =	ssettag $0x0;
	lr =	simm.s32 $0x1  }
0x2: {  	[smem:$0x3EF5] =	sst lr;
	_ =	strace $0xD0000000  }
0x3: {  	_ = 	snop  }
0x4: {  	_ = 	snop  }
0x5: {  	_ = 	snop  }
0x6: {  	_ = 	snop  }
0x7: {  	_ = 	snop  }
__scs_overlays_trampoline_lowered:
0x8: {  	[smem:$0x3F04] =	sst s0  }
0x9: {  	[smem:$0x3F05] =	sst s1  }
0xa: {  	[smem:$0x3F06] =	sst s2  }
0xb: {  	[smem:$0x3F07] =	sst s3  }
0xc: {  	[smem:$0x3F08] =	sst s4  }
0xd: {  	[smem:$0x3F09] =	sst s5  }
0xe: {  	[smem:$0x3F0A] =	sst s6  }
0xf: {  	[smem:$0x3F0B] =	sst s7  }
0x10: {  	[smem:$0x3F0C] =	sst s8  }
0x11: {  	[smem:$0x3F0D] =	sst s9;
	s0 =	simm.s32 @!p0 $0x0  }
0x12: {  	s1 =	sld [smem:$0x3EF3];
	s0 =	simm.s32 @p0 $0x1  }
0x13: {  	[smem:$0x3F0E] =	sst s0;
	s0 =	simm.s32 @!p1 $0x0  }
0x14: {  	s2 =	sld [smem:$0x3EF2];
	s0 =	simm.s32 @p1 $0x1  }
0x15: {  	[smem:$0x3F0F] =	sst s0;
	s0 =	simm.s32 @!p2 $0x0  }
0x16: {  	s3 =	sld [smem:$0x3FDB];
	s0 =	simm.s32 @p2 $0x1  }
0x17: {  	s4 =	simm.s32 $0x1BF5;
	[smem:$0x3F11] =	sst s0  }
0x18: {  	s0 =	sld [smem:$0x3EF4];
	_ =	swait.ge [sflag:s4], $0x0  }
0x19: {  	s7 =	sld [smem:$0x3EF5]  }
0x1a: {  	s8 =	sadd.s32 $0xFFFFE003, lr  }
0x1b: {  	s9 =	sadd.s32 $0xFFFFFEF7, lr;
	s5 =	simm.s32 $0xFFFFFFFF;
	p2 =	slt.u32 s8, $0xFFFFF086  }
0x1c: {  	p1 =	slt.u32 s9, $0xF7A;
	s5 =	simm.s32 @!p2 $0x0  }
0x1d: {  	s5 =	simm.s32 @p1 $0x1;
	p0 =	seq.s32 s7, s2  }
0x1e: {  	s7 =	smul.u32 @!p0 $0xF7A, s2;
	p2 =	seq.s32 @!p0 s5, $0x0  }
0x1f: {  	s9 =	smul.u32 $0xF7A, s1;
	s8 =	simm.s32 @!p0 $0x1BF5;
	p2 =	por !p2, p0  }
0x20: {  	[sflag:s8] =	ssyncset.s32 @!p0 $0xFFFFF086;
	s6 =	sadd.s32 @!p0 s3, s7;
	s7 =	simm.s32 @!p0 $0x108  }
0x21: {  	s3 =	sadd.s32 s3, s9;
	s6 =	sadd.s32 @!p0 $0x88, s6;
	s7 =	simm.s32 @p2 $0x1082  }
0x22: {  	[simem:s7], [sflag:s8] =	dma.local @!p0 [hbm:s6], $0xF7A  }
0x23: {  	s9 =	sor.u32 $0xD0000000, s2;
	s6 =	simm.s32 $0x108;
	_ =	swait.ge @!p0 [sflag:s8], $0x0  }
0x24: {  	s3 =	sadd.s32 $0x88, s3;
	s6 =	simm.s32 @!p1 $0x1082;
	[sflag:s4] =	ssyncset.s32 $0xFFFFF086  }
0x25: {  	[simem:s6], [sflag:s4] =	dma.local [hbm:s3], $0xF7A  }
0x26: {  	[smem:$0x3EF5] =	sst s1;
	(tag) =	ssettag s2;
	_ =	strace s9  }
0x27: {  	s1 =	sld [smem:$0x3F05]  }
0x28: {  	s2 =	sld [smem:$0x3F06]  }
0x29: {  	s4 =	sld [smem:$0x3F08]  }
0x2a: {  	p0 =	seq.s32 s5, $0x0;
	s5 =	sld [smem:$0x3F09]  }
0x2b: {  	s6 =	sld [smem:$0x3F0A]  }
0x2c: {  	s7 =	sld [smem:$0x3F0B]  }
0x2d: {  	s3 =	simm.s32 $0x108;
	s8 =	sld [smem:$0x3F0C]  }
0x2e: {  	s3 =	simm.s32 @!p0 $0x1082;
	s9 =	sld [smem:$0x3F0D]  }
0x2f: {  	lr =	sadd.s32 s0, s3;
	s0 =	sld [smem:$0x3F04]  }
0x30: {  	s3 =	sld [smem:$0x3F07]  }
0x31: {  	[smem:$0x3F10] =	sst s10  }
0x32: {  	s10 =	sld [smem:$0x3F0E];
	_ =	sdelay $0x3  }
0x33: {  	p0 =	seq.s32 s10, $0x1;
	s10 =	sld [smem:$0x3F10];
	_ =	sdelay $0x3  }
0x34: {  	[smem:$0x3F10] =	sst s10  }
0x35: {  	s10 =	sld [smem:$0x3F0F];
	_ =	sdelay $0x3  }
0x36: {  	p1 =	seq.s32 s10, $0x1;
	s10 =	sld [smem:$0x3F10];
	_ =	sdelay $0x3  }
0x37: {  	[smem:$0x3F10] =	sst s10  }
0x38: {  	s10 =	sld [smem:$0x3F11]  }
0x39: {  	_ = 	snop;
	(pc) =	sbr.ind lr, $3  }
0x3a: {  	_ = 	snop  }
0x3b: {  	_ = 	snop  }
0x3c: {  	p2 =	seq.s32 s10, $0x1;
	s10 =	sld [smem:$0x3F10]  }
0x3d: {  	_ =	shalt  }
0x3e: {  	_ =	shalt  }
0x3f: {  	_ =	shalt  }
0x40: {  	_ =	shalt  }
0x41: {  	_ =	shalt  }
0x42: {  	_ =	shalt  }
0x43: {  	_ =	shalt  }
0x44: {  	_ =	shalt  }
0x45: {  	_ =	shalt  }
0x46: {  	_ =	shalt  }
0x47: {  	_ =	shalt  }
0x48: {  	_ =	shalt  }
0x49: {  	_ =	shalt  }
0x4a: {  	_ =	shalt  }
0x4b: {  	_ =	shalt  }
0x4c: {  	_ =	shalt  }
0x4d: {  	_ =	shalt  }
0x4e: {  	_ =	shalt  }
0x4f: {  	_ =	shalt  }
0x50: {  	_ =	shalt  }
0x51: {  	_ =	shalt  }
0x52: {  	_ =	shalt  }
0x53: {  	_ =	shalt  }
0x54: {  	_ =	shalt  }
0x55: {  	_ =	shalt  }
0x56: {  	_ =	shalt  }
0x57: {  	_ =	shalt  }
0x58: {  	_ =	shalt  }
0x59: {  	_ =	shalt  }
0x5a: {  	_ =	shalt  }
0x5b: {  	_ =	shalt  }
0x5c: {  	_ =	shalt  }
0x5d: {  	_ =	shalt  }
0x5e: {  	_ =	shalt  }
0x5f: {  	_ =	shalt  }
0x60: {  	_ =	shalt  }
0x61: {  	_ =	shalt  }
0x62: {  	_ =	shalt  }
0x63: {  	_ =	shalt  }
0x64: {  	_ =	shalt  }
0x65: {  	_ =	shalt  }
0x66: {  	_ =	shalt  }
0x67: {  	_ =	shalt  }
0x68: {  	_ =	shalt  }
0x69: {  	_ =	shalt  }
0x6a: {  	_ =	shalt  }
0x6b: {  	_ =	shalt  }
0x6c: {  	_ =	shalt  }
0x6d: {  	_ =	shalt  }
0x6e: {  	_ =	shalt  }
0x6f: {  	_ =	shalt  }
0x70: {  	_ =	shalt  }
0x71: {  	_ =	shalt  }
0x72: {  	_ =	shalt  }
0x73: {  	_ =	shalt  }
0x74: {  	_ =	shalt  }
0x75: {  	_ =	shalt  }
0x76: {  	_ =	shalt  }
0x77: {  	_ =	shalt  }
0x78: {  	_ =	shalt  }
0x79: {  	_ =	shalt  }
0x7a: {  	_ =	shalt  }
0x7b: {  	_ =	shalt  }
0x7c: {  	_ =	shalt  }
0x7d: {  	_ =	shalt  }
0x7e: {  	_ =	shalt  }
0x7f: {  	_ =	shalt  }
0x80: {  	_ =	shalt  }
0x81: {  	_ =	shalt  }
0x82: {  	_ =	shalt  }
0x83: {  	_ =	shalt  }
0x84: {  	_ =	shalt  }
0x85: {  	_ =	shalt  }
0x86: {  	_ =	shalt  }
0x87: {  	_ =	shalt  }
.Lfunc_end0:
.L_simem_size_0:
called_computation.5_lowered:
.L_overlay_start_0:
0x88: {  	s2 =	sld [smem:$0x3FD9]  }
0x89: {  	s3 =	sld [smem:$0x3FFE];
	_ =	sdelay $0x1  }
0x8a: {  	s1 =	srdreg.scid  }
0x8b: {  	s0 =	sand.u32 $0x1, s1  }
0x8c: {  	s16 =	sshll.u32 s0, $0xA;
	s2 =	sadd.s32 s3, s2  }
0x8d: {  	s2 =	sadd.s32 s2, s16  }
0x8e: {  	[smem:$0x3F1C] =	sst s2  }
0x8f: {  	_ = 	snop  }
0x90: {  	(tm) =	ssettm $0x1  }
0x91: {  	s17 =	sld [smem:$0x3FFB];
	_ =	sdelay $0x3  }
0x92: {  	_ =	strace s17  }
0x93: {  	s2 =	sld [smem:$0x3FFC];
	_ =	sdelay $0x3  }
0x94: {  	_ =	strace s2  }
0x95: {  	s2 =	sld [smem:$0x3FFD];
	_ =	sdelay $0x3  }
0x96: {  	_ =	strace s2  }
0x97: {  	_ =	strace $0x8FFFFFFF  }
0x98: {  	s18 =	sld [smem:$0x3FDB];
	_ =	sdelay $0x1  }
0x99: {  	s19 =	simm.s32 $_scs_section_size  }
0x9a: {  	s4 =	simm.s32 $_size__tile_overlayer_lowered;
	s5 =	simm.s32 $_tile_overlayer_lowered  }
0x9b: {  	s22 =	simm.s32 $0x1BFF;
	s21 =	sshll.u32 s5, $0x1;
	s2 =	sadd.s32 s19, s18  }
0x9c: {  	s6 =	simm.s32 $0x0;
	s20 =	sshll.u32 s4, $0x1;
	s4 =	sadd.s32 s21, s2  }
0x9d: {  	[timem:s6], [sflag:s22] =	dma.local [hbm:s4], s20  }
0x9e: {  	_ =	swait.ge [sflag:s22], s20  }
0x9f: {  	s3 =	ssub.s32 $0x0, s20;
	[sflag:s22] =	ssyncset.done $0x0  }
0xa0: {  	[sflag:s22] =	ssyncadd.s32 s3;
	_ =	sdelay $0x1  }
0xa1: {  	s23 =	simm.s32 $0x1B8B  }
0xa2: {  	_ =	swait.ge [sflag:s23], $0x1  }
0xa3: {  	[sflag:s23] =	ssyncset.done $0x0  }
0xa4: {  	s25 =	simm.s32 $0x1B8E;
	s24 =	sld [smem:$0x3FFE];
	[sflag:s23] =	ssyncadd.s32 $0xFFFFFFFF  }
0xa5: {  	s26 =	simm.s32 $execute0_lowered;
	[smem:$0x3FD2] =	sst s25  }
0xa6: {  	s4 =	sshll.u32 s26, $0x1;
	_ =	strace $0x8000004F;
	[dreg:$0x1] =	wrdreg $0xFFFFFFFF  }
0xa7: {  	s28 =	simm.s32 $_size_execute0_lowered;
	s2 =	sadd.s32 s2, s4;
	[dreg:$0x0] =	wrdreg $0x0  }
0xa8: {  	s4 =	sshll.u32 s28, $0x1;
	[dreg:$0x2] =	wrdreg s2  }
0xa9: {  	[dreg:$0x3] =	wrdreg s4  }
0xaa: {  	[dreg:$0x4] =	wrdreg $0xC0  }
0xab: {  	_ =	task [dreg:s6], $0x5FFFF  }
0xac: {  	[dreg:$0x1] =	wrdreg $0xFFFFFFFF  }
0xad: {  	[dreg:$0x0] =	wrdreg $0x60  }
0xae: {  	[dreg:$0x2] =	wrdreg s24  }
0xaf: {  	[dreg:$0x3] =	wrdreg $0xC  }
0xb0: {  	_ =	task.clear_ibuf [dreg:s6], $0x4FFFF;
	_ =	strace $0x9000004F  }
0xb1: {  	s29 =	simm.s32 $0xC;
	_ =	strace $0x80000051  }
0xb2: {  	_ =	swait.ge [sflag:s29], $0x1  }
0xb3: {  	[sflag:s29] =	ssyncadd.s32 $0xFFFFFFFF  }
0xb4: {  	_ =	strace $0x90000051  }
0xb5: {  	_ =	sfence  }
0xb6: {  	s30 =	sld [smem:$0x0];
	_ =	sdelay $0x2  }
0xb7: {  	s31 =	sshll.u32 s1, $0xD;
	s1 =	sshrl.u32 s1, $0x2  }
0xb8: {  	s3 =	sand.u32 $0x4000, s31;
	s1 =	sadd.s32 s1, s30  }
0xb9: {  	s0 =	sor.u32 s3, s0;
	s1 =	sshll.u32 s1, $0x11  }
0xba: {  	s0 =	sor.u32 s1, s0  }
0xbb: {  	s0 =	sadd.s32 $0x8F2B, s0  }
0xbc: {  	[sflag:s0] =	ssyncadd.remote.s32 $0x1  }
0xbd: {  	_ =	sfence.sel $0xFFFF  }
0xbe: {  	[dreg:$0x0] =	wrdreg $0xFFFFFFFF;
	(pc) =	sbr.abs _section_cstart, $3  }
0xbf: {  	[dreg:$0x1] =	wrdreg $0xFFFFFFFF  }
0xc0: {  	_ =	task.clear_ibuf [dreg:s6], $0x2FFFF;
	_ =	strace $0x9FFFFFFF  }
0xc1: {  	(tm) =	ssettm $0x7FFFFFFF  }
tec
execute0_lowered:
.L_overlay_start_1:
0x0: {  	(tag) =	ssettag $0x1  }
0x1: {  	s0 =	srdreg.scid;
	s5 =	rddreg [dreg:$0x0]  }
0x2: {  	s1 =	stileid.u32;
	s6 =	simm.s32 $0x1;
	s9 =	simm.s32 $0x1  }
0x3: {  	s10 =	simm.s32 $0x3;
	s13 =	simm.s32 $0x0;
	s2 =	sshll.u32 s0, $0xD  }
0x4: {  	s12 =	simm.s32 $0x0;
	s3 =	sshll.u32 s1, $0xE;
	s2 =	sand.u32 $0x2000, s2  }
0x5: {  	s0 =	rddreg [dreg:$0x1];
	_ =	strace $0x80000050;
	s2 =	sor.u32 s3, s2  }
0x6: {  	s4 =	sadd.s32 $0x2C600, s5;
	[sflag:s6] =	ssyncpa.u1 $0x0;
	s8 =	ssub.s32 $0x50000, s2  }
.Ltmp0:
0x7: {  	s3 =	sadd.s32 $0x36600, s5;
	s7 =	sand.u32 $0x3E000, s8;
	(pc) =	sbr.rel .LBB2_1-.Ltmp0, $4  }
0x8: {  	s5 =	sadd.s32 $0x40400, s5;
	s11 =	smov.u32 s2;
	p0 =	sne.s32 s7, $0x0  }
0x9: {  	s8 =	sshrl.u32 s8, $0x12;
	s7 =	simm.s32 $0x2;
	s9 =	simm.s32 @!p0 $0x0  }
0xa: {  	[sflag:s7] =	ssyncpa.u1 $0x0;
	p0 =	por $0x0, $0x0;
	s8 =	sadd.s32 s9, s8  }
0xb: {  	vm0 =	vmmov $0xffff;
	[sflag:s10] =	ssyncpa.u1 $0x0;
	s10 =	simm.s32 $0x0;
	s9 =	sadd.s32 $0x1, s8  }
.LBB2_4:
0xc: {  	v2 =	vnsel vm1, $0x0, v2  }
0xd: {  	vm1 =	vgt.s32 v0, $0x0;
	v2 =	vmin.u32 v2, $0x4E1FF  }
0xe: {  	v0 =	vnsel vm1, $0x0, v0  }
0xf: {  	v0 =	vmin.u32 v0, $0x4E1FF  }
0x10: {  	[tilespmem:s15], [sflag:$0x1] =	stream.indirect_vreg.gather [hbm4b:s3+s10], $0x1, v1, vm0, $0x4038;
	[tilespmem:$0x8000] =	vst v63  }
0x11: {  	(ifvalue) =	ssetifvalue $0x7FFFFFFF  }
0x12: {  	[tilespmem:s16], [sflag:$0x1] =	stream.indirect_vreg.gather [hbm4b:s3+s10], $0x1, v2, vm0, $0x4038;
	[tilespmem:$0x8000] =	vst v63  }
0x13: {  	s29 =	sadd.s32 $0x10, s16;
	(ifvalue) =	ssetifvalue $0x7FFFFFFF  }
0x14: {  	[tilespmem:s29], [sflag:$0x1] =	stream.indirect_vreg.gather [hbm4b:s3+s10], $0x1, v0, vm0, $0x4038;
	[tilespmem:$0x8000] =	vst v63  }
0x15: {  	_ =	swait.ge [sflag:s6], $0x2000  }
0x16: {  	s30 =	sshrl.u32 s13, $0x3;
	[sflag:s6] =	ssyncset.done $0x0  }
0x17: {  	s31 =	sand.u32 $0x7, s13;
	s15 =	sadd.s32 s5, s30;
	[sflag:s6] =	ssyncadd.s32 $0xFFFFE000  }
0x18: {  	[hbm4b:s15+s31] =	stream.linear.scatter [tilespmem:s14], [sflag:$0x3], $0x2000, $0x38;
	[tilespmem:$0x8000] =	vst v63  }
.LBB2_5:
0x19: {  	s15 =	sadd.s32 $0x40000, s11  }
0x1a: {  	p2 =	sgt.s32 s15, $0x4FFFF  }
0x1b: {  	s15 =	smov.u32 @p2 s2;
	p2 =	sne.s32 s12, s9  }
.Ltmp1:
0x1c: {  	p1 =	slt.u32 s12, $0x2;
	(pc) =	sbr.rel @!p2 .LBB2_6-.Ltmp1, $4  }
0x1d: {  	s14 =	simm.s32 @!p1 $0x3  }
0x1e: {  	s16 =	sadd.s32 $0x1, s12;
	_ =	swait.ge @!p1 [sflag:s14], $0x2000  }
0x1f: {  	s13 =	smov.u32 s11;
	p0 =	por !p0, !p0;
	[sflag:s14] =	ssyncset.done @!p1 $0x0  }
0x20: {  	s12 =	smov.u32 s16;
	s11 =	smov.u32 s15;
	[sflag:s14] =	ssyncadd.s32 @!p1 $0xFFFFE000  }
.LBB2_1:
0x21: {  	p1 =	sge.u32 s12, s8  }
0x22: {  	s14 =	sxor.u32 @!p1 $0xFFFFFFFF, s12  }
0x23: {  	s31 =	sadd.s32 $0xFFFFFFFF, s12;
	s15 =	sshrl.u32 @!p1 s11, $0x3;
	s14 =	sshll.u32 @!p1 s14, $0xD  }
0x24: {  	s16 =	sand.u32 @!p1 $0x7, s11;
	s15 =	sadd.s32 @!p1 s4, s15;
	s14 =	sand.u32 @!p1 $0x2000, s14  }
0x25: {  	[tilespmem:s14], [sflag:$0x2] =	stream.linear.gather @!p1 [hbm4b:s15+s16], $0x2000, $0x38;
	[tilespmem:$0x8000] =	vst v63  }
0x26: {  	p1 =	sge.u32 s31, s8  }
.Ltmp2:
0x27: {  	_ = 	snop;
	(pc) =	sbr.rel @p1 .LBB2_5-.Ltmp2, $1  }
0x28: {  	_ =	sdelay $0x3  }
0x29: {  	s14 =	simm.s32 $0x1  }
0x2a: {  	_ =	swait.ge [sflag:s7], $0x2000;
	s14 =	simm.s32 @!p0 $0x0  }
0x2b: {  	[sflag:s7] =	ssyncset.done $0x0;
	s14 =	sshll.u32 s14, $0xD  }
0x2c: {  	[sflag:s7] =	ssyncadd.s32 $0xFFFFE000;
	(ifvalue) =	ssetifvalue $0x7FFFFFFF;
	v0 =	vld.msk [tilespmem:s14+$0x0 ss:$0x1], $0xffff;
	_ =	sdelay $0x4  }
0x2d: {  	s15 =	sadd.s32 $0x10, s14;
	vm1 =	vgt.s32 v0, $0x0  }
0x2e: {  	v2 =	vld.msk [tilespmem:s15+$0x0 ss:$0x1], $0xffff;
	v1 =	vnsel vm1, $0x0, v0  }
0x2f: {  	v1 =	vmin.u32 v1, $0x4E1FF;
	_ =	sdelay $0x1  }
0x30: {  	s16 =	sshll.u32 s12, $0xD;
	s18 =	simm.s32 $0x20  }
0x31: {  	s16 =	sand.u32 $0x2000, s16;
	s17 =	sadd.s32 $0x10, s15;
	s15 =	sor.u32 $0x4000, s14  }
0x32: {  	s14 =	sor.u32 $0x4000, s16;
	s16 =	sadd.s32 $0x10, s15;
	v0 =	vld.msk [tilespmem:s17+$0x0 ss:$0x1], $0xffff;
	vm1 =	vgt.s32 v2, $0x0;
	(ifvalue) =	ssetifvalue $0x7FFFFFFF  }
.LBB2_3:
0x33: {  	[tilespmem:s15], [sflag:$0x1] =	stream.indirect_vreg.gather [hbm4b:s3+s10], $0x1, v1, vm0, $0x4038;
	[tilespmem:$0x8000] =	vst v63  }
0x34: {  	s18 =	sadd.s32 $0x10, s18  }
0x35: {  	v2 =	vnsel vm1, $0x0, v2;
	p1 =	slt.u32 s18, $0x1FF0  }
.Ltmp3:
0x36: {  	s15 =	smov.u32 s16;
	v1 =	vmin.u32 v2, $0x4E1FF;
	(pc) =	sbr.rel @p1 .LBB2_3-.Ltmp3, $3  }
0x37: {  	_ =	sdelay $0x1  }
0x38: {  	s17 =	sadd.s32 $0x10, s17  }
0x39: {  	vm1 =	vgt.s32 v0, $0x0;
	s16 =	sadd.s32 $0x10, s16;
	v2 =	vmov v0;
	(ifvalue) =	ssetifvalue $0x7FFFFFFF;
	v0 =	vld.msk [tilespmem:s17+$0x0 ss:$0x1], $0xffff  }
.Ltmp4:
0x3a: {  	_ = 	snop;
	(pc) =	sbr.rel .LBB2_4-.Ltmp4, $1  }
0x3b: {  	_ =	sdelay $0x3  }
.LBB2_6:
0x3c: {  	_ =	sfence.sel $0x180000  }
0x3d: {  	s2 =	simm.s32 $0x2;
	[bflag:$0x0] =	sbarrier.arrive $0xFFFF  }
0x3e: {  	s30 =	simm.s32 $0x3;
	[sflag:s2] =	ssyncpa.u1 $0x1  }
0x3f: {  	s31 =	simm.s32 $0x1;
	[sflag:s30] =	ssyncpa.u1 $0x1  }
0x40: {  	[sflag:s31] =	ssyncpa.u1 $0x1  }
0x41: {  	p0 =	sne.s32 s1, $0x0;
	_ =	strace $0x90000050  }
0x42: {  	s0 =	sadd.s32 @!p0 $0x100000, s0;
	[bflag:$0x2] =	sbarrier.arrive $0xFFFF  }
0x43: {  	[sflag:s0] =	ssyncadd.tile.s32 @!p0 $0x1;
	_ =	shalt  }
.Lfunc_end2:
_tile_overlayer_lowered:
.L_overlay_start_2:
0x44: {  	(tag) =	ssettag $0x2  }
0x45: {  	s0 =	rddreg [dreg:$0x0];
	s2 =	stileid.u32  }
0x46: {  	s1 =	rddreg [dreg:$0x1];
	p0 =	sne.s32 s2, $0x0  }
0x47: {  	s3 =	rddreg [dreg:$0x2];
	[bflag:$0x3] =	sbarrier.arrive $0xFFFF;
	s2 =	simm.s32 @!p0 $0x1C01  }
0x48: {  	[timem:s3], [sflag:s2] =	dma.local @!p0 [hbm:s0], s1  }
0x49: {  	s0 =	simm.s32 @!p0 $0x1  }
0x4a: {  	_ =	swait.ge @!p0 [sflag:s0], s1  }
0x4b: {  	s1 =	ssub.s32 @!p0 $0x0, s1;
	[sflag:s0] =	ssyncset.done @!p0 $0x0  }
0x4c: {  	[sflag:s0] =	ssyncadd.s32 @!p0 s1  }
0x4d: {  	[bflag:$0x3] =	sbarrier.arrive $0xFFFF  }
0x4e: {  	_ =	shalt  }

// kernel: gather_offload_async_start
scs
__scs_entry_jumppad:
0x0: {  	(pc) =	sbr.rel $0x88, $3  }
0x1: {  	(tag) =	ssettag $0x0;
	lr =	simm.s32 $0x1  }
0x2: {  	[smem:$0x3EF5] =	sst lr;
	_ =	strace $0xD0000000  }
0x3: {  	_ = 	snop  }
0x4: {  	_ = 	snop  }
0x5: {  	_ = 	snop  }
0x6: {  	_ = 	snop  }
0x7: {  	_ = 	snop  }
__scs_overlays_trampoline_lowered:
0x8: {  	[smem:$0x3F04] =	sst s0  }
0x9: {  	[smem:$0x3F05] =	sst s1  }
0xa: {  	[smem:$0x3F06] =	sst s2  }
0xb: {  	[smem:$0x3F07] =	sst s3  }
0xc: {  	[smem:$0x3F08] =	sst s4  }
0xd: {  	[smem:$0x3F09] =	sst s5  }
0xe: {  	[smem:$0x3F0A] =	sst s6  }
0xf: {  	[smem:$0x3F0B] =	sst s7  }
0x10: {  	[smem:$0x3F0C] =	sst s8  }
0x11: {  	[smem:$0x3F0D] =	sst s9;
	s0 =	simm.s32 @!p0 $0x0  }
0x12: {  	s1 =	sld [smem:$0x3EF3];
	s0 =	simm.s32 @p0 $0x1  }
0x13: {  	[smem:$0x3F0E] =	sst s0;
	s0 =	simm.s32 @!p1 $0x0  }
0x14: {  	s2 =	sld [smem:$0x3EF2];
	s0 =	simm.s32 @p1 $0x1  }
0x15: {  	[smem:$0x3F0F] =	sst s0;
	s0 =	simm.s32 @!p2 $0x0  }
0x16: {  	s3 =	sld [smem:$0x3FDB];
	s0 =	simm.s32 @p2 $0x1  }
0x17: {  	s4 =	simm.s32 $0x1BF5;
	[smem:$0x3F11] =	sst s0  }
0x18: {  	s0 =	sld [smem:$0x3EF4];
	_ =	swait.ge [sflag:s4], $0x0  }
0x19: {  	s7 =	sld [smem:$0x3EF5]  }
0x1a: {  	s8 =	sadd.s32 $0xFFFFE003, lr  }
0x1b: {  	s9 =	sadd.s32 $0xFFFFFEF7, lr;
	s5 =	simm.s32 $0xFFFFFFFF;
	p2 =	slt.u32 s8, $0xFFFFF086  }
0x1c: {  	p1 =	slt.u32 s9, $0xF7A;
	s5 =	simm.s32 @!p2 $0x0  }
0x1d: {  	s5 =	simm.s32 @p1 $0x1;
	p0 =	seq.s32 s7, s2  }
0x1e: {  	s7 =	smul.u32 @!p0 $0xF7A, s2;
	p2 =	seq.s32 @!p0 s5, $0x0  }
0x1f: {  	s9 =	smul.u32 $0xF7A, s1;
	s8 =	simm.s32 @!p0 $0x1BF5;
	p2 =	por !p2, p0  }
0x20: {  	[sflag:s8] =	ssyncset.s32 @!p0 $0xFFFFF086;
	s6 =	sadd.s32 @!p0 s3, s7;
	s7 =	simm.s32 @!p0 $0x108  }
0x21: {  	s3 =	sadd.s32 s3, s9;
	s6 =	sadd.s32 @!p0 $0x88, s6;
	s7 =	simm.s32 @p2 $0x1082  }
0x22: {  	[simem:s7], [sflag:s8] =	dma.local @!p0 [hbm:s6], $0xF7A  }
0x23: {  	s9 =	sor.u32 $0xD0000000, s2;
	s6 =	simm.s32 $0x108;
	_ =	swait.ge @!p0 [sflag:s8], $0x0  }
0x24: {  	s3 =	sadd.s32 $0x88, s3;
	s6 =	simm.s32 @!p1 $0x1082;
	[sflag:s4] =	ssyncset.s32 $0xFFFFF086  }
0x25: {  	[simem:s6], [sflag:s4] =	dma.local [hbm:s3], $0xF7A  }
0x26: {  	[smem:$0x3EF5] =	sst s1;
	(tag) =	ssettag s2;
	_ =	strace s9  }
0x27: {  	s1 =	sld [smem:$0x3F05]  }
0x28: {  	s2 =	sld [smem:$0x3F06]  }
0x29: {  	s4 =	sld [smem:$0x3F08]  }
0x2a: {  	p0 =	seq.s32 s5, $0x0;
	s5 =	sld [smem:$0x3F09]  }
0x2b: {  	s6 =	sld [smem:$0x3F0A]  }
0x2c: {  	s7 =	sld [smem:$0x3F0B]  }
0x2d: {  	s3 =	simm.s32 $0x108;
	s8 =	sld [smem:$0x3F0C]  }
0x2e: {  	s3 =	simm.s32 @!p0 $0x1082;
	s9 =	sld [smem:$0x3F0D]  }
0x2f: {  	lr =	sadd.s32 s0, s3;
	s0 =	sld [smem:$0x3F04]  }
0x30: {  	s3 =	sld [smem:$0x3F07]  }
0x31: {  	[smem:$0x3F10] =	sst s10  }
0x32: {  	s10 =	sld [smem:$0x3F0E];
	_ =	sdelay $0x3  }
0x33: {  	p0 =	seq.s32 s10, $0x1;
	s10 =	sld [smem:$0x3F10];
	_ =	sdelay $0x3  }
0x34: {  	[smem:$0x3F10] =	sst s10  }
0x35: {  	s10 =	sld [smem:$0x3F0F];
	_ =	sdelay $0x3  }
0x36: {  	p1 =	seq.s32 s10, $0x1;
	s10 =	sld [smem:$0x3F10];
	_ =	sdelay $0x3  }
0x37: {  	[smem:$0x3F10] =	sst s10  }
0x38: {  	s10 =	sld [smem:$0x3F11]  }
0x39: {  	_ = 	snop;
	(pc) =	sbr.ind lr, $3  }
0x3a: {  	_ = 	snop  }
0x3b: {  	_ = 	snop  }
0x3c: {  	p2 =	seq.s32 s10, $0x1;
	s10 =	sld [smem:$0x3F10]  }
0x3d: {  	_ =	shalt  }
0x3e: {  	_ =	shalt  }
0x3f: {  	_ =	shalt  }
0x40: {  	_ =	shalt  }
0x41: {  	_ =	shalt  }
0x42: {  	_ =	shalt  }
0x43: {  	_ =	shalt  }
0x44: {  	_ =	shalt  }
0x45: {  	_ =	shalt  }
0x46: {  	_ =	shalt  }
0x47: {  	_ =	shalt  }
0x48: {  	_ =	shalt  }
0x49: {  	_ =	shalt  }
0x4a: {  	_ =	shalt  }
0x4b: {  	_ =	shalt  }
0x4c: {  	_ =	shalt  }
0x4d: {  	_ =	shalt  }
0x4e: {  	_ =	shalt  }
0x4f: {  	_ =	shalt  }
0x50: {  	_ =	shalt  }
0x51: {  	_ =	shalt  }
0x52: {  	_ =	shalt  }
0x53: {  	_ =	shalt  }
0x54: {  	_ =	shalt  }
0x55: {  	_ =	shalt  }
0x56: {  	_ =	shalt  }
0x57: {  	_ =	shalt  }
0x58: {  	_ =	shalt  }
0x59: {  	_ =	shalt  }
0x5a: {  	_ =	shalt  }
0x5b: {  	_ =	shalt  }
0x5c: {  	_ =	shalt  }
0x5d: {  	_ =	shalt  }
0x5e: {  	_ =	shalt  }
0x5f: {  	_ =	shalt  }
0x60: {  	_ =	shalt  }
0x61: {  	_ =	shalt  }
0x62: {  	_ =	shalt  }
0x63: {  	_ =	shalt  }
0x64: {  	_ =	shalt  }
0x65: {  	_ =	shalt  }
0x66: {  	_ =	shalt  }
0x67: {  	_ =	shalt  }
0x68: {  	_ =	shalt  }
0x69: {  	_ =	shalt  }
0x6a: {  	_ =	shalt  }
0x6b: {  	_ =	shalt  }
0x6c: {  	_ =	shalt  }
0x6d: {  	_ =	shalt  }
0x6e: {  	_ =	shalt  }
0x6f: {  	_ =	shalt  }
0x70: {  	_ =	shalt  }
0x71: {  	_ =	shalt  }
0x72: {  	_ =	shalt  }
0x73: {  	_ =	shalt  }
0x74: {  	_ =	shalt  }
0x75: {  	_ =	shalt  }
0x76: {  	_ =	shalt  }
0x77: {  	_ =	shalt  }
0x78: {  	_ =	shalt  }
0x79: {  	_ =	shalt  }
0x7a: {  	_ =	shalt  }
0x7b: {  	_ =	shalt  }
0x7c: {  	_ =	shalt  }
0x7d: {  	_ =	shalt  }
0x7e: {  	_ =	shalt  }
0x7f: {  	_ =	shalt  }
0x80: {  	_ =	shalt  }
0x81: {  	_ =	shalt  }
0x82: {  	_ =	shalt  }
0x83: {  	_ =	shalt  }
0x84: {  	_ =	shalt  }
0x85: {  	_ =	shalt  }
0x86: {  	_ =	shalt  }
0x87: {  	_ =	shalt  }
.Lfunc_end0:
.L_simem_size_0:
called_computation.2_lowered:
.L_overlay_start_0:
0x88: {  	s2 =	sld [smem:$0x3FD9]  }
0x89: {  	s3 =	sld [smem:$0x3FFE];
	_ =	sdelay $0x1  }
0x8a: {  	s1 =	srdreg.scid  }
0x8b: {  	s0 =	sand.u32 $0x1, s1  }
0x8c: {  	s17 =	sshll.u32 s0, $0xA;
	s2 =	sadd.s32 s3, s2  }
0x8d: {  	s2 =	sadd.s32 s2, s17  }
0x8e: {  	[smem:$0x3F1C] =	sst s2  }
0x8f: {  	_ = 	snop  }
0x90: {  	s2 =	sld [smem:$0x3FC2]  }
0x91: {  	s18 =	sld [smem:$0x3FD0];
	(tm) =	ssettm $0x1  }
0x92: {  	s4 =	sld [smem:$0x3FFB];
	_ =	sdelay $0x3  }
0x93: {  	_ =	strace s4  }
0x94: {  	s4 =	sld [smem:$0x3FFC];
	_ =	sdelay $0x3  }
0x95: {  	_ =	strace s4  }
0x96: {  	s4 =	sld [smem:$0x3FFD];
	_ =	sdelay $0x3  }
0x97: {  	_ =	strace s4  }
0x98: {  	_ =	strace $0x8FFFFFFF  }
0x99: {  	s19 =	sld [smem:$0x3FDB];
	_ =	sdelay $0x1  }
0x9a: {  	s5 =	simm.s32 $_scs_section_size  }
0x9b: {  	s6 =	simm.s32 $_size__tile_overlayer_lowered;
	s7 =	simm.s32 $_tile_overlayer_lowered  }
0x9c: {  	s22 =	simm.s32 $0x1BFF;
	s21 =	sshll.u32 s7, $0x1;
	s4 =	sadd.s32 s5, s19  }
0x9d: {  	s8 =	simm.s32 $0x0;
	s20 =	sshll.u32 s6, $0x1;
	s6 =	sadd.s32 s21, s4  }
0x9e: {  	[timem:s8], [sflag:s22] =	dma.local [hbm:s6], s20  }
0x9f: {  	_ =	swait.ge [sflag:s22], s20  }
0xa0: {  	s5 =	ssub.s32 $0x0, s20;
	[sflag:s22] =	ssyncset.done $0x0  }
0xa1: {  	[sflag:s22] =	ssyncadd.s32 s5;
	_ =	sdelay $0x1  }
0xa2: {  	s23 =	simm.s32 $0x1B8B  }
0xa3: {  	_ =	swait.ge [sflag:s23], $0x1  }
0xa4: {  	[sflag:s23] =	ssyncset.done $0x0  }
0xa5: {  	s25 =	simm.s32 $0x1B8E;
	s24 =	sld [smem:$0x3FFE];
	[sflag:s23] =	ssyncadd.s32 $0xFFFFFFFF  }
0xa6: {  	s26 =	simm.s32 $execute0_lowered;
	[smem:$0x3FD2] =	sst s25  }
0xa7: {  	s6 =	sshll.u32 s26, $0x1;
	_ =	strace $0x80000049;
	[dreg:$0x1] =	wrdreg $0xFFFFFFFF  }
0xa8: {  	s28 =	simm.s32 $_size_execute0_lowered;
	s4 =	sadd.s32 s4, s6;
	[dreg:$0x0] =	wrdreg $0x0  }
0xa9: {  	s6 =	sshll.u32 s28, $0x1;
	[dreg:$0x2] =	wrdreg s4  }
0xaa: {  	[dreg:$0x3] =	wrdreg s6  }
0xab: {  	[dreg:$0x4] =	wrdreg $0xC0  }
0xac: {  	_ =	task [dreg:s8], $0x5FFFF  }
0xad: {  	[dreg:$0x1] =	wrdreg $0xFFFFFFFF  }
0xae: {  	[dreg:$0x0] =	wrdreg $0x60  }
0xaf: {  	[dreg:$0x2] =	wrdreg s2  }
0xb0: {  	[dreg:$0x3] =	wrdreg s24  }
0xb1: {  	[dreg:$0x4] =	wrdreg s18  }
0xb2: {  	[dreg:$0x5] =	wrdreg $0x9  }
0xb3: {  	_ =	task.clear_ibuf [dreg:s8], $0x6FFFF;
	_ =	strace $0x90000049  }
0xb4: {  	s29 =	simm.s32 $0x9;
	_ =	strace $0x8000004B  }
0xb5: {  	_ =	swait.ge [sflag:s29], $0x1  }
0xb6: {  	[sflag:s29] =	ssyncadd.s32 $0xFFFFFFFF  }
0xb7: {  	_ =	strace $0x9000004B  }
0xb8: {  	_ =	sfence  }
0xb9: {  	s30 =	sld [smem:$0x0];
	_ =	sdelay $0x2  }
0xba: {  	s31 =	sshll.u32 s1, $0xD;
	s1 =	sshrl.u32 s1, $0x2  }
0xbb: {  	s3 =	sand.u32 $0x4000, s31;
	s1 =	sadd.s32 s1, s30  }
0xbc: {  	s0 =	sor.u32 s3, s0;
	s1 =	sshll.u32 s1, $0x11  }
0xbd: {  	s0 =	sor.u32 s1, s0  }
0xbe: {  	s0 =	sadd.s32 $0x8F2B, s0  }
0xbf: {  	[sflag:s0] =	ssyncadd.remote.s32 $0x1  }
0xc0: {  	_ =	sfence.sel $0xFFFF  }
0xc1: {  	[dreg:$0x0] =	wrdreg $0xFFFFFFFF;
	(pc) =	sbr.abs _section_cstart, $3  }
0xc2: {  	[dreg:$0x1] =	wrdreg $0xFFFFFFFF  }
0xc3: {  	_ =	task.clear_ibuf [dreg:s8], $0x2FFFF;
	_ =	strace $0x9FFFFFFF  }
0xc4: {  	(tm) =	ssettm $0x7FFFFFFF  }
0xc5: {  	_ =	shalt  }
tec
execute0_lowered:
.L_overlay_start_1:
0x0: {  	(tag) =	ssettag $0x1  }
0x1: {  	s2 =	rddreg [dreg:$0x0]  }
0x2: {  	s8 =	rddreg [dreg:$0x1]  }
0x3: {  	s3 =	rddreg [dreg:$0x2];
	s1 =	stileid.u32  }
0x4: {  	s4 =	srdreg.scid;
	s0 =	rddreg [dreg:$0x3];
	_ =	strace $0x8000004A  }
0x5: {  	s7 =	simm.s32 $0x1;
	s9 =	simm.s32 $0x1;
	s10 =	simm.s32 $0x3  }
0x6: {  	s13 =	simm.s32 $0x0;
	s5 =	sand.u32 $0x1, s4;
	s6 =	sshll.u32 s1, $0x1  }
0x7: {  	s12 =	simm.s32 $0x0;
	s4 =	simm.s32 $0x1;
	s5 =	sor.u32 s6, s5  }
.Ltmp0:
0x8: {  	[sflag:s4] =	ssyncpa.u1 $0x0;
	p0 =	slt.u32 s5, $0x9;
	(pc) =	sbr.rel .LBB2_1-.Ltmp0, $4  }
0x9: {  	s6 =	simm.s32 $0x2;
	s7 =	simm.s32 @!p0 $0x0;
	p0 =	sne.s32 s5, $0x8  }
0xa: {  	[sflag:s6] =	ssyncpa.u1 $0x0;
	s5 =	smul.u32 $0x1F40, s5;
	s9 =	simm.s32 @!p0 $0x0  }
0xb: {  	s8 =	sadd.s32 $0x36400, s8;
	[sflag:s10] =	ssyncpa.u1 $0x0;
	s7 =	sadd.s32 s9, s7  }
0xc: {  	vm0 =	vmmov $0xffff;
	s10 =	simm.s32 $0x0;
	s11 =	smov.u32 s5;
	s9 =	sadd.s32 $0x1, s7  }
.LBB2_4:
0xd: {  	v2 =	vnsel vm1, $0x0, v2  }
0xe: {  	vm1 =	vgt.s32 v0, $0x0;
	v2 =	vmin.u32 v2, $0x4E1FF  }
0xf: {  	v0 =	vnsel vm1, $0x0, v0  }
0x10: {  	v0 =	vmin.u32 v0, $0x4E1FF  }
0x11: {  	[tilespmem:s18], [sflag:$0x1] =	stream.indirect_vreg.gather [hbm4b:s2+s10], $0x1, v1, vm0, $0x4038;
	[tilespmem:$0x7D00] =	vst v63  }
0x12: {  	(ifvalue) =	ssetifvalue $0x7FFFFFFF  }
0x13: {  	[tilespmem:s15], [sflag:$0x1] =	stream.indirect_vreg.gather [hbm4b:s2+s10], $0x1, v2, vm0, $0x4038;
	[tilespmem:$0x7D00] =	vst v63  }
0x14: {  	s29 =	sadd.s32 $0x10, s15;
	(ifvalue) =	ssetifvalue $0x7FFFFFFF  }
0x15: {  	[tilespmem:s29], [sflag:$0x1] =	stream.indirect_vreg.gather [hbm4b:s2+s10], $0x1, v0, vm0, $0x4038;
	[tilespmem:$0x7D00] =	vst v63  }
0x16: {  	_ =	swait.ge [sflag:s4], $0x1F40  }
0x17: {  	s30 =	sshrl.u32 s13, $0x3;
	[sflag:s4] =	ssyncset.done $0x0  }
0x18: {  	s31 =	sand.u32 $0x7, s13;
	s15 =	sadd.s32 s3, s30;
	[sflag:s4] =	ssyncadd.s32 $0xFFFFE0C0  }
0x19: {  	[hbm4b:s15+s31] =	stream.linear.scatter [tilespmem:s14], [sflag:$0x3], $0x1F40, $0x38;
	[tilespmem:$0x7D00] =	vst v63  }
.LBB2_5:
0x1a: {  	s15 =	sadd.s32 $0x3E800, s11  }
0x1b: {  	p1 =	sgt.s32 s15, $0x4E1FF  }
0x1c: {  	s15 =	smov.u32 @p1 s5;
	p1 =	sne.s32 s12, s9  }
.Ltmp1:
0x1d: {  	p0 =	slt.u32 s12, $0x2;
	(pc) =	sbr.rel @!p1 .LBB2_6-.Ltmp1, $4  }
0x1e: {  	s14 =	simm.s32 @!p0 $0x3  }
0x1f: {  	_ =	swait.ge @!p0 [sflag:s14], $0x1F40  }
0x20: {  	s16 =	sadd.s32 $0x1, s12;
	s13 =	smov.u32 s11;
	[sflag:s14] =	ssyncset.done @!p0 $0x0  }
0x21: {  	s12 =	smov.u32 s16;
	s11 =	smov.u32 s15;
	[sflag:s14] =	ssyncadd.s32 @!p0 $0xFFFFE0C0  }
.LBB2_1:
0x22: {  	p0 =	sge.u32 s12, s7  }
0x23: {  	s14 =	sxor.u32 @!p0 $0x1, s12  }
0x24: {  	s14 =	smul.u32 @!p0 $0x7D00, s14  }
0x25: {  	s31 =	sadd.s32 $0xFFFFFFFF, s12;
	s15 =	sshrl.u32 @!p0 s11, $0x3  }
0x26: {  	s16 =	sand.u32 @!p0 $0x7, s11;
	s15 =	sadd.s32 @!p0 s8, s15;
	s14 =	sshra.s32 @!p0 s14, $0x2  }
0x27: {  	[tilespmem:s14], [sflag:$0x2] =	stream.linear.gather @!p0 [hbm4b:s15+s16], $0x1F40, $0x38;
	[tilespmem:$0x7D00] =	vst v63  }
0x28: {  	p0 =	sge.u32 s31, s7  }
.Ltmp2:
0x29: {  	_ = 	snop;
	(pc) =	sbr.rel @p0 .LBB2_5-.Ltmp2, $1  }
0x2a: {  	_ =	sdelay $0x3  }
0x2b: {  	s14 =	sand.u32 $0x1, s12  }
0x2c: {  	_ =	swait.ge [sflag:s6], $0x1F40;
	p0 =	seq.s32 s14, $0x1;
	s14 =	simm.s32 $0x1F40  }
0x2d: {  	[sflag:s6] =	ssyncset.done $0x0;
	s14 =	simm.s32 @!p0 $0x0  }
0x2e: {  	[sflag:s6] =	ssyncadd.s32 $0xFFFFE0C0;
	(ifvalue) =	ssetifvalue $0x7FFFFFFF;
	v0 =	vld.msk [tilespmem:s14+$0x0 ss:$0x1], $0xffff;
	_ =	sdelay $0x4  }
0x2f: {  	s15 =	sadd.s32 $0x10, s14;
	vm1 =	vgt.s32 v0, $0x0  }
0x30: {  	v2 =	vld.msk [tilespmem:s15+$0x0 ss:$0x1], $0xffff;
	v1 =	vnsel vm1, $0x0, v0  }
0x31: {  	v1 =	vmin.u32 v1, $0x4E1FF;
	_ =	sdelay $0x2  }
0x32: {  	s17 =	simm.s32 $0x20;
	s14 =	sadd.s32 $0x3E80, s14;
	s16 =	sadd.s32 $0x10, s15  }
0x33: {  	s15 =	sadd.s32 $0x10, s14;
	s18 =	smov.u32 s14;
	v0 =	vld.msk [tilespmem:s16+$0x0 ss:$0x1], $0xffff;
	vm1 =	vgt.s32 v2, $0x0;
	(ifvalue) =	ssetifvalue $0x7FFFFFFF  }
.LBB2_3:
0x34: {  	[tilespmem:s18], [sflag:$0x1] =	stream.indirect_vreg.gather [hbm4b:s2+s10], $0x1, v1, vm0, $0x4038;
	[tilespmem:$0x7D00] =	vst v63  }
0x35: {  	s17 =	sadd.s32 $0x10, s17  }
0x36: {  	v2 =	vnsel vm1, $0x0, v2;
	p0 =	slt.u32 s17, $0x1F30  }
.Ltmp3:
0x37: {  	s18 =	smov.u32 s15;
	v1 =	vmin.u32 v2, $0x4E1FF;
	(pc) =	sbr.rel @p0 .LBB2_3-.Ltmp3, $3  }
0x38: {  	_ =	sdelay $0x1  }
0x39: {  	s16 =	sadd.s32 $0x10, s16  }
0x3a: {  	vm1 =	vgt.s32 v0, $0x0;
	s15 =	sadd.s32 $0x10, s15;
	v2 =	vmov v0;
	(ifvalue) =	ssetifvalue $0x7FFFFFFF;
	v0 =	vld.msk [tilespmem:s16+$0x0 ss:$0x1], $0xffff  }
.Ltmp4:
0x3b: {  	_ = 	snop;
	(pc) =	sbr.rel .LBB2_4-.Ltmp4, $1  }
0x3c: {  	_ =	sdelay $0x3  }
.LBB2_6:
0x3d: {  	_ =	sfence.sel $0x180000  }
0x3e: {  	s2 =	simm.s32 $0x2;
	[bflag:$0x0] =	sbarrier.arrive $0xFFFF  }
0x3f: {  	s30 =	simm.s32 $0x3;
	[sflag:s2] =	ssyncpa.u1 $0x1  }
0x40: {  	s31 =	simm.s32 $0x1;
	[sflag:s30] =	ssyncpa.u1 $0x1  }
0x41: {  	[sflag:s31] =	ssyncpa.u1 $0x1  }
0x42: {  	p0 =	sne.s32 s1, $0x0;
	_ =	strace $0x9000004A  }
0x43: {  	s0 =	sadd.s32 @!p0 $0x100000, s0;
	[bflag:$0x2] =	sbarrier.arrive $0xFFFF  }
0x44: {  	[sflag:s0] =	ssyncadd.tile.s32 @!p0 $0x1;
	_ =	shalt  }
.Lfunc_end2:
_tile_overlayer_lowered:
.L_overlay_start_2:
0x45: {  	(tag) =	ssettag $0x2  }
0x46: {  	s0 =	rddreg [dreg:$0x0];
	s2 =	stileid.u32  }
0x47: {  	s1 =	rddreg [dreg:$0x1];
	p0 =	sne.s32 s2, $0x0  }
0x48: {  	s3 =	rddreg [dreg:$0x2];
	[bflag:$0x3] =	sbarrier.arrive $0xFFFF;
	s2 =	simm.s32 @!p0 $0x1C01  }
0x49: {  	[timem:s3], [sflag:s2] =	dma.local @!p0 [hbm:s0], s1  }
0x4a: {  	s0 =	simm.s32 @!p0 $0x1  }
0x4b: {  	_ =	swait.ge @!p0 [sflag:s0], s1  }
0x4c: {  	s1 =	ssub.s32 @!p0 $0x0, s1;
	[sflag:s0] =	ssyncset.done @!p0 $0x0  }
0x4d: {  	[sflag:s0] =	ssyncadd.s32 @!p0 s1  }
0x4e: {  	[bflag:$0x3] =	sbarrier.arrive $0xFFFF  }
0x4f: {  	_ =	shalt  }

// kernel: kernel.15.cloned.1.call-start
scs
__scs_entry_jumppad:
0x0: {  	(pc) =	sbr.rel $0x88, $3  }
0x1: {  	(tag) =	ssettag $0x0;
	lr =	simm.s32 $0x1  }
0x2: {  	[smem:$0x3EF5] =	sst lr;
	_ =	strace $0xD0000000  }
0x3: {  	_ = 	snop  }
0x4: {  	_ = 	snop  }
0x5: {  	_ = 	snop  }
0x6: {  	_ = 	snop  }
0x7: {  	_ = 	snop  }
__scs_overlays_trampoline_lowered:
0x8: {  	[smem:$0x3F04] =	sst s0  }
0x9: {  	[smem:$0x3F05] =	sst s1  }
0xa: {  	[smem:$0x3F06] =	sst s2  }
0xb: {  	[smem:$0x3F07] =	sst s3  }
0xc: {  	[smem:$0x3F08] =	sst s4  }
0xd: {  	[smem:$0x3F09] =	sst s5  }
0xe: {  	[smem:$0x3F0A] =	sst s6  }
0xf: {  	[smem:$0x3F0B] =	sst s7  }
0x10: {  	[smem:$0x3F0C] =	sst s8  }
0x11: {  	[smem:$0x3F0D] =	sst s9;
	s0 =	simm.s32 @!p0 $0x0  }
0x12: {  	s1 =	sld [smem:$0x3EF3];
	s0 =	simm.s32 @p0 $0x1  }
0x13: {  	[smem:$0x3F0E] =	sst s0;
	s0 =	simm.s32 @!p1 $0x0  }
0x14: {  	s2 =	sld [smem:$0x3EF2];
	s0 =	simm.s32 @p1 $0x1  }
0x15: {  	[smem:$0x3F0F] =	sst s0;
	s0 =	simm.s32 @!p2 $0x0  }
0x16: {  	s3 =	sld [smem:$0x3FDB];
	s0 =	simm.s32 @p2 $0x1  }
0x17: {  	s4 =	simm.s32 $0x1BF5;
	[smem:$0x3F11] =	sst s0  }
0x18: {  	s0 =	sld [smem:$0x3EF4];
	_ =	swait.ge [sflag:s4], $0x0  }
0x19: {  	s7 =	sld [smem:$0x3EF5]  }
0x1a: {  	s8 =	sadd.s32 $0xFFFFE003, lr  }
0x1b: {  	s9 =	sadd.s32 $0xFFFFFEF7, lr;
	s5 =	simm.s32 $0xFFFFFFFF;
	p2 =	slt.u32 s8, $0xFFFFF086  }
0x1c: {  	p1 =	slt.u32 s9, $0xF7A;
	s5 =	simm.s32 @!p2 $0x0  }
0x1d: {  	s5 =	simm.s32 @p1 $0x1;
	p0 =	seq.s32 s7, s2  }
0x1e: {  	s7 =	smul.u32 @!p0 $0xF7A, s2;
	p2 =	seq.s32 @!p0 s5, $0x0  }
0x1f: {  	s9 =	smul.u32 $0xF7A, s1;
	s8 =	simm.s32 @!p0 $0x1BF5;
	p2 =	por !p2, p0  }
0x20: {  	[sflag:s8] =	ssyncset.s32 @!p0 $0xFFFFF086;
	s6 =	sadd.s32 @!p0 s3, s7;
	s7 =	simm.s32 @!p0 $0x108  }
0x21: {  	s3 =	sadd.s32 s3, s9;
	s6 =	sadd.s32 @!p0 $0x88, s6;
	s7 =	simm.s32 @p2 $0x1082  }
0x22: {  	[simem:s7], [sflag:s8] =	dma.local @!p0 [hbm:s6], $0xF7A  }
0x23: {  	s9 =	sor.u32 $0xD0000000, s2;
	s6 =	simm.s32 $0x108;
	_ =	swait.ge @!p0 [sflag:s8], $0x0  }
0x24: {  	s3 =	sadd.s32 $0x88, s3;
	s6 =	simm.s32 @!p1 $0x1082;
	[sflag:s4] =	ssyncset.s32 $0xFFFFF086  }
0x25: {  	[simem:s6], [sflag:s4] =	dma.local [hbm:s3], $0xF7A  }
0x26: {  	[smem:$0x3EF5] =	sst s1;
	(tag) =	ssettag s2;
	_ =	strace s9  }
0x27: {  	s1 =	sld [smem:$0x3F05]  }
0x28: {  	s2 =	sld [smem:$0x3F06]  }
0x29: {  	s4 =	sld [smem:$0x3F08]  }
0x2a: {  	p0 =	seq.s32 s5, $0x0;
	s5 =	sld [smem:$0x3F09]  }
0x2b: {  	s6 =	sld [smem:$0x3F0A]  }
0x2c: {  	s7 =	sld [smem:$0x3F0B]  }
0x2d: {  	s3 =	simm.s32 $0x108;
	s8 =	sld [smem:$0x3F0C]  }
0x2e: {  	s3 =	simm.s32 @!p0 $0x1082;
	s9 =	sld [smem:$0x3F0D]  }
0x2f: {  	lr =	sadd.s32 s0, s3;
	s0 =	sld [smem:$0x3F04]  }
0x30: {  	s3 =	sld [smem:$0x3F07]  }
0x31: {  	[smem:$0x3F10] =	sst s10  }
0x32: {  	s10 =	sld [smem:$0x3F0E];
	_ =	sdelay $0x3  }
0x33: {  	p0 =	seq.s32 s10, $0x1;
	s10 =	sld [smem:$0x3F10];
	_ =	sdelay $0x3  }
0x34: {  	[smem:$0x3F10] =	sst s10  }
0x35: {  	s10 =	sld [smem:$0x3F0F];
	_ =	sdelay $0x3  }
0x36: {  	p1 =	seq.s32 s10, $0x1;
	s10 =	sld [smem:$0x3F10];
	_ =	sdelay $0x3  }
0x37: {  	[smem:$0x3F10] =	sst s10  }
0x38: {  	s10 =	sld [smem:$0x3F11]  }
0x39: {  	_ = 	snop;
	(pc) =	sbr.ind lr, $3  }
0x3a: {  	_ = 	snop  }
0x3b: {  	_ = 	snop  }
0x3c: {  	p2 =	seq.s32 s10, $0x1;
	s10 =	sld [smem:$0x3F10]  }
0x3d: {  	_ =	shalt  }
0x3e: {  	_ =	shalt  }
0x3f: {  	_ =	shalt  }
0x40: {  	_ =	shalt  }
0x41: {  	_ =	shalt  }
0x42: {  	_ =	shalt  }
0x43: {  	_ =	shalt  }
0x44: {  	_ =	shalt  }
0x45: {  	_ =	shalt  }
0x46: {  	_ =	shalt  }
0x47: {  	_ =	shalt  }
0x48: {  	_ =	shalt  }
0x49: {  	_ =	shalt  }
0x4a: {  	_ =	shalt  }
0x4b: {  	_ =	shalt  }
0x4c: {  	_ =	shalt  }
0x4d: {  	_ =	shalt  }
0x4e: {  	_ =	shalt  }
0x4f: {  	_ =	shalt  }
0x50: {  	_ =	shalt  }
0x51: {  	_ =	shalt  }
0x52: {  	_ =	shalt  }
0x53: {  	_ =	shalt  }
0x54: {  	_ =	shalt  }
0x55: {  	_ =	shalt  }
0x56: {  	_ =	shalt  }
0x57: {  	_ =	shalt  }
0x58: {  	_ =	shalt  }
0x59: {  	_ =	shalt  }
0x5a: {  	_ =	shalt  }
0x5b: {  	_ =	shalt  }
0x5c: {  	_ =	shalt  }
0x5d: {  	_ =	shalt  }
0x5e: {  	_ =	shalt  }
0x5f: {  	_ =	shalt  }
0x60: {  	_ =	shalt  }
0x61: {  	_ =	shalt  }
0x62: {  	_ =	shalt  }
0x63: {  	_ =	shalt  }
0x64: {  	_ =	shalt  }
0x65: {  	_ =	shalt  }
0x66: {  	_ =	shalt  }
0x67: {  	_ =	shalt  }
0x68: {  	_ =	shalt  }
0x69: {  	_ =	shalt  }
0x6a: {  	_ =	shalt  }
0x6b: {  	_ =	shalt  }
0x6c: {  	_ =	shalt  }
0x6d: {  	_ =	shalt  }
0x6e: {  	_ =	shalt  }
0x6f: {  	_ =	shalt  }
0x70: {  	_ =	shalt  }
0x71: {  	_ =	shalt  }
0x72: {  	_ =	shalt  }
0x73: {  	_ =	shalt  }
0x74: {  	_ =	shalt  }
0x75: {  	_ =	shalt  }
0x76: {  	_ =	shalt  }
0x77: {  	_ =	shalt  }
0x78: {  	_ =	shalt  }
0x79: {  	_ =	shalt  }
0x7a: {  	_ =	shalt  }
0x7b: {  	_ =	shalt  }
0x7c: {  	_ =	shalt  }
0x7d: {  	_ =	shalt  }
0x7e: {  	_ =	shalt  }
0x7f: {  	_ =	shalt  }
0x80: {  	_ =	shalt  }
0x81: {  	_ =	shalt  }
0x82: {  	_ =	shalt  }
0x83: {  	_ =	shalt  }
0x84: {  	_ =	shalt  }
0x85: {  	_ =	shalt  }
0x86: {  	_ =	shalt  }
0x87: {  	_ =	shalt  }
.Lfunc_end0:
.L_simem_size_0:
called_computation.6_lowered:
.L_overlay_start_0:
0x88: {  	s2 =	sld [smem:$0x3FD9]  }
0x89: {  	s3 =	sld [smem:$0x3FFE];
	_ =	sdelay $0x1  }
0x8a: {  	s1 =	srdreg.scid  }
0x8b: {  	s0 =	sand.u32 $0x1, s1  }
0x8c: {  	s17 =	sshll.u32 s0, $0xA;
	s2 =	sadd.s32 s3, s2  }
0x8d: {  	s2 =	sadd.s32 s2, s17  }
0x8e: {  	[smem:$0x3F1C] =	sst s2  }
0x8f: {  	_ = 	snop  }
0x90: {  	(tm) =	ssettm $0x1  }
0x91: {  	s18 =	sld [smem:$0x3FFB];
	_ =	sdelay $0x3  }
0x92: {  	_ =	strace s18  }
0x93: {  	s2 =	sld [smem:$0x3FFC];
	_ =	sdelay $0x3  }
0x94: {  	_ =	strace s2  }
0x95: {  	s2 =	sld [smem:$0x3FFD];
	_ =	sdelay $0x3  }
0x96: {  	_ =	strace s2  }
0x97: {  	_ =	strace $0x8FFFFFFF  }
0x98: {  	s19 =	sld [smem:$0x3FDB];
	_ =	sdelay $0x1  }
0x99: {  	s20 =	simm.s32 $_scs_section_size  }
0x9a: {  	s4 =	simm.s32 $_size__tile_overlayer_lowered;
	s5 =	simm.s32 $_tile_overlayer_lowered  }
0x9b: {  	s6 =	simm.s32 $0x1BFF;
	s21 =	sshll.u32 s5, $0x1;
	s3 =	sadd.s32 s20, s19  }
0x9c: {  	s22 =	simm.s32 $0x0;
	s4 =	sshll.u32 s4, $0x1;
	s5 =	sadd.s32 s21, s3  }
0x9d: {  	[timem:s22], [sflag:s6] =	dma.local [hbm:s5], s4  }
0x9e: {  	_ =	swait.ge [sflag:s6], s4  }
0x9f: {  	s4 =	ssub.s32 $0x0, s4;
	[sflag:s6] =	ssyncset.done $0x0  }
0xa0: {  	[sflag:s6] =	ssyncadd.s32 s4;
	_ =	sdelay $0x1  }
0xa1: {  	s23 =	simm.s32 $0x1B8B  }
0xa2: {  	_ =	swait.ge [sflag:s23], $0x1  }
0xa3: {  	[sflag:s23] =	ssyncset.done $0x0  }
0xa4: {  	[sflag:s23] =	ssyncadd.s32 $0xFFFFFFFF  }
0xa5: {  	s4 =	sld [smem:$0x0]  }
0xa6: {  	s5 =	sand.u32 $0xFFFFFFFE, s1  }
0xa7: {  	p0 =	sne.s32 s1, s5  }
0xa8: {  	s5 =	sshll.u32 @p0 s5, $0xE  }
0xa9: {  	s5 =	sadd.s32 @p0 $0x11B8D, s5;
	s6 =	sshll.u32 @p0 s4, $0x11  }
0xaa: {  	s5 =	sor.u32 @p0 s6, s5  }
0xab: {  	[sflag:s5] =	ssyncadd.remote.s32 @p0 $0x1;
	_ =	sdelay $0x1  }
0xac: {  	s5 =	simm.s32 @p0 $0x1B8D  }
0xad: {  	_ =	swait.eq @p0 [sflag:s5], $0x1  }
0xae: {  	[sflag:s5] =	ssyncadd.s32 @p0 $0xFFFFFFFF  }
0xaf: {  	s6 =	sshll.u32 @!p0 s1, $0xE  }
0xb0: {  	s6 =	sor.u32 @!p0 $0x4000, s6;
	s5 =	simm.s32 @!p0 $0x1B8D  }
0xb1: {  	s4 =	sshll.u32 @!p0 s4, $0x11;
	s6 =	sadd.s32 @!p0 $0x11B8D, s6;
	_ =	swait.eq @!p0 [sflag:s5], $0x1  }
0xb2: {  	s4 =	sor.u32 @!p0 s4, s6;
	[sflag:s5] =	ssyncadd.s32 @!p0 $0xFFFFFFFF  }
0xb3: {  	s25 =	simm.s32 $0x1B8E;
	s24 =	sld [smem:$0x3FFE];
	[sflag:s4] =	ssyncadd.remote.s32 @!p0 $0x1  }
0xb4: {  	s26 =	simm.s32 $execute0_lowered;
	[smem:$0x3FD2] =	sst s25  }
0xb5: {  	s5 =	sshll.u32 s26, $0x1;
	_ =	strace $0x80000058;
	[dreg:$0x1] =	wrdreg $0xFFFFFFFF  }
0xb6: {  	s28 =	simm.s32 $_size_execute0_lowered;
	s3 =	sadd.s32 s3, s5;
	[dreg:$0x0] =	wrdreg $0x0  }
0xb7: {  	s5 =	sshll.u32 s28, $0x1;
	[dreg:$0x2] =	wrdreg s3  }
0xb8: {  	[dreg:$0x3] =	wrdreg s5  }
0xb9: {  	[dreg:$0x4] =	wrdreg $0xC0  }
0xba: {  	_ =	task [dreg:s22], $0x5FFFF  }
0xbb: {  	[dreg:$0x1] =	wrdreg $0xFFFFFFFF  }
0xbc: {  	[dreg:$0x0] =	wrdreg $0x60  }
0xbd: {  	[dreg:$0x2] =	wrdreg s24  }
0xbe: {  	[dreg:$0x3] =	wrdreg $0x9  }
0xbf: {  	_ =	task.clear_ibuf [dreg:s22], $0x4FFFF;
	_ =	strace $0x90000058  }
0xc0: {  	s29 =	simm.s32 $0x9;
	_ =	strace $0x8000005A  }
0xc1: {  	_ =	swait.ge [sflag:s29], $0x1  }
0xc2: {  	[sflag:s29] =	ssyncadd.s32 $0xFFFFFFFF  }
0xc3: {  	_ =	strace $0x9000005A  }
0xc4: {  	_ =	sfence  }
0xc5: {  	s30 =	sld [smem:$0x0];
	_ =	sdelay $0x2  }
0xc6: {  	s31 =	sshll.u32 s1, $0xD;
	s1 =	sshrl.u32 s1, $0x2  }
0xc7: {  	s4 =	sand.u32 $0x4000, s31;
	s1 =	sadd.s32 s1, s30  }
0xc8: {  	s0 =	sor.u32 s4, s0;
	s1 =	sshll.u32 s1, $0x11  }
0xc9: {  	s0 =	sor.u32 s1, s0  }
0xca: {  	s0 =	sadd.s32 $0x8F2B, s0  }
0xcb: {  	[sflag:s0] =	ssyncadd.remote.s32 $0x1  }
0xcc: {  	_ =	sfence.sel $0xFFFF  }
0xcd: {  	[dreg:$0x0] =	wrdreg $0xFFFFFFFF;
	(pc) =	sbr.abs _section_cstart, $3  }
0xce: {  	[dreg:$0x1] =	wrdreg $0xFFFFFFFF  }
0xcf: {  	_ =	task.clear_ibuf [dreg:s22], $0x2FFFF;
	_ =	strace $0x9FFFFFFF  }
0xd0: {  	(tm) =	ssettm $0x7FFFFFFF  }
0xd1: {  	_ =	shalt  }
tec
execute0_lowered:
.L_overlay_start_1:
0x0: {  	(tag) =	ssettag $0x1  }
0x1: {  	s4 =	rddreg [dreg:$0x0]  }
0x2: {  	s0 =	rddreg [dreg:$0x1];
	s2 =	simm.s32 $0x0;
	s1 =	stileid.u32  }
0x3: {  	s3 =	srdreg.scid;
	s10 =	simm.s32 $0x0;
	s6 =	smul.u32 $0x5000, s1  }
0x4: {  	[smem:$0x7FF] =	sst s2;
	s5 =	sand.u32 $0x1, s3;
	s8 =	smul.u32 $0x50000, s1  }
0x5: {  	s3 =	sadd.s32 $0x553A00, s4;
	s7 =	smul.u32 $0x2800, s5;
	s9 =	ssub.s32 $0x2, s5  }
0x6: {  	_ =	strace $0x80000059;
	s5 =	smul.u32 $0x28000, s5;
	s31 =	sshrl.u32 s9, $0x1  }
0x7: {  	s8 =	sadd.s32 s8, s4;
	s6 =	sadd.s32 s7, s6;
	s7 =	ssub.s32 s9, s31  }
0x8: {  	s5 =	sadd.s32 s5, s8;
	s8 =	simm.s32 $0x100;
	s6 =	sshrl.u32 s6, $0x3  }
0x9: {  	s9 =	simm.s32 $0x1;
	s5 =	sadd.s32 $0xA35A00, s5;
	s6 =	sadd.s32 s6, s4  }
0xa: {  	s4 =	smax.u32 s7, $0x1;
	s7 =	simm.s32 $0x2;
	s6 =	sadd.s32 $0x5DE00, s6  }
.LBB2_1:
0xb: {  	s11 =	sadd.s32 $0x0, s6  }
0xc: {  	[tilespmem:s2], [sflag:$0x2] =	stream.linear.gather [hbm4b:s11+s2], $0x100, $0x38;
	[tilespmem:$0x8100] =	vst v63  }
0xd: {  	_ =	swait.ge [sflag:s7], $0x100  }
0xe: {  	[sflag:s7] =	ssyncset.done $0x0  }
0xf: {  	[sflag:s7] =	ssyncadd.s32 $0xFFFFFF00  }
0x10: {  	[tilespmem:s8], [sflag:$0x1] =	stream.indirect.gather [hbm4b:s3+s8], $0x80, s2, s8, $0xb8;
	[tilespmem:$0x8100] =	vst v63  }
0x11: {  	_ =	swait.ge [sflag:s9], $0x8000  }
0x12: {  	[sflag:s9] =	ssyncset.done $0x0  }
0x13: {  	[sflag:s9] =	ssyncadd.s32 $0xFFFF8000  }
0x14: {  	[hbm4b:s5+s2] =	stream.linear.scatter [tilespmem:s8], [sflag:$0x2], $0x8000, $0x38;
	[tilespmem:$0x8100] =	vst v63  }
0x15: {  	s12 =	simm.s32 $0x20;
	_ =	swait.ge [sflag:s7], $0x8000  }
0x16: {  	s13 =	simm.s32 $0x40;
	s11 =	sadd.s32 $0x1000, s5;
	[sflag:s7] =	ssyncset.done $0x0  }
.LBB2_2:
0x17: {  	s14 =	sadd.s32 s12, s6  }
0x18: {  	[sflag:s7] =	ssyncadd.s32 $0xFFFF8000;
	s12 =	smov.u32 s13;
	s15 =	sadd.s32 $0x20, s13  }
0x19: {  	[tilespmem:s2], [sflag:$0x2] =	stream.linear.gather [hbm4b:s14+s2], $0x100, $0x38;
	[tilespmem:$0x8100] =	vst v63  }
0x1a: {  	p0 =	sne.s32 s13, $0x4E0;
	_ =	swait.ge [sflag:s7], $0x100  }
0x1b: {  	[sflag:s7] =	ssyncset.done $0x0  }
0x1c: {  	[sflag:s7] =	ssyncadd.s32 $0xFFFFFF00  }
0x1d: {  	[tilespmem:s8], [sflag:$0x1] =	stream.indirect.gather [hbm4b:s3+s8], $0x80, s2, s8, $0xb8;
	[tilespmem:$0x8100] =	vst v63  }
0x1e: {  	_ =	swait.ge [sflag:s9], $0x8000  }
.Ltmp0:
0x1f: {  	[sflag:s9] =	ssyncset.done $0x0;
	(pc) =	sbr.rel @p0 .LBB2_2-.Ltmp0, $4  }
0x20: {  	[sflag:s9] =	ssyncadd.s32 $0xFFFF8000  }
0x21: {  	[hbm4b:s11+s2] =	stream.linear.scatter [tilespmem:s8], [sflag:$0x2], $0x8000, $0x38;
	[tilespmem:$0x8100] =	vst v63  }
0x22: {  	_ =	swait.ge [sflag:s7], $0x8000  }
0x23: {  	s13 =	smov.u32 s15;
	s11 =	sadd.s32 $0x1000, s11;
	[sflag:s7] =	ssyncset.done $0x0  }
0x24: {  	s12 =	sadd.s32 s12, s6;
	[sflag:s7] =	ssyncadd.s32 $0xFFFF8000  }
0x25: {  	[tilespmem:s2], [sflag:$0x2] =	stream.linear.gather [hbm4b:s12+s2], $0x100, $0x38;
	[tilespmem:$0x8100] =	vst v63  }
0x26: {  	_ =	swait.ge [sflag:s7], $0x100  }
0x27: {  	[sflag:s7] =	ssyncset.done $0x0  }
0x28: {  	[sflag:s7] =	ssyncadd.s32 $0xFFFFFF00  }
0x29: {  	[tilespmem:s8], [sflag:$0x1] =	stream.indirect.gather [hbm4b:s3+s8], $0x80, s2, s8, $0xb8;
	[tilespmem:$0x8100] =	vst v63  }
0x2a: {  	s10 =	sadd.s32 $0x1, s10;
	_ =	swait.ge [sflag:s9], $0x8000  }
0x2b: {  	p0 =	sne.s32 s10, s4;
	[sflag:s9] =	ssyncset.done $0x0  }
.Ltmp1:
0x2c: {  	[sflag:s9] =	ssyncadd.s32 $0xFFFF8000;
	(pc) =	sbr.rel @p0 .LBB2_1-.Ltmp1, $4  }
0x2d: {  	[hbm4b:s11+s2] =	stream.linear.scatter [tilespmem:s8], [sflag:$0x2], $0x8000, $0x38;
	[tilespmem:$0x8100] =	vst v63  }
0x2e: {  	_ =	swait.ge [sflag:s7], $0x8000  }
0x2f: {  	[sflag:s7] =	ssyncset.done $0x0  }
0x30: {  	[sflag:s7] =	ssyncadd.s32 $0xFFFF8000  }
0x31: {  	_ =	sfence.sel $0x180000  }
0x32: {  	[bflag:$0x0] =	sbarrier.arrive $0xFFFF  }
0x33: {  	p0 =	sne.s32 s1, $0x0;
	_ =	strace $0x90000059  }
0x34: {  	s0 =	sadd.s32 @!p0 $0x100000, s0;
	[bflag:$0x2] =	sbarrier.arrive $0xFFFF  }
0x35: {  	[sflag:s0] =	ssyncadd.tile.s32 @!p0 $0x1;
	_ =	shalt  }
.Lfunc_end2:
_tile_overlayer_lowered:
.L_overlay_start_2:
0x36: {  	(tag) =	ssettag $0x2  }
0x37: {  	s0 =	rddreg [dreg:$0x0];
	s2 =	stileid.u32  }
0x38: {  	s1 =	rddreg [dreg:$0x1];
	p0 =	sne.s32 s2, $0x0  }
0x39: {  	s3 =	rddreg [dreg:$0x2];
	[bflag:$0x3] =	sbarrier.arrive $0xFFFF;
	s2 =	simm.s32 @!p0 $0x1C02  }
0x3a: {  	[timem:s3], [sflag:s2] =	dma.local @!p0 [hbm:s0], s1  }
0x3b: {  	s0 =	simm.s32 @!p0 $0x2  }
0x3c: {  	_ =	swait.ge @!p0 [sflag:s0], s1  }
0x3d: {  	s1 =	ssub.s32 @!p0 $0x0, s1;
	[sflag:s0] =	ssyncset.done @!p0 $0x0  }
0x3e: {  	[sflag:s0] =	ssyncadd.s32 @!p0 s1  }
0x3f: {  	[bflag:$0x3] =	sbarrier.arrive $0xFFFF  }
0x40: {  	_ =	shalt  }

// kernel: kernel.18.cloned.1.call-start
scs
__scs_entry_jumppad:
0x0: {  	(pc) =	sbr.rel $0x88, $3  }
0x1: {  	(tag) =	ssettag $0x0;
	lr =	simm.s32 $0x1  }
0x2: {  	[smem:$0x3EF5] =	sst lr;
	_ =	strace $0xD0000000  }
0x3: {  	_ = 	snop  }
0x4: {  	_ = 	snop  }
0x5: {  	_ = 	snop  }
0x6: {  	_ = 	snop  }
0x7: {  	_ = 	snop  }
__scs_overlays_trampoline_lowered:
0x8: {  	[smem:$0x3F04] =	sst s0  }
0x9: {  	[smem:$0x3F05] =	sst s1  }
0xa: {  	[smem:$0x3F06] =	sst s2  }
0xb: {  	[smem:$0x3F07] =	sst s3  }
0xc: {  	[smem:$0x3F08] =	sst s4  }
0xd: {  	[smem:$0x3F09] =	sst s5  }
0xe: {  	[smem:$0x3F0A] =	sst s6  }
0xf: {  	[smem:$0x3F0B] =	sst s7  }
0x10: {  	[smem:$0x3F0C] =	sst s8  }
0x11: {  	[smem:$0x3F0D] =	sst s9;
	s0 =	simm.s32 @!p0 $0x0  }
0x12: {  	s1 =	sld [smem:$0x3EF3];
	s0 =	simm.s32 @p0 $0x1  }
0x13: {  	[smem:$0x3F0E] =	sst s0;
	s0 =	simm.s32 @!p1 $0x0  }
0x14: {  	s2 =	sld [smem:$0x3EF2];
	s0 =	simm.s32 @p1 $0x1  }
0x15: {  	[smem:$0x3F0F] =	sst s0;
	s0 =	simm.s32 @!p2 $0x0  }
0x16: {  	s3 =	sld [smem:$0x3FDB];
	s0 =	simm.s32 @p2 $0x1  }
0x17: {  	s4 =	simm.s32 $0x1BF5;
	[smem:$0x3F11] =	sst s0  }
0x18: {  	s0 =	sld [smem:$0x3EF4];
	_ =	swait.ge [sflag:s4], $0x0  }
0x19: {  	s7 =	sld [smem:$0x3EF5]  }
0x1a: {  	s8 =	sadd.s32 $0xFFFFE003, lr  }
0x1b: {  	s9 =	sadd.s32 $0xFFFFFEF7, lr;
	s5 =	simm.s32 $0xFFFFFFFF;
	p2 =	slt.u32 s8, $0xFFFFF086  }
0x1c: {  	p1 =	slt.u32 s9, $0xF7A;
	s5 =	simm.s32 @!p2 $0x0  }
0x1d: {  	s5 =	simm.s32 @p1 $0x1;
	p0 =	seq.s32 s7, s2  }
0x1e: {  	s7 =	smul.u32 @!p0 $0xF7A, s2;
	p2 =	seq.s32 @!p0 s5, $0x0  }
0x1f: {  	s9 =	smul.u32 $0xF7A, s1;
	s8 =	simm.s32 @!p0 $0x1BF5;
	p2 =	por !p2, p0  }
0x20: {  	[sflag:s8] =	ssyncset.s32 @!p0 $0xFFFFF086;
	s6 =	sadd.s32 @!p0 s3, s7;
	s7 =	simm.s32 @!p0 $0x108  }
0x21: {  	s3 =	sadd.s32 s3, s9;
	s6 =	sadd.s32 @!p0 $0x88, s6;
	s7 =	simm.s32 @p2 $0x1082  }
0x22: {  	[simem:s7], [sflag:s8] =	dma.local @!p0 [hbm:s6], $0xF7A  }
0x23: {  	s9 =	sor.u32 $0xD0000000, s2;
	s6 =	simm.s32 $0x108;
	_ =	swait.ge @!p0 [sflag:s8], $0x0  }
0x24: {  	s3 =	sadd.s32 $0x88, s3;
	s6 =	simm.s32 @!p1 $0x1082;
	[sflag:s4] =	ssyncset.s32 $0xFFFFF086  }
0x25: {  	[simem:s6], [sflag:s4] =	dma.local [hbm:s3], $0xF7A  }
0x26: {  	[smem:$0x3EF5] =	sst s1;
	(tag) =	ssettag s2;
	_ =	strace s9  }
0x27: {  	s1 =	sld [smem:$0x3F05]  }
0x28: {  	s2 =	sld [smem:$0x3F06]  }
0x29: {  	s4 =	sld [smem:$0x3F08]  }
0x2a: {  	p0 =	seq.s32 s5, $0x0;
	s5 =	sld [smem:$0x3F09]  }
0x2b: {  	s6 =	sld [smem:$0x3F0A]  }
0x2c: {  	s7 =	sld [smem:$0x3F0B]  }
0x2d: {  	s3 =	simm.s32 $0x108;
	s8 =	sld [smem:$0x3F0C]  }
0x2e: {  	s3 =	simm.s32 @!p0 $0x1082;
	s9 =	sld [smem:$0x3F0D]  }
0x2f: {  	lr =	sadd.s32 s0, s3;
	s0 =	sld [smem:$0x3F04]  }
0x30: {  	s3 =	sld [smem:$0x3F07]  }
0x31: {  	[smem:$0x3F10] =	sst s10  }
0x32: {  	s10 =	sld [smem:$0x3F0E];
	_ =	sdelay $0x3  }
0x33: {  	p0 =	seq.s32 s10, $0x1;
	s10 =	sld [smem:$0x3F10];
	_ =	sdelay $0x3  }
0x34: {  	[smem:$0x3F10] =	sst s10  }
0x35: {  	s10 =	sld [smem:$0x3F0F];
	_ =	sdelay $0x3  }
0x36: {  	p1 =	seq.s32 s10, $0x1;
	s10 =	sld [smem:$0x3F10];
	_ =	sdelay $0x3  }
0x37: {  	[smem:$0x3F10] =	sst s10  }
0x38: {  	s10 =	sld [smem:$0x3F11]  }
0x39: {  	_ = 	snop;
	(pc) =	sbr.ind lr, $3  }
0x3a: {  	_ = 	snop  }
0x3b: {  	_ = 	snop  }
0x3c: {  	p2 =	seq.s32 s10, $0x1;
	s10 =	sld [smem:$0x3F10]  }
0x3d: {  	_ =	shalt  }
0x3e: {  	_ =	shalt  }
0x3f: {  	_ =	shalt  }
0x40: {  	_ =	shalt  }
0x41: {  	_ =	shalt  }
0x42: {  	_ =	shalt  }
0x43: {  	_ =	shalt  }
0x44: {  	_ =	shalt  }
0x45: {  	_ =	shalt  }
0x46: {  	_ =	shalt  }
0x47: {  	_ =	shalt  }
0x48: {  	_ =	shalt  }
0x49: {  	_ =	shalt  }
0x4a: {  	_ =	shalt  }
0x4b: {  	_ =	shalt  }
0x4c: {  	_ =	shalt  }
0x4d: {  	_ =	shalt  }
0x4e: {  	_ =	shalt  }
0x4f: {  	_ =	shalt  }
0x50: {  	_ =	shalt  }
0x51: {  	_ =	shalt  }
0x52: {  	_ =	shalt  }
0x53: {  	_ =	shalt  }
0x54: {  	_ =	shalt  }
0x55: {  	_ =	shalt  }
0x56: {  	_ =	shalt  }
0x57: {  	_ =	shalt  }
0x58: {  	_ =	shalt  }
0x59: {  	_ =	shalt  }
0x5a: {  	_ =	shalt  }
0x5b: {  	_ =	shalt  }
0x5c: {  	_ =	shalt  }
0x5d: {  	_ =	shalt  }
0x5e: {  	_ =	shalt  }
0x5f: {  	_ =	shalt  }
0x60: {  	_ =	shalt  }
0x61: {  	_ =	shalt  }
0x62: {  	_ =	shalt  }
0x63: {  	_ =	shalt  }
0x64: {  	_ =	shalt  }
0x65: {  	_ =	shalt  }
0x66: {  	_ =	shalt  }
0x67: {  	_ =	shalt  }
0x68: {  	_ =	shalt  }
0x69: {  	_ =	shalt  }
0x6a: {  	_ =	shalt  }
0x6b: {  	_ =	shalt  }
0x6c: {  	_ =	shalt  }
0x6d: {  	_ =	shalt  }
0x6e: {  	_ =	shalt  }
0x6f: {  	_ =	shalt  }
0x70: {  	_ =	shalt  }
0x71: {  	_ =	shalt  }
0x72: {  	_ =	shalt  }
0x73: {  	_ =	shalt  }
0x74: {  	_ =	shalt  }
0x75: {  	_ =	shalt  }
0x76: {  	_ =	shalt  }
0x77: {  	_ =	shalt  }
0x78: {  	_ =	shalt  }
0x79: {  	_ =	shalt  }
0x7a: {  	_ =	shalt  }
0x7b: {  	_ =	shalt  }
0x7c: {  	_ =	shalt  }
0x7d: {  	_ =	shalt  }
0x7e: {  	_ =	shalt  }
0x7f: {  	_ =	shalt  }
0x80: {  	_ =	shalt  }
0x81: {  	_ =	shalt  }
0x82: {  	_ =	shalt  }
0x83: {  	_ =	shalt  }
0x84: {  	_ =	shalt  }
0x85: {  	_ =	shalt  }
0x86: {  	_ =	shalt  }
0x87: {  	_ =	shalt  }
.Lfunc_end0:
.L_simem_size_0:
called_computation.7_lowered:
.L_overlay_start_0:
0x88: {  	s2 =	sld [smem:$0x3FD9]  }
0x89: {  	s3 =	sld [smem:$0x3FFE];
	_ =	sdelay $0x1  }
0x8a: {  	s1 =	srdreg.scid  }
0x8b: {  	s0 =	sand.u32 $0x1, s1  }
0x8c: {  	s17 =	sshll.u32 s0, $0xA;
	s2 =	sadd.s32 s3, s2  }
0x8d: {  	s2 =	sadd.s32 s2, s17  }
0x8e: {  	[smem:$0x3F1C] =	sst s2  }
0x8f: {  	_ = 	snop  }
0x90: {  	(tm) =	ssettm $0x1  }
0x91: {  	s18 =	sld [smem:$0x3FFB];
	_ =	sdelay $0x3  }
0x92: {  	_ =	strace s18  }
0x93: {  	s2 =	sld [smem:$0x3FFC];
	_ =	sdelay $0x3  }
0x94: {  	_ =	strace s2  }
0x95: {  	s2 =	sld [smem:$0x3FFD];
	_ =	sdelay $0x3  }
0x96: {  	_ =	strace s2  }
0x97: {  	_ =	strace $0x8FFFFFFF  }
0x98: {  	s19 =	sld [smem:$0x3FDB];
	_ =	sdelay $0x1  }
0x99: {  	s20 =	simm.s32 $_scs_section_size  }
0x9a: {  	s4 =	simm.s32 $_size__tile_overlayer_lowered;
	s5 =	simm.s32 $_tile_overlayer_lowered  }
0x9b: {  	s6 =	simm.s32 $0x1BFF;
	s21 =	sshll.u32 s5, $0x1;
	s3 =	sadd.s32 s20, s19  }
0x9c: {  	s22 =	simm.s32 $0x0;
	s4 =	sshll.u32 s4, $0x1;
	s5 =	sadd.s32 s21, s3  }
0x9d: {  	[timem:s22], [sflag:s6] =	dma.local [hbm:s5], s4  }
0x9e: {  	_ =	swait.ge [sflag:s6], s4  }
0x9f: {  	s4 =	ssub.s32 $0x0, s4;
	[sflag:s6] =	ssyncset.done $0x0  }
0xa0: {  	[sflag:s6] =	ssyncadd.s32 s4;
	_ =	sdelay $0x1  }
0xa1: {  	s23 =	simm.s32 $0x1B8B  }
0xa2: {  	_ =	swait.ge [sflag:s23], $0x1  }
0xa3: {  	[sflag:s23] =	ssyncset.done $0x0  }
0xa4: {  	[sflag:s23] =	ssyncadd.s32 $0xFFFFFFFF  }
0xa5: {  	s4 =	sld [smem:$0x0]  }
0xa6: {  	s5 =	sand.u32 $0xFFFFFFFE, s1  }
0xa7: {  	p0 =	sne.s32 s1, s5  }
0xa8: {  	s5 =	sshll.u32 @p0 s5, $0xE  }
0xa9: {  	s5 =	sadd.s32 @p0 $0x11B8D, s5;
	s6 =	sshll.u32 @p0 s4, $0x11  }
0xaa: {  	s5 =	sor.u32 @p0 s6, s5  }
0xab: {  	[sflag:s5] =	ssyncadd.remote.s32 @p0 $0x1;
	_ =	sdelay $0x1  }
0xac: {  	s5 =	simm.s32 @p0 $0x1B8D  }
0xad: {  	_ =	swait.eq @p0 [sflag:s5], $0x1  }
0xae: {  	[sflag:s5] =	ssyncadd.s32 @p0 $0xFFFFFFFF  }
0xaf: {  	s6 =	sshll.u32 @!p0 s1, $0xE  }
0xb0: {  	s6 =	sor.u32 @!p0 $0x4000, s6;
	s5 =	simm.s32 @!p0 $0x1B8D  }
0xb1: {  	s4 =	sshll.u32 @!p0 s4, $0x11;
	s6 =	sadd.s32 @!p0 $0x11B8D, s6;
	_ =	swait.eq @!p0 [sflag:s5], $0x1  }
0xb2: {  	s4 =	sor.u32 @!p0 s4, s6;
	[sflag:s5] =	ssyncadd.s32 @!p0 $0xFFFFFFFF  }
0xb3: {  	s25 =	simm.s32 $0x1B8E;
	s24 =	sld [smem:$0x3FFE];
	[sflag:s4] =	ssyncadd.remote.s32 @!p0 $0x1  }
0xb4: {  	s26 =	simm.s32 $execute0_lowered;
	[smem:$0x3FD2] =	sst s25  }
0xb5: {  	s5 =	sshll.u32 s26, $0x1;
	_ =	strace $0x8000005B;
	[dreg:$0x1] =	wrdreg $0xFFFFFFFF  }
0xb6: {  	s28 =	simm.s32 $_size_execute0_lowered;
	s3 =	sadd.s32 s3, s5;
	[dreg:$0x0] =	wrdreg $0x0  }
0xb7: {  	s5 =	sshll.u32 s28, $0x1;
	[dreg:$0x2] =	wrdreg s3  }
0xb8: {  	[dreg:$0x3] =	wrdreg s5  }
0xb9: {  	[dreg:$0x4] =	wrdreg $0xC0  }
0xba: {  	_ =	task [dreg:s22], $0x5FFFF  }
0xbb: {  	[dreg:$0x1] =	wrdreg $0xFFFFFFFF  }
0xbc: {  	[dreg:$0x0] =	wrdreg $0x60  }
0xbd: {  	[dreg:$0x2] =	wrdreg s24  }
0xbe: {  	[dreg:$0x3] =	wrdreg $0xA  }
0xbf: {  	_ =	task.clear_ibuf [dreg:s22], $0x4FFFF;
	_ =	strace $0x9000005B  }
0xc0: {  	s29 =	simm.s32 $0xA;
	_ =	strace $0x8000005D  }
0xc1: {  	_ =	swait.ge [sflag:s29], $0x1  }
0xc2: {  	[sflag:s29] =	ssyncadd.s32 $0xFFFFFFFF  }
0xc3: {  	_ =	strace $0x9000005D  }
0xc4: {  	_ =	sfence  }
0xc5: {  	s30 =	sld [smem:$0x0];
	_ =	sdelay $0x2  }
0xc6: {  	s31 =	sshll.u32 s1, $0xD;
	s1 =	sshrl.u32 s1, $0x2  }
0xc7: {  	s4 =	sand.u32 $0x4000, s31;
	s1 =	sadd.s32 s1, s30  }
0xc8: {  	s0 =	sor.u32 s4, s0;
	s1 =	sshll.u32 s1, $0x11  }
0xc9: {  	s0 =	sor.u32 s1, s0  }
0xca: {  	s0 =	sadd.s32 $0x8F2B, s0  }
0xcb: {  	[sflag:s0] =	ssyncadd.remote.s32 $0x1  }
0xcc: {  	_ =	sfence.sel $0xFFFF  }
0xcd: {  	[dreg:$0x0] =	wrdreg $0xFFFFFFFF;
	(pc) =	sbr.abs _section_cstart, $3  }
0xce: {  	[dreg:$0x1] =	wrdreg $0xFFFFFFFF  }
0xcf: {  	_ =	task.clear_ibuf [dreg:s22], $0x2FFFF;
	_ =	strace $0x9FFFFFFF  }
0xd0: {  	(tm) =	ssettm $0x7FFFFFFF  }
0xd1: {  	_ =	shalt  }
tec
execute0_lowered:
.L_overlay_start_1:
0x0: {  	(tag) =	ssettag $0x1  }
0x1: {  	s4 =	rddreg [dreg:$0x0]  }
0x2: {  	s0 =	rddreg [dreg:$0x1];
	s3 =	srdreg.scid  }
0x3: {  	s1 =	stileid.u32;
	s2 =	simm.s32 $0x0;
	s11 =	simm.s32 $0x200  }
0x4: {  	s12 =	simm.s32 $0x8200;
	s13 =	simm.s32 $0x1;
	s6 =	smul.u32 $0x5000, s1  }
0x5: {  	s14 =	simm.s32 $0x2;
	s5 =	sand.u32 $0x1, s3;
	s8 =	smul.u32 $0x50000, s1  }
0x6: {  	s15 =	simm.s32 $0x0;
	[smem:$0x7FF] =	sst s2;
	s7 =	smul.u32 $0x2800, s5  }
0x7: {  	s3 =	sadd.s32 $0xA3000, s4;
	s29 =	ssub.s32 $0x2, s5;
	s5 =	smul.u32 $0x28000, s5  }
0x8: {  	_ =	strace $0x8000005C;
	s8 =	sadd.s32 s8, s4;
	s9 =	sshrl.u32 s29, $0x1  }
0x9: {  	s6 =	sadd.s32 s7, s6;
	s30 =	ssub.s32 s29, s9;
	s31 =	sadd.s32 s5, s8  }
0xa: {  	s9 =	simm.s32 $0x3;
	s6 =	sshrl.u32 s6, $0x3;
	s5 =	sadd.s32 $0xF35A00, s31  }
0xb: {  	s10 =	sadd.s32 s6, s4;
	s4 =	smax.u32 s30, $0x1;
	s6 =	sadd.s32 $0x1435A00, s31  }
0xc: {  	s7 =	sadd.s32 $0x4A600, s10;
	s8 =	sadd.s32 $0x18A00, s10;
	s10 =	simm.s32 $0x100  }
.LBB2_1:
0xd: {  	s16 =	sadd.s32 $0x0, s8  }
0xe: {  	[tilespmem:s2], [sflag:$0x3] =	stream.linear.gather [hbm4b:s16+s2], $0x100, $0x38;
	[tilespmem:$0x10200] =	vst v63  }
0xf: {  	_ =	swait.ge [sflag:s9], $0x100  }
0x10: {  	[sflag:s9] =	ssyncset.done $0x0  }
0x11: {  	s31 =	sadd.s32 $0x0, s7;
	[sflag:s9] =	ssyncadd.s32 $0xFFFFFF00  }
0x12: {  	[tilespmem:s10], [sflag:$0x3] =	stream.linear.gather [hbm4b:s31+s2], $0x100, $0x38;
	[tilespmem:$0x10200] =	vst v63  }
0x13: {  	_ =	swait.ge [sflag:s9], $0x100  }
0x14: {  	[sflag:s9] =	ssyncset.done $0x0  }
0x15: {  	[sflag:s9] =	ssyncadd.s32 $0xFFFFFF00  }
0x16: {  	[tilespmem:s11], [sflag:$0x1] =	stream.indirect.gather [hbm4b:s3+s10], $0x80, s2, s10, $0xb8;
	[tilespmem:$0x10200] =	vst v63  }
0x17: {  	_ = 	snop  }
0x18: {  	[tilespmem:s12], [sflag:$0x2] =	stream.indirect.gather [hbm4b:s3+s10], $0x80, s10, s10, $0xb8;
	[tilespmem:$0x10200] =	vst v63  }
0x19: {  	_ =	swait.ge [sflag:s13], $0x8000  }
0x1a: {  	[sflag:s13] =	ssyncset.done $0x0  }
0x1b: {  	[sflag:s13] =	ssyncadd.s32 $0xFFFF8000  }
0x1c: {  	_ =	swait.ge [sflag:s14], $0x8000  }
0x1d: {  	[sflag:s14] =	ssyncset.done $0x0  }
0x1e: {  	[sflag:s14] =	ssyncadd.s32 $0xFFFF8000  }
0x1f: {  	[hbm4b:s5+s2] =	stream.linear.scatter [tilespmem:s11], [sflag:$0x3], $0x8000, $0x38;
	[tilespmem:$0x10200] =	vst v63  }
0x20: {  	_ =	swait.ge [sflag:s9], $0x8000  }
0x21: {  	[sflag:s9] =	ssyncset.done $0x0  }
0x22: {  	[sflag:s9] =	ssyncadd.s32 $0xFFFF8000  }
0x23: {  	[hbm4b:s6+s2] =	stream.linear.scatter [tilespmem:s12], [sflag:$0x3], $0x8000, $0x38;
	[tilespmem:$0x10200] =	vst v63  }
0x24: {  	s18 =	simm.s32 $0x20;
	s19 =	simm.s32 $0x40;
	_ =	swait.ge [sflag:s9], $0x8000  }
0x25: {  	s17 =	sadd.s32 $0x1000, s5;
	s16 =	sadd.s32 $0x1000, s6;
	[sflag:s9] =	ssyncset.done $0x0  }
.LBB2_2:
0x26: {  	s20 =	sadd.s32 s18, s8  }
0x27: {  	[sflag:s9] =	ssyncadd.s32 $0xFFFF8000;
	s21 =	smov.u32 s19;
	s22 =	sadd.s32 $0x20, s19  }
0x28: {  	[tilespmem:s2], [sflag:$0x3] =	stream.linear.gather [hbm4b:s20+s2], $0x100, $0x38;
	[tilespmem:$0x10200] =	vst v63  }
0x29: {  	p0 =	sne.s32 s19, $0x4E0;
	_ =	swait.ge [sflag:s9], $0x100  }
0x2a: {  	[sflag:s9] =	ssyncset.done $0x0  }
0x2b: {  	s19 =	sadd.s32 s18, s7;
	s18 =	smov.u32 s21;
	[sflag:s9] =	ssyncadd.s32 $0xFFFFFF00  }
0x2c: {  	[tilespmem:s10], [sflag:$0x3] =	stream.linear.gather [hbm4b:s19+s2], $0x100, $0x38;
	[tilespmem:$0x10200] =	vst v63  }
0x2d: {  	_ =	swait.ge [sflag:s9], $0x100  }
0x2e: {  	[sflag:s9] =	ssyncset.done $0x0  }
0x2f: {  	[sflag:s9] =	ssyncadd.s32 $0xFFFFFF00  }
0x30: {  	[tilespmem:s11], [sflag:$0x1] =	stream.indirect.gather [hbm4b:s3+s10], $0x80, s2, s10, $0xb8;
	[tilespmem:$0x10200] =	vst v63  }
0x31: {  	_ = 	snop  }
0x32: {  	[tilespmem:s12], [sflag:$0x2] =	stream.indirect.gather [hbm4b:s3+s10], $0x80, s10, s10, $0xb8;
	[tilespmem:$0x10200] =	vst v63  }
0x33: {  	_ =	swait.ge [sflag:s13], $0x8000  }
0x34: {  	[sflag:s13] =	ssyncset.done $0x0  }
0x35: {  	[sflag:s13] =	ssyncadd.s32 $0xFFFF8000  }
0x36: {  	_ =	swait.ge [sflag:s14], $0x8000  }
0x37: {  	[sflag:s14] =	ssyncset.done $0x0  }
0x38: {  	[sflag:s14] =	ssyncadd.s32 $0xFFFF8000  }
0x39: {  	[hbm4b:s17+s2] =	stream.linear.scatter [tilespmem:s11], [sflag:$0x3], $0x8000, $0x38;
	[tilespmem:$0x10200] =	vst v63  }
0x3a: {  	_ =	swait.ge [sflag:s9], $0x8000  }
.Ltmp0:
0x3b: {  	[sflag:s9] =	ssyncset.done $0x0;
	(pc) =	sbr.rel @p0 .LBB2_2-.Ltmp0, $4  }
0x3c: {  	[sflag:s9] =	ssyncadd.s32 $0xFFFF8000  }
0x3d: {  	[hbm4b:s16+s2] =	stream.linear.scatter [tilespmem:s12], [sflag:$0x3], $0x8000, $0x38;
	[tilespmem:$0x10200] =	vst v63  }
0x3e: {  	s19 =	smov.u32 s22;
	_ =	swait.ge [sflag:s9], $0x8000  }
0x3f: {  	s17 =	sadd.s32 $0x1000, s17;
	s16 =	sadd.s32 $0x1000, s16;
	[sflag:s9] =	ssyncset.done $0x0  }
0x40: {  	s19 =	sadd.s32 s18, s8;
	[sflag:s9] =	ssyncadd.s32 $0xFFFF8000  }
0x41: {  	[tilespmem:s2], [sflag:$0x3] =	stream.linear.gather [hbm4b:s19+s2], $0x100, $0x38;
	[tilespmem:$0x10200] =	vst v63  }
0x42: {  	_ =	swait.ge [sflag:s9], $0x100  }
0x43: {  	[sflag:s9] =	ssyncset.done $0x0  }
0x44: {  	s31 =	sadd.s32 s18, s7;
	[sflag:s9] =	ssyncadd.s32 $0xFFFFFF00  }
0x45: {  	[tilespmem:s10], [sflag:$0x3] =	stream.linear.gather [hbm4b:s31+s2], $0x100, $0x38;
	[tilespmem:$0x10200] =	vst v63  }
0x46: {  	_ =	swait.ge [sflag:s9], $0x100  }
0x47: {  	[sflag:s9] =	ssyncset.done $0x0  }
0x48: {  	[sflag:s9] =	ssyncadd.s32 $0xFFFFFF00  }
0x49: {  	[tilespmem:s11], [sflag:$0x1] =	stream.indirect.gather [hbm4b:s3+s10], $0x80, s2, s10, $0xb8;
	[tilespmem:$0x10200] =	vst v63  }
0x4a: {  	_ = 	snop  }
0x4b: {  	[tilespmem:s12], [sflag:$0x2] =	stream.indirect.gather [hbm4b:s3+s10], $0x80, s10, s10, $0xb8;
	[tilespmem:$0x10200] =	vst v63  }
0x4c: {  	_ =	swait.ge [sflag:s13], $0x8000  }
0x4d: {  	[sflag:s13] =	ssyncset.done $0x0  }
0x4e: {  	[sflag:s13] =	ssyncadd.s32 $0xFFFF8000  }
0x4f: {  	_ =	swait.ge [sflag:s14], $0x8000  }
0x50: {  	[sflag:s14] =	ssyncset.done $0x0  }
0x51: {  	[sflag:s14] =	ssyncadd.s32 $0xFFFF8000  }
0x52: {  	[hbm4b:s17+s2] =	stream.linear.scatter [tilespmem:s11], [sflag:$0x3], $0x8000, $0x38;
	[tilespmem:$0x10200] =	vst v63  }
0x53: {  	s15 =	sadd.s32 $0x1, s15;
	_ =	swait.ge [sflag:s9], $0x8000  }
0x54: {  	p0 =	sne.s32 s15, s4;
	[sflag:s9] =	ssyncset.done $0x0  }
.Ltmp1:
0x55: {  	[sflag:s9] =	ssyncadd.s32 $0xFFFF8000;
	(pc) =	sbr.rel @p0 .LBB2_1-.Ltmp1, $4  }
0x56: {  	[hbm4b:s16+s2] =	stream.linear.scatter [tilespmem:s12], [sflag:$0x3], $0x8000, $0x38;
	[tilespmem:$0x10200] =	vst v63  }
0x57: {  	_ =	swait.ge [sflag:s9], $0x8000  }
0x58: {  	[sflag:s9] =	ssyncset.done $0x0  }
0x59: {  	[sflag:s9] =	ssyncadd.s32 $0xFFFF8000  }
0x5a: {  	_ =	sfence.sel $0x180000  }
0x5b: {  	[bflag:$0x0] =	sbarrier.arrive $0xFFFF  }
0x5c: {  	p0 =	sne.s32 s1, $0x0;
	_ =	strace $0x9000005C  }
0x5d: {  	s0 =	sadd.s32 @!p0 $0x100000, s0;
	[bflag:$0x2] =	sbarrier.arrive $0xFFFF  }
0x5e: {  	[sflag:s0] =	ssyncadd.tile.s32 @!p0 $0x1;
	_ =	shalt  }
.Lfunc_end2:
_tile_overlayer_lowered:
.L_overlay_start_2:
0x5f: {  	(tag) =	ssettag $0x2  }
0x60: {  	s0 =	rddreg [dreg:$0x0];
	s2 =	stileid.u32  }
0x61: {  	s1 =	rddreg [dreg:$0x1];
	p0 =	sne.s32 s2, $0x0  }
0x62: {  	s3 =	rddreg [dreg:$0x2];
	[bflag:$0x3] =	sbarrier.arrive $0xFFFF;
	s2 =	simm.s32 @!p0 $0x1C03  }
0x63: {  	[timem:s3], [sflag:s2] =	dma.local @!p0 [hbm:s0], s1  }
0x64: {  	s0 =	simm.s32 @!p0 $0x3  }
0x65: {  	_ =	swait.ge @!p0 [sflag:s0], s1  }
0x66: {  	s1 =	ssub.s32 @!p0 $0x0, s1;
	[sflag:s0] =	ssyncset.done @!p0 $0x0  }
0x67: {  	[sflag:s0] =	ssyncadd.s32 @!p0 s1  }
0x68: {  	[bflag:$0x3] =	sbarrier.arrive $0xFFFF  }
0x69: {  	_ =	shalt  }

// kernel: kernel.21.cloned.1.call-start
scs
__scs_entry_jumppad:
0x0: {  	(pc) =	sbr.rel $0x88, $3  }
0x1: {  	(tag) =	ssettag $0x0;
	lr =	simm.s32 $0x1  }
0x2: {  	[smem:$0x3EF5] =	sst lr;
	_ =	strace $0xD0000000  }
0x3: {  	_ = 	snop  }
0x4: {  	_ = 	snop  }
0x5: {  	_ = 	snop  }
0x6: {  	_ = 	snop  }
0x7: {  	_ = 	snop  }
__scs_overlays_trampoline_lowered:
0x8: {  	[smem:$0x3F04] =	sst s0  }
0x9: {  	[smem:$0x3F05] =	sst s1  }
0xa: {  	[smem:$0x3F06] =	sst s2  }
0xb: {  	[smem:$0x3F07] =	sst s3  }
0xc: {  	[smem:$0x3F08] =	sst s4  }
0xd: {  	[smem:$0x3F09] =	sst s5  }
0xe: {  	[smem:$0x3F0A] =	sst s6  }
0xf: {  	[smem:$0x3F0B] =	sst s7  }
0x10: {  	[smem:$0x3F0C] =	sst s8  }
0x11: {  	[smem:$0x3F0D] =	sst s9;
	s0 =	simm.s32 @!p0 $0x0  }
0x12: {  	s1 =	sld [smem:$0x3EF3];
	s0 =	simm.s32 @p0 $0x1  }
0x13: {  	[smem:$0x3F0E] =	sst s0;
	s0 =	simm.s32 @!p1 $0x0  }
0x14: {  	s2 =	sld [smem:$0x3EF2];
	s0 =	simm.s32 @p1 $0x1  }
0x15: {  	[smem:$0x3F0F] =	sst s0;
	s0 =	simm.s32 @!p2 $0x0  }
0x16: {  	s3 =	sld [smem:$0x3FDB];
	s0 =	simm.s32 @p2 $0x1  }
0x17: {  	s4 =	simm.s32 $0x1BF5;
	[smem:$0x3F11] =	sst s0  }
0x18: {  	s0 =	sld [smem:$0x3EF4];
	_ =	swait.ge [sflag:s4], $0x0  }
0x19: {  	s7 =	sld [smem:$0x3EF5]  }
0x1a: {  	s8 =	sadd.s32 $0xFFFFE003, lr  }
0x1b: {  	s9 =	sadd.s32 $0xFFFFFEF7, lr;
	s5 =	simm.s32 $0xFFFFFFFF;
	p2 =	slt.u32 s8, $0xFFFFF086  }
0x1c: {  	p1 =	slt.u32 s9, $0xF7A;
	s5 =	simm.s32 @!p2 $0x0  }
0x1d: {  	s5 =	simm.s32 @p1 $0x1;
	p0 =	seq.s32 s7, s2  }
0x1e: {  	s7 =	smul.u32 @!p0 $0xF7A, s2;
	p2 =	seq.s32 @!p0 s5, $0x0  }
0x1f: {  	s9 =	smul.u32 $0xF7A, s1;
	s8 =	simm.s32 @!p0 $0x1BF5;
	p2 =	por !p2, p0  }
0x20: {  	[sflag:s8] =	ssyncset.s32 @!p0 $0xFFFFF086;
	s6 =	sadd.s32 @!p0 s3, s7;
	s7 =	simm.s32 @!p0 $0x108  }
0x21: {  	s3 =	sadd.s32 s3, s9;
	s6 =	sadd.s32 @!p0 $0x88, s6;
	s7 =	simm.s32 @p2 $0x1082  }
0x22: {  	[simem:s7], [sflag:s8] =	dma.local @!p0 [hbm:s6], $0xF7A  }
0x23: {  	s9 =	sor.u32 $0xD0000000, s2;
	s6 =	simm.s32 $0x108;
	_ =	swait.ge @!p0 [sflag:s8], $0x0  }
0x24: {  	s3 =	sadd.s32 $0x88, s3;
	s6 =	simm.s32 @!p1 $0x1082;
	[sflag:s4] =	ssyncset.s32 $0xFFFFF086  }
0x25: {  	[simem:s6], [sflag:s4] =	dma.local [hbm:s3], $0xF7A  }
0x26: {  	[smem:$0x3EF5] =	sst s1;
	(tag) =	ssettag s2;
	_ =	strace s9  }
0x27: {  	s1 =	sld [smem:$0x3F05]  }
0x28: {  	s2 =	sld [smem:$0x3F06]  }
0x29: {  	s4 =	sld [smem:$0x3F08]  }
0x2a: {  	p0 =	seq.s32 s5, $0x0;
	s5 =	sld [smem:$0x3F09]  }
0x2b: {  	s6 =	sld [smem:$0x3F0A]  }
0x2c: {  	s7 =	sld [smem:$0x3F0B]  }
0x2d: {  	s3 =	simm.s32 $0x108;
	s8 =	sld [smem:$0x3F0C]  }
0x2e: {  	s3 =	simm.s32 @!p0 $0x1082;
	s9 =	sld [smem:$0x3F0D]  }
0x2f: {  	lr =	sadd.s32 s0, s3;
	s0 =	sld [smem:$0x3F04]  }
0x30: {  	s3 =	sld [smem:$0x3F07]  }
0x31: {  	[smem:$0x3F10] =	sst s10  }
0x32: {  	s10 =	sld [smem:$0x3F0E];
	_ =	sdelay $0x3  }
0x33: {  	p0 =	seq.s32 s10, $0x1;
	s10 =	sld [smem:$0x3F10];
	_ =	sdelay $0x3  }
0x34: {  	[smem:$0x3F10] =	sst s10  }
0x35: {  	s10 =	sld [smem:$0x3F0F];
	_ =	sdelay $0x3  }
0x36: {  	p1 =	seq.s32 s10, $0x1;
	s10 =	sld [smem:$0x3F10];
	_ =	sdelay $0x3  }
0x37: {  	[smem:$0x3F10] =	sst s10  }
0x38: {  	s10 =	sld [smem:$0x3F11]  }
0x39: {  	_ = 	snop;
	(pc) =	sbr.ind lr, $3  }
0x3a: {  	_ = 	snop  }
0x3b: {  	_ = 	snop  }
0x3c: {  	p2 =	seq.s32 s10, $0x1;
	s10 =	sld [smem:$0x3F10]  }
0x3d: {  	_ =	shalt  }
0x3e: {  	_ =	shalt  }
0x3f: {  	_ =	shalt  }
0x40: {  	_ =	shalt  }
0x41: {  	_ =	shalt  }
0x42: {  	_ =	shalt  }
0x43: {  	_ =	shalt  }
0x44: {  	_ =	shalt  }
0x45: {  	_ =	shalt  }
0x46: {  	_ =	shalt  }
0x47: {  	_ =	shalt  }
0x48: {  	_ =	shalt  }
0x49: {  	_ =	shalt  }
0x4a: {  	_ =	shalt  }
0x4b: {  	_ =	shalt  }
0x4c: {  	_ =	shalt  }
0x4d: {  	_ =	shalt  }
0x4e: {  	_ =	shalt  }
0x4f: {  	_ =	shalt  }
0x50: {  	_ =	shalt  }
0x51: {  	_ =	shalt  }
0x52: {  	_ =	shalt  }
0x53: {  	_ =	shalt  }
0x54: {  	_ =	shalt  }
0x55: {  	_ =	shalt  }
0x56: {  	_ =	shalt  }
0x57: {  	_ =	shalt  }
0x58: {  	_ =	shalt  }
0x59: {  	_ =	shalt  }
0x5a: {  	_ =	shalt  }
0x5b: {  	_ =	shalt  }
0x5c: {  	_ =	shalt  }
0x5d: {  	_ =	shalt  }
0x5e: {  	_ =	shalt  }
0x5f: {  	_ =	shalt  }
0x60: {  	_ =	shalt  }
0x61: {  	_ =	shalt  }
0x62: {  	_ =	shalt  }
0x63: {  	_ =	shalt  }
0x64: {  	_ =	shalt  }
0x65: {  	_ =	shalt  }
0x66: {  	_ =	shalt  }
0x67: {  	_ =	shalt  }
0x68: {  	_ =	shalt  }
0x69: {  	_ =	shalt  }
0x6a: {  	_ =	shalt  }
0x6b: {  	_ =	shalt  }
0x6c: {  	_ =	shalt  }
0x6d: {  	_ =	shalt  }
0x6e: {  	_ =	shalt  }
0x6f: {  	_ =	shalt  }
0x70: {  	_ =	shalt  }
0x71: {  	_ =	shalt  }
0x72: {  	_ =	shalt  }
0x73: {  	_ =	shalt  }
0x74: {  	_ =	shalt  }
0x75: {  	_ =	shalt  }
0x76: {  	_ =	shalt  }
0x77: {  	_ =	shalt  }
0x78: {  	_ =	shalt  }
0x79: {  	_ =	shalt  }
0x7a: {  	_ =	shalt  }
0x7b: {  	_ =	shalt  }
0x7c: {  	_ =	shalt  }
0x7d: {  	_ =	shalt  }
0x7e: {  	_ =	shalt  }
0x7f: {  	_ =	shalt  }
0x80: {  	_ =	shalt  }
0x81: {  	_ =	shalt  }
0x82: {  	_ =	shalt  }
0x83: {  	_ =	shalt  }
0x84: {  	_ =	shalt  }
0x85: {  	_ =	shalt  }
0x86: {  	_ =	shalt  }
0x87: {  	_ =	shalt  }
.Lfunc_end0:
.L_simem_size_0:
called_computation.8_lowered:
.L_overlay_start_0:
0x88: {  	s2 =	sld [smem:$0x3FD9]  }
0x89: {  	s3 =	sld [smem:$0x3FFE];
	_ =	sdelay $0x1  }
0x8a: {  	s1 =	srdreg.scid  }
0x8b: {  	s0 =	sand.u32 $0x1, s1  }
0x8c: {  	s16 =	sshll.u32 s0, $0xA;
	s2 =	sadd.s32 s3, s2  }
0x8d: {  	s2 =	sadd.s32 s2, s16  }
0x8e: {  	[smem:$0x3F1C] =	sst s2  }
0x8f: {  	_ = 	snop  }
0x90: {  	(tm) =	ssettm $0x1  }
0x91: {  	s17 =	sld [smem:$0x3FFB];
	_ =	sdelay $0x3  }
0x92: {  	_ =	strace s17  }
0x93: {  	s2 =	sld [smem:$0x3FFC];
	_ =	sdelay $0x3  }
0x94: {  	_ =	strace s2  }
0x95: {  	s2 =	sld [smem:$0x3FFD];
	_ =	sdelay $0x3  }
0x96: {  	_ =	strace s2  }
0x97: {  	_ =	strace $0x8FFFFFFF  }
0x98: {  	s18 =	sld [smem:$0x3FDB];
	_ =	sdelay $0x1  }
0x99: {  	s19 =	simm.s32 $_scs_section_size  }
0x9a: {  	s4 =	simm.s32 $_size__tile_overlayer_lowered;
	s5 =	simm.s32 $_tile_overlayer_lowered  }
0x9b: {  	s22 =	simm.s32 $0x1BFF;
	s21 =	sshll.u32 s5, $0x1;
	s2 =	sadd.s32 s19, s18  }
0x9c: {  	s6 =	simm.s32 $0x0;
	s20 =	sshll.u32 s4, $0x1;
	s4 =	sadd.s32 s21, s2  }
0x9d: {  	[timem:s6], [sflag:s22] =	dma.local [hbm:s4], s20  }
0x9e: {  	_ =	swait.ge [sflag:s22], s20  }
0x9f: {  	s3 =	ssub.s32 $0x0, s20;
	[sflag:s22] =	ssyncset.done $0x0  }
0xa0: {  	[sflag:s22] =	ssyncadd.s32 s3;
	_ =	sdelay $0x1  }
0xa1: {  	s23 =	simm.s32 $0x1B8B  }
0xa2: {  	_ =	swait.ge [sflag:s23], $0x1  }
0xa3: {  	[sflag:s23] =	ssyncset.done $0x0  }
0xa4: {  	s25 =	simm.s32 $0x1B8E;
	s24 =	sld [smem:$0x3FFE];
	[sflag:s23] =	ssyncadd.s32 $0xFFFFFFFF  }
0xa5: {  	s26 =	simm.s32 $execute0_lowered;
	[smem:$0x3FD2] =	sst s25  }
0xa6: {  	s4 =	sshll.u32 s26, $0x1;
	_ =	strace $0x8000005E;
	[dreg:$0x1] =	wrdreg $0xFFFFFFFF  }
0xa7: {  	s28 =	simm.s32 $_size_execute0_lowered;
	s2 =	sadd.s32 s2, s4;
	[dreg:$0x0] =	wrdreg $0x0  }
0xa8: {  	s4 =	sshll.u32 s28, $0x1;
	[dreg:$0x2] =	wrdreg s2  }
0xa9: {  	[dreg:$0x3] =	wrdreg s4  }
0xaa: {  	[dreg:$0x4] =	wrdreg $0xC0  }
0xab: {  	_ =	task [dreg:s6], $0x5FFFF  }
0xac: {  	[dreg:$0x1] =	wrdreg $0xFFFFFFFF  }
0xad: {  	[dreg:$0x0] =	wrdreg $0x60  }
0xae: {  	[dreg:$0x2] =	wrdreg s24  }
0xaf: {  	[dreg:$0x3] =	wrdreg $0x81000  }
0xb0: {  	[dreg:$0x4] =	wrdreg $0x9  }
0xb1: {  	_ =	task.clear_ibuf [dreg:s6], $0x5FFFF;
	_ =	strace $0x9000005E  }
0xb2: {  	s29 =	simm.s32 $0x9;
	_ =	strace $0x80000060  }
0xb3: {  	_ =	swait.ge [sflag:s29], $0x1  }
0xb4: {  	[sflag:s29] =	ssyncadd.s32 $0xFFFFFFFF  }
0xb5: {  	_ =	strace $0x90000060  }
0xb6: {  	_ =	sfence  }
0xb7: {  	s30 =	sld [smem:$0x0];
	_ =	sdelay $0x2  }
0xb8: {  	s31 =	sshll.u32 s1, $0xD;
	s1 =	sshrl.u32 s1, $0x2  }
0xb9: {  	s3 =	sand.u32 $0x4000, s31;
	s1 =	sadd.s32 s1, s30  }
0xba: {  	s0 =	sor.u32 s3, s0;
	s1 =	sshll.u32 s1, $0x11  }
0xbb: {  	s0 =	sor.u32 s1, s0  }
0xbc: {  	s0 =	sadd.s32 $0x8F2B, s0  }
0xbd: {  	[sflag:s0] =	ssyncadd.remote.s32 $0x1  }
0xbe: {  	_ =	sfence.sel $0xFFFF  }
0xbf: {  	[dreg:$0x0] =	wrdreg $0xFFFFFFFF;
	(pc) =	sbr.abs _section_cstart, $3  }
0xc0: {  	[dreg:$0x1] =	wrdreg $0xFFFFFFFF  }
0xc1: {  	_ =	task.clear_ibuf [dreg:s6], $0x2FFFF;
	_ =	strace $0x9FFFFFFF  }
0xc2: {  	(tm) =	ssettm $0x7FFFFFFF  }
0xc3: {  	_ =	shalt  }
tec
execute0_lowered:
.L_overlay_start_1:
0x0: {  	(tag) =	ssettag $0x1  }
0x1: {  	s0 =	stileid.u32  }
0x2: {  	s6 =	smul.u32 $0x5000, s0  }
0x3: {  	s1 =	srdreg.scid;
	s8 =	smul.u32 $0x50000, s0  }
0x4: {  	s4 =	rddreg [dreg:$0x0];
	s25 =	smul.u32 $0x13C00, s0  }
0x5: {  	s2 =	rddreg [dreg:$0x1];
	s5 =	sand.u32 $0x1, s1;
	s12 =	smul.u32 $0x4F000, s0  }
0x6: {  	s3 =	simm.s32 $0x0;
	s1 =	rddreg [dreg:$0x2];
	s7 =	smul.u32 $0x2800, s5  }
0x7: {  	[smem:$0x7FF] =	sst s3;
	s30 =	sshll.u32 s0, $0x6;
	s9 =	smul.u32 $0x13C000, s5  }
0x8: {  	_ =	strace $0x8000005F;
	s28 =	ssub.s32 $0x2, s5;
	s31 =	smul.u32 $0x28000, s5  }
0x9: {  	s5 =	sor.u32 $0x1C01, s30;
	s8 =	sadd.s32 s8, s4;
	s26 =	sshrl.u32 s25, $0x3  }
0xa: {  	s11 =	sshrl.u32 s28, $0x1;
	s29 =	sshrl.u32 s12, $0x2;
	s12 =	simm.s32 $0x100  }
0xb: {  	s6 =	sadd.s32 s7, s6;
	s7 =	sadd.s32 s25, s9;
	s9 =	ssub.s32 s28, s11  }
0xc: {  	s13 =	sadd.s32 s29, s2;
	s8 =	sadd.s32 s31, s8;
	s11 =	simm.s32 $0x1  }
0xd: {  	s6 =	sshrl.u32 s6, $0x3;
	s7 =	sshrl.u32 s7, $0x3;
	s8 =	sadd.s32 $0xA3000, s8  }
0xe: {  	s10 =	sadd.s32 s6, s4;
	s6 =	sadd.s32 s26, s4;
	s7 =	sadd.s32 s7, s4  }
0xf: {  	s4 =	sadd.s32 $0x54600, s6;
	s6 =	sadd.s32 $0x5A3000, s7;
	s7 =	smax.u32 s9, $0x1  }
0x10: {  	s9 =	sadd.s32 $0x22A00, s10;
	s10 =	sshrl.u32 s13, $0x3;
	s13 =	simm.s32 $0x0  }
.LBB2_1:
0x11: {  	[spmem:s10], [sflag:s5] =	dma.local [hbm:s4], $0x2780  }
0x12: {  	_ =	swait.ge [sflag:s11], $0x2780  }
0x13: {  	[sflag:s11] =	ssyncset.done $0x0  }
0x14: {  	[sflag:s11] =	ssyncadd.s32 $0xFFFFD880  }
0x15: {  	s14 =	sadd.s32 $0x0, s9;
	[bflag:$0x0] =	sbarrier.arrive $0xFFFF  }
0x16: {  	[tilespmem:s3], [sflag:$0x1] =	stream.linear.gather [hbm4b:s14+s3], $0x100, $0x38;
	[tilespmem:$0x1BD00] =	vst v63  }
0x17: {  	_ =	swait.ge [sflag:s11], $0x100  }
0x18: {  	[sflag:s11] =	ssyncset.done $0x0  }
0x19: {  	[sflag:s11] =	ssyncadd.s32 $0xFFFFFF00  }
0x1a: {  	[tilespmem:s12], [sflag:$0x1] =	stream.linear.gather [hbm4b:s8+s3], $0x8000, $0x38;
	[tilespmem:$0x1BD00] =	vst v63  }
0x1b: {  	_ =	swait.ge [sflag:s11], $0x8000  }
0x1c: {  	[sflag:s11] =	ssyncset.done $0x0  }
0x1d: {  	[sflag:s11] =	ssyncadd.s32 $0xFFFF8000  }
0x1e: {  	[spmem:s2] =	stream.indirect.scatter.add.f32 [tilespmem:s12], [sflag:$0x1], $0x80, s3, s12, $0xb8;
	[tilespmem:$0x1BD00] =	vst v63  }
0x1f: {  	s15 =	simm.s32 $0x20;
	_ =	swait.ge [sflag:s11], $0x8000  }
0x20: {  	s16 =	simm.s32 $0x40;
	s14 =	sadd.s32 $0x1000, s8;
	[sflag:s11] =	ssyncset.done $0x0  }
.LBB2_2:
0x21: {  	s17 =	sadd.s32 s15, s9  }
0x22: {  	[sflag:s11] =	ssyncadd.s32 $0xFFFF8000;
	s15 =	smov.u32 s16;
	s18 =	sadd.s32 $0x20, s16  }
0x23: {  	[tilespmem:s3], [sflag:$0x1] =	stream.linear.gather [hbm4b:s17+s3], $0x100, $0x38;
	[tilespmem:$0x1BD00] =	vst v63  }
0x24: {  	p0 =	sne.s32 s16, $0x4E0;
	_ =	swait.ge [sflag:s11], $0x100  }
0x25: {  	[sflag:s11] =	ssyncset.done $0x0  }
0x26: {  	[sflag:s11] =	ssyncadd.s32 $0xFFFFFF00  }
0x27: {  	[tilespmem:s12], [sflag:$0x1] =	stream.linear.gather [hbm4b:s14+s3], $0x8000, $0x38;
	[tilespmem:$0x1BD00] =	vst v63  }
0x28: {  	_ =	swait.ge [sflag:s11], $0x8000  }
.Ltmp0:
0x29: {  	[sflag:s11] =	ssyncset.done $0x0;
	(pc) =	sbr.rel @p0 .LBB2_2-.Ltmp0, $4  }
0x2a: {  	[sflag:s11] =	ssyncadd.s32 $0xFFFF8000  }
0x2b: {  	[spmem:s2] =	stream.indirect.scatter.add.f32 [tilespmem:s12], [sflag:$0x1], $0x80, s3, s12, $0xb8;
	[tilespmem:$0x1BD00] =	vst v63  }
0x2c: {  	_ =	swait.ge [sflag:s11], $0x8000  }
0x2d: {  	s16 =	smov.u32 s18;
	s14 =	sadd.s32 $0x1000, s14;
	[sflag:s11] =	ssyncset.done $0x0  }
0x2e: {  	s15 =	sadd.s32 s15, s9;
	[sflag:s11] =	ssyncadd.s32 $0xFFFF8000  }
0x2f: {  	[tilespmem:s3], [sflag:$0x1] =	stream.linear.gather [hbm4b:s15+s3], $0x100, $0x38;
	[tilespmem:$0x1BD00] =	vst v63  }
0x30: {  	_ =	swait.ge [sflag:s11], $0x100  }
0x31: {  	[sflag:s11] =	ssyncset.done $0x0  }
0x32: {  	[sflag:s11] =	ssyncadd.s32 $0xFFFFFF00  }
0x33: {  	[tilespmem:s12], [sflag:$0x1] =	stream.linear.gather [hbm4b:s14+s3], $0x8000, $0x38;
	[tilespmem:$0x1BD00] =	vst v63  }
0x34: {  	_ =	swait.ge [sflag:s11], $0x8000  }
0x35: {  	[sflag:s11] =	ssyncset.done $0x0  }
0x36: {  	[sflag:s11] =	ssyncadd.s32 $0xFFFF8000  }
0x37: {  	[spmem:s2] =	stream.indirect.scatter.add.f32 [tilespmem:s12], [sflag:$0x1], $0x80, s3, s12, $0xb8;
	[tilespmem:$0x1BD00] =	vst v63  }
0x38: {  	_ =	swait.ge [sflag:s11], $0x8000  }
0x39: {  	s13 =	sadd.s32 $0x1, s13;
	[sflag:s11] =	ssyncset.done $0x0  }
0x3a: {  	p0 =	sne.s32 s13, s7;
	[sflag:s11] =	ssyncadd.s32 $0xFFFF8000  }
.Ltmp1:
0x3b: {  	[bflag:$0x0] =	sbarrier.arrive $0xFFFF;
	(pc) =	sbr.rel @p0 .LBB2_1-.Ltmp1, $4  }
0x3c: {  	[hbm:s6], [sflag:s5] =	dma.local [spmem:s10], $0x2780  }
0x3d: {  	_ =	swait.ge [sflag:s11], $0x2780  }
0x3e: {  	[sflag:s11] =	ssyncset.done $0x0  }
0x3f: {  	[sflag:s11] =	ssyncadd.s32 $0xFFFFD880  }
0x40: {  	_ =	sfence.sel $0x180000  }
0x41: {  	[bflag:$0x0] =	sbarrier.arrive $0xFFFF  }
0x42: {  	p0 =	sne.s32 s0, $0x0;
	_ =	strace $0x9000005F  }
0x43: {  	s0 =	sadd.s32 @!p0 $0x100000, s1;
	[bflag:$0x2] =	sbarrier.arrive $0xFFFF  }
0x44: {  	[sflag:s0] =	ssyncadd.tile.s32 @!p0 $0x1;
	_ =	shalt  }
.Lfunc_end2:
_tile_overlayer_lowered:
.L_overlay_start_2:
0x45: {  	(tag) =	ssettag $0x2  }
0x46: {  	s0 =	rddreg [dreg:$0x0];
	s2 =	stileid.u32  }
0x47: {  	s1 =	rddreg [dreg:$0x1];
	p0 =	sne.s32 s2, $0x0  }
0x48: {  	s3 =	rddreg [dreg:$0x2];
	[bflag:$0x3] =	sbarrier.arrive $0xFFFF;
	s2 =	simm.s32 @!p0 $0x1C01  }
0x49: {  	[timem:s3], [sflag:s2] =	dma.local @!p0 [hbm:s0], s1  }
0x4a: {  	s0 =	simm.s32 @!p0 $0x1  }
0x4b: {  	_ =	swait.ge @!p0 [sflag:s0], s1  }
0x4c: {  	s1 =	ssub.s32 @!p0 $0x0, s1;
	[sflag:s0] =	ssyncset.done @!p0 $0x0  }
0x4d: {  	[sflag:s0] =	ssyncadd.s32 @!p0 s1  }
0x4e: {  	[bflag:$0x3] =	sbarrier.arrive $0xFFFF  }
0x4f: {  	_ =	shalt  }

// kernel: kernel.24.cloned.1.call-start
scs
__scs_entry_jumppad:
0x0: {  	(pc) =	sbr.rel $0x88, $3  }
0x1: {  	(tag) =	ssettag $0x0;
	lr =	simm.s32 $0x1  }
0x2: {  	[smem:$0x3EF5] =	sst lr;
	_ =	strace $0xD0000000  }
0x3: {  	_ = 	snop  }
0x4: {  	_ = 	snop  }
0x5: {  	_ = 	snop  }
0x6: {  	_ = 	snop  }
0x7: {  	_ = 	snop  }
__scs_overlays_trampoline_lowered:
0x8: {  	[smem:$0x3F04] =	sst s0  }
0x9: {  	[smem:$0x3F05] =	sst s1  }
0xa: {  	[smem:$0x3F06] =	sst s2  }
0xb: {  	[smem:$0x3F07] =	sst s3  }
0xc: {  	[smem:$0x3F08] =	sst s4  }
0xd: {  	[smem:$0x3F09] =	sst s5  }
0xe: {  	[smem:$0x3F0A] =	sst s6  }
0xf: {  	[smem:$0x3F0B] =	sst s7  }
0x10: {  	[smem:$0x3F0C] =	sst s8  }
0x11: {  	[smem:$0x3F0D] =	sst s9;
	s0 =	simm.s32 @!p0 $0x0  }
0x12: {  	s1 =	sld [smem:$0x3EF3];
	s0 =	simm.s32 @p0 $0x1  }
0x13: {  	[smem:$0x3F0E] =	sst s0;
	s0 =	simm.s32 @!p1 $0x0  }
0x14: {  	s2 =	sld [smem:$0x3EF2];
	s0 =	simm.s32 @p1 $0x1  }
0x15: {  	[smem:$0x3F0F] =	sst s0;
	s0 =	simm.s32 @!p2 $0x0  }
0x16: {  	s3 =	sld [smem:$0x3FDB];
	s0 =	simm.s32 @p2 $0x1  }
0x17: {  	s4 =	simm.s32 $0x1BF5;
	[smem:$0x3F11] =	sst s0  }
0x18: {  	s0 =	sld [smem:$0x3EF4];
	_ =	swait.ge [sflag:s4], $0x0  }
0x19: {  	s7 =	sld [smem:$0x3EF5]  }
0x1a: {  	s8 =	sadd.s32 $0xFFFFE003, lr  }
0x1b: {  	s9 =	sadd.s32 $0xFFFFFEF7, lr;
	s5 =	simm.s32 $0xFFFFFFFF;
	p2 =	slt.u32 s8, $0xFFFFF086  }
0x1c: {  	p1 =	slt.u32 s9, $0xF7A;
	s5 =	simm.s32 @!p2 $0x0  }
0x1d: {  	s5 =	simm.s32 @p1 $0x1;
	p0 =	seq.s32 s7, s2  }
0x1e: {  	s7 =	smul.u32 @!p0 $0xF7A, s2;
	p2 =	seq.s32 @!p0 s5, $0x0  }
0x1f: {  	s9 =	smul.u32 $0xF7A, s1;
	s8 =	simm.s32 @!p0 $0x1BF5;
	p2 =	por !p2, p0  }
0x20: {  	[sflag:s8] =	ssyncset.s32 @!p0 $0xFFFFF086;
	s6 =	sadd.s32 @!p0 s3, s7;
	s7 =	simm.s32 @!p0 $0x108  }
0x21: {  	s3 =	sadd.s32 s3, s9;
	s6 =	sadd.s32 @!p0 $0x88, s6;
	s7 =	simm.s32 @p2 $0x1082  }
0x22: {  	[simem:s7], [sflag:s8] =	dma.local @!p0 [hbm:s6], $0xF7A  }
0x23: {  	s9 =	sor.u32 $0xD0000000, s2;
	s6 =	simm.s32 $0x108;
	_ =	swait.ge @!p0 [sflag:s8], $0x0  }
0x24: {  	s3 =	sadd.s32 $0x88, s3;
	s6 =	simm.s32 @!p1 $0x1082;
	[sflag:s4] =	ssyncset.s32 $0xFFFFF086  }
0x25: {  	[simem:s6], [sflag:s4] =	dma.local [hbm:s3], $0xF7A  }
0x26: {  	[smem:$0x3EF5] =	sst s1;
	(tag) =	ssettag s2;
	_ =	strace s9  }
0x27: {  	s1 =	sld [smem:$0x3F05]  }
0x28: {  	s2 =	sld [smem:$0x3F06]  }
0x29: {  	s4 =	sld [smem:$0x3F08]  }
0x2a: {  	p0 =	seq.s32 s5, $0x0;
	s5 =	sld [smem:$0x3F09]  }
0x2b: {  	s6 =	sld [smem:$0x3F0A]  }
0x2c: {  	s7 =	sld [smem:$0x3F0B]  }
0x2d: {  	s3 =	simm.s32 $0x108;
	s8 =	sld [smem:$0x3F0C]  }
0x2e: {  	s3 =	simm.s32 @!p0 $0x1082;
	s9 =	sld [smem:$0x3F0D]  }
0x2f: {  	lr =	sadd.s32 s0, s3;
	s0 =	sld [smem:$0x3F04]  }
0x30: {  	s3 =	sld [smem:$0x3F07]  }
0x31: {  	[smem:$0x3F10] =	sst s10  }
0x32: {  	s10 =	sld [smem:$0x3F0E];
	_ =	sdelay $0x3  }
0x33: {  	p0 =	seq.s32 s10, $0x1;
	s10 =	sld [smem:$0x3F10];
	_ =	sdelay $0x3  }
0x34: {  	[smem:$0x3F10] =	sst s10  }
0x35: {  	s10 =	sld [smem:$0x3F0F];
	_ =	sdelay $0x3  }
0x36: {  	p1 =	seq.s32 s10, $0x1;
	s10 =	sld [smem:$0x3F10];
	_ =	sdelay $0x3  }
0x37: {  	[smem:$0x3F10] =	sst s10  }
0x38: {  	s10 =	sld [smem:$0x3F11]  }
0x39: {  	_ = 	snop;
	(pc) =	sbr.ind lr, $3  }
0x3a: {  	_ = 	snop  }
0x3b: {  	_ = 	snop  }
0x3c: {  	p2 =	seq.s32 s10, $0x1;
	s10 =	sld [smem:$0x3F10]  }
0x3d: {  	_ =	shalt  }
0x3e: {  	_ =	shalt  }
0x3f: {  	_ =	shalt  }
0x40: {  	_ =	shalt  }
0x41: {  	_ =	shalt  }
0x42: {  	_ =	shalt  }
0x43: {  	_ =	shalt  }
0x44: {  	_ =	shalt  }
0x45: {  	_ =	shalt  }
0x46: {  	_ =	shalt  }
0x47: {  	_ =	shalt  }
0x48: {  	_ =	shalt  }
0x49: {  	_ =	shalt  }
0x4a: {  	_ =	shalt  }
0x4b: {  	_ =	shalt  }
0x4c: {  	_ =	shalt  }
0x4d: {  	_ =	shalt  }
0x4e: {  	_ =	shalt  }
0x4f: {  	_ =	shalt  }
0x50: {  	_ =	shalt  }
0x51: {  	_ =	shalt  }
0x52: {  	_ =	shalt  }
0x53: {  	_ =	shalt  }
0x54: {  	_ =	shalt  }
0x55: {  	_ =	shalt  }
0x56: {  	_ =	shalt  }
0x57: {  	_ =	shalt  }
0x58: {  	_ =	shalt  }
0x59: {  	_ =	shalt  }
0x5a: {  	_ =	shalt  }
0x5b: {  	_ =	shalt  }
0x5c: {  	_ =	shalt  }
0x5d: {  	_ =	shalt  }
0x5e: {  	_ =	shalt  }
0x5f: {  	_ =	shalt  }
0x60: {  	_ =	shalt  }
0x61: {  	_ =	shalt  }
0x62: {  	_ =	shalt  }
0x63: {  	_ =	shalt  }
0x64: {  	_ =	shalt  }
0x65: {  	_ =	shalt  }
0x66: {  	_ =	shalt  }
0x67: {  	_ =	shalt  }
0x68: {  	_ =	shalt  }
0x69: {  	_ =	shalt  }
0x6a: {  	_ =	shalt  }
0x6b: {  	_ =	shalt  }
0x6c: {  	_ =	shalt  }
0x6d: {  	_ =	shalt  }
0x6e: {  	_ =	shalt  }
0x6f: {  	_ =	shalt  }
0x70: {  	_ =	shalt  }
0x71: {  	_ =	shalt  }
0x72: {  	_ =	shalt  }
0x73: {  	_ =	shalt  }
0x74: {  	_ =	shalt  }
0x75: {  	_ =	shalt  }
0x76: {  	_ =	shalt  }
0x77: {  	_ =	shalt  }
0x78: {  	_ =	shalt  }
0x79: {  	_ =	shalt  }
0x7a: {  	_ =	shalt  }
0x7b: {  	_ =	shalt  }
0x7c: {  	_ =	shalt  }
0x7d: {  	_ =	shalt  }
0x7e: {  	_ =	shalt  }
0x7f: {  	_ =	shalt  }
0x80: {  	_ =	shalt  }
0x81: {  	_ =	shalt  }
0x82: {  	_ =	shalt  }
0x83: {  	_ =	shalt  }
0x84: {  	_ =	shalt  }
0x85: {  	_ =	shalt  }
0x86: {  	_ =	shalt  }
0x87: {  	_ =	shalt  }
.Lfunc_end0:
.L_simem_size_0:
called_computation.9_lowered:
.L_overlay_start_0:
0x88: {  	s2 =	sld [smem:$0x3FD9]  }
0x89: {  	s3 =	sld [smem:$0x3FFE];
	_ =	sdelay $0x1  }
0x8a: {  	s1 =	srdreg.scid  }
0x8b: {  	s0 =	sand.u32 $0x1, s1  }
0x8c: {  	s16 =	sshll.u32 s0, $0xA;
	s2 =	sadd.s32 s3, s2  }
0x8d: {  	s2 =	sadd.s32 s2, s16  }
0x8e: {  	[smem:$0x3F1C] =	sst s2  }
0x8f: {  	_ = 	snop  }
0x90: {  	(tm) =	ssettm $0x1  }
0x91: {  	s17 =	sld [smem:$0x3FFB];
	_ =	sdelay $0x3  }
0x92: {  	_ =	strace s17  }
0x93: {  	s2 =	sld [smem:$0x3FFC];
	_ =	sdelay $0x3  }
0x94: {  	_ =	strace s2  }
0x95: {  	s2 =	sld [smem:$0x3FFD];
	_ =	sdelay $0x3  }
0x96: {  	_ =	strace s2  }
0x97: {  	_ =	strace $0x8FFFFFFF  }
0x98: {  	s18 =	sld [smem:$0x3FDB];
	_ =	sdelay $0x1  }
0x99: {  	s19 =	simm.s32 $_scs_section_size  }
0x9a: {  	s4 =	simm.s32 $_size__tile_overlayer_lowered;
	s5 =	simm.s32 $_tile_overlayer_lowered  }
0x9b: {  	s22 =	simm.s32 $0x1BFF;
	s21 =	sshll.u32 s5, $0x1;
	s2 =	sadd.s32 s19, s18  }
0x9c: {  	s6 =	simm.s32 $0x0;
	s20 =	sshll.u32 s4, $0x1;
	s4 =	sadd.s32 s21, s2  }
0x9d: {  	[timem:s6], [sflag:s22] =	dma.local [hbm:s4], s20  }
0x9e: {  	_ =	swait.ge [sflag:s22], s20  }
0x9f: {  	s3 =	ssub.s32 $0x0, s20;
	[sflag:s22] =	ssyncset.done $0x0  }
0xa0: {  	[sflag:s22] =	ssyncadd.s32 s3;
	_ =	sdelay $0x1  }
0xa1: {  	s23 =	simm.s32 $0x1B8B  }
0xa2: {  	_ =	swait.ge [sflag:s23], $0x1  }
0xa3: {  	[sflag:s23] =	ssyncset.done $0x0  }
0xa4: {  	s25 =	simm.s32 $0x1B8E;
	s24 =	sld [smem:$0x3FFE];
	[sflag:s23] =	ssyncadd.s32 $0xFFFFFFFF  }
0xa5: {  	s26 =	simm.s32 $execute0_lowered;
	[smem:$0x3FD2] =	sst s25  }
0xa6: {  	s4 =	sshll.u32 s26, $0x1;
	_ =	strace $0x80000061;
	[dreg:$0x1] =	wrdreg $0xFFFFFFFF  }
0xa7: {  	s28 =	simm.s32 $_size_execute0_lowered;
	s2 =	sadd.s32 s2, s4;
	[dreg:$0x0] =	wrdreg $0x0  }
0xa8: {  	s4 =	sshll.u32 s28, $0x1;
	[dreg:$0x2] =	wrdreg s2  }
0xa9: {  	[dreg:$0x3] =	wrdreg s4  }
0xaa: {  	[dreg:$0x4] =	wrdreg $0xC0  }
0xab: {  	_ =	task [dreg:s6], $0x5FFFF  }
0xac: {  	[dreg:$0x1] =	wrdreg $0xFFFFFFFF  }
0xad: {  	[dreg:$0x0] =	wrdreg $0x60  }
0xae: {  	[dreg:$0x2] =	wrdreg s24  }
0xaf: {  	[dreg:$0x3] =	wrdreg $0x9  }
0xb0: {  	_ =	task.clear_ibuf [dreg:s6], $0x4FFFF;
	_ =	strace $0x90000061  }
0xb1: {  	s29 =	simm.s32 $0x9;
	_ =	strace $0x80000063  }
0xb2: {  	_ =	swait.ge [sflag:s29], $0x1  }
0xb3: {  	[sflag:s29] =	ssyncadd.s32 $0xFFFFFFFF  }
0xb4: {  	_ =	strace $0x90000063  }
0xb5: {  	_ =	sfence  }
0xb6: {  	s30 =	sld [smem:$0x0];
	_ =	sdelay $0x2  }
0xb7: {  	s31 =	sshll.u32 s1, $0xD;
	s1 =	sshrl.u32 s1, $0x2  }
0xb8: {  	s3 =	sand.u32 $0x4000, s31;
	s1 =	sadd.s32 s1, s30  }
0xb9: {  	s0 =	sor.u32 s3, s0;
	s1 =	sshll.u32 s1, $0x11  }
0xba: {  	s0 =	sor.u32 s1, s0  }
0xbb: {  	s0 =	sadd.s32 $0x8F2B, s0  }
0xbc: {  	[sflag:s0] =	ssyncadd.remote.s32 $0x1  }
0xbd: {  	_ =	sfence.sel $0xFFFF  }
0xbe: {  	[dreg:$0x0] =	wrdreg $0xFFFFFFFF;
	(pc) =	sbr.abs _section_cstart, $3  }
0xbf: {  	[dreg:$0x1] =	wrdreg $0xFFFFFFFF  }
0xc0: {  	_ =	task.clear_ibuf [dreg:s6], $0x2FFFF;
	_ =	strace $0x9FFFFFFF  }
0xc1: {  	(tm) =	ssettm $0x7FFFFFFF  }
tec
execute0_lowered:
.L_overlay_start_1:
0x0: {  	(tag) =	ssettag $0x1  }
0x1: {  	s4 =	rddreg [dreg:$0x0]  }
0x2: {  	s0 =	rddreg [dreg:$0x1];
	s3 =	srdreg.scid  }
0x3: {  	s1 =	stileid.u32;
	s2 =	simm.s32 $0x0;
	s11 =	simm.s32 $0x200  }
0x4: {  	s12 =	simm.s32 $0x8200;
	s13 =	simm.s32 $0x1;
	s6 =	smul.u32 $0x5000, s1  }
0x5: {  	s14 =	simm.s32 $0x2;
	s5 =	sand.u32 $0x1, s3;
	s8 =	smul.u32 $0x50000, s1  }
0x6: {  	s15 =	simm.s32 $0x0;
	[smem:$0x7FF] =	sst s2;
	s7 =	smul.u32 $0x2800, s5  }
0x7: {  	s3 =	sadd.s32 $0xA3000, s4;
	s29 =	ssub.s32 $0x2, s5;
	s5 =	smul.u32 $0x28000, s5  }
0x8: {  	_ =	strace $0x80000062;
	s8 =	sadd.s32 s8, s4;
	s9 =	sshrl.u32 s29, $0x1  }
0x9: {  	s6 =	sadd.s32 s7, s6;
	s30 =	ssub.s32 s29, s9;
	s31 =	sadd.s32 s5, s8  }
0xa: {  	s9 =	simm.s32 $0x3;
	s6 =	sshrl.u32 s6, $0x3;
	s5 =	sadd.s32 $0x277C00, s31  }
0xb: {  	s10 =	sadd.s32 s6, s4;
	s4 =	smax.u32 s30, $0x1;
	s6 =	sadd.s32 $0xF35A00, s31  }
0xc: {  	s7 =	sadd.s32 $0x4A600, s10;
	s8 =	sadd.s32 $0x18A00, s10;
	s10 =	simm.s32 $0x100  }
.LBB2_1:
0xd: {  	s16 =	sadd.s32 $0x0, s8  }
0xe: {  	[tilespmem:s2], [sflag:$0x3] =	stream.linear.gather [hbm4b:s16+s2], $0x100, $0x38;
	[tilespmem:$0x10200] =	vst v63  }
0xf: {  	_ =	swait.ge [sflag:s9], $0x100  }
0x10: {  	[sflag:s9] =	ssyncset.done $0x0  }
0x11: {  	s31 =	sadd.s32 $0x0, s7;
	[sflag:s9] =	ssyncadd.s32 $0xFFFFFF00  }
0x12: {  	[tilespmem:s10], [sflag:$0x3] =	stream.linear.gather [hbm4b:s31+s2], $0x100, $0x38;
	[tilespmem:$0x10200] =	vst v63  }
0x13: {  	_ =	swait.ge [sflag:s9], $0x100  }
0x14: {  	[sflag:s9] =	ssyncset.done $0x0  }
0x15: {  	[sflag:s9] =	ssyncadd.s32 $0xFFFFFF00  }
0x16: {  	[tilespmem:s11], [sflag:$0x1] =	stream.indirect.gather [hbm4b:s3+s10], $0x80, s2, s10, $0xb8;
	[tilespmem:$0x10200] =	vst v63  }
0x17: {  	_ = 	snop  }
0x18: {  	[tilespmem:s12], [sflag:$0x2] =	stream.indirect.gather [hbm4b:s3+s10], $0x80, s10, s10, $0xb8;
	[tilespmem:$0x10200] =	vst v63  }
0x19: {  	_ =	swait.ge [sflag:s13], $0x8000  }
0x1a: {  	[sflag:s13] =	ssyncset.done $0x0  }
0x1b: {  	[sflag:s13] =	ssyncadd.s32 $0xFFFF8000  }
0x1c: {  	_ =	swait.ge [sflag:s14], $0x8000  }
0x1d: {  	[sflag:s14] =	ssyncset.done $0x0  }
0x1e: {  	[sflag:s14] =	ssyncadd.s32 $0xFFFF8000  }
0x1f: {  	[hbm4b:s5+s2] =	stream.linear.scatter [tilespmem:s11], [sflag:$0x3], $0x8000, $0x38;
	[tilespmem:$0x10200] =	vst v63  }
0x20: {  	_ =	swait.ge [sflag:s9], $0x8000  }
0x21: {  	[sflag:s9] =	ssyncset.done $0x0  }
0x22: {  	[sflag:s9] =	ssyncadd.s32 $0xFFFF8000  }
0x23: {  	[hbm4b:s6+s2] =	stream.linear.scatter [tilespmem:s12], [sflag:$0x3], $0x8000, $0x38;
	[tilespmem:$0x10200] =	vst v63  }
0x24: {  	s18 =	simm.s32 $0x20;
	s19 =	simm.s32 $0x40;
	_ =	swait.ge [sflag:s9], $0x8000  }
0x25: {  	s17 =	sadd.s32 $0x1000, s5;
	s16 =	sadd.s32 $0x1000, s6;
	[sflag:s9] =	ssyncset.done $0x0  }
.LBB2_2:
0x26: {  	s20 =	sadd.s32 s18, s8  }
0x27: {  	[sflag:s9] =	ssyncadd.s32 $0xFFFF8000;
	s21 =	smov.u32 s19;
	s22 =	sadd.s32 $0x20, s19  }
0x28: {  	[tilespmem:s2], [sflag:$0x3] =	stream.linear.gather [hbm4b:s20+s2], $0x100, $0x38;
	[tilespmem:$0x10200] =	vst v63  }
0x29: {  	p0 =	sne.s32 s19, $0x4E0;
	_ =	swait.ge [sflag:s9], $0x100  }
0x2a: {  	[sflag:s9] =	ssyncset.done $0x0  }
0x2b: {  	s19 =	sadd.s32 s18, s7;
	s18 =	smov.u32 s21;
	[sflag:s9] =	ssyncadd.s32 $0xFFFFFF00  }
0x2c: {  	[tilespmem:s10], [sflag:$0x3] =	stream.linear.gather [hbm4b:s19+s2], $0x100, $0x38;
	[tilespmem:$0x10200] =	vst v63  }
0x2d: {  	_ =	swait.ge [sflag:s9], $0x100  }
0x2e: {  	[sflag:s9] =	ssyncset.done $0x0  }
0x2f: {  	[sflag:s9] =	ssyncadd.s32 $0xFFFFFF00  }
0x30: {  	[tilespmem:s11], [sflag:$0x1] =	stream.indirect.gather [hbm4b:s3+s10], $0x80, s2, s10, $0xb8;
	[tilespmem:$0x10200] =	vst v63  }
0x31: {  	_ = 	snop  }
0x32: {  	[tilespmem:s12], [sflag:$0x2] =	stream.indirect.gather [hbm4b:s3+s10], $0x80, s10, s10, $0xb8;
	[tilespmem:$0x10200] =	vst v63  }
0x33: {  	_ =	swait.ge [sflag:s13], $0x8000  }
0x34: {  	[sflag:s13] =	ssyncset.done $0x0  }
0x35: {  	[sflag:s13] =	ssyncadd.s32 $0xFFFF8000  }
0x36: {  	_ =	swait.ge [sflag:s14], $0x8000  }
0x37: {  	[sflag:s14] =	ssyncset.done $0x0  }
0x38: {  	[sflag:s14] =	ssyncadd.s32 $0xFFFF8000  }
0x39: {  	[hbm4b:s17+s2] =	stream.linear.scatter [tilespmem:s11], [sflag:$0x3], $0x8000, $0x38;
	[tilespmem:$0x10200] =	vst v63  }
0x3a: {  	_ =	swait.ge [sflag:s9], $0x8000  }
.Ltmp0:
0x3b: {  	[sflag:s9] =	ssyncset.done $0x0;
	(pc) =	sbr.rel @p0 .LBB2_2-.Ltmp0, $4  }
0x3c: {  	[sflag:s9] =	ssyncadd.s32 $0xFFFF8000  }
0x3d: {  	[hbm4b:s16+s2] =	stream.linear.scatter [tilespmem:s12], [sflag:$0x3], $0x8000, $0x38;
	[tilespmem:$0x10200] =	vst v63  }
0x3e: {  	s19 =	smov.u32 s22;
	_ =	swait.ge [sflag:s9], $0x8000  }
0x3f: {  	s17 =	sadd.s32 $0x1000, s17;
	s16 =	sadd.s32 $0x1000, s16;
	[sflag:s9] =	ssyncset.done $0x0  }
0x40: {  	s19 =	sadd.s32 s18, s8;
	[sflag:s9] =	ssyncadd.s32 $0xFFFF8000  }
0x41: {  	[tilespmem:s2], [sflag:$0x3] =	stream.linear.gather [hbm4b:s19+s2], $0x100, $0x38;
	[tilespmem:$0x10200] =	vst v63  }
0x42: {  	_ =	swait.ge [sflag:s9], $0x100  }
0x43: {  	[sflag:s9] =	ssyncset.done $0x0  }
0x44: {  	s31 =	sadd.s32 s18, s7;
	[sflag:s9] =	ssyncadd.s32 $0xFFFFFF00  }
0x45: {  	[tilespmem:s10], [sflag:$0x3] =	stream.linear.gather [hbm4b:s31+s2], $0x100, $0x38;
	[tilespmem:$0x10200] =	vst v63  }
0x46: {  	_ =	swait.ge [sflag:s9], $0x100  }
0x47: {  	[sflag:s9] =	ssyncset.done $0x0  }
0x48: {  	[sflag:s9] =	ssyncadd.s32 $0xFFFFFF00  }
0x49: {  	[tilespmem:s11], [sflag:$0x1] =	stream.indirect.gather [hbm4b:s3+s10], $0x80, s2, s10, $0xb8;
	[tilespmem:$0x10200] =	vst v63  }
0x4a: {  	_ = 	snop  }
0x4b: {  	[tilespmem:s12], [sflag:$0x2] =	stream.indirect.gather [hbm4b:s3+s10], $0x80, s10, s10, $0xb8;
	[tilespmem:$0x10200] =	vst v63  }
0x4c: {  	_ =	swait.ge [sflag:s13], $0x8000  }
0x4d: {  	[sflag:s13] =	ssyncset.done $0x0  }
0x4e: {  	[sflag:s13] =	ssyncadd.s32 $0xFFFF8000  }
0x4f: {  	_ =	swait.ge [sflag:s14], $0x8000  }
0x50: {  	[sflag:s14] =	ssyncset.done $0x0  }
0x51: {  	[sflag:s14] =	ssyncadd.s32 $0xFFFF8000  }
0x52: {  	[hbm4b:s17+s2] =	stream.linear.scatter [tilespmem:s11], [sflag:$0x3], $0x8000, $0x38;
	[tilespmem:$0x10200] =	vst v63  }
0x53: {  	s15 =	sadd.s32 $0x1, s15;
	_ =	swait.ge [sflag:s9], $0x8000  }
0x54: {  	p0 =	sne.s32 s15, s4;
	[sflag:s9] =	ssyncset.done $0x0  }
.Ltmp1:
0x55: {  	[sflag:s9] =	ssyncadd.s32 $0xFFFF8000;
	(pc) =	sbr.rel @p0 .LBB2_1-.Ltmp1, $4  }
0x56: {  	[hbm4b:s16+s2] =	stream.linear.scatter [tilespmem:s12], [sflag:$0x3], $0x8000, $0x38;
	[tilespmem:$0x10200] =	vst v63  }
0x57: {  	_ =	swait.ge [sflag:s9], $0x8000  }
0x58: {  	[sflag:s9] =	ssyncset.done $0x0  }
0x59: {  	[sflag:s9] =	ssyncadd.s32 $0xFFFF8000  }
0x5a: {  	_ =	sfence.sel $0x180000  }
0x5b: {  	[bflag:$0x0] =	sbarrier.arrive $0xFFFF  }
0x5c: {  	p0 =	sne.s32 s1, $0x0;
	_ =	strace $0x90000062  }
0x5d: {  	s0 =	sadd.s32 @!p0 $0x100000, s0;
	[bflag:$0x2] =	sbarrier.arrive $0xFFFF  }
0x5e: {  	[sflag:s0] =	ssyncadd.tile.s32 @!p0 $0x1;
	_ =	shalt  }
.Lfunc_end2:
_tile_overlayer_lowered:
.L_overlay_start_2:
0x5f: {  	(tag) =	ssettag $0x2  }
0x60: {  	s0 =	rddreg [dreg:$0x0];
	s2 =	stileid.u32  }
0x61: {  	s1 =	rddreg [dreg:$0x1];
	p0 =	sne.s32 s2, $0x0  }
0x62: {  	s3 =	rddreg [dreg:$0x2];
	[bflag:$0x3] =	sbarrier.arrive $0xFFFF;
	s2 =	simm.s32 @!p0 $0x1C03  }
0x63: {  	[timem:s3], [sflag:s2] =	dma.local @!p0 [hbm:s0], s1  }
0x64: {  	s0 =	simm.s32 @!p0 $0x3  }
0x65: {  	_ =	swait.ge @!p0 [sflag:s0], s1  }
0x66: {  	s1 =	ssub.s32 @!p0 $0x0, s1;
	[sflag:s0] =	ssyncset.done @!p0 $0x0  }
0x67: {  	[sflag:s0] =	ssyncadd.s32 @!p0 s1  }
0x68: {  	[bflag:$0x3] =	sbarrier.arrive $0xFFFF  }
0x69: {  	_ =	shalt  }

// kernel: kernel.27.cloned.1.call-start
scs
__scs_entry_jumppad:
0x0: {  	(pc) =	sbr.rel $0x88, $3  }
0x1: {  	(tag) =	ssettag $0x0;
	lr =	simm.s32 $0x1  }
0x2: {  	[smem:$0x3EF5] =	sst lr;
	_ =	strace $0xD0000000  }
0x3: {  	_ = 	snop  }
0x4: {  	_ = 	snop  }
0x5: {  	_ = 	snop  }
0x6: {  	_ = 	snop  }
0x7: {  	_ = 	snop  }
__scs_overlays_trampoline_lowered:
0x8: {  	[smem:$0x3F04] =	sst s0  }
0x9: {  	[smem:$0x3F05] =	sst s1  }
0xa: {  	[smem:$0x3F06] =	sst s2  }
0xb: {  	[smem:$0x3F07] =	sst s3  }
0xc: {  	[smem:$0x3F08] =	sst s4  }
0xd: {  	[smem:$0x3F09] =	sst s5  }
0xe: {  	[smem:$0x3F0A] =	sst s6  }
0xf: {  	[smem:$0x3F0B] =	sst s7  }
0x10: {  	[smem:$0x3F0C] =	sst s8  }
0x11: {  	[smem:$0x3F0D] =	sst s9;
	s0 =	simm.s32 @!p0 $0x0  }
0x12: {  	s1 =	sld [smem:$0x3EF3];
	s0 =	simm.s32 @p0 $0x1  }
0x13: {  	[smem:$0x3F0E] =	sst s0;
	s0 =	simm.s32 @!p1 $0x0  }
0x14: {  	s2 =	sld [smem:$0x3EF2];
	s0 =	simm.s32 @p1 $0x1  }
0x15: {  	[smem:$0x3F0F] =	sst s0;
	s0 =	simm.s32 @!p2 $0x0  }
0x16: {  	s3 =	sld [smem:$0x3FDB];
	s0 =	simm.s32 @p2 $0x1  }
0x17: {  	s4 =	simm.s32 $0x1BF5;
	[smem:$0x3F11] =	sst s0  }
0x18: {  	s0 =	sld [smem:$0x3EF4];
	_ =	swait.ge [sflag:s4], $0x0  }
0x19: {  	s7 =	sld [smem:$0x3EF5]  }
0x1a: {  	s8 =	sadd.s32 $0xFFFFE003, lr  }
0x1b: {  	s9 =	sadd.s32 $0xFFFFFEF7, lr;
	s5 =	simm.s32 $0xFFFFFFFF;
	p2 =	slt.u32 s8, $0xFFFFF086  }
0x1c: {  	p1 =	slt.u32 s9, $0xF7A;
	s5 =	simm.s32 @!p2 $0x0  }
0x1d: {  	s5 =	simm.s32 @p1 $0x1;
	p0 =	seq.s32 s7, s2  }
0x1e: {  	s7 =	smul.u32 @!p0 $0xF7A, s2;
	p2 =	seq.s32 @!p0 s5, $0x0  }
0x1f: {  	s9 =	smul.u32 $0xF7A, s1;
	s8 =	simm.s32 @!p0 $0x1BF5;
	p2 =	por !p2, p0  }
0x20: {  	[sflag:s8] =	ssyncset.s32 @!p0 $0xFFFFF086;
	s6 =	sadd.s32 @!p0 s3, s7;
	s7 =	simm.s32 @!p0 $0x108  }
0x21: {  	s3 =	sadd.s32 s3, s9;
	s6 =	sadd.s32 @!p0 $0x88, s6;
	s7 =	simm.s32 @p2 $0x1082  }
0x22: {  	[simem:s7], [sflag:s8] =	dma.local @!p0 [hbm:s6], $0xF7A  }
0x23: {  	s9 =	sor.u32 $0xD0000000, s2;
	s6 =	simm.s32 $0x108;
	_ =	swait.ge @!p0 [sflag:s8], $0x0  }
0x24: {  	s3 =	sadd.s32 $0x88, s3;
	s6 =	simm.s32 @!p1 $0x1082;
	[sflag:s4] =	ssyncset.s32 $0xFFFFF086  }
0x25: {  	[simem:s6], [sflag:s4] =	dma.local [hbm:s3], $0xF7A  }
0x26: {  	[smem:$0x3EF5] =	sst s1;
	(tag) =	ssettag s2;
	_ =	strace s9  }
0x27: {  	s1 =	sld [smem:$0x3F05]  }
0x28: {  	s2 =	sld [smem:$0x3F06]  }
0x29: {  	s4 =	sld [smem:$0x3F08]  }
0x2a: {  	p0 =	seq.s32 s5, $0x0;
	s5 =	sld [smem:$0x3F09]  }
0x2b: {  	s6 =	sld [smem:$0x3F0A]  }
0x2c: {  	s7 =	sld [smem:$0x3F0B]  }
0x2d: {  	s3 =	simm.s32 $0x108;
	s8 =	sld [smem:$0x3F0C]  }
0x2e: {  	s3 =	simm.s32 @!p0 $0x1082;
	s9 =	sld [smem:$0x3F0D]  }
0x2f: {  	lr =	sadd.s32 s0, s3;
	s0 =	sld [smem:$0x3F04]  }
0x30: {  	s3 =	sld [smem:$0x3F07]  }
0x31: {  	[smem:$0x3F10] =	sst s10  }
0x32: {  	s10 =	sld [smem:$0x3F0E];
	_ =	sdelay $0x3  }
0x33: {  	p0 =	seq.s32 s10, $0x1;
	s10 =	sld [smem:$0x3F10];
	_ =	sdelay $0x3  }
0x34: {  	[smem:$0x3F10] =	sst s10  }
0x35: {  	s10 =	sld [smem:$0x3F0F];
	_ =	sdelay $0x3  }
0x36: {  	p1 =	seq.s32 s10, $0x1;
	s10 =	sld [smem:$0x3F10];
	_ =	sdelay $0x3  }
0x37: {  	[smem:$0x3F10] =	sst s10  }
0x38: {  	s10 =	sld [smem:$0x3F11]  }
0x39: {  	_ = 	snop;
	(pc) =	sbr.ind lr, $3  }
0x3a: {  	_ = 	snop  }
0x3b: {  	_ = 	snop  }
0x3c: {  	p2 =	seq.s32 s10, $0x1;
	s10 =	sld [smem:$0x3F10]  }
0x3d: {  	_ =	shalt  }
0x3e: {  	_ =	shalt  }
0x3f: {  	_ =	shalt  }
0x40: {  	_ =	shalt  }
0x41: {  	_ =	shalt  }
0x42: {  	_ =	shalt  }
0x43: {  	_ =	shalt  }
0x44: {  	_ =	shalt  }
0x45: {  	_ =	shalt  }
0x46: {  	_ =	shalt  }
0x47: {  	_ =	shalt  }
0x48: {  	_ =	shalt  }
0x49: {  	_ =	shalt  }
0x4a: {  	_ =	shalt  }
0x4b: {  	_ =	shalt  }
0x4c: {  	_ =	shalt  }
0x4d: {  	_ =	shalt  }
0x4e: {  	_ =	shalt  }
0x4f: {  	_ =	shalt  }
0x50: {  	_ =	shalt  }
0x51: {  	_ =	shalt  }
0x52: {  	_ =	shalt  }
0x53: {  	_ =	shalt  }
0x54: {  	_ =	shalt  }
0x55: {  	_ =	shalt  }
0x56: {  	_ =	shalt  }
0x57: {  	_ =	shalt  }
0x58: {  	_ =	shalt  }
0x59: {  	_ =	shalt  }
0x5a: {  	_ =	shalt  }
0x5b: {  	_ =	shalt  }
0x5c: {  	_ =	shalt  }
0x5d: {  	_ =	shalt  }
0x5e: {  	_ =	shalt  }
0x5f: {  	_ =	shalt  }
0x60: {  	_ =	shalt  }
0x61: {  	_ =	shalt  }
0x62: {  	_ =	shalt  }
0x63: {  	_ =	shalt  }
0x64: {  	_ =	shalt  }
0x65: {  	_ =	shalt  }
0x66: {  	_ =	shalt  }
0x67: {  	_ =	shalt  }
0x68: {  	_ =	shalt  }
0x69: {  	_ =	shalt  }
0x6a: {  	_ =	shalt  }
0x6b: {  	_ =	shalt  }
0x6c: {  	_ =	shalt  }
0x6d: {  	_ =	shalt  }
0x6e: {  	_ =	shalt  }
0x6f: {  	_ =	shalt  }
0x70: {  	_ =	shalt  }
0x71: {  	_ =	shalt  }
0x72: {  	_ =	shalt  }
0x73: {  	_ =	shalt  }
0x74: {  	_ =	shalt  }
0x75: {  	_ =	shalt  }
0x76: {  	_ =	shalt  }
0x77: {  	_ =	shalt  }
0x78: {  	_ =	shalt  }
0x79: {  	_ =	shalt  }
0x7a: {  	_ =	shalt  }
0x7b: {  	_ =	shalt  }
0x7c: {  	_ =	shalt  }
0x7d: {  	_ =	shalt  }
0x7e: {  	_ =	shalt  }
0x7f: {  	_ =	shalt  }
0x80: {  	_ =	shalt  }
0x81: {  	_ =	shalt  }
0x82: {  	_ =	shalt  }
0x83: {  	_ =	shalt  }
0x84: {  	_ =	shalt  }
0x85: {  	_ =	shalt  }
0x86: {  	_ =	shalt  }
0x87: {  	_ =	shalt  }
.Lfunc_end0:
.L_simem_size_0:
called_computation.10_lowered:
.L_overlay_start_0:
0x88: {  	s2 =	sld [smem:$0x3FD9]  }
0x89: {  	s3 =	sld [smem:$0x3FFE];
	_ =	sdelay $0x1  }
0x8a: {  	s1 =	srdreg.scid  }
0x8b: {  	s0 =	sand.u32 $0x1, s1  }
0x8c: {  	s16 =	sshll.u32 s0, $0xA;
	s2 =	sadd.s32 s3, s2  }
0x8d: {  	s2 =	sadd.s32 s2, s16  }
0x8e: {  	[smem:$0x3F1C] =	sst s2  }
0x8f: {  	_ = 	snop  }
0x90: {  	(tm) =	ssettm $0x1  }
0x91: {  	s17 =	sld [smem:$0x3FFB];
	_ =	sdelay $0x3  }
0x92: {  	_ =	strace s17  }
0x93: {  	s2 =	sld [smem:$0x3FFC];
	_ =	sdelay $0x3  }
0x94: {  	_ =	strace s2  }
0x95: {  	s2 =	sld [smem:$0x3FFD];
	_ =	sdelay $0x3  }
0x96: {  	_ =	strace s2  }
0x97: {  	_ =	strace $0x8FFFFFFF  }
0x98: {  	s18 =	sld [smem:$0x3FDB];
	_ =	sdelay $0x1  }
0x99: {  	s19 =	simm.s32 $_scs_section_size  }
0x9a: {  	s4 =	simm.s32 $_size__tile_overlayer_lowered;
	s5 =	simm.s32 $_tile_overlayer_lowered  }
0x9b: {  	s22 =	simm.s32 $0x1BFF;
	s21 =	sshll.u32 s5, $0x1;
	s2 =	sadd.s32 s19, s18  }
0x9c: {  	s6 =	simm.s32 $0x0;
	s20 =	sshll.u32 s4, $0x1;
	s4 =	sadd.s32 s21, s2  }
0x9d: {  	[timem:s6], [sflag:s22] =	dma.local [hbm:s4], s20  }
0x9e: {  	_ =	swait.ge [sflag:s22], s20  }
0x9f: {  	s3 =	ssub.s32 $0x0, s20;
	[sflag:s22] =	ssyncset.done $0x0  }
0xa0: {  	[sflag:s22] =	ssyncadd.s32 s3;
	_ =	sdelay $0x1  }
0xa1: {  	s23 =	simm.s32 $0x1B8B  }
0xa2: {  	_ =	swait.ge [sflag:s23], $0x1  }
0xa3: {  	[sflag:s23] =	ssyncset.done $0x0  }
0xa4: {  	s25 =	simm.s32 $0x1B8E;
	s24 =	sld [smem:$0x3FFE];
	[sflag:s23] =	ssyncadd.s32 $0xFFFFFFFF  }
0xa5: {  	s26 =	simm.s32 $execute0_lowered;
	[smem:$0x3FD2] =	sst s25  }
0xa6: {  	s4 =	sshll.u32 s26, $0x1;
	_ =	strace $0x80000064;
	[dreg:$0x1] =	wrdreg $0xFFFFFFFF  }
0xa7: {  	s28 =	simm.s32 $_size_execute0_lowered;
	s2 =	sadd.s32 s2, s4;
	[dreg:$0x0] =	wrdreg $0x0  }
0xa8: {  	s4 =	sshll.u32 s28, $0x1;
	[dreg:$0x2] =	wrdreg s2  }
0xa9: {  	[dreg:$0x3] =	wrdreg s4  }
0xaa: {  	[dreg:$0x4] =	wrdreg $0xC0  }
0xab: {  	_ =	task [dreg:s6], $0x5FFFF  }
0xac: {  	[dreg:$0x1] =	wrdreg $0xFFFFFFFF  }
0xad: {  	[dreg:$0x0] =	wrdreg $0x60  }
0xae: {  	[dreg:$0x2] =	wrdreg s24  }
0xaf: {  	[dreg:$0x3] =	wrdreg $0x81000  }
0xb0: {  	[dreg:$0x4] =	wrdreg $0x9  }
0xb1: {  	_ =	task.clear_ibuf [dreg:s6], $0x5FFFF;
	_ =	strace $0x90000064  }
0xb2: {  	s29 =	simm.s32 $0x9;
	_ =	strace $0x80000066  }
0xb3: {  	_ =	swait.ge [sflag:s29], $0x1  }
0xb4: {  	[sflag:s29] =	ssyncadd.s32 $0xFFFFFFFF  }
0xb5: {  	_ =	strace $0x90000066  }
0xb6: {  	_ =	sfence  }
0xb7: {  	s30 =	sld [smem:$0x0];
	_ =	sdelay $0x2  }
0xb8: {  	s31 =	sshll.u32 s1, $0xD;
	s1 =	sshrl.u32 s1, $0x2  }
0xb9: {  	s3 =	sand.u32 $0x4000, s31;
	s1 =	sadd.s32 s1, s30  }
0xba: {  	s0 =	sor.u32 s3, s0;
	s1 =	sshll.u32 s1, $0x11  }
0xbb: {  	s0 =	sor.u32 s1, s0  }
0xbc: {  	s0 =	sadd.s32 $0x8F2B, s0  }
0xbd: {  	[sflag:s0] =	ssyncadd.remote.s32 $0x1  }
0xbe: {  	_ =	sfence.sel $0xFFFF  }
0xbf: {  	[dreg:$0x0] =	wrdreg $0xFFFFFFFF;
	(pc) =	sbr.abs _section_cstart, $3  }
0xc0: {  	[dreg:$0x1] =	wrdreg $0xFFFFFFFF  }
0xc1: {  	_ =	task.clear_ibuf [dreg:s6], $0x2FFFF;
	_ =	strace $0x9FFFFFFF  }
0xc2: {  	(tm) =	ssettm $0x7FFFFFFF  }
0xc3: {  	_ =	shalt  }
tec
execute0_lowered:
.L_overlay_start_1:
0x0: {  	(tag) =	ssettag $0x1  }
0x1: {  	s0 =	stileid.u32  }
0x2: {  	s6 =	smul.u32 $0x5000, s0  }
0x3: {  	s1 =	srdreg.scid;
	s8 =	smul.u32 $0x50000, s0  }
0x4: {  	s4 =	rddreg [dreg:$0x0];
	s25 =	smul.u32 $0x13C00, s0  }
0x5: {  	s2 =	rddreg [dreg:$0x1];
	s5 =	sand.u32 $0x1, s1;
	s12 =	smul.u32 $0x4F000, s0  }
0x6: {  	s3 =	simm.s32 $0x0;
	s1 =	rddreg [dreg:$0x2];
	s7 =	smul.u32 $0x2800, s5  }
0x7: {  	[smem:$0x7FF] =	sst s3;
	s30 =	sshll.u32 s0, $0x6;
	s9 =	smul.u32 $0x13C000, s5  }
0x8: {  	_ =	strace $0x80000065;
	s28 =	ssub.s32 $0x2, s5;
	s31 =	smul.u32 $0x28000, s5  }
0x9: {  	s5 =	sor.u32 $0x1C01, s30;
	s8 =	sadd.s32 s8, s4;
	s26 =	sshrl.u32 s25, $0x3  }
0xa: {  	s11 =	sshrl.u32 s28, $0x1;
	s29 =	sshrl.u32 s12, $0x2;
	s12 =	simm.s32 $0x100  }
0xb: {  	s6 =	sadd.s32 s7, s6;
	s7 =	sadd.s32 s25, s9;
	s9 =	ssub.s32 s28, s11  }
0xc: {  	s13 =	sadd.s32 s29, s2;
	s8 =	sadd.s32 s31, s8;
	s11 =	simm.s32 $0x1  }
0xd: {  	s6 =	sshrl.u32 s6, $0x3;
	s7 =	sshrl.u32 s7, $0x3;
	s8 =	sadd.s32 $0x1435A00, s8  }
0xe: {  	s10 =	sadd.s32 s6, s4;
	s6 =	sadd.s32 s26, s4;
	s7 =	sadd.s32 s7, s4  }
0xf: {  	s4 =	sadd.s32 $0x54600, s6;
	s6 =	sadd.s32 $0xA3000, s7;
	s7 =	smax.u32 s9, $0x1  }
0x10: {  	s9 =	sadd.s32 $0x22A00, s10;
	s10 =	sshrl.u32 s13, $0x3;
	s13 =	simm.s32 $0x0  }
.LBB2_1:
0x11: {  	[spmem:s10], [sflag:s5] =	dma.local [hbm:s4], $0x2780  }
0x12: {  	_ =	swait.ge [sflag:s11], $0x2780  }
0x13: {  	[sflag:s11] =	ssyncset.done $0x0  }
0x14: {  	[sflag:s11] =	ssyncadd.s32 $0xFFFFD880  }
0x15: {  	s14 =	sadd.s32 $0x0, s9;
	[bflag:$0x0] =	sbarrier.arrive $0xFFFF  }
0x16: {  	[tilespmem:s3], [sflag:$0x1] =	stream.linear.gather [hbm4b:s14+s3], $0x100, $0x38;
	[tilespmem:$0x1BD00] =	vst v63  }
0x17: {  	_ =	swait.ge [sflag:s11], $0x100  }
0x18: {  	[sflag:s11] =	ssyncset.done $0x0  }
0x19: {  	[sflag:s11] =	ssyncadd.s32 $0xFFFFFF00  }
0x1a: {  	[tilespmem:s12], [sflag:$0x1] =	stream.linear.gather [hbm4b:s8+s3], $0x8000, $0x38;
	[tilespmem:$0x1BD00] =	vst v63  }
0x1b: {  	_ =	swait.ge [sflag:s11], $0x8000  }
0x1c: {  	[sflag:s11] =	ssyncset.done $0x0  }
0x1d: {  	[sflag:s11] =	ssyncadd.s32 $0xFFFF8000  }
0x1e: {  	[spmem:s2] =	stream.indirect.scatter.add.f32 [tilespmem:s12], [sflag:$0x1], $0x80, s3, s12, $0xb8;
	[tilespmem:$0x1BD00] =	vst v63  }
0x1f: {  	s15 =	simm.s32 $0x20;
	_ =	swait.ge [sflag:s11], $0x8000  }
0x20: {  	s16 =	simm.s32 $0x40;
	s14 =	sadd.s32 $0x1000, s8;
	[sflag:s11] =	ssyncset.done $0x0  }
.LBB2_2:
0x21: {  	s17 =	sadd.s32 s15, s9  }
0x22: {  	[sflag:s11] =	ssyncadd.s32 $0xFFFF8000;
	s15 =	smov.u32 s16;
	s18 =	sadd.s32 $0x20, s16  }
0x23: {  	[tilespmem:s3], [sflag:$0x1] =	stream.linear.gather [hbm4b:s17+s3], $0x100, $0x38;
	[tilespmem:$0x1BD00] =	vst v63  }
0x24: {  	p0 =	sne.s32 s16, $0x4E0;
	_ =	swait.ge [sflag:s11], $0x100  }
0x25: {  	[sflag:s11] =	ssyncset.done $0x0  }
0x26: {  	[sflag:s11] =	ssyncadd.s32 $0xFFFFFF00  }
0x27: {  	[tilespmem:s12], [sflag:$0x1] =	stream.linear.gather [hbm4b:s14+s3], $0x8000, $0x38;
	[tilespmem:$0x1BD00] =	vst v63  }
0x28: {  	_ =	swait.ge [sflag:s11], $0x8000  }
.Ltmp0:
0x29: {  	[sflag:s11] =	ssyncset.done $0x0;
	(pc) =	sbr.rel @p0 .LBB2_2-.Ltmp0, $4  }
0x2a: {  	[sflag:s11] =	ssyncadd.s32 $0xFFFF8000  }
0x2b: {  	[spmem:s2] =	stream.indirect.scatter.add.f32 [tilespmem:s12], [sflag:$0x1], $0x80, s3, s12, $0xb8;
	[tilespmem:$0x1BD00] =	vst v63  }
0x2c: {  	_ =	swait.ge [sflag:s11], $0x8000  }
0x2d: {  	s16 =	smov.u32 s18;
	s14 =	sadd.s32 $0x1000, s14;
	[sflag:s11] =	ssyncset.done $0x0  }
0x2e: {  	s15 =	sadd.s32 s15, s9;
	[sflag:s11] =	ssyncadd.s32 $0xFFFF8000  }
0x2f: {  	[tilespmem:s3], [sflag:$0x1] =	stream.linear.gather [hbm4b:s15+s3], $0x100, $0x38;
	[tilespmem:$0x1BD00] =	vst v63  }
0x30: {  	_ =	swait.ge [sflag:s11], $0x100  }
0x31: {  	[sflag:s11] =	ssyncset.done $0x0  }
0x32: {  	[sflag:s11] =	ssyncadd.s32 $0xFFFFFF00  }
0x33: {  	[tilespmem:s12], [sflag:$0x1] =	stream.linear.gather [hbm4b:s14+s3], $0x8000, $0x38;
	[tilespmem:$0x1BD00] =	vst v63  }
0x34: {  	_ =	swait.ge [sflag:s11], $0x8000  }
0x35: {  	[sflag:s11] =	ssyncset.done $0x0  }
0x36: {  	[sflag:s11] =	ssyncadd.s32 $0xFFFF8000  }
0x37: {  	[spmem:s2] =	stream.indirect.scatter.add.f32 [tilespmem:s12], [sflag:$0x1], $0x80, s3, s12, $0xb8;
	[tilespmem:$0x1BD00] =	vst v63  }
0x38: {  	_ =	swait.ge [sflag:s11], $0x8000  }
0x39: {  	s13 =	sadd.s32 $0x1, s13;
	[sflag:s11] =	ssyncset.done $0x0  }
0x3a: {  	p0 =	sne.s32 s13, s7;
	[sflag:s11] =	ssyncadd.s32 $0xFFFF8000  }
.Ltmp1:
0x3b: {  	[bflag:$0x0] =	sbarrier.arrive $0xFFFF;
	(pc) =	sbr.rel @p0 .LBB2_1-.Ltmp1, $4  }
0x3c: {  	[hbm:s6], [sflag:s5] =	dma.local [spmem:s10], $0x2780  }
0x3d: {  	_ =	swait.ge [sflag:s11], $0x2780  }
0x3e: {  	[sflag:s11] =	ssyncset.done $0x0  }
0x3f: {  	[sflag:s11] =	ssyncadd.s32 $0xFFFFD880  }
0x40: {  	_ =	sfence.sel $0x180000  }
0x41: {  	[bflag:$0x0] =	sbarrier.arrive $0xFFFF  }
0x42: {  	p0 =	sne.s32 s0, $0x0;
	_ =	strace $0x90000065  }
0x43: {  	s0 =	sadd.s32 @!p0 $0x100000, s1;
	[bflag:$0x2] =	sbarrier.arrive $0xFFFF  }
0x44: {  	[sflag:s0] =	ssyncadd.tile.s32 @!p0 $0x1;
	_ =	shalt  }
.Lfunc_end2:
_tile_overlayer_lowered:
.L_overlay_start_2:
0x45: {  	(tag) =	ssettag $0x2  }
0x46: {  	s0 =	rddreg [dreg:$0x0];
	s2 =	stileid.u32  }
0x47: {  	s1 =	rddreg [dreg:$0x1];
	p0 =	sne.s32 s2, $0x0  }
0x48: {  	s3 =	rddreg [dreg:$0x2];
	[bflag:$0x3] =	sbarrier.arrive $0xFFFF;
	s2 =	simm.s32 @!p0 $0x1C01  }
0x49: {  	[timem:s3], [sflag:s2] =	dma.local @!p0 [hbm:s0], s1  }
0x4a: {  	s0 =	simm.s32 @!p0 $0x1  }
0x4b: {  	_ =	swait.ge @!p0 [sflag:s0], s1  }
0x4c: {  	s1 =	ssub.s32 @!p0 $0x0, s1;
	[sflag:s0] =	ssyncset.done @!p0 $0x0  }
0x4d: {  	[sflag:s0] =	ssyncadd.s32 @!p0 s1  }
0x4e: {  	[bflag:$0x3] =	sbarrier.arrive $0xFFFF  }
0x4f: {  	_ =	shalt  }

// kernel: scatter_offload_async_start.1
scs
__scs_entry_jumppad:
0x0: {  	(pc) =	sbr.rel $0x88, $3  }
0x1: {  	(tag) =	ssettag $0x0;
	lr =	simm.s32 $0x1  }
0x2: {  	[smem:$0x3EF5] =	sst lr;
	_ =	strace $0xD0000000  }
0x3: {  	_ = 	snop  }
0x4: {  	_ = 	snop  }
0x5: {  	_ = 	snop  }
0x6: {  	_ = 	snop  }
0x7: {  	_ = 	snop  }
__scs_overlays_trampoline_lowered:
0x8: {  	[smem:$0x3F04] =	sst s0  }
0x9: {  	[smem:$0x3F05] =	sst s1  }
0xa: {  	[smem:$0x3F06] =	sst s2  }
0xb: {  	[smem:$0x3F07] =	sst s3  }
0xc: {  	[smem:$0x3F08] =	sst s4  }
0xd: {  	[smem:$0x3F09] =	sst s5  }
0xe: {  	[smem:$0x3F0A] =	sst s6  }
0xf: {  	[smem:$0x3F0B] =	sst s7  }
0x10: {  	[smem:$0x3F0C] =	sst s8  }
0x11: {  	[smem:$0x3F0D] =	sst s9;
	s0 =	simm.s32 @!p0 $0x0  }
0x12: {  	s1 =	sld [smem:$0x3EF3];
	s0 =	simm.s32 @p0 $0x1  }
0x13: {  	[smem:$0x3F0E] =	sst s0;
	s0 =	simm.s32 @!p1 $0x0  }
0x14: {  	s2 =	sld [smem:$0x3EF2];
	s0 =	simm.s32 @p1 $0x1  }
0x15: {  	[smem:$0x3F0F] =	sst s0;
	s0 =	simm.s32 @!p2 $0x0  }
0x16: {  	s3 =	sld [smem:$0x3FDB];
	s0 =	simm.s32 @p2 $0x1  }
0x17: {  	s4 =	simm.s32 $0x1BF5;
	[smem:$0x3F11] =	sst s0  }
0x18: {  	s0 =	sld [smem:$0x3EF4];
	_ =	swait.ge [sflag:s4], $0x0  }
0x19: {  	s7 =	sld [smem:$0x3EF5]  }
0x1a: {  	s8 =	sadd.s32 $0xFFFFE003, lr  }
0x1b: {  	s9 =	sadd.s32 $0xFFFFFEF7, lr;
	s5 =	simm.s32 $0xFFFFFFFF;
	p2 =	slt.u32 s8, $0xFFFFF086  }
0x1c: {  	p1 =	slt.u32 s9, $0xF7A;
	s5 =	simm.s32 @!p2 $0x0  }
0x1d: {  	s5 =	simm.s32 @p1 $0x1;
	p0 =	seq.s32 s7, s2  }
0x1e: {  	s7 =	smul.u32 @!p0 $0xF7A, s2;
	p2 =	seq.s32 @!p0 s5, $0x0  }
0x1f: {  	s9 =	smul.u32 $0xF7A, s1;
	s8 =	simm.s32 @!p0 $0x1BF5;
	p2 =	por !p2, p0  }
0x20: {  	[sflag:s8] =	ssyncset.s32 @!p0 $0xFFFFF086;
	s6 =	sadd.s32 @!p0 s3, s7;
	s7 =	simm.s32 @!p0 $0x108  }
0x21: {  	s3 =	sadd.s32 s3, s9;
	s6 =	sadd.s32 @!p0 $0x88, s6;
	s7 =	simm.s32 @p2 $0x1082  }
0x22: {  	[simem:s7], [sflag:s8] =	dma.local @!p0 [hbm:s6], $0xF7A  }
0x23: {  	s9 =	sor.u32 $0xD0000000, s2;
	s6 =	simm.s32 $0x108;
	_ =	swait.ge @!p0 [sflag:s8], $0x0  }
0x24: {  	s3 =	sadd.s32 $0x88, s3;
	s6 =	simm.s32 @!p1 $0x1082;
	[sflag:s4] =	ssyncset.s32 $0xFFFFF086  }
0x25: {  	[simem:s6], [sflag:s4] =	dma.local [hbm:s3], $0xF7A  }
0x26: {  	[smem:$0x3EF5] =	sst s1;
	(tag) =	ssettag s2;
	_ =	strace s9  }
0x27: {  	s1 =	sld [smem:$0x3F05]  }
0x28: {  	s2 =	sld [smem:$0x3F06]  }
0x29: {  	s4 =	sld [smem:$0x3F08]  }
0x2a: {  	p0 =	seq.s32 s5, $0x0;
	s5 =	sld [smem:$0x3F09]  }
0x2b: {  	s6 =	sld [smem:$0x3F0A]  }
0x2c: {  	s7 =	sld [smem:$0x3F0B]  }
0x2d: {  	s3 =	simm.s32 $0x108;
	s8 =	sld [smem:$0x3F0C]  }
0x2e: {  	s3 =	simm.s32 @!p0 $0x1082;
	s9 =	sld [smem:$0x3F0D]  }
0x2f: {  	lr =	sadd.s32 s0, s3;
	s0 =	sld [smem:$0x3F04]  }
0x30: {  	s3 =	sld [smem:$0x3F07]  }
0x31: {  	[smem:$0x3F10] =	sst s10  }
0x32: {  	s10 =	sld [smem:$0x3F0E];
	_ =	sdelay $0x3  }
0x33: {  	p0 =	seq.s32 s10, $0x1;
	s10 =	sld [smem:$0x3F10];
	_ =	sdelay $0x3  }
0x34: {  	[smem:$0x3F10] =	sst s10  }
0x35: {  	s10 =	sld [smem:$0x3F0F];
	_ =	sdelay $0x3  }
0x36: {  	p1 =	seq.s32 s10, $0x1;
	s10 =	sld [smem:$0x3F10];
	_ =	sdelay $0x3  }
0x37: {  	[smem:$0x3F10] =	sst s10  }
0x38: {  	s10 =	sld [smem:$0x3F11]  }
0x39: {  	_ = 	snop;
	(pc) =	sbr.ind lr, $3  }
0x3a: {  	_ = 	snop  }
0x3b: {  	_ = 	snop  }
0x3c: {  	p2 =	seq.s32 s10, $0x1;
	s10 =	sld [smem:$0x3F10]  }
0x3d: {  	_ =	shalt  }
0x3e: {  	_ =	shalt  }
0x3f: {  	_ =	shalt  }
0x40: {  	_ =	shalt  }
0x41: {  	_ =	shalt  }
0x42: {  	_ =	shalt  }
0x43: {  	_ =	shalt  }
0x44: {  	_ =	shalt  }
0x45: {  	_ =	shalt  }
0x46: {  	_ =	shalt  }
0x47: {  	_ =	shalt  }
0x48: {  	_ =	shalt  }
0x49: {  	_ =	shalt  }
0x4a: {  	_ =	shalt  }
0x4b: {  	_ =	shalt  }
0x4c: {  	_ =	shalt  }
0x4d: {  	_ =	shalt  }
0x4e: {  	_ =	shalt  }
0x4f: {  	_ =	shalt  }
0x50: {  	_ =	shalt  }
0x51: {  	_ =	shalt  }
0x52: {  	_ =	shalt  }
0x53: {  	_ =	shalt  }
0x54: {  	_ =	shalt  }
0x55: {  	_ =	shalt  }
0x56: {  	_ =	shalt  }
0x57: {  	_ =	shalt  }
0x58: {  	_ =	shalt  }
0x59: {  	_ =	shalt  }
0x5a: {  	_ =	shalt  }
0x5b: {  	_ =	shalt  }
0x5c: {  	_ =	shalt  }
0x5d: {  	_ =	shalt  }
0x5e: {  	_ =	shalt  }
0x5f: {  	_ =	shalt  }
0x60: {  	_ =	shalt  }
0x61: {  	_ =	shalt  }
0x62: {  	_ =	shalt  }
0x63: {  	_ =	shalt  }
0x64: {  	_ =	shalt  }
0x65: {  	_ =	shalt  }
0x66: {  	_ =	shalt  }
0x67: {  	_ =	shalt  }
0x68: {  	_ =	shalt  }
0x69: {  	_ =	shalt  }
0x6a: {  	_ =	shalt  }
0x6b: {  	_ =	shalt  }
0x6c: {  	_ =	shalt  }
0x6d: {  	_ =	shalt  }
0x6e: {  	_ =	shalt  }
0x6f: {  	_ =	shalt  }
0x70: {  	_ =	shalt  }
0x71: {  	_ =	shalt  }
0x72: {  	_ =	shalt  }
0x73: {  	_ =	shalt  }
0x74: {  	_ =	shalt  }
0x75: {  	_ =	shalt  }
0x76: {  	_ =	shalt  }
0x77: {  	_ =	shalt  }
0x78: {  	_ =	shalt  }
0x79: {  	_ =	shalt  }
0x7a: {  	_ =	shalt  }
0x7b: {  	_ =	shalt  }
0x7c: {  	_ =	shalt  }
0x7d: {  	_ =	shalt  }
0x7e: {  	_ =	shalt  }
0x7f: {  	_ =	shalt  }
0x80: {  	_ =	shalt  }
0x81: {  	_ =	shalt  }
0x82: {  	_ =	shalt  }
0x83: {  	_ =	shalt  }
0x84: {  	_ =	shalt  }
0x85: {  	_ =	shalt  }
0x86: {  	_ =	shalt  }
0x87: {  	_ =	shalt  }
.Lfunc_end0:
.L_simem_size_0:
called_computation.1_lowered:
.L_overlay_start_0:
0x88: {  	s0 =	sld [smem:$0x3FD9]  }
0x89: {  	s1 =	sld [smem:$0x3FFE];
	_ =	sdelay $0x3  }
0x8a: {  	s0 =	sadd.s32 s1, s0  }
0x8b: {  	[smem:$0x3F1C] =	sst s0  }
0x8c: {  	_ = 	snop  }
0x8d: {  	s0 =	sld [smem:$0x3FD0];
	(tm) =	ssettm $0x1  }
0x8e: {  	s16 =	sld [smem:$0x3FFB];
	_ =	sdelay $0x3  }
0x8f: {  	_ =	strace s16  }
0x90: {  	s1 =	sld [smem:$0x3FFC];
	_ =	sdelay $0x3  }
0x91: {  	_ =	strace s1  }
0x92: {  	s1 =	sld [smem:$0x3FFD];
	_ =	sdelay $0x3  }
0x93: {  	_ =	strace s1  }
0x94: {  	_ =	strace $0x8FFFFFFF  }
0x95: {  	s17 =	sld [smem:$0x3FDB];
	_ =	sdelay $0x1  }
0x96: {  	s2 =	simm.s32 $_scs_section_size  }
0x97: {  	s3 =	simm.s32 $_size__tile_overlayer_lowered;
	s4 =	simm.s32 $_tile_overlayer_lowered  }
0x98: {  	s20 =	simm.s32 $0x1BFF;
	s19 =	sshll.u32 s4, $0x1;
	s1 =	sadd.s32 s2, s17  }
0x99: {  	s5 =	simm.s32 $0x0;
	s18 =	sshll.u32 s3, $0x1;
	s3 =	sadd.s32 s19, s1  }
0x9a: {  	[timem:s5], [sflag:s20] =	dma.local [hbm:s3], s18  }
0x9b: {  	_ =	swait.ge [sflag:s20], s18  }
0x9c: {  	s2 =	ssub.s32 $0x0, s18;
	[sflag:s20] =	ssyncset.done $0x0  }
0x9d: {  	[sflag:s20] =	ssyncadd.s32 s2;
	_ =	sdelay $0x1  }
0x9e: {  	s21 =	simm.s32 $0x1B8B  }
0x9f: {  	_ =	swait.ge [sflag:s21], $0x1  }
0xa0: {  	[sflag:s21] =	ssyncset.done $0x0  }
0xa1: {  	s23 =	simm.s32 $0x1B8E;
	s22 =	sld [smem:$0x3FFE];
	[sflag:s21] =	ssyncadd.s32 $0xFFFFFFFF  }
0xa2: {  	s24 =	simm.s32 $execute0_lowered;
	[smem:$0x3FD2] =	sst s23  }
0xa3: {  	s3 =	sshll.u32 s24, $0x1;
	_ =	strace $0x8000004C;
	[dreg:$0x1] =	wrdreg $0xFFFFFFFF  }
0xa4: {  	s25 =	simm.s32 $_size_execute0_lowered;
	s1 =	sadd.s32 s1, s3;
	[dreg:$0x0] =	wrdreg $0x0  }
0xa5: {  	s3 =	sshll.u32 s25, $0x1;
	[dreg:$0x2] =	wrdreg s1  }
0xa6: {  	[dreg:$0x3] =	wrdreg s3  }
0xa7: {  	[dreg:$0x4] =	wrdreg $0xC0  }
0xa8: {  	_ =	task [dreg:s5], $0x5FFFF  }
0xa9: {  	[dreg:$0x1] =	wrdreg $0xFFFFFFFF  }
0xaa: {  	[dreg:$0x0] =	wrdreg $0x60  }
0xab: {  	[dreg:$0x2] =	wrdreg s0  }
0xac: {  	[dreg:$0x3] =	wrdreg s22  }
0xad: {  	[dreg:$0x4] =	wrdreg $0x9  }
0xae: {  	_ =	task.clear_ibuf [dreg:s5], $0x5FFFF;
	_ =	strace $0x9000004C  }
0xaf: {  	s26 =	simm.s32 $0x9;
	_ =	strace $0x8000004E  }
0xb0: {  	_ =	swait.ge [sflag:s26], $0x1  }
0xb1: {  	[sflag:s26] =	ssyncadd.s32 $0xFFFFFFFF  }
0xb2: {  	_ =	strace $0x9000004E  }
0xb3: {  	_ =	sfence  }
0xb4: {  	s28 =	sld [smem:$0x0];
	_ =	sdelay $0x1  }
0xb5: {  	s29 =	srdreg.scid  }
0xb6: {  	s30 =	sshll.u32 s29, $0xD;
	s31 =	sshrl.u32 s29, $0x2  }
0xb7: {  	s2 =	sand.u32 $0x4000, s30;
	s1 =	sand.u32 $0x1, s29;
	s0 =	sadd.s32 s31, s28  }
0xb8: {  	s1 =	sor.u32 s2, s1;
	s0 =	sshll.u32 s0, $0x11  }
0xb9: {  	s0 =	sor.u32 s0, s1  }
0xba: {  	s0 =	sadd.s32 $0x8F2B, s0  }
0xbb: {  	[sflag:s0] =	ssyncadd.remote.s32 $0x1  }
0xbc: {  	_ =	sfence.sel $0xFFFF  }
0xbd: {  	[dreg:$0x0] =	wrdreg $0xFFFFFFFF;
	(pc) =	sbr.abs _section_cstart, $3  }
0xbe: {  	[dreg:$0x1] =	wrdreg $0xFFFFFFFF  }
0xbf: {  	_ =	task.clear_ibuf [dreg:s5], $0x2FFFF;
	_ =	strace $0x9FFFFFFF  }
0xc0: {  	(tm) =	ssettm $0x7FFFFFFF  }
0xc1: {  	_ =	shalt  }
tec
execute0_lowered:
.L_overlay_start_1:
0x0: {  	(tag) =	ssettag $0x1  }
0x1: {  	s1 =	rddreg [dreg:$0x0]  }
0x2: {  	s0 =	rddreg [dreg:$0x1];
	_ =	strace $0x8000004D;
	s15 =	stileid.u32  }
0x3: {  	s2 =	simm.s32 $0x1;
	s4 =	smin.u32 s15, $0x8;
	s3 =	sshll.u32 s15, $0x1  }
0x4: {  	v1 =	vimm.s32 $0xFFFFFFFF;
	[sflag:s2] =	ssyncpa.u1 $0x0;
	s4 =	sadd.s32 s4, s3  }
0x5: {  	s5 =	simm.s32 $0x5DC0;
	p0 =	slt.u32 s15, $0x8;
	[tilespmem:$0x10] =	vst v1;
	s4 =	smul.u32 $0x1F40, s4  }
0x6: {  	v0 =	vimm.f32 $0.0e+00;
	[tilespmem:$0x20] =	vst v1;
	s5 =	simm.s32 @!p0 $0x3E80  }
0x7: {  	[tilespmem:$0x30] =	vst v0;
	s5 =	sadd.s32 s5, s4  }
0x8: {  	[tilespmem:$0x40] =	vst v0;
	s5 =	smin.u32 s5, $0x4E200  }
0x9: {  	s7 =	simm.s32 $0x2;
	[tilespmem:$0x50] =	vst v0;
	s9 =	ssub.s32 s5, s4  }
0xa: {  	s8 =	simm.s32 $0x8;
	s31 =	simm.s32 $0x9;
	[tilespmem:$0x60] =	vst v1;
	p0 =	sgt.s32 s9, $0x0  }
0xb: {  	s16 =	simm.s32 $0x0;
	s17 =	simm.s32 $0xF0;
	[tilespmem:$0x70] =	vst v1;
	s9 =	simm.s32 @!p0 $0x0  }
0xc: {  	s18 =	simm.s32 $0xFFFFFFFF;
	s19 =	simm.s32 $0xFFFFC280;
	[tilespmem:$0x80] =	vst v1;
	s6 =	smulhi.u32 $0x10624DD3, s9  }
0xd: {  	s20 =	simm.s32 $0xFFFFFFFE;
	s21 =	simm.s32 $0xF;
	s25 =	simm.s32 $0x0;
	v1 =	vimm.s32 $0x0;
	[tilespmem:$0xB0] =	vst v0  }
0xe: {  	s24 =	simm.s32 $0x0;
	s15 =	sshllo.u32 s15, $0x1;
	[tilespmem:$0x90] =	vst v1;
	s10 =	sshrl.u32 s6, $0x9  }
0xf: {  	[tilespmem:$0xA0] =	vst v1;
	[sflag:s7] =	ssyncpa.u1 $0x0;
	s7 =	simm.s32 $0x7;
	s11 =	smul.u32 $0x1F40, s10  }
.Ltmp0:
0x10: {  	s13 =	sor.u32 $0x80, s3;
	[sflag:s7] =	ssyncpa.u1 $0x0;
	(pc) =	sbr.rel .LBB2_1-.Ltmp0, $4  }
0x11: {  	s14 =	sor.u32 $0x81, s3;
	[sflag:s8] =	ssyncpa.u1 $0x0;
	p0 =	sne.s32 s9, s11  }
0x12: {  	s23 =	smov.u32 s4;
	[sflag:s31] =	ssyncpa.u1 $0x0;
	s2 =	simm.s32 @!p0 $0x0  }
0x13: {  	vm0 =	vmmov $0xffff;
	v2 =	vlaneseq.u32;
	s6 =	sadd.s32 $0x535E00, s0;
	s9 =	sadd.s32 $0x53FC00, s0;
	s10 =	sadd.s32 s2, s10  }
0x14: {  	vm1 =	vmxor vm1, vm1;
	vm2 =	vmmov $0x1;
	vm3 =	vcmask $0x3F3C;
	p0 =	por $0x0, $0x0;
	s11 =	sadd.s32 $0x1, s10;
	s12 =	sadd.s32 $0x2, s10  }
.LBB2_9:
0x15: {  	p1 =	slt.u32 s24, $0x3  }
0x16: {  	s0 =	simm.s32 @!p1 $0x2  }
0x17: {  	_ =	swait.ge @!p1 [sflag:s0], $0x1F40  }
0x18: {  	[sflag:s0] =	ssyncset.done @!p1 $0x0  }
0x19: {  	[sflag:s0] =	ssyncadd.s32 @!p1 $0xFFFFE0C0;
	s0 =	simm.s32 @!p1 $0x9  }
0x1a: {  	_ =	swait.ge @!p1 [sflag:s0], $0x10  }
0x1b: {  	[sflag:s0] =	ssyncset.done @!p1 $0x0  }
0x1c: {  	[sflag:s0] =	ssyncadd.s32 @!p1 $0xFFFFFFF0;
	p1 =	sne.s32 s24, s12  }
.Ltmp1:
0x1d: {  	s2 =	sadd.s32 $0x1F40, s23;
	(pc) =	sbr.rel @!p1 .LBB2_10-.Ltmp1, $4  }
0x1e: {  	s22 =	smov.u32 s4;
	s31 =	sadd.s32 $0x1, s24;
	s17 =	sadd.s32 $0x1F40, s17  }
0x1f: {  	s18 =	sadd.s32 $0x1, s18;
	s25 =	smov.u32 s23;
	p2 =	slt.s32 s2, s5  }
0x20: {  	p0 =	por !p0, !p0;
	s19 =	sadd.s32 $0x1F40, s19;
	s22 =	smov.u32 @p2 s2  }
0x21: {  	s20 =	sadd.s32 $0x1, s20;
	s23 =	smov.u32 s22;
	s24 =	smov.u32 s31  }
.LBB2_1:
0x22: {  	p1 =	sge.u32 s24, s10  }
0x23: {  	s0 =	smulhi.u32 @!p1 $0xAAAAAAAB, s24;
	_ =	sdelay $0x1  }
0x24: {  	s0 =	sshrl.u32 @!p1 s0, $0x1  }
0x25: {  	s0 =	smul.u32 @!p1 $0x3, s0;
	_ =	sdelay $0x1  }
0x26: {  	s0 =	ssub.s32 @!p1 s24, s0  }
0x27: {  	s0 =	smul.u32 @!p1 $0x7D00, s0;
	_ =	sdelay $0x1  }
0x28: {  	s2 =	sshrl.u32 @!p1 s23, $0x3;
	s0 =	sshrl.u32 @!p1 s0, $0x2  }
0x29: {  	s22 =	sand.u32 @!p1 $0x7, s23;
	s2 =	sadd.s32 @!p1 s6, s2;
	s0 =	sadd.s32 @!p1 $0x100, s0  }
0x2a: {  	[tilespmem:s0], [sflag:$0x7] =	stream.linear.gather @!p1 [hbm4b:s2+s22], $0x1F40, $0x38;
	[tilespmem:$0x11A60] =	vst v63  }
0x2b: {  	s0 =	sadd.s32 $0xFFFFFFFF, s24  }
0x2c: {  	p1 =	sge.u32 s0, s10  }
.Ltmp2:
0x2d: {  	_ = 	snop;
	(pc) =	sbr.rel @p1 .LBB2_5-.Ltmp2, $1  }
0x2e: {  	_ =	sdelay $0x3  }
0x2f: {  	s2 =	smulhi.u32 $0xAAAAAAAB, s0;
	_ =	sdelay $0x1  }
0x30: {  	s2 =	sshrl.u32 s2, $0x1  }
0x31: {  	s2 =	smul.u32 $0x3, s2;
	_ =	sdelay $0x1  }
0x32: {  	s2 =	ssub.s32 s0, s2  }
0x33: {  	s2 =	smul.u32 $0x7D00, s2  }
0x34: {  	_ =	swait.ge [sflag:s7], $0x1F40  }
0x35: {  	[sflag:s7] =	ssyncset.done $0x0;
	s2 =	sshrl.u32 s2, $0x2  }
0x36: {  	[sflag:s7] =	ssyncadd.s32 $0xFFFFE0C0;
	(ifvalue) =	ssetifvalue $0xFFFFFFFF;
	v3 =	vld.msk [tilespmem:s2+$0x100 ss:$0x1], $0xffff;
	_ =	sdelay $0x2  }
0x37: {  	s30 =	smulhi.u32 $0xAAAAAAAB, s18;
	p1 =	sne.s32 s24, $0x1  }
0x38: {  	v4 =	vimm.s32 @!p1 $0x0  }
0x39: {  	s2 =	sshrl.u32 s30, $0x1;
	v4 =	vperm.xlane @!p1 v3, v4  }
0x3a: {  	s22 =	sshll.u32 s24, $0x4;
	s2 =	smul.u32 $0xFFFE8900, s2;
	vm4 =	vlt.u32 v3, $0xEC00  }
0x3b: {  	s22 =	sand.u32 $0x10, s22;
	v3 =	vnsel vm4, $0xFFFFFFFE, v3;
	vm4 =	vlt.u32 @!p1 v4, $0xEC00  }
0x3c: {  	s2 =	sshra.s32 s2, $0x2;
	[tilespmem:s22+$0x60] =	vst v3;
	v3 =	vnsel @!p1 vm4, $0xFFFFFFFE, v4  }
0x3d: {  	s28 =	sadd.s32 s2, s17;
	[tilespmem:$0x80] =	vst @!p1 v3  }
0x3e: {  	v3 =	vld.msk [tilespmem:s28+$0x0 ss:$0x1], $0xffff;
	_ =	sdelay $0x4  }
0x3f: {  	(xrf1) =	vunique.msk.u32 $0xffff, v3;
	_ =	sdelay $0xd  }
0x40: {  	v4 =	vimm.s32 $0xFFFFFFFF;
	v5, _, _ =	vpop (xrf1)  }
0x41: {  	vm5 =	vne.s32 v3, v4;
	vm4 =	veq.s32 v5, v2  }
0x42: {  	vm6 =	vlt.u32 v3, $0xEC00;
	vm4 =	vmand vm5, vm4  }
0x43: {  	vm4 =	vmand vm6, vm4  }
0x44: {  	v4 =	vnsel vm4, $0xFFFFFFFF, v3  }
0x45: {  	s31 =	sand.u32 $0x1, s0  }
0x46: {  	s0 =	simm.s32 $0x1F40;
	p1 =	seq.s32 s31, $0x1  }
0x47: {  	s0 =	simm.s32 @!p1 $0x0  }
0x48: {  	s26 =	sadd.s32 $0x7DF0, s0;
	(ifvalue) =	ssetifvalue $0xFFFFFFFF  }
0x49: {  	v3 =	vperm.xlane v3, v1;
	[tilespmem:s26], [sflag:$0x8] =	stream.indirect_vreg.gather [hbm4b:s1+s16], $0x1, v4, vm0, $0x4038;
	v4 =	vnsel vm6, $0xFFFFFFFE, v4;
	[tilespmem:$0x11A60] =	vst v63  }
0x4a: {  	s2 =	simm.s32 $0x0;
	s22 =	sadd.s32 $0xFFFFFFF0, s28;
	[tilespmem:s28+$0x0] =	vst v4  }
.LBB2_3:
0x4b: {  	v4 =	vld.msk [tilespmem:s22+$0x0 ss:$0x1], $0xffff;
	s2 =	sadd.s32 $0x10, s2;
	v5 =	vmov v3;
	s28 =	smov.u32 s22  }
0x4c: {  	p1 =	slt.u32 s2, $0x1F30;
	_ =	sdelay $0x4  }
0x4d: {  	v3 =	vperm.xlane v4, v1;
	(xrf1) =	vunique.msk.u32 $0xffff, v4;
	_ =	sdelay $0xd  }
0x4e: {  	v6, _, _ =	vpop (xrf1)  }
0x4f: {  	vm5 =	vne.s32 v4, v5;
	vm4 =	veq.s32 v6, v2  }
0x50: {  	vm6 =	vlt.u32 v4, $0xEC00;
	vm4 =	vmand vm5, vm4  }
0x51: {  	vm4 =	vmand vm6, vm4  }
0x52: {  	v4 =	vnsel vm4, $0xFFFFFFFF, v4  }
.Ltmp3:
0x53: {  	v5 =	vnsel vm6, $0xFFFFFFFE, v4;
	(pc) =	sbr.rel @p1 .LBB2_3-.Ltmp3, $3  }
0x54: {  	_ =	sdelay $0x1  }
0x55: {  	s22 =	sadd.s32 $0xFFFFFFF0, s22;
	s26 =	sadd.s32 $0xFFFFFFF0, s26;
	(ifvalue) =	ssetifvalue $0xFFFFFFFF  }
0x56: {  	[tilespmem:s26], [sflag:$0x8] =	stream.indirect_vreg.gather [hbm4b:s1+s16], $0x1, v4, vm0, $0x4038;
	[tilespmem:s28+$0x0] =	vst v5  }
0x57: {  	s2 =	sshrl.u32 s25, $0x3  }
0x58: {  	s0 =	sadd.s32 $0x9D40, s0;
	s2 =	sadd.s32 s9, s2  }
0x59: {  	[tilespmem:s0], [sflag:$0x8] =	stream.linear.gather [hbm:s2], $0x1F40, $0x38;
	[tilespmem:$0x11A60] =	vst v63  }
.LBB2_5:
0x5a: {  	p1 =	slt.u32 s24, $0x2  }
0x5b: {  	p2 =	sge.u32 @!p1 s24, s12  }
0x5c: {  	p1 =	por p1, p2  }
.Ltmp4:
0x5d: {  	_ = 	snop;
	(pc) =	sbr.rel @p1 .LBB2_9-.Ltmp4, $1  }
0x5e: {  	_ =	sdelay $0x3  }
0x5f: {  	s0 =	sadd.s32 $0xFFFFFFFE, s24  }
0x60: {  	s2 =	smulhi.u32 $0xAAAAAAAB, s0;
	_ =	sdelay $0x1  }
0x61: {  	s2 =	sshrl.u32 s2, $0x1  }
0x62: {  	s2 =	smul.u32 $0x3, s2;
	_ =	sdelay $0x1  }
0x63: {  	s0 =	ssub.s32 s0, s2  }
0x64: {  	_ =	swait.ge [sflag:s8], $0x3E80;
	s0 =	smul.u32 $0x1F40, s0  }
0x65: {  	p1 =	sne.s32 s24, s11;
	[sflag:s8] =	ssyncset.done $0x0  }
0x66: {  	[sflag:s8] =	ssyncadd.s32 $0xFFFFC180;
	s2 =	sadd.s32 @!p1 $0x203F, s0  }
0x67: {  	[spmem:s14] =	stream.linear.scatter @!p1 [tilespmem:s2], [sflag:$0x1], $0x1, $0x38;
	[tilespmem:$0x11A60] =	vst v63  }
0x68: {  	s2 =	simm.s32 @!p1 $0x1  }
0x69: {  	_ =	swait.ge @!p1 [sflag:s2], $0x1  }
0x6a: {  	s22 =	sshll.u32 s24, $0x4;
	[sflag:s2] =	ssyncset.done @!p1 $0x0  }
0x6b: {  	s25 =	sand.u32 $0x10, s22;
	[sflag:s2] =	ssyncadd.s32 @!p1 $0xFFFFFFFF  }
0x6c: {  	s2 =	sxor.u32 $0x10, s25;
	v4 =	vld [tilespmem:s25+$0x10]  }
0x6d: {  	v5 =	vld [tilespmem:s2+$0x60]  }
0x6e: {  	v3 =	vld [tilespmem:$0x80];
	_ =	sdelay $0x2  }
0x6f: {  	(v2sf) =	vpush v4, $0x0  }
0x70: {  	(v2sf) =	vpush v5, $0x0  }
0x71: {  	(v2sf) =	vpush v3, $0x0;
	_ =	sdelay $0xc  }
0x72: {  	s22 =	spop (v2sf)  }
0x73: {  	s26 =	spop (v2sf)  }
0x74: {  	s28 =	spop (v2sf)  }
0x75: {  	p2 =	seq.s32 s22, s26;
	p3 =	seq.s32 s28, s22  }
0x76: {  	p3 =	por p2, p3  }
0x77: {  	s26 =	sand.u32 $0x1, s24;
	v4 =	vpsel p3, $0xFFFFFFFF, v4  }
0x78: {  	s29 =	smul.u32 $0x1F40, s26;
	[tilespmem:s25+$0x10] =	vst.msk $0x1, v4  }
0x79: {  	v4 =	vld [tilespmem:$0x30]  }
0x7a: {  	v5 =	vld [tilespmem:s29+$0x9D40]  }
0x7b: {  	v6 =	vld [tilespmem:s25+$0x40];
	_ =	sdelay $0x3  }
0x7c: {  	vm4 =	vmmov vm1;
	v5 =	vadd.f32 v5, v4  }
0x7d: {  	vm5 =	vmmov vm2;
	vm4 =	vmmov @p2 vm2;
	s22 =	sshll.u32 s26, $0x4;
	v4 =	vadd.f32 v6, v4  }
0x7e: {  	s26 =	sor.u32 $0x11A40, s22;
	vm5 =	vmmov @p3 vm1;
	[tilespmem:s29+$0x9D40] =	vst.msk vm4, v5  }
0x7f: {  	[tilespmem:s26+$0x0] =	vst.msk vm5, v4  }
0x80: {  	v4 =	vld [tilespmem:s29+$0x7DF0];
	_ =	sdelay $0x3  }
0x81: {  	v5 =	vimm.f32 $0.0e+00  }
0x82: {  	v4 =	vshift.insert v4, v5, s21  }
0x83: {  	s22 =	sor.u32 $0x40, s2  }
0x84: {  	[tilespmem:s22+$0x0] =	vst.msk $0x1, v4  }
0x85: {  	[tilespmem:s29+$0x7DFF] =	vst.msk $0x1, v5  }
0x86: {  	v4 =	vld [tilespmem:s0+$0x2030];
	_ =	sdelay $0x1  }
0x87: {  	s22 =	smulhi.u32 $0xAAAAAAAB, s20;
	s0 =	simm.s32 $0x1  }
0x88: {  	s0 =	simm.s32 @!p0 $0x0  }
0x89: {  	s22 =	sshrl.u32 s22, $0x1;
	s0 =	smul.u32 $0x7D00, s0  }
0x8a: {  	s22 =	smul.u32 $0xFFFE8900, s22;
	v4 =	vshift.insert v4, v1, s21  }
0x8b: {  	s0 =	sshrl.u32 s0, $0x2  }
0x8c: {  	s22 =	sshra.s32 s22, $0x2;
	s30 =	sadd.s32 $0x9D40, s0;
	[tilespmem:s2+$0x10] =	vst.msk $0x1, v4  }
0x8d: {  	s22 =	sadd.s32 s22, s19;
	v6 =	vld [tilespmem:s30+$0x0]  }
0x8e: {  	v7 =	vld [tilespmem:s22+$0x0];
	_ =	sdelay $0x3  }
0x8f: {  	v5 =	vadd.f32 v6, v5  }
0x90: {  	vm4 =	vne.s32 v7, $0xFFFFFFFF  }
0x91: {  	(xrf2) =	vadd.seg.scan.f32 vm4, v5;
	_ =	sdelay $0x3  }
0x92: {  	s31 =	sadd.s32 $0x5EC0, s0;
	v5 =	vperm.xlane v4, v1  }
0x93: {  	v6 =	vld [tilespmem:s31+$0x0]  }
0x94: {  	vm5 =	veq.s32 v7, v3;
	vm6 =	veq.s32 v7, v5  }
0x95: {  	vm7 =	vgt.u32 v7, $0xFFFFFFFD;
	vm6 =	vmor vm6, vm5  }
0x96: {  	vm6 =	vmor vm6, vm7  }
0x97: {  	v9 =	vld [tilespmem:$0xA0];
	v7 =	vsel vm6, $0xFFFFFFFF, v7  }
0x98: {  	v10 =	vld [tilespmem:$0x90];
	v6 =	vsel vm5, $0x0, v6;
	v8, _, _ =	vpop (xrf2)  }
0x99: {  	v6 =	vadd.f32 v8, v6  }
0x9a: {  	s0 =	sadd.s32 $0xDBC0, s0  }
0x9b: {  	vm4 =	vmand vm4, vm3;
	[tilespmem:s0+$0x0] =	vst v6;
	(ifvalue) =	ssetifvalue $0xFFFFFFFF  }
0x9c: {  	vm6 =	veq.s32 v9, $0x1;
	[hbm4b:s1+s16] =	stream.indirect_vreg.scatter [tilespmem:s0], [sflag:$0x2], $0x1, v7, vm0, $0x4038;
	v7 =	vsel vm4, $0x0, v8;
	[tilespmem:$0x11A60] =	vst v63  }
0x9d: {  	s2 =	simm.s32 $0x0;
	s22 =	sadd.s32 $0x10, s22;
	vm4 =	vmor vm6, vm5;
	v6 =	vsel vm5, v8, v10;
	v7 =	vshift.insert v7, v0, s21  }
.LBB2_7:
0x9e: {  	v8 =	vld [tilespmem:s22+$0x0];
	s30 =	sadd.s32 $0x10, s30  }
0x9f: {  	s31 =	sadd.s32 $0x10, s31;
	v9 =	vld [tilespmem:s30+$0x0]  }
0xa0: {  	s2 =	sadd.s32 $0x10, s2;
	v10 =	vld [tilespmem:s31+$0x0]  }
0xa1: {  	p2 =	slt.u32 s2, $0x1F30;
	_ =	sdelay $0x2  }
0xa2: {  	v7 =	vadd.f32 v9, v7  }
0xa3: {  	vm5 =	vne.s32 v8, $0xFFFFFFFF  }
0xa4: {  	vm6 =	vmand vm5, vm3;
	(xrf2) =	vadd.seg.scan.f32 vm5, v7;
	_ =	sdelay $0x5  }
0xa5: {  	vm7 =	veq.s32 v8, v5;
	vm5 =	veq.s32 v8, v3  }
0xa6: {  	vm8 =	vgt.u32 v8, $0xFFFFFFFD;
	vm4 =	vmor vm4, vm5;
	vm7 =	vmor vm7, vm5  }
0xa7: {  	vm7 =	vmor vm7, vm8  }
0xa8: {  	v8 =	vsel vm7, $0xFFFFFFFF, v8  }
.Ltmp5:
0xa9: {  	v7 =	vsel vm5, $0x0, v10;
	v9, _, _ =	vpop (xrf2);
	(pc) =	sbr.rel @p2 .LBB2_7-.Ltmp5, $4  }
0xaa: {  	v6 =	vsel vm5, v9, v6;
	v10 =	vadd.f32 v9, v7;
	v7 =	vsel vm6, $0x0, v9  }
0xab: {  	s0 =	sadd.s32 $0x10, s0;
	v7 =	vshift.insert v7, v0, s21  }
0xac: {  	s22 =	sadd.s32 $0x10, s22;
	[tilespmem:s0+$0x0] =	vst v10;
	(ifvalue) =	ssetifvalue $0xFFFFFFFF  }
0xad: {  	[hbm4b:s1+s16] =	stream.indirect_vreg.scatter [tilespmem:s0], [sflag:$0x2], $0x1, v8, vm0, $0x4038;
	[tilespmem:$0x11A60] =	vst v63  }
0xae: {  	v3 =	vld [tilespmem:s29+$0xFAF0];
	_ =	sdelay $0x4  }
0xaf: {  	v3 =	vshift.insert v3, v0, s21  }
0xb0: {  	s0 =	simm.s32 $0x30  }
0xb1: {  	[tilespmem:s0+$0x0] =	vst.msk $0x1, v3  }
0xb2: {  	v3 =	vsel vm4, $0x1, v1;
	[tilespmem:$0x90] =	vst v6  }
0xb3: {  	s0 =	sadd.s32 @!p1 $0xFAFF, s29;
	[tilespmem:$0xA0] =	vst v3  }
0xb4: {  	[spmem:s15] =	stream.linear.scatter @!p1 [tilespmem:s0], [sflag:$0x1], $0x1, $0x38;
	[tilespmem:$0x11A60] =	vst v63  }
0xb5: {  	s0 =	simm.s32 @!p1 $0x1  }
0xb6: {  	v3 =	vmctz.xlane @!p1 vm4;
	_ =	swait.ge @!p1 [sflag:s0], $0x1  }
0xb7: {  	(v2sf) =	vpush @!p1 v4, $0x0  }
0xb8: {  	(v2sf) =	vpush @!p1 v3, $0x0;
	_ =	sdelay $0xd  }
0xb9: {  	s2 =	spop @!p1 (v2sf)  }
0xba: {  	s22 =	spop @!p1 (v2sf)  }
0xbb: {  	p2 =	sne.s32 @!p1 s28, s2;
	p3 =	slt.s32 @!p1 s22, $0xF  }
0xbc: {  	[sflag:s0] =	ssyncset.done @!p1 $0x0;
	p2 =	por p2, p1;
	p3 =	por !p3, p1  }
0xbd: {  	[sflag:s0] =	ssyncadd.s32 @!p1 $0xFFFFFFFF;
	v3 =	vimm.s32 @!p2 $0xFFFFFFFF;
	s22 =	simm.s32 @p3 $0xF  }
0xbe: {  	[tilespmem:$0x80] =	vst @!p2 v3;
	s2 =	sadd.s32 @!p1 $0x90, s22  }
0xbf: {  	[spmem:s3] =	stream.linear.scatter @!p1 [tilespmem:s2], [sflag:$0x1], $0x1, $0x38;
	[tilespmem:$0x11A60] =	vst v63  }
0xc0: {  	_ =	swait.ge @!p1 [sflag:s0], $0x1  }
0xc1: {  	[sflag:s0] =	ssyncset.done @!p1 $0x0  }
0xc2: {  	s2 =	simm.s32 @!p1 $0x80;
	[sflag:s0] =	ssyncadd.s32 @!p1 $0xFFFFFFFF  }
0xc3: {  	[spmem:s13] =	stream.linear.scatter @!p1 [tilespmem:s2], [sflag:$0x1], $0x1, $0x38;
	[tilespmem:$0x11A60] =	vst v63  }
0xc4: {  	_ =	swait.ge @!p1 [sflag:s0], $0x1  }
0xc5: {  	[sflag:s0] =	ssyncset.done @!p1 $0x0  }
0xc6: {  	[sflag:s0] =	ssyncadd.s32 @!p1 $0xFFFFFFFF;
	(ifvalue) =	ssetifvalue $0xFFFFFFFF;
	v3 =	vld [tilespmem:s25+$0x10];
	_ =	sdelay $0x3  }
.Ltmp6:
0xc7: {  	_ = 	snop;
	(pc) =	sbr.rel .LBB2_9-.Ltmp6, $3  }
0xc8: {  	_ =	sdelay $0x1  }
0xc9: {  	(ifvalue) =	ssetifvalue $0xFFFFFFFF  }
0xca: {  	[hbm4b:s1+s16] =	stream.indirect_vreg.scatter [tilespmem:s26], [sflag:$0x9], $0x1, v3, vm0, $0x4038;
	[tilespmem:$0x11A60] =	vst v63  }
.LBB2_10:
0xcb: {  	_ =	sfence.sel $0x180000  }
0xcc: {  	s0 =	simm.s32 $0x7;
	[bflag:$0x0] =	sbarrier.arrive $0xFFFF  }
0xcd: {  	s26 =	simm.s32 $0x8;
	[sflag:s0] =	ssyncpa.u1 $0x1  }
0xce: {  	s28 =	simm.s32 $0x9;
	[sflag:s26] =	ssyncpa.u1 $0x1  }
0xcf: {  	[sflag:s28] =	ssyncpa.u1 $0x1  }
0xd0: {  	_ =	sfence.stream.spmem  }
0xd1: {  	s29 =	simm.s32 $0x3;
	[bflag:$0x0] =	sbarrier.arrive $0xFFFF  }
0xd2: {  	s30 =	simm.s32 $0x4;
	[sflag:s29] =	ssyncpa.u1 $0x1  }
0xd3: {  	s31 =	simm.s32 $0x3C;
	s2 =	stileid.u32;
	[sflag:s30] =	ssyncpa.u1 $0x1  }
0xd4: {  	p0 =	sne.s32 s2, $0x0;
	[sflag:s31] =	ssyncpa.u1 $0x1  }
0xd5: {  	s0 =	simm.s32 @p0 $0x1;
	_ =	sfence @p0  }
0xd6: {  	[sflag:s0] =	ssyncpa.u1 @p0 $0x1;
	s0 =	simm.s32 @p0 $0x2  }
0xd7: {  	[sflag:s0] =	ssyncpa.u1 @p0 $0x1  }
0xd8: {  	_ =	strace @p0 $0x9000004D  }
0xd9: {  	[bflag:$0x2] =	sbarrier.arrive @p0 $0xFFFF  }
0xda: {  	_ =	shalt @p0  }
.LBB2_11:
0xdb: {  	_ =	sfence.stream.spmem;
	s0 =	simm.s32 $0x5  }
0xdc: {  	s2 =	simm.s32 $0x80;
	s3 =	simm.s32 $0xC0;
	[sflag:s0] =	ssyncpa.u1 $0x0  }
0xdd: {  	[tilespmem:s3], [sflag:$0x5] =	stream.linear.gather [spmem:s2], $0x20, $0x38;
	[tilespmem:$0x11A60] =	vst v63  }
0xde: {  	s2 =	simm.s32 $0x0;
	s3 =	simm.s32 $0xE0  }
0xdf: {  	[tilespmem:s3], [sflag:$0x5] =	stream.linear.gather [spmem:s2], $0x20, $0x38;
	[tilespmem:$0x11A60] =	vst v63  }
.Ltmp7:
0xe0: {  	_ = 	snop;
	(pc) =	sbr.rel .LBB2_12-.Ltmp7, $4  }
0xe1: {  	_ =	swait.ge [sflag:s0], $0x40  }
0xe2: {  	[sflag:s0] =	ssyncset.done $0x0  }
0xe3: {  	s31 =	simm.s32 $0x6;
	[sflag:s0] =	ssyncadd.s32 $0xFFFFFFC0  }
0xe4: {  	s4 =	simm.s32 $0x0;
	[sflag:s31] =	ssyncpa.u1 $0x0  }
.LBB2_17:
0xe5: {  	p0 =	sgt.u32 s5, $0xEBFF  }
0xe6: {  	s0 =	sshrl.u32 @!p0 s5, $0x3  }
0xe7: {  	s5 =	sand.u32 @!p0 $0x7, s5;
	s6 =	simm.s32 @!p0 $0xB0;
	s0 =	sadd.s32 @!p0 s1, s0  }
0xe8: {  	[tilespmem:s6], [sflag:$0x6] =	stream.linear.gather @!p0 [hbm4b:s0+s5], $0x1, $0x38;
	[tilespmem:$0x11A60] =	vst v63  }
0xe9: {  	s0 =	simm.s32 @!p0 $0x6  }
0xea: {  	_ =	swait.ge @!p0 [sflag:s0], $0x1  }
0xeb: {  	[sflag:s0] =	ssyncset.done @!p0 $0x0  }
0xec: {  	[sflag:s0] =	ssyncadd.s32 @!p0 $0xFFFFFFFF  }
0xed: {  	v2 =	vmov @!p0 s4;
	v1 =	vld.msk @!p0 [tilespmem:$0xB0], $0x1;
	_ =	sdelay $0x3  }
0xee: {  	s0 =	simm.s32 @!p0 $0xE0  }
0xef: {  	[tilespmem:v2+s0+$0x0], v1 =	vst.idx.ret.add.f32.msk @!p0 $0x1, v1  }
0xf0: {  	[tilespmem:s2+$0xC0] =	vst.msk $0x1, v0  }
0xf1: {  	v0 =	vld.msk [tilespmem:s4+$0xE0], $0x1;
	_ =	sdelay $0x4  }
0xf2: {  	[tilespmem:s2+$0xE0] =	vst.msk $0x1, v0;
	s2 =	sadd.s32 $0x1, s2  }
.LBB2_19:
0xf3: {  	s4 =	sadd.s32 $0x1, s4  }
0xf4: {  	p0 =	sne.s32 s4, $0x20  }
.Ltmp8:
0xf5: {  	_ = 	snop;
	(pc) =	sbr.rel @!p0 .LBB2_20-.Ltmp8, $1  }
0xf6: {  	_ =	sdelay $0x3  }
.LBB2_12:
0xf7: {  	v0 =	vld.msk [tilespmem:s4+$0xC0], $0x1;
	_ =	sdelay $0x4  }
0xf8: {  	(v2sf) =	vpush v0, $0x0;
	_ =	sdelay $0xe  }
0xf9: {  	s5 =	spop (v2sf)  }
0xfa: {  	p0 =	seq.s32 s5, $0xFFFFFFFF  }
.Ltmp9:
0xfb: {  	_ = 	snop;
	(pc) =	sbr.rel @p0 .LBB2_19-.Ltmp9, $1  }
0xfc: {  	_ =	sdelay $0x3  }
0xfd: {  	p0 =	slt.s32 s2, $0x1  }
.Ltmp10:
0xfe: {  	_ = 	snop;
	(pc) =	sbr.rel @p0 .LBB2_17-.Ltmp10, $1  }
0xff: {  	_ =	sdelay $0x3  }
0x100: {  	s0 =	simm.s32 $0xC0;
	p0 =	por $0x0, $0x0  }
0x101: {  	v1 =	vld.msk @!p0 [tilespmem:s0+$0x0], $0x1;
	_ =	sdelay $0x4  }
0x102: {  	(v2sf) =	vpush @!p0 v1, $0x0;
	_ =	sdelay $0xd  }
0x103: {  	p2 =	sne.s32 s2, $0x1  }
.Ltmp11:
0x104: {  	s6 =	spop @!p0 (v2sf);
	(pc) =	sbr.rel @!p2 .LBB2_16-.Ltmp11, $4  }
0x105: {  	p1 =	seq.s32 @!p0 s5, s6  }
0x106: {  	s6 =	simm.s32 $0x0;
	p1 =	por !p1, p0  }
0x107: {  	s8 =	simm.s32 $0xFFFFFFFF;
	s6 =	simm.s32 @p1 $0xFFFFFFFF  }
0x108: {  	s7 =	simm.s32 $0x1;
	s6 =	smov.u32 @p0 s8  }
.LBB2_15:
0x109: {  	s8 =	smov.u32 s6;
	p0 =	sne.s32 s6, $0xFFFFFFFF  }
0x10a: {  	s0 =	sadd.s32 $0x1, s0;
	s6 =	smov.u32 s7;
	s7 =	sadd.s32 $0x1, s7  }
0x10b: {  	p1 =	sne.s32 s2, s7;
	v1 =	vld.msk @!p0 [tilespmem:s0+$0x0], $0x1;
	_ =	sdelay $0x4  }
0x10c: {  	(v2sf) =	vpush @!p0 v1, $0x0;
	_ =	sdelay $0xe  }
.Ltmp12:
0x10d: {  	s9 =	spop @!p0 (v2sf);
	(pc) =	sbr.rel @p1 .LBB2_15-.Ltmp12, $4  }
0x10e: {  	p2 =	seq.s32 @!p0 s5, s9  }
0x10f: {  	p2 =	por !p2, p0  }
0x110: {  	s6 =	simm.s32 @p2 $0xFFFFFFFF  }
0x111: {  	s6 =	smov.u32 @p0 s8  }
.LBB2_16:
0x112: {  	p0 =	sne.s32 s6, $0xFFFFFFFF  }
.Ltmp13:
0x113: {  	_ = 	snop;
	(pc) =	sbr.rel @!p0 .LBB2_17-.Ltmp13, $1  }
0x114: {  	_ =	sdelay $0x3  }
0x115: {  	v0 =	vld.msk [tilespmem:s4+$0xE0], $0x1;
	v1 =	vmov s6  }
.Ltmp14:
0x116: {  	_ = 	snop;
	(pc) =	sbr.rel .LBB2_19-.Ltmp14, $2  }
0x117: {  	_ =	sdelay $0x2  }
0x118: {  	[tilespmem:v1+s3+$0x0], v0 =	vst.idx.ret.add.f32.msk $0x1, v0  }
.LBB2_20:
0x119: {  	p0 =	slt.s32 s2, $0x1  }
.Ltmp15:
0x11a: {  	_ = 	snop;
	(pc) =	sbr.rel @p0 .LBB2_24-.Ltmp15, $3  }
0x11b: {  	_ =	sdelay $0x1  }
0x11c: {  	s0 =	simm.s32 $0x6  }
0x11d: {  	s3 =	simm.s32 $0x0;
	[sflag:s0] =	ssyncpa.u1 $0x1  }
0x11e: {  	s0 =	simm.s32 $0xC0  }
0x11f: {  	v0 =	vld.msk [tilespmem:s0+$0x0], $0x1;
	_ =	sdelay $0x4  }
0x120: {  	(v2sf) =	vpush v0, $0x0;
	_ =	sdelay $0xe  }
0x121: {  	s2 =	sadd.s32 $0xFFFFFFFF, s2;
	s4 =	spop (v2sf)  }
0x122: {  	p1 =	sne.s32 s2, $0x0;
	p0 =	sgt.u32 s4, $0xEBFF  }
.Ltmp16:
0x123: {  	s5 =	sshrl.u32 @!p0 s4, $0x3;
	(pc) =	sbr.rel @!p1 .LBB2_23-.Ltmp16, $4  }
0x124: {  	s0 =	simm.s32 $0xE0;
	s4 =	sand.u32 @!p0 $0x7, s4;
	s5 =	sadd.s32 @!p0 s1, s5  }
0x125: {  	[hbm4b:s5+s4] =	stream.linear.scatter @!p0 [tilespmem:s0], [sflag:$0x5], $0x1, $0x38;
	[tilespmem:$0x11A60] =	vst v63  }
0x126: {  	s5 =	simm.s32 $0x0  }
0x127: {  	s4 =	simm.s32 $0xC1;
	s5 =	simm.s32 @!p0 $0x4  }
.LBB2_22:
0x128: {  	v0 =	vld.msk [tilespmem:s4+$0x0], $0x1;
	s2 =	sadd.s32 $0xFFFFFFFF, s2;
	s3 =	sadd.s32 s3, s5  }
0x129: {  	p0 =	sne.s32 s2, $0x0;
	_ =	sdelay $0x3  }
0x12a: {  	(v2sf) =	vpush v0, $0x0;
	_ =	sdelay $0xe  }
.Ltmp17:
0x12b: {  	s6 =	spop (v2sf);
	(pc) =	sbr.rel @p0 .LBB2_22-.Ltmp17, $4  }
0x12c: {  	s5 =	simm.s32 $0x0;
	p1 =	sgt.u32 s6, $0xEBFF  }
0x12d: {  	s0 =	sadd.s32 $0x1, s0;
	s5 =	simm.s32 @!p1 $0x4;
	s7 =	sshrl.u32 @!p1 s6, $0x3  }
0x12e: {  	s4 =	sadd.s32 $0x1, s4;
	s6 =	sand.u32 @!p1 $0x7, s6;
	s7 =	sadd.s32 @!p1 s1, s7  }
0x12f: {  	[hbm4b:s7+s6] =	stream.linear.scatter @!p1 [tilespmem:s0], [sflag:$0x5], $0x1, $0x38;
	[tilespmem:$0x11A60] =	vst v63  }
.LBB2_23:
0x130: {  	s0 =	sadd.s32 s3, s5  }
0x131: {  	s3 =	sshrl.u32 s0, $0x2  }
.LBB2_24:
0x132: {  	s0 =	simm.s32 $0x5  }
0x133: {  	_ =	swait.ge [sflag:s0], s3  }
0x134: {  	s1 =	ssub.s32 $0x0, s3;
	[sflag:s0] =	ssyncset.done $0x0  }
0x135: {  	[sflag:s0] =	ssyncadd.s32 s1  }
0x136: {  	[sflag:s0] =	ssyncpa.u1 $0x1  }
0x137: {  	s29 =	simm.s32 $0x1;
	_ =	sfence  }
0x138: {  	s30 =	simm.s32 $0x2;
	[sflag:s29] =	ssyncpa.u1 $0x1  }
0x139: {  	[sflag:s30] =	ssyncpa.u1 $0x1  }
0x13a: {  	_ =	strace $0x9000004D  }
0x13b: {  	[bflag:$0x2] =	sbarrier.arrive $0xFFFF  }
0x13c: {  	s31 =	rddreg [dreg:$0x2]  }
0x13d: {  	s0 =	sadd.s32 $0x100000, s31  }
0x13e: {  	[sflag:s0] =	ssyncadd.tile.s32 $0x1;
	_ =	shalt  }
.Lfunc_end2:
_tile_overlayer_lowered:
.L_overlay_start_2:
0x13f: {  	(tag) =	ssettag $0x2  }
0x140: {  	s0 =	rddreg [dreg:$0x0];
	s2 =	stileid.u32  }
0x141: {  	s1 =	rddreg [dreg:$0x1];
	p0 =	sne.s32 s2, $0x0  }
0x142: {  	s3 =	rddreg [dreg:$0x2];
	[bflag:$0x3] =	sbarrier.arrive $0xFFFF;
	s2 =	simm.s32 @!p0 $0x1C01  }
0x143: {  	[timem:s3], [sflag:s2] =	dma.local @!p0 [hbm:s0], s1  }
0x144: {  	s0 =	simm.s32 @!p0 $0x1  }
0x145: {  	_ =	swait.ge @!p0 [sflag:s0], s1  }
0x146: {  	s1 =	ssub.s32 @!p0 $0x0, s1;
	[sflag:s0] =	ssyncset.done @!p0 $0x0  }
0x147: {  	[sflag:s0] =	ssyncadd.s32 @!p0 s1  }
0x148: {  	[bflag:$0x3] =	sbarrier.arrive $0xFFFF  }
0x149: {  	_ =	shalt  }

// kernel: scatter_offload_async_start
scs
__scs_entry_jumppad:
0x0: {  	(pc) =	sbr.rel $0x88, $3  }
0x1: {  	(tag) =	ssettag $0x0;
	lr =	simm.s32 $0x1  }
0x2: {  	[smem:$0x3EF5] =	sst lr;
	_ =	strace $0xD0000000  }
0x3: {  	_ = 	snop  }
0x4: {  	_ = 	snop  }
0x5: {  	_ = 	snop  }
0x6: {  	_ = 	snop  }
0x7: {  	_ = 	snop  }
__scs_overlays_trampoline_lowered:
0x8: {  	[smem:$0x3F04] =	sst s0  }
0x9: {  	[smem:$0x3F05] =	sst s1  }
0xa: {  	[smem:$0x3F06] =	sst s2  }
0xb: {  	[smem:$0x3F07] =	sst s3  }
0xc: {  	[smem:$0x3F08] =	sst s4  }
0xd: {  	[smem:$0x3F09] =	sst s5  }
0xe: {  	[smem:$0x3F0A] =	sst s6  }
0xf: {  	[smem:$0x3F0B] =	sst s7  }
0x10: {  	[smem:$0x3F0C] =	sst s8  }
0x11: {  	[smem:$0x3F0D] =	sst s9;
	s0 =	simm.s32 @!p0 $0x0  }
0x12: {  	s1 =	sld [smem:$0x3EF3];
	s0 =	simm.s32 @p0 $0x1  }
0x13: {  	[smem:$0x3F0E] =	sst s0;
	s0 =	simm.s32 @!p1 $0x0  }
0x14: {  	s2 =	sld [smem:$0x3EF2];
	s0 =	simm.s32 @p1 $0x1  }
0x15: {  	[smem:$0x3F0F] =	sst s0;
	s0 =	simm.s32 @!p2 $0x0  }
0x16: {  	s3 =	sld [smem:$0x3FDB];
	s0 =	simm.s32 @p2 $0x1  }
0x17: {  	s4 =	simm.s32 $0x1BF5;
	[smem:$0x3F11] =	sst s0  }
0x18: {  	s0 =	sld [smem:$0x3EF4];
	_ =	swait.ge [sflag:s4], $0x0  }
0x19: {  	s7 =	sld [smem:$0x3EF5]  }
0x1a: {  	s8 =	sadd.s32 $0xFFFFE003, lr  }
0x1b: {  	s9 =	sadd.s32 $0xFFFFFEF7, lr;
	s5 =	simm.s32 $0xFFFFFFFF;
	p2 =	slt.u32 s8, $0xFFFFF086  }
0x1c: {  	p1 =	slt.u32 s9, $0xF7A;
	s5 =	simm.s32 @!p2 $0x0  }
0x1d: {  	s5 =	simm.s32 @p1 $0x1;
	p0 =	seq.s32 s7, s2  }
0x1e: {  	s7 =	smul.u32 @!p0 $0xF7A, s2;
	p2 =	seq.s32 @!p0 s5, $0x0  }
0x1f: {  	s9 =	smul.u32 $0xF7A, s1;
	s8 =	simm.s32 @!p0 $0x1BF5;
	p2 =	por !p2, p0  }
0x20: {  	[sflag:s8] =	ssyncset.s32 @!p0 $0xFFFFF086;
	s6 =	sadd.s32 @!p0 s3, s7;
	s7 =	simm.s32 @!p0 $0x108  }
0x21: {  	s3 =	sadd.s32 s3, s9;
	s6 =	sadd.s32 @!p0 $0x88, s6;
	s7 =	simm.s32 @p2 $0x1082  }
0x22: {  	[simem:s7], [sflag:s8] =	dma.local @!p0 [hbm:s6], $0xF7A  }
0x23: {  	s9 =	sor.u32 $0xD0000000, s2;
	s6 =	simm.s32 $0x108;
	_ =	swait.ge @!p0 [sflag:s8], $0x0  }
0x24: {  	s3 =	sadd.s32 $0x88, s3;
	s6 =	simm.s32 @!p1 $0x1082;
	[sflag:s4] =	ssyncset.s32 $0xFFFFF086  }
0x25: {  	[simem:s6], [sflag:s4] =	dma.local [hbm:s3], $0xF7A  }
0x26: {  	[smem:$0x3EF5] =	sst s1;
	(tag) =	ssettag s2;
	_ =	strace s9  }
0x27: {  	s1 =	sld [smem:$0x3F05]  }
0x28: {  	s2 =	sld [smem:$0x3F06]  }
0x29: {  	s4 =	sld [smem:$0x3F08]  }
0x2a: {  	p0 =	seq.s32 s5, $0x0;
	s5 =	sld [smem:$0x3F09]  }
0x2b: {  	s6 =	sld [smem:$0x3F0A]  }
0x2c: {  	s7 =	sld [smem:$0x3F0B]  }
0x2d: {  	s3 =	simm.s32 $0x108;
	s8 =	sld [smem:$0x3F0C]  }
0x2e: {  	s3 =	simm.s32 @!p0 $0x1082;
	s9 =	sld [smem:$0x3F0D]  }
0x2f: {  	lr =	sadd.s32 s0, s3;
	s0 =	sld [smem:$0x3F04]  }
0x30: {  	s3 =	sld [smem:$0x3F07]  }
0x31: {  	[smem:$0x3F10] =	sst s10  }
0x32: {  	s10 =	sld [smem:$0x3F0E];
	_ =	sdelay $0x3  }
0x33: {  	p0 =	seq.s32 s10, $0x1;
	s10 =	sld [smem:$0x3F10];
	_ =	sdelay $0x3  }
0x34: {  	[smem:$0x3F10] =	sst s10  }
0x35: {  	s10 =	sld [smem:$0x3F0F];
	_ =	sdelay $0x3  }
0x36: {  	p1 =	seq.s32 s10, $0x1;
	s10 =	sld [smem:$0x3F10];
	_ =	sdelay $0x3  }
0x37: {  	[smem:$0x3F10] =	sst s10  }
0x38: {  	s10 =	sld [smem:$0x3F11]  }
0x39: {  	_ = 	snop;
	(pc) =	sbr.ind lr, $3  }
0x3a: {  	_ = 	snop  }
0x3b: {  	_ = 	snop  }
0x3c: {  	p2 =	seq.s32 s10, $0x1;
	s10 =	sld [smem:$0x3F10]  }
0x3d: {  	_ =	shalt  }
0x3e: {  	_ =	shalt  }
0x3f: {  	_ =	shalt  }
0x40: {  	_ =	shalt  }
0x41: {  	_ =	shalt  }
0x42: {  	_ =	shalt  }
0x43: {  	_ =	shalt  }
0x44: {  	_ =	shalt  }
0x45: {  	_ =	shalt  }
0x46: {  	_ =	shalt  }
0x47: {  	_ =	shalt  }
0x48: {  	_ =	shalt  }
0x49: {  	_ =	shalt  }
0x4a: {  	_ =	shalt  }
0x4b: {  	_ =	shalt  }
0x4c: {  	_ =	shalt  }
0x4d: {  	_ =	shalt  }
0x4e: {  	_ =	shalt  }
0x4f: {  	_ =	shalt  }
0x50: {  	_ =	shalt  }
0x51: {  	_ =	shalt  }
0x52: {  	_ =	shalt  }
0x53: {  	_ =	shalt  }
0x54: {  	_ =	shalt  }
0x55: {  	_ =	shalt  }
0x56: {  	_ =	shalt  }
0x57: {  	_ =	shalt  }
0x58: {  	_ =	shalt  }
0x59: {  	_ =	shalt  }
0x5a: {  	_ =	shalt  }
0x5b: {  	_ =	shalt  }
0x5c: {  	_ =	shalt  }
0x5d: {  	_ =	shalt  }
0x5e: {  	_ =	shalt  }
0x5f: {  	_ =	shalt  }
0x60: {  	_ =	shalt  }
0x61: {  	_ =	shalt  }
0x62: {  	_ =	shalt  }
0x63: {  	_ =	shalt  }
0x64: {  	_ =	shalt  }
0x65: {  	_ =	shalt  }
0x66: {  	_ =	shalt  }
0x67: {  	_ =	shalt  }
0x68: {  	_ =	shalt  }
0x69: {  	_ =	shalt  }
0x6a: {  	_ =	shalt  }
0x6b: {  	_ =	shalt  }
0x6c: {  	_ =	shalt  }
0x6d: {  	_ =	shalt  }
0x6e: {  	_ =	shalt  }
0x6f: {  	_ =	shalt  }
0x70: {  	_ =	shalt  }
0x71: {  	_ =	shalt  }
0x72: {  	_ =	shalt  }
0x73: {  	_ =	shalt  }
0x74: {  	_ =	shalt  }
0x75: {  	_ =	shalt  }
0x76: {  	_ =	shalt  }
0x77: {  	_ =	shalt  }
0x78: {  	_ =	shalt  }
0x79: {  	_ =	shalt  }
0x7a: {  	_ =	shalt  }
0x7b: {  	_ =	shalt  }
0x7c: {  	_ =	shalt  }
0x7d: {  	_ =	shalt  }
0x7e: {  	_ =	shalt  }
0x7f: {  	_ =	shalt  }
0x80: {  	_ =	shalt  }
0x81: {  	_ =	shalt  }
0x82: {  	_ =	shalt  }
0x83: {  	_ =	shalt  }
0x84: {  	_ =	shalt  }
0x85: {  	_ =	shalt  }
0x86: {  	_ =	shalt  }
0x87: {  	_ =	shalt  }
.Lfunc_end0:
.L_simem_size_0:
called_computation_lowered:
.L_overlay_start_0:
0x88: {  	s0 =	sld [smem:$0x3FD9]  }
0x89: {  	s1 =	sld [smem:$0x3FFE];
	_ =	sdelay $0x3  }
0x8a: {  	s0 =	sadd.s32 s1, s0  }
0x8b: {  	[smem:$0x3F1C] =	sst s0  }
0x8c: {  	_ = 	snop  }
0x8d: {  	s0 =	sld [smem:$0x3FD0];
	(tm) =	ssettm $0x1  }
0x8e: {  	s16 =	sld [smem:$0x3FFB];
	_ =	sdelay $0x3  }
0x8f: {  	_ =	strace s16  }
0x90: {  	s1 =	sld [smem:$0x3FFC];
	_ =	sdelay $0x3  }
0x91: {  	_ =	strace s1  }
0x92: {  	s1 =	sld [smem:$0x3FFD];
	_ =	sdelay $0x3  }
0x93: {  	_ =	strace s1  }
0x94: {  	_ =	strace $0x8FFFFFFF  }
0x95: {  	s17 =	sld [smem:$0x3FDB];
	_ =	sdelay $0x1  }
0x96: {  	s2 =	simm.s32 $_scs_section_size  }
0x97: {  	s3 =	simm.s32 $_size__tile_overlayer_lowered;
	s4 =	simm.s32 $_tile_overlayer_lowered  }
0x98: {  	s20 =	simm.s32 $0x1BFF;
	s19 =	sshll.u32 s4, $0x1;
	s1 =	sadd.s32 s2, s17  }
0x99: {  	s5 =	simm.s32 $0x0;
	s18 =	sshll.u32 s3, $0x1;
	s3 =	sadd.s32 s19, s1  }
0x9a: {  	[timem:s5], [sflag:s20] =	dma.local [hbm:s3], s18  }
0x9b: {  	_ =	swait.ge [sflag:s20], s18  }
0x9c: {  	s2 =	ssub.s32 $0x0, s18;
	[sflag:s20] =	ssyncset.done $0x0  }
0x9d: {  	[sflag:s20] =	ssyncadd.s32 s2;
	_ =	sdelay $0x1  }
0x9e: {  	s21 =	simm.s32 $0x1B8B  }
0x9f: {  	_ =	swait.ge [sflag:s21], $0x1  }
0xa0: {  	[sflag:s21] =	ssyncset.done $0x0  }
0xa1: {  	s23 =	simm.s32 $0x1B8E;
	s22 =	sld [smem:$0x3FFE];
	[sflag:s21] =	ssyncadd.s32 $0xFFFFFFFF  }
0xa2: {  	s24 =	simm.s32 $execute0_lowered;
	[smem:$0x3FD2] =	sst s23  }
0xa3: {  	s3 =	sshll.u32 s24, $0x1;
	_ =	strace $0x80000046;
	[dreg:$0x1] =	wrdreg $0xFFFFFFFF  }
0xa4: {  	s25 =	simm.s32 $_size_execute0_lowered;
	s1 =	sadd.s32 s1, s3;
	[dreg:$0x0] =	wrdreg $0x0  }
0xa5: {  	s3 =	sshll.u32 s25, $0x1;
	[dreg:$0x2] =	wrdreg s1  }
0xa6: {  	[dreg:$0x3] =	wrdreg s3  }
0xa7: {  	[dreg:$0x4] =	wrdreg $0xC0  }
0xa8: {  	_ =	task [dreg:s5], $0x5FFFF  }
0xa9: {  	[dreg:$0x1] =	wrdreg $0xFFFFFFFF  }
0xaa: {  	[dreg:$0x0] =	wrdreg $0x60  }
0xab: {  	[dreg:$0x2] =	wrdreg s22  }
0xac: {  	[dreg:$0x3] =	wrdreg s0  }
0xad: {  	[dreg:$0x4] =	wrdreg $0x9  }
0xae: {  	_ =	task.clear_ibuf [dreg:s5], $0x5FFFF;
	_ =	strace $0x90000046  }
0xaf: {  	s26 =	simm.s32 $0x9;
	_ =	strace $0x80000048  }
0xb0: {  	_ =	swait.ge [sflag:s26], $0x1  }
0xb1: {  	[sflag:s26] =	ssyncadd.s32 $0xFFFFFFFF  }
0xb2: {  	_ =	strace $0x90000048  }
0xb3: {  	_ =	sfence  }
0xb4: {  	s28 =	sld [smem:$0x0];
	_ =	sdelay $0x1  }
0xb5: {  	s29 =	srdreg.scid  }
0xb6: {  	s30 =	sshll.u32 s29, $0xD;
	s31 =	sshrl.u32 s29, $0x2  }
0xb7: {  	s2 =	sand.u32 $0x4000, s30;
	s1 =	sand.u32 $0x1, s29;
	s0 =	sadd.s32 s31, s28  }
0xb8: {  	s1 =	sor.u32 s2, s1;
	s0 =	sshll.u32 s0, $0x11  }
0xb9: {  	s0 =	sor.u32 s0, s1  }
0xba: {  	s0 =	sadd.s32 $0x8F2B, s0  }
0xbb: {  	[sflag:s0] =	ssyncadd.remote.s32 $0x1  }
0xbc: {  	_ =	sfence.sel $0xFFFF  }
0xbd: {  	[dreg:$0x0] =	wrdreg $0xFFFFFFFF;
	(pc) =	sbr.abs _section_cstart, $3  }
0xbe: {  	[dreg:$0x1] =	wrdreg $0xFFFFFFFF  }
0xbf: {  	_ =	task.clear_ibuf [dreg:s5], $0x2FFFF;
	_ =	strace $0x9FFFFFFF  }
0xc0: {  	(tm) =	ssettm $0x7FFFFFFF  }
0xc1: {  	_ =	shalt  }
tec
execute0_lowered:
.L_overlay_start_1:
0x0: {  	(tag) =	ssettag $0x1  }
0x1: {  	s7 =	rddreg [dreg:$0x0]  }
0x2: {  	s2 =	rddreg [dreg:$0x1]  }
0x3: {  	s0 =	rddreg [dreg:$0x2];
	_ =	strace $0x80000047  }
0x4: {  	s4 =	stileid.u32;
	s5 =	simm.s32 $0x3E;
	s1 =	sadd.s32 $0x553800, s7  }
0x5: {  	p0 =	sne.s32 s4, $0x0;
	[sflag:s5] =	ssyncpa.u1 $0x0;
	s29 =	smin.u32 s4, $0x8  }
0x6: {  	s30 =	sshll.u32 s4, $0x1;
	s3 =	simm.s32 @!p0 $0x1C3E;
	s6 =	simm.s32 @!p0 $0x0  }
0x7: {  	[spmem:s6], [sflag:s3] =	dma.local @!p0 [hbm:s1], $0x10  }
0x8: {  	s3 =	sadd.s32 s29, s30  }
0x9: {  	p1 =	slt.u32 s4, $0x8;
	s4 =	simm.s32 $0x5DC0;
	s3 =	smul.u32 $0x1F40, s3  }
0xa: {  	s4 =	simm.s32 @!p1 $0x3E80  }
0xb: {  	s4 =	sadd.s32 s4, s3  }
0xc: {  	s4 =	smin.u32 s4, $0x4E200  }
0xd: {  	s8 =	ssub.s32 s4, s3  }
0xe: {  	p1 =	sgt.s32 s8, $0x0  }
0xf: {  	s8 =	simm.s32 @!p1 $0x0  }
0x10: {  	s6 =	simm.s32 @!p0 $0x3E;
	s31 =	smulhi.u32 $0x10624DD3, s8  }
0x11: {  	_ =	swait.ge @!p0 [sflag:s6], $0x10  }
0x12: {  	[sflag:s6] =	ssyncset.done @!p0 $0x0;
	s9 =	sshrl.u32 s31, $0x9  }
0x13: {  	s11 =	simm.s32 $0x0;
	[sflag:s6] =	ssyncadd.s32 @!p0 $0xFFFFFFF0;
	s10 =	smul.u32 $0x1F40, s9  }
.Ltmp0:
0x14: {  	s7 =	sadd.s32 $0x549A00, s7;
	[bflag:$0x0] =	sbarrier.arrive $0xFFFF;
	(pc) =	sbr.rel .LBB2_1-.Ltmp0, $4  }
0x15: {  	s6 =	simm.s32 $0x2;
	[sflag:s5] =	ssyncpa.u1 $0x1;
	s5 =	simm.s32 $0x1  }
0x16: {  	[sflag:s5] =	ssyncpa.u1 $0x0;
	p1 =	sne.s32 s8, s10;
	s8 =	simm.s32 $0x1  }
0x17: {  	(ifvalue) =	ssetifvalue $0x80;
	[sflag:s6] =	ssyncpa.u1 $0x0;
	s8 =	simm.s32 @!p1 $0x0  }
0x18: {  	vm0 =	vmmov $0xffff;
	s10 =	smov.u32 s3;
	s8 =	sadd.s32 s8, s9;
	s9 =	simm.s32 $0x0  }
.LBB2_5:
0x19: {  	p2 =	sne.s32 s11, s8  }
.Ltmp1:
0x1a: {  	_ = 	snop;
	(pc) =	sbr.rel @!p2 .LBB2_6-.Ltmp1, $4  }
0x1b: {  	_ = 	snop  }
0x1c: {  	s12 =	sadd.s32 $0x1F40, s10  }
0x1d: {  	s10 =	smov.u32 s3;
	s13 =	sadd.s32 $0x1, s11;
	p1 =	slt.s32 s12, s4  }
0x1e: {  	s11 =	smov.u32 s13;
	s10 =	smov.u32 @p1 s12  }
.LBB2_1:
0x1f: {  	p1 =	sge.u32 s11, s8  }
0x20: {  	s12 =	sxor.u32 @!p1 $0xFFFFFFFF, s11  }
0x21: {  	s12 =	sand.u32 @!p1 $0x1, s12  }
0x22: {  	s12 =	smul.u32 @!p1 $0x1F40, s12  }
0x23: {  	s13 =	sshrl.u32 @!p1 s10, $0x3  }
0x24: {  	s16 =	sand.u32 @!p1 $0x7, s10;
	s14 =	sadd.s32 @!p1 s2, s13;
	s15 =	sor.u32 @!p1 $0x8, s12  }
0x25: {  	[tilespmem:s15], [sflag:$0x2] =	stream.linear.gather @!p1 [hbm4b:s14+s16], $0x1F40, $0x38;
	[tilespmem:$0x7D08] =	vst v63  }
0x26: {  	s13 =	sadd.s32 @!p1 s7, s13;
	s12 =	sadd.s32 @!p1 $0x3E88, s12  }
0x27: {  	[tilespmem:s12], [sflag:$0x2] =	stream.linear.gather @!p1 [hbm4b:s13+s16], $0x1F40, $0x38;
	[tilespmem:$0x7D08] =	vst v63  }
0x28: {  	p1 =	seq.s32 s11, $0x0  }
.Ltmp2:
0x29: {  	_ = 	snop;
	(pc) =	sbr.rel @p1 .LBB2_5-.Ltmp2, $1  }
0x2a: {  	_ =	sdelay $0x3  }
0x2b: {  	s12 =	sand.u32 $0x1, s11  }
0x2c: {  	_ =	swait.ge [sflag:s6], $0x3E80;
	p1 =	seq.s32 s12, $0x1;
	s12 =	simm.s32 $0x1F40  }
0x2d: {  	[sflag:s6] =	ssyncset.done $0x0;
	s12 =	simm.s32 @!p1 $0x0  }
0x2e: {  	[sflag:s6] =	ssyncadd.s32 $0xFFFFC180;
	s14 =	sor.u32 $0x8, s12  }
0x2f: {  	v0 =	vld.msk [tilespmem:s14+$0x0 ss:$0x1], $0xffff;
	_ =	sdelay $0x4  }
0x30: {  	v0 =	vmin.u32 v0, $0x80;
	_ =	sdelay $0x3  }
0x31: {  	s13 =	simm.s32 $0x0;
	s12 =	sadd.s32 $0x3E88, s12;
	s14 =	sadd.s32 $0x10, s14  }
0x32: {  	[spmem:s9] =	stream.indirect_vreg.scatter.add.s32 [tilespmem:s12], [sflag:$0x1], $0x1, v0, vm0, $0x4038;
	[tilespmem:$0x7D08] =	vst v63  }
.LBB2_3:
0x33: {  	v0 =	vld.msk [tilespmem:s14+$0x0 ss:$0x1], $0xffff;
	s13 =	sadd.s32 $0x10, s13  }
0x34: {  	p1 =	slt.u32 s13, $0x1F30;
	_ =	sdelay $0x4  }
0x35: {  	v0 =	vmin.u32 v0, $0x80  }
.Ltmp3:
0x36: {  	(pc) =	sbr.rel @p1 .LBB2_3-.Ltmp3, $3  }
0x37: {  	_ =	sdelay $0x1  }
0x38: {  	s14 =	sadd.s32 $0x10, s14;
	s12 =	sadd.s32 $0x10, s12  }
0x39: {  	[spmem:s9] =	stream.indirect_vreg.scatter.add.s32 [tilespmem:s12], [sflag:$0x1], $0x1, v0, vm0, $0x4038;
	[tilespmem:$0x7D08] =	vst v63  }
.Ltmp4:
0x3a: {  	(pc) =	sbr.rel .LBB2_5-.Ltmp4, $4  }
0x3b: {  	_ = 	snop  }
0x3c: {  	_ =	swait.ge [sflag:s5], $0x1F40  }
0x3d: {  	[sflag:s5] =	ssyncset.done $0x0  }
0x3e: {  	[sflag:s5] =	ssyncadd.s32 $0xFFFFE0C0  }
.LBB2_6:
0x3f: {  	_ =	sfence.sel $0x180000  }
0x40: {  	s2 =	simm.s32 $0x2;
	[bflag:$0x0] =	sbarrier.arrive $0xFFFF  }
0x41: {  	s30 =	simm.s32 $0x1;
	[sflag:s2] =	ssyncpa.u1 $0x1  }
0x42: {  	[sflag:s30] =	ssyncpa.u1 $0x1  }
0x43: {  	_ =	sfence.stream.spmem  }
0x44: {  	s31 =	simm.s32 $0x3D;
	[bflag:$0x0] =	sbarrier.arrive $0xFFFF  }
0x45: {  	s2 =	simm.s32 @p0 $0x3D;
	[sflag:s31] =	ssyncpa.u1 $0x0  }
0x46: {  	[sflag:s2] =	ssyncpa.u1 @p0 $0x1  }
0x47: {  	[bflag:$0x0] =	sbarrier.arrive @p0 $0xFFFF  }
0x48: {  	_ =	strace @p0 $0x90000047  }
0x49: {  	s3 =	simm.s32 @!p0 $0x1C3D;
	s2 =	simm.s32 @!p0 $0x0;
	[bflag:$0x2] =	sbarrier.arrive @p0 $0xFFFF  }
0x4a: {  	[hbm:s1], [sflag:s3] =	dma.local @!p0 [spmem:s2], $0x10  }
0x4b: {  	s1 =	simm.s32 @!p0 $0x3D  }
0x4c: {  	_ =	swait.ge @!p0 [sflag:s1], $0x10  }
0x4d: {  	[sflag:s1] =	ssyncset.done @!p0 $0x0  }
0x4e: {  	[sflag:s1] =	ssyncadd.s32 @!p0 $0xFFFFFFF0  }
0x4f: {  	[sflag:s1] =	ssyncpa.u1 @!p0 $0x1  }
0x50: {  	[bflag:$0x0] =	sbarrier.arrive @!p0 $0xFFFF  }
0x51: {  	_ =	strace @!p0 $0x90000047  }
0x52: {  	s0 =	sadd.s32 @!p0 $0x100000, s0;
	[bflag:$0x2] =	sbarrier.arrive @!p0 $0xFFFF  }
0x53: {  	[sflag:s0] =	ssyncadd.tile.s32 @!p0 $0x1;
	_ =	shalt  }
.Lfunc_end2:
_tile_overlayer_lowered:
.L_overlay_start_2:
0x54: {  	(tag) =	ssettag $0x2  }
0x55: {  	s0 =	rddreg [dreg:$0x0];
	s2 =	stileid.u32  }
0x56: {  	s1 =	rddreg [dreg:$0x1];
	p0 =	sne.s32 s2, $0x0  }
0x57: {  	s3 =	rddreg [dreg:$0x2];
	[bflag:$0x3] =	sbarrier.arrive $0xFFFF;
	s2 =	simm.s32 @!p0 $0x1C01  }
0x58: {  	[timem:s3], [sflag:s2] =	dma.local @!p0 [hbm:s0], s1  }
0x59: {  	s0 =	simm.s32 @!p0 $0x1  }
0x5a: {  	_ =	swait.ge @!p0 [sflag:s0], s1  }
0x5b: {  	s1 =	ssub.s32 @!p0 $0x0, s1;
	[sflag:s0] =	ssyncset.done @!p0 $0x0  }
0x5c: {  	[sflag:s0] =	ssyncadd.s32 @!p0 s1  }
0x5d: {  	[bflag:$0x3] =	sbarrier.arrive $0xFFFF  }
0x5e: {  	_ =	shalt  }

</sc_bundles>
